<compile_context>
chip_gen: v7x
topology: tpu7x:2x2x1
jax: 0.10.2.dev20260603
libtpu: 0.0.44.dev20260713+nightly
codegen_flags: <defaults>
</compile_context>

<pallas_src>
import functools

import jax
import jax.numpy as jnp
from jax import lax
from jax.experimental import pallas as pl
from jax.experimental.pallas import tpu as pltpu
from jax.experimental.pallas import tpu_sc as plsc

_N = 10000
_D = 128
_H = 128
_G = 64
_RB = 400
_NRB = _N // _RB

_RPT = 320
_NROWS = 32 * _RPT
_HALF = 16 * _RPT
_GARB = 32
_APAD = _HALF + 16 * _GARB
_CAP = 11008
_NCHB = _CAP // 128
_ZR = 16



def _init_body(x_ref, w0_ref, wc_ref, x1_ref, m_ref):
    x1 = jax.nn.sigmoid(
        jnp.dot(x_ref[...], w0_ref[...], preferred_element_type=jnp.float32))
    x1_ref[...] = x1
    m_ref[...] = jnp.dot(x1, wc_ref[...], preferred_element_type=jnp.float32)


_init_call = pl.pallas_call(
    _init_body,
    grid=(_NRB,),
    in_specs=[
        pl.BlockSpec((_RB, _D), lambda i: (i, 0)),
        pl.BlockSpec((_D, _H), lambda i: (0, 0)),
        pl.BlockSpec((_H, _H), lambda i: (0, 0)),
    ],
    out_specs=[
        pl.BlockSpec((_RB, _H), lambda i: (i, 0)),
        pl.BlockSpec((_RB, _H), lambda i: (i, 0)),
    ],
    out_shape=[
        jax.ShapeDtypeStruct((_N, _H), jnp.float32),
        jax.ShapeDtypeStruct((_N, _H), jnp.float32),
    ],
)


def _gru_common(agg_ref, h_ref, wih_ref, whh_ref, bih_ref, bhh_ref):
    agg = agg_ref[...]
    h = h_ref[...]
    gi = jnp.dot(agg, wih_ref[...], preferred_element_type=jnp.float32) + bih_ref[...]
    gh = jnp.dot(h, whh_ref[...], preferred_element_type=jnp.float32) + bhh_ref[...]
    r = jax.nn.sigmoid(gi[:, :_H] + gh[:, :_H])
    z = jax.nn.sigmoid(gi[:, _H:2 * _H] + gh[:, _H:2 * _H])
    n = jnp.tanh(gi[:, 2 * _H:] + r * gh[:, 2 * _H:])
    return (1.0 - z) * n + z * h


def _gru_mid_body(agg_ref, h_ref, wih_ref, whh_ref, bih_ref, bhh_ref, wc_ref,
                  h_out_ref, m_out_ref):
    hn = _gru_common(agg_ref, h_ref, wih_ref, whh_ref, bih_ref, bhh_ref)
    h_out_ref[...] = hn
    m_out_ref[...] = jnp.dot(hn, wc_ref[...], preferred_element_type=jnp.float32)


_gru_mid_call = pl.pallas_call(
    _gru_mid_body,
    grid=(_NRB,),
    in_specs=[
        pl.BlockSpec((_RB, _H), lambda i: (i, 0)),
        pl.BlockSpec((_RB, _H), lambda i: (i, 0)),
        pl.BlockSpec((_H, 3 * _H), lambda i: (0, 0)),
        pl.BlockSpec((_H, 3 * _H), lambda i: (0, 0)),
        pl.BlockSpec((1, 3 * _H), lambda i: (0, 0)),
        pl.BlockSpec((1, 3 * _H), lambda i: (0, 0)),
        pl.BlockSpec((_H, _H), lambda i: (0, 0)),
    ],
    out_specs=[
        pl.BlockSpec((_RB, _H), lambda i: (i, 0)),
        pl.BlockSpec((_RB, _H), lambda i: (i, 0)),
    ],
    out_shape=[
        jax.ShapeDtypeStruct((_N, _H), jnp.float32),
        jax.ShapeDtypeStruct((_N, _H), jnp.float32),
    ],
)


def _gru_head_body(agg_ref, h_ref, wih_ref, whh_ref, bih_ref, bhh_ref,
                   wms_ref, bms_ref, ms_ref):
    hn = _gru_common(agg_ref, h_ref, wih_ref, whh_ref, bih_ref, bhh_ref)
    xo = jnp.maximum(hn, 0.0)
    ms = jnp.dot(xo, wms_ref[...], preferred_element_type=jnp.float32) + bms_ref[...]
    mu = ms[:, 0:1]
    s = ms[:, 1:2]
    sp = jnp.maximum(s, 0.0) + jnp.log1p(jnp.exp(-jnp.abs(s)))
    ms_ref[...] = jnp.concatenate([mu, sp], axis=1)


_gru_head_call = pl.pallas_call(
    _gru_head_body,
    grid=(_NRB,),
    in_specs=[
        pl.BlockSpec((_RB, _H), lambda i: (i, 0)),
        pl.BlockSpec((_RB, _H), lambda i: (i, 0)),
        pl.BlockSpec((_H, 3 * _H), lambda i: (0, 0)),
        pl.BlockSpec((_H, 3 * _H), lambda i: (0, 0)),
        pl.BlockSpec((1, 3 * _H), lambda i: (0, 0)),
        pl.BlockSpec((1, 3 * _H), lambda i: (0, 0)),
        pl.BlockSpec((_H, 2), lambda i: (0, 0)),
        pl.BlockSpec((1, 2), lambda i: (0, 0)),
    ],
    out_specs=pl.BlockSpec((_RB, 2), lambda i: (i, 0)),
    out_shape=jax.ShapeDtypeStruct((_N, 2), jnp.float32),
)


def _sums_body(ms_ref, b_ref, out_ref):
    i = pl.program_id(0)

    @pl.when(i == 0)
    def _():
        out_ref[...] = jnp.zeros_like(out_ref)

    b = b_ref[:, 0]
    onehot = (b[None, :] == lax.broadcasted_iota(jnp.int32, (_G, _RB), 0).astype(jnp.float32))
    out_ref[...] += jnp.dot(onehot.astype(jnp.float32), ms_ref[...],
                            preferred_element_type=jnp.float32,
                            precision=lax.Precision.HIGHEST)


_sums_call = pl.pallas_call(
    _sums_body,
    grid=(_NRB,),
    in_specs=[
        pl.BlockSpec((_RB, 2), lambda i: (i, 0)),
        pl.BlockSpec((_RB, 1), lambda i: (i, 0)),
    ],
    out_specs=pl.BlockSpec((_G, 2), lambda i: (0, 0)),
    out_shape=jax.ShapeDtypeStruct((_G, 2), jnp.float32),
)


def _apply_body(ms_ref, b_ref, sums_ref, out_ref):
    b = b_ref[:, 0]
    onehot = (b[:, None] == lax.broadcasted_iota(jnp.int32, (_RB, _G), 1).astype(jnp.float32))
    gath = jnp.dot(onehot.astype(jnp.float32), sums_ref[...],
                   preferred_element_type=jnp.float32,
                   precision=lax.Precision.HIGHEST)
    mu = ms_ref[:, 0:1]
    sig = ms_ref[:, 1:2]
    out_ref[...] = mu - gath[:, 0:1] * (sig / gath[:, 1:2])


_apply_call = pl.pallas_call(
    _apply_body,
    grid=(_NRB,),
    in_specs=[
        pl.BlockSpec((_RB, 2), lambda i: (i, 0)),
        pl.BlockSpec((_RB, 1), lambda i: (i, 0)),
        pl.BlockSpec((_G, 2), lambda i: (0, 0)),
    ],
    out_specs=pl.BlockSpec((_RB, 1), lambda i: (i, 0)),
    out_shape=jax.ShapeDtypeStruct((_N, 1), jnp.float32),
)



def _seg_body(m_hbm, csrc_hbm, cscat_hbm, same_hbm, out_hbm,
              csrc_v, cscat_v, dst_v, same_v, r0, r1, sv, zbuf, acc, s0, s1):
    c = lax.axis_index("c")
    s = lax.axis_index("s")
    w = c * 16 + s

    pltpu.sync_copy(csrc_hbm.at[w], csrc_v)
    pltpu.sync_copy(cscat_hbm.at[w], cscat_v)

    zero16 = jnp.zeros((16,), jnp.float32)

    def zrow(k, carry):
        zbuf[k // 8, pl.ds((k % 8) * 16, 16)] = zero16
        return carry

    lax.fori_loop(0, _ZR * 8, zrow, 0)

    def zslice(j, carry):
        off = pl.multiple_of(s * _RPT + j * _ZR, _ZR)
        pltpu.sync_copy(zbuf, acc.at[pl.ds(off, _ZR)])
        return carry

    lax.fori_loop(0, _RPT // _ZR, zslice, 0)

    def zgarb(j, carry):
        goff = pl.multiple_of(_HALF + s * _GARB + j * _ZR, _ZR)
        pltpu.sync_copy(zbuf, acc.at[pl.ds(goff, _ZR)])
        return carry

    lax.fori_loop(0, _GARB // _ZR, zgarb, 0)

    bufs = (r0, r1)
    sems = (s0, s1)

    def ebody(p, carries):
        base = p * 2
        handles = []
        for b in range(2):
            idx = csrc_v.at[pl.ds((base + b) * 128, 128)]
            handles.append(pltpu.async_copy(m_hbm.at[idx], bufs[b], sems[b]))
        for b in range(2):
            t = base + b
            handles[b].wait()
            rv = bufs[b]
            pltpu.sync_copy(
                same_hbm.at[w, pl.ds(pl.multiple_of(t * 2048, 2048), 2048)],
                same_v)

            def rrow(j, cs, _rv=rv):
                sb = same_v[pl.ds(j * 16, 16)]
                new = []
                for k in range(8):
                    rr = _rv[j, pl.ds(k * 16, 16)]
                    ck = rr + sb * cs[k]
                    sv[j, pl.ds(k * 16, 16)] = ck
                    new.append(ck)
                return tuple(new)

            carries = lax.fori_loop(0, 128, rrow, carries)

            def cp(k2, cc, _t=t):
                dst_v[pl.ds(k2 * 16, 16)] = cscat_v[pl.ds(_t * 128 + k2 * 16, 16)]
                return cc

            lax.fori_loop(0, 8, cp, 0)
            pltpu.sync_copy(sv, acc.at[dst_v], add=True)
        return carries

    zc = tuple(jnp.zeros((16,), jnp.float32) for _ in range(8))
    lax.fori_loop(0, _NCHB // 2, ebody, zc)

    out_off = pl.multiple_of(s * _RPT, _RPT)
    pltpu.sync_copy(acc.at[pl.ds(out_off, _RPT)],
                    out_hbm.at[pl.ds(pl.multiple_of(w * _RPT, _RPT), _RPT)])


@functools.cache
def _make_sc_calls():
    mesh = plsc.VectorSubcoreMesh(core_axis_name="c", subcore_axis_name="s")
    seg = pl.kernel(
        _seg_body,
        out_type=jax.ShapeDtypeStruct((_NROWS, _H), jnp.float32),
        mesh=mesh,
        scratch_types=[
            pltpu.VMEM((_CAP,), jnp.int32),
            pltpu.VMEM((_CAP,), jnp.int32),
            pltpu.VMEM((128,), jnp.int32),
            pltpu.VMEM((2048,), jnp.float32),
            pltpu.VMEM((128, _H), jnp.float32),
            pltpu.VMEM((128, _H), jnp.float32),
            pltpu.VMEM((128, _H), jnp.float32),
            pltpu.VMEM((_ZR, _H), jnp.float32),
            pltpu.VMEM_SHARED((_APAD, _H), jnp.float32),
            pltpu.SemaphoreType.DMA,
            pltpu.SemaphoreType.DMA,
        ],
    )
    return seg


def _edge_segment_sum(m, csrc, cscat, samebc):
    return _make_sc_calls()(m, csrc, cscat, samebc)


def _build_lists(src, dst):
    e = src.shape[0]
    order = jnp.argsort(dst, stable=True)
    srcs = src[order]
    dsts = dst[order]
    same = jnp.concatenate([jnp.zeros((1,), jnp.int32),
                            (dsts[1:] == dsts[:-1]).astype(jnp.int32)])
    last = jnp.concatenate([(dsts[1:] != dsts[:-1]).astype(jnp.int32),
                            jnp.ones((1,), jnp.int32)])
    owner = dsts // _RPT
    start = jnp.searchsorted(owner, jnp.arange(33, dtype=jnp.int32))
    idxmat = start[:32, None] + jnp.arange(_CAP, dtype=jnp.int32)[None, :]
    valid = idxmat < start[1:, None]
    cl = jnp.clip(idxmat, 0, e - 1)
    wvec = jnp.arange(32, dtype=jnp.int32)[:, None]
    jcyc = jnp.arange(_CAP, dtype=jnp.int32)[None, :] % _GARB
    garbl = _HALF + (wvec % 16) * _GARB + jcyc
    comp_src = jnp.where(valid, srcs[cl], 0)
    scat = jnp.where(last[cl] == 1, dsts[cl] - (wvec // 16) * _HALF, garbl)
    comp_scat = jnp.where(valid, scat, garbl)
    samef = jnp.where(valid, same[cl].astype(jnp.float32), 0.0)
    samebc = jnp.broadcast_to(samef[:, :, None], (32, _CAP, 16)).reshape(32, _CAP * 16)
    return comp_src, comp_scat, samebc



def kernel(x, edge_index, batch, num_graphs,
           W0, conv_weight, W_ih, W_hh, b_ih, b_hh, w1, b1, w2, b2):
    src = edge_index[0]
    dst = edge_index[1]

    bih2 = b_ih.reshape(1, 3 * _H)
    bhh2 = b_hh.reshape(1, 3 * _H)
    wms = jnp.concatenate([w1, w2], axis=1)
    bms = jnp.concatenate([b1, b2]).reshape(1, 2)
    batchf = batch.astype(jnp.float32).reshape(_N, 1)

    csrc, cscat, samebc = _build_lists(src, dst)

    x1, m = _init_call(x, W0, conv_weight[0])
    h = x1
    for i in range(2):
        agg = _edge_segment_sum(m, csrc, cscat, samebc)
        h, m = _gru_mid_call(agg, h, W_ih, W_hh, bih2, bhh2,
                             conv_weight[i + 1])
    agg = _edge_segment_sum(m, csrc, cscat, samebc)
    musig = _gru_head_call(agg, h, W_ih, W_hh, bih2, bhh2, wms, bms)
    sums = _sums_call(musig, batchf)
    mu_c = _apply_call(musig, batchf, sums)
    return (mu_c[:, 0], x1, musig[:, 1], musig[:, 0])

# --- scband reference (transcript-rebuilt; emitter-appended) ---
"""Pipeline reference for scband-net-gaussian-correction-34591666602133 (READ-ONLY COPY).

The authoritative reference and input builder live on the scoring server;
editing this copy changes nothing except your own understanding.
"""

import jax, jax.numpy as jnp
import numpy as np

N = 10000
E = 320000
D = 128
H = 128
G = 64
L = 3


def gru_cell(x, h, W_ih, W_hh, b_ih, b_hh):
    gi = x @ W_ih + b_ih
    gh = h @ W_hh + b_hh
    i_r, i_z, i_n = jnp.split(gi, 3, axis=1)
    h_r, h_z, h_n = jnp.split(gh, 3, axis=1)
    r = jax.nn.sigmoid(i_r + h_r)
    z = jax.nn.sigmoid(i_z + h_z)
    n = jnp.tanh(i_n + r * h_n)
    return (1.0 - z) * n + z * h


def setup_inputs(seed: int = 0):
    key = jax.random.key(seed)
    ks = jax.random.split(key, 14)
    s = 1.0 / np.sqrt(H)
    inp = {}
    inp['x'] = jax.random.normal(ks[0], (N, D), jnp.float32)
    inp['edge_index'] = jax.random.randint(ks[1], (2, E), 0, N, dtype=jnp.int32)
    inp['batch'] = jnp.sort(jax.random.randint(ks[2], (N,), 0, G, dtype=jnp.int32))
    inp['num_graphs'] = G
    inp['W0'] = jax.random.uniform(ks[3], (D, H), jnp.float32, -s, s)
    inp['conv_weight'] = jax.random.uniform(ks[4], (L, H, H), jnp.float32, -s, s)
    inp['W_ih'] = jax.random.uniform(ks[5], (H, 3 * H), jnp.float32, -s, s)
    inp['W_hh'] = jax.random.uniform(ks[6], (H, 3 * H), jnp.float32, -s, s)
    inp['b_ih'] = jax.random.uniform(ks[7], (3 * H,), jnp.float32, -s, s)
    inp['b_hh'] = jax.random.uniform(ks[8], (3 * H,), jnp.float32, -s, s)
    inp['w1'] = jax.random.uniform(ks[9], (H, 1), jnp.float32, -s, s)
    inp['b1'] = jax.random.uniform(ks[10], (1,), jnp.float32, -s, s)
    inp['w2'] = jax.random.uniform(ks[11], (H, 1), jnp.float32, -s, s)
    inp['b2'] = jax.random.uniform(ks[12], (1,), jnp.float32, -s, s)
    return inp


def reference(x, edge_index, batch, num_graphs, W0, conv_weight, W_ih, W_hh, b_ih, b_hh, w1, b1, w2, b2):
    # lin0 (no bias) + sigmoid
    x1 = jax.nn.sigmoid(x @ W0)
    h = x1  # EMBEDDING_SIZE == HIDDEN_FEATURES_SIZE, no zero padding needed
    src = edge_index[0]
    dst = edge_index[1]
    for i in range(L):
        m = h @ conv_weight[i]
        # message = x_j gathered at src, aggregated by add at dst
        agg = jax.ops.segment_sum(m[src], dst, num_segments=N)
        h = gru_cell(agg, h, W_ih, W_hh, b_ih, b_hh)
    xo = jax.nn.relu(h)
    mu = xo @ w1 + b1
    sigma = jax.nn.softplus(xo @ w2 + b2)
    uncorrected_mu = mu
    seg = batch + num_graphs * 0
    mu_all = jax.ops.segment_sum(mu, seg, num_segments=G)
    sigma_all = jax.ops.segment_sum(sigma, seg, num_segments=G)
    mu_c = mu - mu_all[batch] * (sigma / sigma_all[batch])
    return (mu_c.squeeze(1), x1, sigma.squeeze(1), uncorrected_mu.squeeze(1))

if __name__ == "__main__":
    import jax
    _d = setup_inputs()
    print(jax.jit(kernel)(*tuple(_d.values())))

</pallas_src>

<mosaic_0001>
#map = affine_map<(d0, d1) -> (0, 0)>
module attributes {stable_mosaic.version = 14 : i64} {
  func.func @_seg_body(%arg0: i32, %arg1: i32, %arg2: memref<10000x128xf32, #tpu.memory_space<hbm>>, %arg3: memref<32x11008xi32, #tpu.memory_space<hbm>>, %arg4: memref<32x11008xi32, #tpu.memory_space<hbm>>, %arg5: memref<32x176128xf32, #tpu.memory_space<hbm>>, %arg6: memref<10240x128xf32, #tpu.memory_space<hbm>>, %arg7: memref<11008xi32, #tpu.memory_space<vmem>>, %arg8: memref<11008xi32, #tpu.memory_space<vmem>>, %arg9: memref<128xi32, #tpu.memory_space<vmem>>, %arg10: memref<2048xf32, #tpu.memory_space<vmem>>, %arg11: memref<128x128xf32, #tpu.memory_space<vmem>>, %arg12: memref<128x128xf32, #tpu.memory_space<vmem>>, %arg13: memref<128x128xf32, #tpu.memory_space<vmem>>, %arg14: memref<16x128xf32, #tpu.memory_space<vmem>>, %arg15: memref<5632x128xf32, #tpu.memory_space<vmem_shared>>, %arg16: memref<!tpu.dma_semaphore, #tpu.memory_space<semaphore_mem>>, %arg17: memref<!tpu.dma_semaphore, #tpu.memory_space<semaphore_mem>>) attributes {dimension_semantics = [#tpu.dimension_semantics<core_parallel>, #tpu.dimension_semantics<subcore_parallel>], iteration_bounds = array<i64: 2, 16>, scalar_prefetch = 0 : i64, scratch_operands = 11 : i64, tpu.core_type = #tpu.core_type<sc_vector_subcore>, window_params = [{transform_indices = #map}, {transform_indices = #map}, {transform_indices = #map}, {transform_indices = #map}, {transform_indices = #map}]} {
    %mul3A = arith.constant 16 : i32
    %mul3A_0 = arith.muli %arg0, %mul3A : i32
    %add3A = arith.addi %mul3A_0, %arg1 : i32
    "tpu.region"() ({
      %run_scoped3A = tpu.sem_alloc : memref<!tpu.dma_semaphore, #tpu.memory_space<semaphore_mem>>
      %dma_start3A = arith.constant 0 : i32
      %dma_start3A_46 = tpu.memref_slice %arg3[%add3A, %dma_start3A] : memref<32x11008xi32, #tpu.memory_space<hbm>> -> memref<1x11008xi32, #tpu.memory_space<hbm>>
      %dma_start3A_47 = tpu.memref_squeeze %dma_start3A_46 : memref<1x11008xi32, #tpu.memory_space<hbm>> -> memref<11008xi32, #tpu.memory_space<hbm>>
      %dma_start3A_48 = arith.constant 0 : i32
      %dma_start3A_49 = tpu.memref_slice %arg3[%add3A, %dma_start3A_48] : memref<32x11008xi32, #tpu.memory_space<hbm>> -> memref<1x11008xi32, #tpu.memory_space<hbm>>
      %dma_start3A_50 = tpu.memref_squeeze %dma_start3A_49 : memref<1x11008xi32, #tpu.memory_space<hbm>> -> memref<11008xi32, #tpu.memory_space<hbm>>
      tpu.enqueue_dma source(%dma_start3A_50 : memref<11008xi32, #tpu.memory_space<hbm>>) target(%arg7 : memref<11008xi32, #tpu.memory_space<vmem>>) target_semaphore(%run_scoped3A : memref<!tpu.dma_semaphore, #tpu.memory_space<semaphore_mem>>)
      %dma_wait3A = arith.constant 0 : i32
      %dma_wait3A_51 = tpu.memref_slice %arg3[%add3A, %dma_wait3A] : memref<32x11008xi32, #tpu.memory_space<hbm>> -> memref<1x11008xi32, #tpu.memory_space<hbm>>
      %dma_wait3A_52 = tpu.memref_squeeze %dma_wait3A_51 : memref<1x11008xi32, #tpu.memory_space<hbm>> -> memref<11008xi32, #tpu.memory_space<hbm>>
      %dma_wait3A_53 = arith.constant 0 : i32
      %dma_wait3A_54 = tpu.memref_slice %arg3[%add3A, %dma_wait3A_53] : memref<32x11008xi32, #tpu.memory_space<hbm>> -> memref<1x11008xi32, #tpu.memory_space<hbm>>
      %dma_wait3A_55 = tpu.memref_squeeze %dma_wait3A_54 : memref<1x11008xi32, #tpu.memory_space<hbm>> -> memref<11008xi32, #tpu.memory_space<hbm>>
      tpu.wait_dma2 semaphore(%run_scoped3A : memref<!tpu.dma_semaphore, #tpu.memory_space<semaphore_mem>>) src(%dma_wait3A_55 : memref<11008xi32, #tpu.memory_space<hbm>>) dst(%arg7 : memref<11008xi32, #tpu.memory_space<vmem>>)
      tpu.yield
    }) : () -> ()
    "tpu.region"() ({
      %run_scoped3A = tpu.sem_alloc : memref<!tpu.dma_semaphore, #tpu.memory_space<semaphore_mem>>
      %dma_start3A = arith.constant 0 : i32
      %dma_start3A_46 = tpu.memref_slice %arg4[%add3A, %dma_start3A] : memref<32x11008xi32, #tpu.memory_space<hbm>> -> memref<1x11008xi32, #tpu.memory_space<hbm>>
      %dma_start3A_47 = tpu.memref_squeeze %dma_start3A_46 : memref<1x11008xi32, #tpu.memory_space<hbm>> -> memref<11008xi32, #tpu.memory_space<hbm>>
      %dma_start3A_48 = arith.constant 0 : i32
      %dma_start3A_49 = tpu.memref_slice %arg4[%add3A, %dma_start3A_48] : memref<32x11008xi32, #tpu.memory_space<hbm>> -> memref<1x11008xi32, #tpu.memory_space<hbm>>
      %dma_start3A_50 = tpu.memref_squeeze %dma_start3A_49 : memref<1x11008xi32, #tpu.memory_space<hbm>> -> memref<11008xi32, #tpu.memory_space<hbm>>
      tpu.enqueue_dma source(%dma_start3A_50 : memref<11008xi32, #tpu.memory_space<hbm>>) target(%arg8 : memref<11008xi32, #tpu.memory_space<vmem>>) target_semaphore(%run_scoped3A : memref<!tpu.dma_semaphore, #tpu.memory_space<semaphore_mem>>)
      %dma_wait3A = arith.constant 0 : i32
      %dma_wait3A_51 = tpu.memref_slice %arg4[%add3A, %dma_wait3A] : memref<32x11008xi32, #tpu.memory_space<hbm>> -> memref<1x11008xi32, #tpu.memory_space<hbm>>
      %dma_wait3A_52 = tpu.memref_squeeze %dma_wait3A_51 : memref<1x11008xi32, #tpu.memory_space<hbm>> -> memref<11008xi32, #tpu.memory_space<hbm>>
      %dma_wait3A_53 = arith.constant 0 : i32
      %dma_wait3A_54 = tpu.memref_slice %arg4[%add3A, %dma_wait3A_53] : memref<32x11008xi32, #tpu.memory_space<hbm>> -> memref<1x11008xi32, #tpu.memory_space<hbm>>
      %dma_wait3A_55 = tpu.memref_squeeze %dma_wait3A_54 : memref<1x11008xi32, #tpu.memory_space<hbm>> -> memref<11008xi32, #tpu.memory_space<hbm>>
      tpu.wait_dma2 semaphore(%run_scoped3A : memref<!tpu.dma_semaphore, #tpu.memory_space<semaphore_mem>>) src(%dma_wait3A_55 : memref<11008xi32, #tpu.memory_space<hbm>>) dst(%arg8 : memref<11008xi32, #tpu.memory_space<vmem>>)
      tpu.yield
    }) : () -> ()
    %broadcast_in_dim3A = arith.constant 0.000000e+00 : f32
    %broadcast_in_dim3A_1 = vector.broadcast %broadcast_in_dim3A : f32 to vector<16xf32>
    %scan3A = arith.constant 0 : i32
    %scan3A_2 = arith.constant 0 : i32
    %scan3A_3 = arith.constant 128 : i32
    %scan3A_4 = arith.addi %scan3A_2, %scan3A_3 : i32
    %scan3A_5 = arith.constant 1 : i32
    scf.for %scan3A_46 = %scan3A_2 to %scan3A_4 step %scan3A_5  : i32 {
      %jit3A = arith.constant 8 : i32
      %div3A = arith.divsi %scan3A_46, %jit3A : i32
      %sign3A = arith.constant 0 : i32
      %sign3A_47 = arith.cmpi sgt, %scan3A_46, %sign3A : i32
      %sign3A_48 = arith.extui %sign3A_47 : i1 to i32
      %sign3A_49 = arith.constant 0 : i32
      %sign3A_50 = arith.cmpi slt, %scan3A_46, %sign3A_49 : i32
      %sign3A_51 = arith.extui %sign3A_50 : i1 to i32
      %sign3A_52 = arith.subi %sign3A_48, %sign3A_51 : i32
      %sign3A_53 = arith.constant 0 : i32
      %sign3A_54 = arith.cmpi sgt, %jit3A, %sign3A_53 : i32
      %sign3A_55 = arith.extui %sign3A_54 : i1 to i32
      %sign3A_56 = arith.constant 0 : i32
      %sign3A_57 = arith.cmpi slt, %jit3A, %sign3A_56 : i32
      %sign3A_58 = arith.extui %sign3A_57 : i1 to i32
      %sign3A_59 = arith.subi %sign3A_55, %sign3A_58 : i32
      %ne3A = arith.cmpi ne, %sign3A_52, %sign3A_59 : i32
      %rem3A = arith.remsi %scan3A_46, %jit3A : i32
      %ne3A_60 = arith.constant 0 : i32
      %ne3A_61 = arith.cmpi ne, %rem3A, %ne3A_60 : i32
      %and3A = arith.andi %ne3A, %ne3A_61 : i1
      %sub3A = arith.constant 1 : i32
      %sub3A_62 = arith.subi %div3A, %sub3A : i32
      %select_n3A = arith.select %and3A, %sub3A_62, %div3A : i32
      %jit3A_63 = arith.constant 8 : i32
      %eq3A = arith.constant 0 : i32
      %eq3A_64 = arith.cmpi eq, %jit3A_63, %eq3A : i32
      %jit3A_65 = arith.constant 1 : i32
      %select_n3A_66 = arith.select %eq3A_64, %jit3A_65, %jit3A_63 : i32
      %rem3A_67 = arith.remsi %scan3A_46, %select_n3A_66 : i32
      %ne3A_68 = arith.constant 0 : i32
      %ne3A_69 = arith.cmpi ne, %rem3A_67, %ne3A_68 : i32
      %lt3A = arith.constant 0 : i32
      %lt3A_70 = arith.cmpi slt, %rem3A_67, %lt3A : i32
      %lt3A_71 = arith.constant 0 : i32
      %lt3A_72 = arith.cmpi slt, %select_n3A_66, %lt3A_71 : i32
      %ne3A_73 = arith.xori %lt3A_70, %lt3A_72 : i1
      %and3A_74 = arith.andi %ne3A_73, %ne3A_69 : i1
      %add3A_75 = arith.addi %rem3A_67, %select_n3A_66 : i32
      %select_n3A_76 = arith.select %and3A_74, %add3A_75, %rem3A_67 : i32
      %mul3A_77 = arith.constant 16 : i32
      %mul3A_78 = arith.muli %select_n3A_76, %mul3A_77 : i32
      %swap3A = arith.index_cast %select_n3A : i32 to index
      %swap3A_79 = arith.index_cast %mul3A_78 : i32 to index
      %swap3A_80 = tpu.vector_load %arg14[%swap3A, %swap3A_79] {strides = array<i32>} : memref<16x128xf32, #tpu.memory_space<vmem>>, vector<1x16xf32>,
      %swap3A_81 = vector.shape_cast %swap3A_80 : vector<1x16xf32> to vector<16xf32>
      %swap3A_82 = vector.shape_cast %broadcast_in_dim3A_1 : vector<16xf32> to vector<1x16xf32>
      tpu.vector_store %arg14[%swap3A, %swap3A_79], %swap3A_82 {strides = array<i32>} : memref<16x128xf32, #tpu.memory_space<vmem>>, vector<1x16xf32>,
    }
    %scan3A_6 = arith.constant 128 : i32
    %scan3A_7 = arith.constant 0 : i32
    %scan3A_8 = arith.constant 0 : i32
    %scan3A_9 = arith.constant 20 : i32
    %scan3A_10 = arith.addi %scan3A_8, %scan3A_9 : i32
    %scan3A_11 = arith.constant 1 : i32
    scf.for %scan3A_46 = %scan3A_8 to %scan3A_10 step %scan3A_11  : i32 {
      %mul3A_47 = arith.constant 320 : i32
      %mul3A_48 = arith.muli %arg1, %mul3A_47 : i32
      %mul3A_49 = arith.constant 16 : i32
      %mul3A_50 = arith.muli %scan3A_46, %mul3A_49 : i32
      %add3A_51 = arith.addi %mul3A_48, %mul3A_50 : i32
      %multiple_of3A_52 = tpu.assume_multiple %add3A_51, 16 : i32
      "tpu.region"() ({
        %run_scoped3A = tpu.sem_alloc : memref<!tpu.dma_semaphore, #tpu.memory_space<semaphore_mem>>
        %dma_start3A = arith.constant 0 : i32
        %dma_start3A_53 = tpu.memref_slice %arg15[%multiple_of3A_52, %dma_start3A] : memref<5632x128xf32, #tpu.memory_space<vmem_shared>> -> memref<16x128xf32, #tpu.memory_space<vmem_shared>>
        %dma_start3A_54 = arith.constant 0 : i32
        %dma_start3A_55 = tpu.memref_slice %arg15[%multiple_of3A_52, %dma_start3A_54] : memref<5632x128xf32, #tpu.memory_space<vmem_shared>> -> memref<16x128xf32, #tpu.memory_space<vmem_shared>>
        tpu.enqueue_dma source(%arg14 : memref<16x128xf32, #tpu.memory_space<vmem>>) target(%dma_start3A_55 : memref<16x128xf32, #tpu.memory_space<vmem_shared>>) target_semaphore(%run_scoped3A : memref<!tpu.dma_semaphore, #tpu.memory_space<semaphore_mem>>)
        %dma_wait3A = arith.constant 0 : i32
        %dma_wait3A_56 = tpu.memref_slice %arg15[%multiple_of3A_52, %dma_wait3A] : memref<5632x128xf32, #tpu.memory_space<vmem_shared>> -> memref<16x128xf32, #tpu.memory_space<vmem_shared>>
        %dma_wait3A_57 = arith.constant 0 : i32
        %dma_wait3A_58 = tpu.memref_slice %arg15[%multiple_of3A_52, %dma_wait3A_57] : memref<5632x128xf32, #tpu.memory_space<vmem_shared>> -> memref<16x128xf32, #tpu.memory_space<vmem_shared>>
        tpu.wait_dma2 semaphore(%run_scoped3A : memref<!tpu.dma_semaphore, #tpu.memory_space<semaphore_mem>>) src(%arg14 : memref<16x128xf32, #tpu.memory_space<vmem>>) dst(%dma_wait3A_58 : memref<16x128xf32, #tpu.memory_space<vmem_shared>>)
        tpu.yield
      }) : () -> ()
    }
    %scan3A_12 = arith.constant 20 : i32
    %scan3A_13 = arith.constant 0 : i32
    %scan3A_14 = arith.constant 0 : i32
    %scan3A_15 = arith.constant 2 : i32
    %scan3A_16 = arith.addi %scan3A_14, %scan3A_15 : i32
    %scan3A_17 = arith.constant 1 : i32
    scf.for %scan3A_46 = %scan3A_14 to %scan3A_16 step %scan3A_17  : i32 {
      %mul3A_47 = arith.constant 32 : i32
      %mul3A_48 = arith.muli %arg1, %mul3A_47 : i32
      %add3A_49 = arith.constant 5120 : i32
      %add3A_50 = arith.addi %add3A_49, %mul3A_48 : i32
      %mul3A_51 = arith.constant 16 : i32
      %mul3A_52 = arith.muli %scan3A_46, %mul3A_51 : i32
      %add3A_53 = arith.addi %add3A_50, %mul3A_52 : i32
      %multiple_of3A_54 = tpu.assume_multiple %add3A_53, 16 : i32
      "tpu.region"() ({
        %run_scoped3A = tpu.sem_alloc : memref<!tpu.dma_semaphore, #tpu.memory_space<semaphore_mem>>
        %dma_start3A = arith.constant 0 : i32
        %dma_start3A_55 = tpu.memref_slice %arg15[%multiple_of3A_54, %dma_start3A] : memref<5632x128xf32, #tpu.memory_space<vmem_shared>> -> memref<16x128xf32, #tpu.memory_space<vmem_shared>>
        %dma_start3A_56 = arith.constant 0 : i32
        %dma_start3A_57 = tpu.memref_slice %arg15[%multiple_of3A_54, %dma_start3A_56] : memref<5632x128xf32, #tpu.memory_space<vmem_shared>> -> memref<16x128xf32, #tpu.memory_space<vmem_shared>>
        tpu.enqueue_dma source(%arg14 : memref<16x128xf32, #tpu.memory_space<vmem>>) target(%dma_start3A_57 : memref<16x128xf32, #tpu.memory_space<vmem_shared>>) target_semaphore(%run_scoped3A : memref<!tpu.dma_semaphore, #tpu.memory_space<semaphore_mem>>)
        %dma_wait3A = arith.constant 0 : i32
        %dma_wait3A_58 = tpu.memref_slice %arg15[%multiple_of3A_54, %dma_wait3A] : memref<5632x128xf32, #tpu.memory_space<vmem_shared>> -> memref<16x128xf32, #tpu.memory_space<vmem_shared>>
        %dma_wait3A_59 = arith.constant 0 : i32
        %dma_wait3A_60 = tpu.memref_slice %arg15[%multiple_of3A_54, %dma_wait3A_59] : memref<5632x128xf32, #tpu.memory_space<vmem_shared>> -> memref<16x128xf32, #tpu.memory_space<vmem_shared>>
        tpu.wait_dma2 semaphore(%run_scoped3A : memref<!tpu.dma_semaphore, #tpu.memory_space<semaphore_mem>>) src(%arg14 : memref<16x128xf32, #tpu.memory_space<vmem>>) dst(%dma_wait3A_60 : memref<16x128xf32, #tpu.memory_space<vmem_shared>>)
        tpu.yield
      }) : () -> ()
    }
    %scan3A_18 = arith.constant 2 : i32
    %broadcast_in_dim3A_19 = arith.constant 0.000000e+00 : f32
    %broadcast_in_dim3A_20 = vector.broadcast %broadcast_in_dim3A_19 : f32 to vector<16xf32>
    %broadcast_in_dim3A_21 = arith.constant 0.000000e+00 : f32
    %broadcast_in_dim3A_22 = vector.broadcast %broadcast_in_dim3A_21 : f32 to vector<16xf32>
    %broadcast_in_dim3A_23 = arith.constant 0.000000e+00 : f32
    %broadcast_in_dim3A_24 = vector.broadcast %broadcast_in_dim3A_23 : f32 to vector<16xf32>
    %broadcast_in_dim3A_25 = arith.constant 0.000000e+00 : f32
    %broadcast_in_dim3A_26 = vector.broadcast %broadcast_in_dim3A_25 : f32 to vector<16xf32>
    %broadcast_in_dim3A_27 = arith.constant 0.000000e+00 : f32
    %broadcast_in_dim3A_28 = vector.broadcast %broadcast_in_dim3A_27 : f32 to vector<16xf32>
    %broadcast_in_dim3A_29 = arith.constant 0.000000e+00 : f32
    %broadcast_in_dim3A_30 = vector.broadcast %broadcast_in_dim3A_29 : f32 to vector<16xf32>
    %broadcast_in_dim3A_31 = arith.constant 0.000000e+00 : f32
    %broadcast_in_dim3A_32 = vector.broadcast %broadcast_in_dim3A_31 : f32 to vector<16xf32>
    %broadcast_in_dim3A_33 = arith.constant 0.000000e+00 : f32
    %broadcast_in_dim3A_34 = vector.broadcast %broadcast_in_dim3A_33 : f32 to vector<16xf32>
    %scan3A_35 = arith.constant 0 : i32
    %scan3A_36 = arith.constant 43 : i32
    %scan3A_37 = arith.addi %scan3A_35, %scan3A_36 : i32
    %scan3A_38 = arith.constant 1 : i32
    %scan3A_39:8 = scf.for %scan3A_46 = %scan3A_35 to %scan3A_37 step %scan3A_38 iter_args(%scan3A_47 = %broadcast_in_dim3A_20, %scan3A_48 = %broadcast_in_dim3A_22, %scan3A_49 = %broadcast_in_dim3A_24, %scan3A_50 = %broadcast_in_dim3A_26, %scan3A_51 = %broadcast_in_dim3A_28, %scan3A_52 = %broadcast_in_dim3A_30, %scan3A_53 = %broadcast_in_dim3A_32, %scan3A_54 = %broadcast_in_dim3A_34) -> (vector<16xf32>, vector<16xf32>, vector<16xf32>, vector<16xf32>, vector<16xf32>, vector<16xf32>, vector<16xf32>, vector<16xf32>)  : i32 {
      %mul3A_55 = arith.constant 2 : i32
      %mul3A_56 = arith.muli %scan3A_46, %mul3A_55 : i32
      %add3A_57 = arith.constant 0 : i32
      %add3A_58 = arith.addi %mul3A_56, %add3A_57 : i32
      %mul3A_59 = arith.constant 128 : i32
      %mul3A_60 = arith.muli %add3A_58, %mul3A_59 : i32
      %dma_start3A = tpu.memref_slice %arg7[%mul3A_60] : memref<11008xi32, #tpu.memory_space<vmem>> -> memref<128xi32, #tpu.memory_space<vmem>>
      %dma_start3A_61 = arith.constant 0 : i32
      %dma_start3A_62 = arith.constant 0 : i32
      %dma_start3A_63 = tpu.memref_slice %arg2[%dma_start3A_61, %dma_start3A_62] : memref<10000x128xf32, #tpu.memory_space<hbm>> -> memref<10000x128xf32, #tpu.memory_space<hbm>>
      tpu.enqueue_indirect_dma source(%dma_start3A_63 : memref<10000x128xf32, #tpu.memory_space<hbm>>) target(%arg11 : memref<128x128xf32, #tpu.memory_space<vmem>>) offsets(%dma_start3A : memref<128xi32, #tpu.memory_space<vmem>>) semaphore(%arg16 : memref<!tpu.dma_semaphore, #tpu.memory_space<semaphore_mem>>)
      %add3A_64 = arith.constant 1 : i32
      %add3A_65 = arith.addi %mul3A_56, %add3A_64 : i32
      %mul3A_66 = arith.constant 128 : i32
      %mul3A_67 = arith.muli %add3A_65, %mul3A_66 : i32
      %dma_start3A_68 = tpu.memref_slice %arg7[%mul3A_67] : memref<11008xi32, #tpu.memory_space<vmem>> -> memref<128xi32, #tpu.memory_space<vmem>>
      %dma_start3A_69 = arith.constant 0 : i32
      %dma_start3A_70 = arith.constant 0 : i32
      %dma_start3A_71 = tpu.memref_slice %arg2[%dma_start3A_69, %dma_start3A_70] : memref<10000x128xf32, #tpu.memory_space<hbm>> -> memref<10000x128xf32, #tpu.memory_space<hbm>>
      tpu.enqueue_indirect_dma source(%dma_start3A_71 : memref<10000x128xf32, #tpu.memory_space<hbm>>) target(%arg12 : memref<128x128xf32, #tpu.memory_space<vmem>>) offsets(%dma_start3A_68 : memref<128xi32, #tpu.memory_space<vmem>>) semaphore(%arg17 : memref<!tpu.dma_semaphore, #tpu.memory_space<semaphore_mem>>)
      %add3A_72 = arith.constant 0 : i32
      %add3A_73 = arith.addi %mul3A_56, %add3A_72 : i32
      %dma_wait3A = tpu.memref_slice %arg7[%mul3A_60] : memref<11008xi32, #tpu.memory_space<vmem>> -> memref<128xi32, #tpu.memory_space<vmem>>
      %dma_wait3A_74 = arith.constant 0 : i32
      %dma_wait3A_75 = arith.constant 0 : i32
      %dma_wait3A_76 = tpu.memref_slice %arg2[%dma_wait3A_74, %dma_wait3A_75] : memref<10000x128xf32, #tpu.memory_space<hbm>> -> memref<10000x128xf32, #tpu.memory_space<hbm>>
      tpu.wait_indirect_dma semaphore(%arg16 : memref<!tpu.dma_semaphore, #tpu.memory_space<semaphore_mem>>) src(%dma_wait3A_76 : memref<10000x128xf32, #tpu.memory_space<hbm>>) dst(%arg11 : memref<128x128xf32, #tpu.memory_space<vmem>>)
      %mul3A_77 = arith.constant 2048 : i32
      %mul3A_78 = arith.muli %add3A_73, %mul3A_77 : i32
      %multiple_of3A_79 = tpu.assume_multiple %mul3A_78, 2048 : i32
      "tpu.region"() ({
        %run_scoped3A = tpu.sem_alloc : memref<!tpu.dma_semaphore, #tpu.memory_space<semaphore_mem>>
        %dma_start3A_113 = tpu.memref_slice %arg5[%add3A, %multiple_of3A_79] : memref<32x176128xf32, #tpu.memory_space<hbm>> -> memref<1x2048xf32, #tpu.memory_space<hbm>>
        %dma_start3A_114 = tpu.memref_squeeze %dma_start3A_113 : memref<1x2048xf32, #tpu.memory_space<hbm>> -> memref<2048xf32, #tpu.memory_space<hbm>>
        %dma_start3A_115 = tpu.memref_slice %arg5[%add3A, %multiple_of3A_79] : memref<32x176128xf32, #tpu.memory_space<hbm>> -> memref<1x2048xf32, #tpu.memory_space<hbm>>
        %dma_start3A_116 = tpu.memref_squeeze %dma_start3A_115 : memref<1x2048xf32, #tpu.memory_space<hbm>> -> memref<2048xf32, #tpu.memory_space<hbm>>
        tpu.enqueue_dma source(%dma_start3A_116 : memref<2048xf32, #tpu.memory_space<hbm>>) target(%arg10 : memref<2048xf32, #tpu.memory_space<vmem>>) target_semaphore(%run_scoped3A : memref<!tpu.dma_semaphore, #tpu.memory_space<semaphore_mem>>)
        %dma_wait3A_117 = tpu.memref_slice %arg5[%add3A, %multiple_of3A_79] : memref<32x176128xf32, #tpu.memory_space<hbm>> -> memref<1x2048xf32, #tpu.memory_space<hbm>>
        %dma_wait3A_118 = tpu.memref_squeeze %dma_wait3A_117 : memref<1x2048xf32, #tpu.memory_space<hbm>> -> memref<2048xf32, #tpu.memory_space<hbm>>
        %dma_wait3A_119 = tpu.memref_slice %arg5[%add3A, %multiple_of3A_79] : memref<32x176128xf32, #tpu.memory_space<hbm>> -> memref<1x2048xf32, #tpu.memory_space<hbm>>
        %dma_wait3A_120 = tpu.memref_squeeze %dma_wait3A_119 : memref<1x2048xf32, #tpu.memory_space<hbm>> -> memref<2048xf32, #tpu.memory_space<hbm>>
        tpu.wait_dma2 semaphore(%run_scoped3A : memref<!tpu.dma_semaphore, #tpu.memory_space<semaphore_mem>>) src(%dma_wait3A_120 : memref<2048xf32, #tpu.memory_space<hbm>>) dst(%arg10 : memref<2048xf32, #tpu.memory_space<vmem>>)
        tpu.yield
      }) : () -> ()
      %scan3A_80 = arith.constant 0 : i32
      %scan3A_81 = arith.constant 128 : i32
      %scan3A_82 = arith.addi %scan3A_80, %scan3A_81 : i32
      %scan3A_83 = arith.constant 1 : i32
      %scan3A_84:8 = scf.for %scan3A_113 = %scan3A_80 to %scan3A_82 step %scan3A_83 iter_args(%scan3A_114 = %scan3A_47, %scan3A_115 = %scan3A_48, %scan3A_116 = %scan3A_49, %scan3A_117 = %scan3A_50, %scan3A_118 = %scan3A_51, %scan3A_119 = %scan3A_52, %scan3A_120 = %scan3A_53, %scan3A_121 = %scan3A_54) -> (vector<16xf32>, vector<16xf32>, vector<16xf32>, vector<16xf32>, vector<16xf32>, vector<16xf32>, vector<16xf32>, vector<16xf32>)  : i32 {
        %mul3A_122 = arith.constant 16 : i32
        %mul3A_123 = arith.muli %scan3A_113, %mul3A_122 : i32
        %get3A = arith.index_cast %mul3A_123 : i32 to index
        %get3A_124 = tpu.vector_load %arg10[%get3A] {strides = array<i32>} : memref<2048xf32, #tpu.memory_space<vmem>>, vector<16xf32>,
        %get3A_125 = vector.shape_cast %get3A_124 : vector<16xf32> to vector<16xf32>
        %get3A_126 = arith.index_cast %scan3A_113 : i32 to index
        %get3A_127 = arith.constant 0 : index
        %get3A_128 = tpu.vector_load %arg11[%get3A_126, %get3A_127] {strides = array<i32>} : memref<128x128xf32, #tpu.memory_space<vmem>>, vector<1x16xf32>,
        %get3A_129 = vector.shape_cast %get3A_128 : vector<1x16xf32> to vector<16xf32>
        %mul3A_130 = arith.mulf %get3A_125, %scan3A_114 : vector<16xf32>
        %add3A_131 = arith.addf %get3A_129, %mul3A_130 : vector<16xf32>
        %swap3A = arith.index_cast %scan3A_113 : i32 to index
        %swap3A_132 = arith.constant 0 : index
        %swap3A_133 = tpu.vector_load %arg13[%swap3A, %swap3A_132] {strides = array<i32>} : memref<128x128xf32, #tpu.memory_space<vmem>>, vector<1x16xf32>,
        %swap3A_134 = vector.shape_cast %swap3A_133 : vector<1x16xf32> to vector<16xf32>
        %swap3A_135 = vector.shape_cast %add3A_131 : vector<16xf32> to vector<1x16xf32>
        tpu.vector_store %arg13[%swap3A, %swap3A_132], %swap3A_135 {strides = array<i32>} : memref<128x128xf32, #tpu.memory_space<vmem>>, vector<1x16xf32>,
        %get3A_136 = arith.index_cast %scan3A_113 : i32 to index
        %get3A_137 = arith.constant 16 : index
        %get3A_138 = tpu.vector_load %arg11[%get3A_136, %get3A_137] {strides = array<i32>} : memref<128x128xf32, #tpu.memory_space<vmem>>, vector<1x16xf32>,
        %get3A_139 = vector.shape_cast %get3A_138 : vector<1x16xf32> to vector<16xf32>
        %mul3A_140 = arith.mulf %get3A_125, %scan3A_115 : vector<16xf32>
        %add3A_141 = arith.addf %get3A_139, %mul3A_140 : vector<16xf32>
        %swap3A_142 = arith.index_cast %scan3A_113 : i32 to index
        %swap3A_143 = arith.constant 16 : index
        %swap3A_144 = tpu.vector_load %arg13[%swap3A_142, %swap3A_143] {strides = array<i32>} : memref<128x128xf32, #tpu.memory_space<vmem>>, vector<1x16xf32>,
        %swap3A_145 = vector.shape_cast %swap3A_144 : vector<1x16xf32> to vector<16xf32>
        %swap3A_146 = vector.shape_cast %add3A_141 : vector<16xf32> to vector<1x16xf32>
        tpu.vector_store %arg13[%swap3A_142, %swap3A_143], %swap3A_146 {strides = array<i32>} : memref<128x128xf32, #tpu.memory_space<vmem>>, vector<1x16xf32>,
        %get3A_147 = arith.index_cast %scan3A_113 : i32 to index
        %get3A_148 = arith.constant 32 : index
        %get3A_149 = tpu.vector_load %arg11[%get3A_147, %get3A_148] {strides = array<i32>} : memref<128x128xf32, #tpu.memory_space<vmem>>, vector<1x16xf32>,
        %get3A_150 = vector.shape_cast %get3A_149 : vector<1x16xf32> to vector<16xf32>
        %mul3A_151 = arith.mulf %get3A_125, %scan3A_116 : vector<16xf32>
        %add3A_152 = arith.addf %get3A_150, %mul3A_151 : vector<16xf32>
        %swap3A_153 = arith.index_cast %scan3A_113 : i32 to index
        %swap3A_154 = arith.constant 32 : index
        %swap3A_155 = tpu.vector_load %arg13[%swap3A_153, %swap3A_154] {strides = array<i32>} : memref<128x128xf32, #tpu.memory_space<vmem>>, vector<1x16xf32>,
        %swap3A_156 = vector.shape_cast %swap3A_155 : vector<1x16xf32> to vector<16xf32>
        %swap3A_157 = vector.shape_cast %add3A_152 : vector<16xf32> to vector<1x16xf32>
        tpu.vector_store %arg13[%swap3A_153, %swap3A_154], %swap3A_157 {strides = array<i32>} : memref<128x128xf32, #tpu.memory_space<vmem>>, vector<1x16xf32>,
        %get3A_158 = arith.index_cast %scan3A_113 : i32 to index
        %get3A_159 = arith.constant 48 : index
        %get3A_160 = tpu.vector_load %arg11[%get3A_158, %get3A_159] {strides = array<i32>} : memref<128x128xf32, #tpu.memory_space<vmem>>, vector<1x16xf32>,
        %get3A_161 = vector.shape_cast %get3A_160 : vector<1x16xf32> to vector<16xf32>
        %mul3A_162 = arith.mulf %get3A_125, %scan3A_117 : vector<16xf32>
        %add3A_163 = arith.addf %get3A_161, %mul3A_162 : vector<16xf32>
        %swap3A_164 = arith.index_cast %scan3A_113 : i32 to index
        %swap3A_165 = arith.constant 48 : index
        %swap3A_166 = tpu.vector_load %arg13[%swap3A_164, %swap3A_165] {strides = array<i32>} : memref<128x128xf32, #tpu.memory_space<vmem>>, vector<1x16xf32>,
        %swap3A_167 = vector.shape_cast %swap3A_166 : vector<1x16xf32> to vector<16xf32>
        %swap3A_168 = vector.shape_cast %add3A_163 : vector<16xf32> to vector<1x16xf32>
        tpu.vector_store %arg13[%swap3A_164, %swap3A_165], %swap3A_168 {strides = array<i32>} : memref<128x128xf32, #tpu.memory_space<vmem>>, vector<1x16xf32>,
        %get3A_169 = arith.index_cast %scan3A_113 : i32 to index
        %get3A_170 = arith.constant 64 : index
        %get3A_171 = tpu.vector_load %arg11[%get3A_169, %get3A_170] {strides = array<i32>} : memref<128x128xf32, #tpu.memory_space<vmem>>, vector<1x16xf32>,
        %get3A_172 = vector.shape_cast %get3A_171 : vector<1x16xf32> to vector<16xf32>
        %mul3A_173 = arith.mulf %get3A_125, %scan3A_118 : vector<16xf32>
        %add3A_174 = arith.addf %get3A_172, %mul3A_173 : vector<16xf32>
        %swap3A_175 = arith.index_cast %scan3A_113 : i32 to index
        %swap3A_176 = arith.constant 64 : index
        %swap3A_177 = tpu.vector_load %arg13[%swap3A_175, %swap3A_176] {strides = array<i32>} : memref<128x128xf32, #tpu.memory_space<vmem>>, vector<1x16xf32>,
        %swap3A_178 = vector.shape_cast %swap3A_177 : vector<1x16xf32> to vector<16xf32>
        %swap3A_179 = vector.shape_cast %add3A_174 : vector<16xf32> to vector<1x16xf32>
        tpu.vector_store %arg13[%swap3A_175, %swap3A_176], %swap3A_179 {strides = array<i32>} : memref<128x128xf32, #tpu.memory_space<vmem>>, vector<1x16xf32>,
        %get3A_180 = arith.index_cast %scan3A_113 : i32 to index
        %get3A_181 = arith.constant 80 : index
        %get3A_182 = tpu.vector_load %arg11[%get3A_180, %get3A_181] {strides = array<i32>} : memref<128x128xf32, #tpu.memory_space<vmem>>, vector<1x16xf32>,
        %get3A_183 = vector.shape_cast %get3A_182 : vector<1x16xf32> to vector<16xf32>
        %mul3A_184 = arith.mulf %get3A_125, %scan3A_119 : vector<16xf32>
        %add3A_185 = arith.addf %get3A_183, %mul3A_184 : vector<16xf32>
        %swap3A_186 = arith.index_cast %scan3A_113 : i32 to index
        %swap3A_187 = arith.constant 80 : index
        %swap3A_188 = tpu.vector_load %arg13[%swap3A_186, %swap3A_187] {strides = array<i32>} : memref<128x128xf32, #tpu.memory_space<vmem>>, vector<1x16xf32>,
        %swap3A_189 = vector.shape_cast %swap3A_188 : vector<1x16xf32> to vector<16xf32>
        %swap3A_190 = vector.shape_cast %add3A_185 : vector<16xf32> to vector<1x16xf32>
        tpu.vector_store %arg13[%swap3A_186, %swap3A_187], %swap3A_190 {strides = array<i32>} : memref<128x128xf32, #tpu.memory_space<vmem>>, vector<1x16xf32>,
        %get3A_191 = arith.index_cast %scan3A_113 : i32 to index
        %get3A_192 = arith.constant 96 : index
        %get3A_193 = tpu.vector_load %arg11[%get3A_191, %get3A_192] {strides = array<i32>} : memref<128x128xf32, #tpu.memory_space<vmem>>, vector<1x16xf32>,
        %get3A_194 = vector.shape_cast %get3A_193 : vector<1x16xf32> to vector<16xf32>
        %mul3A_195 = arith.mulf %get3A_125, %scan3A_120 : vector<16xf32>
        %add3A_196 = arith.addf %get3A_194, %mul3A_195 : vector<16xf32>
        %swap3A_197 = arith.index_cast %scan3A_113 : i32 to index
        %swap3A_198 = arith.constant 96 : index
        %swap3A_199 = tpu.vector_load %arg13[%swap3A_197, %swap3A_198] {strides = array<i32>} : memref<128x128xf32, #tpu.memory_space<vmem>>, vector<1x16xf32>,
        %swap3A_200 = vector.shape_cast %swap3A_199 : vector<1x16xf32> to vector<16xf32>
        %swap3A_201 = vector.shape_cast %add3A_196 : vector<16xf32> to vector<1x16xf32>
        tpu.vector_store %arg13[%swap3A_197, %swap3A_198], %swap3A_201 {strides = array<i32>} : memref<128x128xf32, #tpu.memory_space<vmem>>, vector<1x16xf32>,
        %get3A_202 = arith.index_cast %scan3A_113 : i32 to index
        %get3A_203 = arith.constant 112 : index
        %get3A_204 = tpu.vector_load %arg11[%get3A_202, %get3A_203] {strides = array<i32>} : memref<128x128xf32, #tpu.memory_space<vmem>>, vector<1x16xf32>,
        %get3A_205 = vector.shape_cast %get3A_204 : vector<1x16xf32> to vector<16xf32>
        %mul3A_206 = arith.mulf %get3A_125, %scan3A_121 : vector<16xf32>
        %add3A_207 = arith.addf %get3A_205, %mul3A_206 : vector<16xf32>
        %swap3A_208 = arith.index_cast %scan3A_113 : i32 to index
        %swap3A_209 = arith.constant 112 : index
        %swap3A_210 = tpu.vector_load %arg13[%swap3A_208, %swap3A_209] {strides = array<i32>} : memref<128x128xf32, #tpu.memory_space<vmem>>, vector<1x16xf32>,
        %swap3A_211 = vector.shape_cast %swap3A_210 : vector<1x16xf32> to vector<16xf32>
        %swap3A_212 = vector.shape_cast %add3A_207 : vector<16xf32> to vector<1x16xf32>
        tpu.vector_store %arg13[%swap3A_208, %swap3A_209], %swap3A_212 {strides = array<i32>} : memref<128x128xf32, #tpu.memory_space<vmem>>, vector<1x16xf32>,
        scf.yield %add3A_131, %add3A_141, %add3A_152, %add3A_163, %add3A_174, %add3A_185, %add3A_196, %add3A_207 : vector<16xf32>, vector<16xf32>, vector<16xf32>, vector<16xf32>, vector<16xf32>, vector<16xf32>, vector<16xf32>, vector<16xf32>
      }
      %scan3A_85 = arith.constant 128 : i32
      %scan3A_86 = arith.constant 0 : i32
      %scan3A_87 = arith.constant 0 : i32
      %scan3A_88 = arith.constant 8 : i32
      %scan3A_89 = arith.addi %scan3A_87, %scan3A_88 : i32
      %scan3A_90 = arith.constant 1 : i32
      scf.for %scan3A_113 = %scan3A_87 to %scan3A_89 step %scan3A_90  : i32 {
        %mul3A_114 = arith.constant 128 : i32
        %mul3A_115 = arith.muli %add3A_73, %mul3A_114 : i32
        %mul3A_116 = arith.constant 16 : i32
        %mul3A_117 = arith.muli %scan3A_113, %mul3A_116 : i32
        %add3A_118 = arith.addi %mul3A_115, %mul3A_117 : i32
        %get3A = arith.index_cast %add3A_118 : i32 to index
        %get3A_119 = tpu.vector_load %arg8[%get3A] {strides = array<i32>} : memref<11008xi32, #tpu.memory_space<vmem>>, vector<16xi32>,
        %get3A_120 = vector.shape_cast %get3A_119 : vector<16xi32> to vector<16xi32>
        %mul3A_121 = arith.constant 16 : i32
        %mul3A_122 = arith.muli %scan3A_113, %mul3A_121 : i32
        %swap3A = arith.index_cast %mul3A_122 : i32 to index
        %swap3A_123 = tpu.vector_load %arg9[%swap3A] {strides = array<i32>} : memref<128xi32, #tpu.memory_space<vmem>>, vector<16xi32>,
        %swap3A_124 = vector.shape_cast %swap3A_123 : vector<16xi32> to vector<16xi32>
        %swap3A_125 = vector.shape_cast %get3A_120 : vector<16xi32> to vector<16xi32>
        tpu.vector_store %arg9[%swap3A], %swap3A_125 {strides = array<i32>} : memref<128xi32, #tpu.memory_space<vmem>>, vector<16xi32>,
      }
      %scan3A_91 = arith.constant 8 : i32
      "tpu.region"() ({
        %run_scoped3A = tpu.sem_alloc : memref<!tpu.dma_semaphore, #tpu.memory_space<semaphore_mem>>
        %dma_start3A_113 = arith.constant 0 : i32
        %dma_start3A_114 = arith.constant 0 : i32
        %dma_start3A_115 = tpu.memref_slice %arg15[%dma_start3A_113, %dma_start3A_114] : memref<5632x128xf32, #tpu.memory_space<vmem_shared>> -> memref<5632x128xf32, #tpu.memory_space<vmem_shared>>
        tpu.enqueue_indirect_dma source(%arg13 : memref<128x128xf32, #tpu.memory_space<vmem>>) target(%dma_start3A_115 : memref<5632x128xf32, #tpu.memory_space<vmem_shared>>) offsets(%arg9 : memref<128xi32, #tpu.memory_space<vmem>>) semaphore(%run_scoped3A : memref<!tpu.dma_semaphore, #tpu.memory_space<semaphore_mem>>) {add = true}
        %dma_wait3A_116 = arith.constant 0 : i32
        %dma_wait3A_117 = arith.constant 0 : i32
        %dma_wait3A_118 = tpu.memref_slice %arg15[%dma_wait3A_116, %dma_wait3A_117] : memref<5632x128xf32, #tpu.memory_space<vmem_shared>> -> memref<5632x128xf32, #tpu.memory_space<vmem_shared>>
        tpu.wait_indirect_dma semaphore(%run_scoped3A : memref<!tpu.dma_semaphore, #tpu.memory_space<semaphore_mem>>) src(%arg13 : memref<128x128xf32, #tpu.memory_space<vmem>>) dst(%dma_wait3A_118 : memref<5632x128xf32, #tpu.memory_space<vmem_shared>>)
        tpu.yield
      }) : () -> ()
      %add3A_92 = arith.constant 1 : i32
      %add3A_93 = arith.addi %mul3A_56, %add3A_92 : i32
      %dma_wait3A_94 = tpu.memref_slice %arg7[%mul3A_67] : memref<11008xi32, #tpu.memory_space<vmem>> -> memref<128xi32, #tpu.memory_space<vmem>>
      %dma_wait3A_95 = arith.constant 0 : i32
      %dma_wait3A_96 = arith.constant 0 : i32
      %dma_wait3A_97 = tpu.memref_slice %arg2[%dma_wait3A_95, %dma_wait3A_96] : memref<10000x128xf32, #tpu.memory_space<hbm>> -> memref<10000x128xf32, #tpu.memory_space<hbm>>
      tpu.wait_indirect_dma semaphore(%arg17 : memref<!tpu.dma_semaphore, #tpu.memory_space<semaphore_mem>>) src(%dma_wait3A_97 : memref<10000x128xf32, #tpu.memory_space<hbm>>) dst(%arg12 : memref<128x128xf32, #tpu.memory_space<vmem>>)
      %mul3A_98 = arith.constant 2048 : i32
      %mul3A_99 = arith.muli %add3A_93, %mul3A_98 : i32
      %multiple_of3A_100 = tpu.assume_multiple %mul3A_99, 2048 : i32
      "tpu.region"() ({
        %run_scoped3A = tpu.sem_alloc : memref<!tpu.dma_semaphore, #tpu.memory_space<semaphore_mem>>
        %dma_start3A_113 = tpu.memref_slice %arg5[%add3A, %multiple_of3A_100] : memref<32x176128xf32, #tpu.memory_space<hbm>> -> memref<1x2048xf32, #tpu.memory_space<hbm>>
        %dma_start3A_114 = tpu.memref_squeeze %dma_start3A_113 : memref<1x2048xf32, #tpu.memory_space<hbm>> -> memref<2048xf32, #tpu.memory_space<hbm>>
        %dma_start3A_115 = tpu.memref_slice %arg5[%add3A, %multiple_of3A_100] : memref<32x176128xf32, #tpu.memory_space<hbm>> -> memref<1x2048xf32, #tpu.memory_space<hbm>>
        %dma_start3A_116 = tpu.memref_squeeze %dma_start3A_115 : memref<1x2048xf32, #tpu.memory_space<hbm>> -> memref<2048xf32, #tpu.memory_space<hbm>>
        tpu.enqueue_dma source(%dma_start3A_116 : memref<2048xf32, #tpu.memory_space<hbm>>) target(%arg10 : memref<2048xf32, #tpu.memory_space<vmem>>) target_semaphore(%run_scoped3A : memref<!tpu.dma_semaphore, #tpu.memory_space<semaphore_mem>>)
        %dma_wait3A_117 = tpu.memref_slice %arg5[%add3A, %multiple_of3A_100] : memref<32x176128xf32, #tpu.memory_space<hbm>> -> memref<1x2048xf32, #tpu.memory_space<hbm>>
        %dma_wait3A_118 = tpu.memref_squeeze %dma_wait3A_117 : memref<1x2048xf32, #tpu.memory_space<hbm>> -> memref<2048xf32, #tpu.memory_space<hbm>>
        %dma_wait3A_119 = tpu.memref_slice %arg5[%add3A, %multiple_of3A_100] : memref<32x176128xf32, #tpu.memory_space<hbm>> -> memref<1x2048xf32, #tpu.memory_space<hbm>>
        %dma_wait3A_120 = tpu.memref_squeeze %dma_wait3A_119 : memref<1x2048xf32, #tpu.memory_space<hbm>> -> memref<2048xf32, #tpu.memory_space<hbm>>
        tpu.wait_dma2 semaphore(%run_scoped3A : memref<!tpu.dma_semaphore, #tpu.memory_space<semaphore_mem>>) src(%dma_wait3A_120 : memref<2048xf32, #tpu.memory_space<hbm>>) dst(%arg10 : memref<2048xf32, #tpu.memory_space<vmem>>)
        tpu.yield
      }) : () -> ()
      %scan3A_101 = arith.constant 0 : i32
      %scan3A_102 = arith.constant 128 : i32
      %scan3A_103 = arith.addi %scan3A_101, %scan3A_102 : i32
      %scan3A_104 = arith.constant 1 : i32
      %scan3A_105:8 = scf.for %scan3A_113 = %scan3A_101 to %scan3A_103 step %scan3A_104 iter_args(%scan3A_114 = %scan3A_84#0, %scan3A_115 = %scan3A_84#1, %scan3A_116 = %scan3A_84#2, %scan3A_117 = %scan3A_84#3, %scan3A_118 = %scan3A_84#4, %scan3A_119 = %scan3A_84#5, %scan3A_120 = %scan3A_84#6, %scan3A_121 = %scan3A_84#7) -> (vector<16xf32>, vector<16xf32>, vector<16xf32>, vector<16xf32>, vector<16xf32>, vector<16xf32>, vector<16xf32>, vector<16xf32>)  : i32 {
        %mul3A_122 = arith.constant 16 : i32
        %mul3A_123 = arith.muli %scan3A_113, %mul3A_122 : i32
        %get3A = arith.index_cast %mul3A_123 : i32 to index
        %get3A_124 = tpu.vector_load %arg10[%get3A] {strides = array<i32>} : memref<2048xf32, #tpu.memory_space<vmem>>, vector<16xf32>,
        %get3A_125 = vector.shape_cast %get3A_124 : vector<16xf32> to vector<16xf32>
        %get3A_126 = arith.index_cast %scan3A_113 : i32 to index
        %get3A_127 = arith.constant 0 : index
        %get3A_128 = tpu.vector_load %arg12[%get3A_126, %get3A_127] {strides = array<i32>} : memref<128x128xf32, #tpu.memory_space<vmem>>, vector<1x16xf32>,
        %get3A_129 = vector.shape_cast %get3A_128 : vector<1x16xf32> to vector<16xf32>
        %mul3A_130 = arith.mulf %get3A_125, %scan3A_114 : vector<16xf32>
        %add3A_131 = arith.addf %get3A_129, %mul3A_130 : vector<16xf32>
        %swap3A = arith.index_cast %scan3A_113 : i32 to index
        %swap3A_132 = arith.constant 0 : index
        %swap3A_133 = tpu.vector_load %arg13[%swap3A, %swap3A_132] {strides = array<i32>} : memref<128x128xf32, #tpu.memory_space<vmem>>, vector<1x16xf32>,
        %swap3A_134 = vector.shape_cast %swap3A_133 : vector<1x16xf32> to vector<16xf32>
        %swap3A_135 = vector.shape_cast %add3A_131 : vector<16xf32> to vector<1x16xf32>
        tpu.vector_store %arg13[%swap3A, %swap3A_132], %swap3A_135 {strides = array<i32>} : memref<128x128xf32, #tpu.memory_space<vmem>>, vector<1x16xf32>,
        %get3A_136 = arith.index_cast %scan3A_113 : i32 to index
        %get3A_137 = arith.constant 16 : index
        %get3A_138 = tpu.vector_load %arg12[%get3A_136, %get3A_137] {strides = array<i32>} : memref<128x128xf32, #tpu.memory_space<vmem>>, vector<1x16xf32>,
        %get3A_139 = vector.shape_cast %get3A_138 : vector<1x16xf32> to vector<16xf32>
        %mul3A_140 = arith.mulf %get3A_125, %scan3A_115 : vector<16xf32>
        %add3A_141 = arith.addf %get3A_139, %mul3A_140 : vector<16xf32>
        %swap3A_142 = arith.index_cast %scan3A_113 : i32 to index
        %swap3A_143 = arith.constant 16 : index
        %swap3A_144 = tpu.vector_load %arg13[%swap3A_142, %swap3A_143] {strides = array<i32>} : memref<128x128xf32, #tpu.memory_space<vmem>>, vector<1x16xf32>,
        %swap3A_145 = vector.shape_cast %swap3A_144 : vector<1x16xf32> to vector<16xf32>
        %swap3A_146 = vector.shape_cast %add3A_141 : vector<16xf32> to vector<1x16xf32>
        tpu.vector_store %arg13[%swap3A_142, %swap3A_143], %swap3A_146 {strides = array<i32>} : memref<128x128xf32, #tpu.memory_space<vmem>>, vector<1x16xf32>,
        %get3A_147 = arith.index_cast %scan3A_113 : i32 to index
        %get3A_148 = arith.constant 32 : index
        %get3A_149 = tpu.vector_load %arg12[%get3A_147, %get3A_148] {strides = array<i32>} : memref<128x128xf32, #tpu.memory_space<vmem>>, vector<1x16xf32>,
        %get3A_150 = vector.shape_cast %get3A_149 : vector<1x16xf32> to vector<16xf32>
        %mul3A_151 = arith.mulf %get3A_125, %scan3A_116 : vector<16xf32>
        %add3A_152 = arith.addf %get3A_150, %mul3A_151 : vector<16xf32>
        %swap3A_153 = arith.index_cast %scan3A_113 : i32 to index
        %swap3A_154 = arith.constant 32 : index
        %swap3A_155 = tpu.vector_load %arg13[%swap3A_153, %swap3A_154] {strides = array<i32>} : memref<128x128xf32, #tpu.memory_space<vmem>>, vector<1x16xf32>,
        %swap3A_156 = vector.shape_cast %swap3A_155 : vector<1x16xf32> to vector<16xf32>
        %swap3A_157 = vector.shape_cast %add3A_152 : vector<16xf32> to vector<1x16xf32>
        tpu.vector_store %arg13[%swap3A_153, %swap3A_154], %swap3A_157 {strides = array<i32>} : memref<128x128xf32, #tpu.memory_space<vmem>>, vector<1x16xf32>,
        %get3A_158 = arith.index_cast %scan3A_113 : i32 to index
        %get3A_159 = arith.constant 48 : index
        %get3A_160 = tpu.vector_load %arg12[%get3A_158, %get3A_159] {strides = array<i32>} : memref<128x128xf32, #tpu.memory_space<vmem>>, vector<1x16xf32>,
        %get3A_161 = vector.shape_cast %get3A_160 : vector<1x16xf32> to vector<16xf32>
        %mul3A_162 = arith.mulf %get3A_125, %scan3A_117 : vector<16xf32>
        %add3A_163 = arith.addf %get3A_161, %mul3A_162 : vector<16xf32>
        %swap3A_164 = arith.index_cast %scan3A_113 : i32 to index
        %swap3A_165 = arith.constant 48 : index
        %swap3A_166 = tpu.vector_load %arg13[%swap3A_164, %swap3A_165] {strides = array<i32>} : memref<128x128xf32, #tpu.memory_space<vmem>>, vector<1x16xf32>,
        %swap3A_167 = vector.shape_cast %swap3A_166 : vector<1x16xf32> to vector<16xf32>
        %swap3A_168 = vector.shape_cast %add3A_163 : vector<16xf32> to vector<1x16xf32>
        tpu.vector_store %arg13[%swap3A_164, %swap3A_165], %swap3A_168 {strides = array<i32>} : memref<128x128xf32, #tpu.memory_space<vmem>>, vector<1x16xf32>,
        %get3A_169 = arith.index_cast %scan3A_113 : i32 to index
        %get3A_170 = arith.constant 64 : index
        %get3A_171 = tpu.vector_load %arg12[%get3A_169, %get3A_170] {strides = array<i32>} : memref<128x128xf32, #tpu.memory_space<vmem>>, vector<1x16xf32>,
        %get3A_172 = vector.shape_cast %get3A_171 : vector<1x16xf32> to vector<16xf32>
        %mul3A_173 = arith.mulf %get3A_125, %scan3A_118 : vector<16xf32>
        %add3A_174 = arith.addf %get3A_172, %mul3A_173 : vector<16xf32>
        %swap3A_175 = arith.index_cast %scan3A_113 : i32 to index
        %swap3A_176 = arith.constant 64 : index
        %swap3A_177 = tpu.vector_load %arg13[%swap3A_175, %swap3A_176] {strides = array<i32>} : memref<128x128xf32, #tpu.memory_space<vmem>>, vector<1x16xf32>,
        %swap3A_178 = vector.shape_cast %swap3A_177 : vector<1x16xf32> to vector<16xf32>
        %swap3A_179 = vector.shape_cast %add3A_174 : vector<16xf32> to vector<1x16xf32>
        tpu.vector_store %arg13[%swap3A_175, %swap3A_176], %swap3A_179 {strides = array<i32>} : memref<128x128xf32, #tpu.memory_space<vmem>>, vector<1x16xf32>,
        %get3A_180 = arith.index_cast %scan3A_113 : i32 to index
        %get3A_181 = arith.constant 80 : index
        %get3A_182 = tpu.vector_load %arg12[%get3A_180, %get3A_181] {strides = array<i32>} : memref<128x128xf32, #tpu.memory_space<vmem>>, vector<1x16xf32>,
        %get3A_183 = vector.shape_cast %get3A_182 : vector<1x16xf32> to vector<16xf32>
        %mul3A_184 = arith.mulf %get3A_125, %scan3A_119 : vector<16xf32>
        %add3A_185 = arith.addf %get3A_183, %mul3A_184 : vector<16xf32>
        %swap3A_186 = arith.index_cast %scan3A_113 : i32 to index
        %swap3A_187 = arith.constant 80 : index
        %swap3A_188 = tpu.vector_load %arg13[%swap3A_186, %swap3A_187] {strides = array<i32>} : memref<128x128xf32, #tpu.memory_space<vmem>>, vector<1x16xf32>,
        %swap3A_189 = vector.shape_cast %swap3A_188 : vector<1x16xf32> to vector<16xf32>
        %swap3A_190 = vector.shape_cast %add3A_185 : vector<16xf32> to vector<1x16xf32>
        tpu.vector_store %arg13[%swap3A_186, %swap3A_187], %swap3A_190 {strides = array<i32>} : memref<128x128xf32, #tpu.memory_space<vmem>>, vector<1x16xf32>,
        %get3A_191 = arith.index_cast %scan3A_113 : i32 to index
        %get3A_192 = arith.constant 96 : index
        %get3A_193 = tpu.vector_load %arg12[%get3A_191, %get3A_192] {strides = array<i32>} : memref<128x128xf32, #tpu.memory_space<vmem>>, vector<1x16xf32>,
        %get3A_194 = vector.shape_cast %get3A_193 : vector<1x16xf32> to vector<16xf32>
        %mul3A_195 = arith.mulf %get3A_125, %scan3A_120 : vector<16xf32>
        %add3A_196 = arith.addf %get3A_194, %mul3A_195 : vector<16xf32>
        %swap3A_197 = arith.index_cast %scan3A_113 : i32 to index
        %swap3A_198 = arith.constant 96 : index
        %swap3A_199 = tpu.vector_load %arg13[%swap3A_197, %swap3A_198] {strides = array<i32>} : memref<128x128xf32, #tpu.memory_space<vmem>>, vector<1x16xf32>,
        %swap3A_200 = vector.shape_cast %swap3A_199 : vector<1x16xf32> to vector<16xf32>
        %swap3A_201 = vector.shape_cast %add3A_196 : vector<16xf32> to vector<1x16xf32>
        tpu.vector_store %arg13[%swap3A_197, %swap3A_198], %swap3A_201 {strides = array<i32>} : memref<128x128xf32, #tpu.memory_space<vmem>>, vector<1x16xf32>,
        %get3A_202 = arith.index_cast %scan3A_113 : i32 to index
        %get3A_203 = arith.constant 112 : index
        %get3A_204 = tpu.vector_load %arg12[%get3A_202, %get3A_203] {strides = array<i32>} : memref<128x128xf32, #tpu.memory_space<vmem>>, vector<1x16xf32>,
        %get3A_205 = vector.shape_cast %get3A_204 : vector<1x16xf32> to vector<16xf32>
        %mul3A_206 = arith.mulf %get3A_125, %scan3A_121 : vector<16xf32>
        %add3A_207 = arith.addf %get3A_205, %mul3A_206 : vector<16xf32>
        %swap3A_208 = arith.index_cast %scan3A_113 : i32 to index
        %swap3A_209 = arith.constant 112 : index
        %swap3A_210 = tpu.vector_load %arg13[%swap3A_208, %swap3A_209] {strides = array<i32>} : memref<128x128xf32, #tpu.memory_space<vmem>>, vector<1x16xf32>,
        %swap3A_211 = vector.shape_cast %swap3A_210 : vector<1x16xf32> to vector<16xf32>
        %swap3A_212 = vector.shape_cast %add3A_207 : vector<16xf32> to vector<1x16xf32>
        tpu.vector_store %arg13[%swap3A_208, %swap3A_209], %swap3A_212 {strides = array<i32>} : memref<128x128xf32, #tpu.memory_space<vmem>>, vector<1x16xf32>,
        scf.yield %add3A_131, %add3A_141, %add3A_152, %add3A_163, %add3A_174, %add3A_185, %add3A_196, %add3A_207 : vector<16xf32>, vector<16xf32>, vector<16xf32>, vector<16xf32>, vector<16xf32>, vector<16xf32>, vector<16xf32>, vector<16xf32>
      }
      %scan3A_106 = arith.constant 128 : i32
      %scan3A_107 = arith.constant 0 : i32
      %scan3A_108 = arith.constant 0 : i32
      %scan3A_109 = arith.constant 8 : i32
      %scan3A_110 = arith.addi %scan3A_108, %scan3A_109 : i32
      %scan3A_111 = arith.constant 1 : i32
      scf.for %scan3A_113 = %scan3A_108 to %scan3A_110 step %scan3A_111  : i32 {
        %mul3A_114 = arith.constant 128 : i32
        %mul3A_115 = arith.muli %add3A_93, %mul3A_114 : i32
        %mul3A_116 = arith.constant 16 : i32
        %mul3A_117 = arith.muli %scan3A_113, %mul3A_116 : i32
        %add3A_118 = arith.addi %mul3A_115, %mul3A_117 : i32
        %get3A = arith.index_cast %add3A_118 : i32 to index
        %get3A_119 = tpu.vector_load %arg8[%get3A] {strides = array<i32>} : memref<11008xi32, #tpu.memory_space<vmem>>, vector<16xi32>,
        %get3A_120 = vector.shape_cast %get3A_119 : vector<16xi32> to vector<16xi32>
        %mul3A_121 = arith.constant 16 : i32
        %mul3A_122 = arith.muli %scan3A_113, %mul3A_121 : i32
        %swap3A = arith.index_cast %mul3A_122 : i32 to index
        %swap3A_123 = tpu.vector_load %arg9[%swap3A] {strides = array<i32>} : memref<128xi32, #tpu.memory_space<vmem>>, vector<16xi32>,
        %swap3A_124 = vector.shape_cast %swap3A_123 : vector<16xi32> to vector<16xi32>
        %swap3A_125 = vector.shape_cast %get3A_120 : vector<16xi32> to vector<16xi32>
        tpu.vector_store %arg9[%swap3A], %swap3A_125 {strides = array<i32>} : memref<128xi32, #tpu.memory_space<vmem>>, vector<16xi32>,
      }
      %scan3A_112 = arith.constant 8 : i32
      "tpu.region"() ({
        %run_scoped3A = tpu.sem_alloc : memref<!tpu.dma_semaphore, #tpu.memory_space<semaphore_mem>>
        %dma_start3A_113 = arith.constant 0 : i32
        %dma_start3A_114 = arith.constant 0 : i32
        %dma_start3A_115 = tpu.memref_slice %arg15[%dma_start3A_113, %dma_start3A_114] : memref<5632x128xf32, #tpu.memory_space<vmem_shared>> -> memref<5632x128xf32, #tpu.memory_space<vmem_shared>>
        tpu.enqueue_indirect_dma source(%arg13 : memref<128x128xf32, #tpu.memory_space<vmem>>) target(%dma_start3A_115 : memref<5632x128xf32, #tpu.memory_space<vmem_shared>>) offsets(%arg9 : memref<128xi32, #tpu.memory_space<vmem>>) semaphore(%run_scoped3A : memref<!tpu.dma_semaphore, #tpu.memory_space<semaphore_mem>>) {add = true}
        %dma_wait3A_116 = arith.constant 0 : i32
        %dma_wait3A_117 = arith.constant 0 : i32
        %dma_wait3A_118 = tpu.memref_slice %arg15[%dma_wait3A_116, %dma_wait3A_117] : memref<5632x128xf32, #tpu.memory_space<vmem_shared>> -> memref<5632x128xf32, #tpu.memory_space<vmem_shared>>
        tpu.wait_indirect_dma semaphore(%run_scoped3A : memref<!tpu.dma_semaphore, #tpu.memory_space<semaphore_mem>>) src(%arg13 : memref<128x128xf32, #tpu.memory_space<vmem>>) dst(%dma_wait3A_118 : memref<5632x128xf32, #tpu.memory_space<vmem_shared>>)
        tpu.yield
      }) : () -> ()
      scf.yield %scan3A_105#0, %scan3A_105#1, %scan3A_105#2, %scan3A_105#3, %scan3A_105#4, %scan3A_105#5, %scan3A_105#6, %scan3A_105#7 : vector<16xf32>, vector<16xf32>, vector<16xf32>, vector<16xf32>, vector<16xf32>, vector<16xf32>, vector<16xf32>, vector<16xf32>
    }
    %scan3A_40 = arith.constant 43 : i32
    %mul3A_41 = arith.constant 320 : i32
    %mul3A_42 = arith.muli %arg1, %mul3A_41 : i32
    %multiple_of3A = tpu.assume_multiple %mul3A_42, 320 : i32
    %mul3A_43 = arith.constant 320 : i32
    %mul3A_44 = arith.muli %add3A, %mul3A_43 : i32
    %multiple_of3A_45 = tpu.assume_multiple %mul3A_44, 320 : i32
    "tpu.region"() ({
      %run_scoped3A = tpu.sem_alloc : memref<!tpu.dma_semaphore, #tpu.memory_space<semaphore_mem>>
      %dma_start3A = arith.constant 0 : i32
      %dma_start3A_46 = tpu.memref_slice %arg6[%multiple_of3A_45, %dma_start3A] : memref<10240x128xf32, #tpu.memory_space<hbm>> -> memref<320x128xf32, #tpu.memory_space<hbm>>
      %dma_start3A_47 = arith.constant 0 : i32
      %dma_start3A_48 = tpu.memref_slice %arg15[%multiple_of3A, %dma_start3A_47] : memref<5632x128xf32, #tpu.memory_space<vmem_shared>> -> memref<320x128xf32, #tpu.memory_space<vmem_shared>>
      tpu.enqueue_dma source(%dma_start3A_48 : memref<320x128xf32, #tpu.memory_space<vmem_shared>>) target(%dma_start3A_46 : memref<320x128xf32, #tpu.memory_space<hbm>>) target_semaphore(%run_scoped3A : memref<!tpu.dma_semaphore, #tpu.memory_space<semaphore_mem>>)
      %dma_wait3A = arith.constant 0 : i32
      %dma_wait3A_49 = tpu.memref_slice %arg6[%multiple_of3A_45, %dma_wait3A] : memref<10240x128xf32, #tpu.memory_space<hbm>> -> memref<320x128xf32, #tpu.memory_space<hbm>>
      %dma_wait3A_50 = arith.constant 0 : i32
      %dma_wait3A_51 = tpu.memref_slice %arg15[%multiple_of3A, %dma_wait3A_50] : memref<5632x128xf32, #tpu.memory_space<vmem_shared>> -> memref<320x128xf32, #tpu.memory_space<vmem_shared>>
      tpu.wait_dma2 semaphore(%run_scoped3A : memref<!tpu.dma_semaphore, #tpu.memory_space<semaphore_mem>>) src(%dma_wait3A_51 : memref<320x128xf32, #tpu.memory_space<vmem_shared>>) dst(%dma_wait3A_49 : memref<320x128xf32, #tpu.memory_space<hbm>>)
      tpu.yield
    }) : () -> ()
    return
  }
}

#map = affine_map<(d0, d1) -> (0, 0)>
module attributes {stable_mosaic.version = 14 : i64} {
  func.func @_seg_body(%arg0: i32, %arg1: i32, %arg2: memref<10000x128xf32, #tpu.memory_space<hbm>>, %arg3: memref<32x11008xi32, #tpu.memory_space<hbm>>, %arg4: memref<32x11008xi32, #tpu.memory_space<hbm>>, %arg5: memref<32x176128xf32, #tpu.memory_space<hbm>>, %arg6: memref<10240x128xf32, #tpu.memory_space<hbm>>, %arg7: memref<11008xi32, #tpu.memory_space<vmem>>, %arg8: memref<11008xi32, #tpu.memory_space<vmem>>, %arg9: memref<128xi32, #tpu.memory_space<vmem>>, %arg10: memref<2048xf32, #tpu.memory_space<vmem>>, %arg11: memref<128x128xf32, #tpu.memory_space<vmem>>, %arg12: memref<128x128xf32, #tpu.memory_space<vmem>>, %arg13: memref<128x128xf32, #tpu.memory_space<vmem>>, %arg14: memref<16x128xf32, #tpu.memory_space<vmem>>, %arg15: memref<5632x128xf32, #tpu.memory_space<vmem_shared>>, %arg16: memref<!tpu.dma_semaphore, #tpu.memory_space<semaphore_mem>>, %arg17: memref<!tpu.dma_semaphore, #tpu.memory_space<semaphore_mem>>) attributes {dimension_semantics = [#tpu.dimension_semantics<core_parallel>, #tpu.dimension_semantics<subcore_parallel>], iteration_bounds = array<i64: 2, 16>, scalar_prefetch = 0 : i64, scratch_operands = 11 : i64, tpu.core_type = #tpu.core_type<sc_vector_subcore>, window_params = [{transform_indices = #map}, {transform_indices = #map}, {transform_indices = #map}, {transform_indices = #map}, {transform_indices = #map}]} {
    %mul3A = arith.constant 16 : i32
    %mul3A_0 = arith.muli %arg0, %mul3A : i32
    %add3A = arith.addi %mul3A_0, %arg1 : i32
    "tpu.region"() ({
      %run_scoped3A = tpu.sem_alloc : memref<!tpu.dma_semaphore, #tpu.memory_space<semaphore_mem>>
      %dma_start3A = arith.constant 0 : i32
      %dma_start3A_46 = tpu.memref_slice %arg3[%add3A, %dma_start3A] : memref<32x11008xi32, #tpu.memory_space<hbm>> -> memref<1x11008xi32, #tpu.memory_space<hbm>>
      %dma_start3A_47 = tpu.memref_squeeze %dma_start3A_46 : memref<1x11008xi32, #tpu.memory_space<hbm>> -> memref<11008xi32, #tpu.memory_space<hbm>>
      %dma_start3A_48 = arith.constant 0 : i32
      %dma_start3A_49 = tpu.memref_slice %arg3[%add3A, %dma_start3A_48] : memref<32x11008xi32, #tpu.memory_space<hbm>> -> memref<1x11008xi32, #tpu.memory_space<hbm>>
      %dma_start3A_50 = tpu.memref_squeeze %dma_start3A_49 : memref<1x11008xi32, #tpu.memory_space<hbm>> -> memref<11008xi32, #tpu.memory_space<hbm>>
      tpu.enqueue_dma source(%dma_start3A_50 : memref<11008xi32, #tpu.memory_space<hbm>>) target(%arg7 : memref<11008xi32, #tpu.memory_space<vmem>>) target_semaphore(%run_scoped3A : memref<!tpu.dma_semaphore, #tpu.memory_space<semaphore_mem>>)
      %dma_wait3A = arith.constant 0 : i32
      %dma_wait3A_51 = tpu.memref_slice %arg3[%add3A, %dma_wait3A] : memref<32x11008xi32, #tpu.memory_space<hbm>> -> memref<1x11008xi32, #tpu.memory_space<hbm>>
      %dma_wait3A_52 = tpu.memref_squeeze %dma_wait3A_51 : memref<1x11008xi32, #tpu.memory_space<hbm>> -> memref<11008xi32, #tpu.memory_space<hbm>>
      %dma_wait3A_53 = arith.constant 0 : i32
      %dma_wait3A_54 = tpu.memref_slice %arg3[%add3A, %dma_wait3A_53] : memref<32x11008xi32, #tpu.memory_space<hbm>> -> memref<1x11008xi32, #tpu.memory_space<hbm>>
      %dma_wait3A_55 = tpu.memref_squeeze %dma_wait3A_54 : memref<1x11008xi32, #tpu.memory_space<hbm>> -> memref<11008xi32, #tpu.memory_space<hbm>>
      tpu.wait_dma2 semaphore(%run_scoped3A : memref<!tpu.dma_semaphore, #tpu.memory_space<semaphore_mem>>) src(%dma_wait3A_55 : memref<11008xi32, #tpu.memory_space<hbm>>) dst(%arg7 : memref<11008xi32, #tpu.memory_space<vmem>>)
      tpu.yield
    }) : () -> ()
    "tpu.region"() ({
      %run_scoped3A = tpu.sem_alloc : memref<!tpu.dma_semaphore, #tpu.memory_space<semaphore_mem>>
      %dma_start3A = arith.constant 0 : i32
      %dma_start3A_46 = tpu.memref_slice %arg4[%add3A, %dma_start3A] : memref<32x11008xi32, #tpu.memory_space<hbm>> -> memref<1x11008xi32, #tpu.memory_space<hbm>>
      %dma_start3A_47 = tpu.memref_squeeze %dma_start3A_46 : memref<1x11008xi32, #tpu.memory_space<hbm>> -> memref<11008xi32, #tpu.memory_space<hbm>>
      %dma_start3A_48 = arith.constant 0 : i32
      %dma_start3A_49 = tpu.memref_slice %arg4[%add3A, %dma_start3A_48] : memref<32x11008xi32, #tpu.memory_space<hbm>> -> memref<1x11008xi32, #tpu.memory_space<hbm>>
      %dma_start3A_50 = tpu.memref_squeeze %dma_start3A_49 : memref<1x11008xi32, #tpu.memory_space<hbm>> -> memref<11008xi32, #tpu.memory_space<hbm>>
      tpu.enqueue_dma source(%dma_start3A_50 : memref<11008xi32, #tpu.memory_space<hbm>>) target(%arg8 : memref<11008xi32, #tpu.memory_space<vmem>>) target_semaphore(%run_scoped3A : memref<!tpu.dma_semaphore, #tpu.memory_space<semaphore_mem>>)
      %dma_wait3A = arith.constant 0 : i32
      %dma_wait3A_51 = tpu.memref_slice %arg4[%add3A, %dma_wait3A] : memref<32x11008xi32, #tpu.memory_space<hbm>> -> memref<1x11008xi32, #tpu.memory_space<hbm>>
      %dma_wait3A_52 = tpu.memref_squeeze %dma_wait3A_51 : memref<1x11008xi32, #tpu.memory_space<hbm>> -> memref<11008xi32, #tpu.memory_space<hbm>>
      %dma_wait3A_53 = arith.constant 0 : i32
      %dma_wait3A_54 = tpu.memref_slice %arg4[%add3A, %dma_wait3A_53] : memref<32x11008xi32, #tpu.memory_space<hbm>> -> memref<1x11008xi32, #tpu.memory_space<hbm>>
      %dma_wait3A_55 = tpu.memref_squeeze %dma_wait3A_54 : memref<1x11008xi32, #tpu.memory_space<hbm>> -> memref<11008xi32, #tpu.memory_space<hbm>>
      tpu.wait_dma2 semaphore(%run_scoped3A : memref<!tpu.dma_semaphore, #tpu.memory_space<semaphore_mem>>) src(%dma_wait3A_55 : memref<11008xi32, #tpu.memory_space<hbm>>) dst(%arg8 : memref<11008xi32, #tpu.memory_space<vmem>>)
      tpu.yield
    }) : () -> ()
    %broadcast_in_dim3A = arith.constant 0.000000e+00 : f32
    %broadcast_in_dim3A_1 = vector.broadcast %broadcast_in_dim3A : f32 to vector<16xf32>
    %scan3A = arith.constant 0 : i32
    %scan3A_2 = arith.constant 0 : i32
    %scan3A_3 = arith.constant 128 : i32
    %scan3A_4 = arith.addi %scan3A_2, %scan3A_3 : i32
    %scan3A_5 = arith.constant 1 : i32
    scf.for %scan3A_46 = %scan3A_2 to %scan3A_4 step %scan3A_5  : i32 {
      %jit3A = arith.constant 8 : i32
      %div3A = arith.divsi %scan3A_46, %jit3A : i32
      %sign3A = arith.constant 0 : i32
      %sign3A_47 = arith.cmpi sgt, %scan3A_46, %sign3A : i32
      %sign3A_48 = arith.extui %sign3A_47 : i1 to i32
      %sign3A_49 = arith.constant 0 : i32
      %sign3A_50 = arith.cmpi slt, %scan3A_46, %sign3A_49 : i32
      %sign3A_51 = arith.extui %sign3A_50 : i1 to i32
      %sign3A_52 = arith.subi %sign3A_48, %sign3A_51 : i32
      %sign3A_53 = arith.constant 0 : i32
      %sign3A_54 = arith.cmpi sgt, %jit3A, %sign3A_53 : i32
      %sign3A_55 = arith.extui %sign3A_54 : i1 to i32
      %sign3A_56 = arith.constant 0 : i32
      %sign3A_57 = arith.cmpi slt, %jit3A, %sign3A_56 : i32
      %sign3A_58 = arith.extui %sign3A_57 : i1 to i32
      %sign3A_59 = arith.subi %sign3A_55, %sign3A_58 : i32
      %ne3A = arith.cmpi ne, %sign3A_52, %sign3A_59 : i32
      %rem3A = arith.remsi %scan3A_46, %jit3A : i32
      %ne3A_60 = arith.constant 0 : i32
      %ne3A_61 = arith.cmpi ne, %rem3A, %ne3A_60 : i32
      %and3A = arith.andi %ne3A, %ne3A_61 : i1
      %sub3A = arith.constant 1 : i32
      %sub3A_62 = arith.subi %div3A, %sub3A : i32
      %select_n3A = arith.select %and3A, %sub3A_62, %div3A : i32
      %jit3A_63 = arith.constant 8 : i32
      %eq3A = arith.constant 0 : i32
      %eq3A_64 = arith.cmpi eq, %jit3A_63, %eq3A : i32
      %jit3A_65 = arith.constant 1 : i32
      %select_n3A_66 = arith.select %eq3A_64, %jit3A_65, %jit3A_63 : i32
      %rem3A_67 = arith.remsi %scan3A_46, %select_n3A_66 : i32
      %ne3A_68 = arith.constant 0 : i32
      %ne3A_69 = arith.cmpi ne, %rem3A_67, %ne3A_68 : i32
      %lt3A = arith.constant 0 : i32
      %lt3A_70 = arith.cmpi slt, %rem3A_67, %lt3A : i32
      %lt3A_71 = arith.constant 0 : i32
      %lt3A_72 = arith.cmpi slt, %select_n3A_66, %lt3A_71 : i32
      %ne3A_73 = arith.xori %lt3A_70, %lt3A_72 : i1
      %and3A_74 = arith.andi %ne3A_73, %ne3A_69 : i1
      %add3A_75 = arith.addi %rem3A_67, %select_n3A_66 : i32
      %select_n3A_76 = arith.select %and3A_74, %add3A_75, %rem3A_67 : i32
      %mul3A_77 = arith.constant 16 : i32
      %mul3A_78 = arith.muli %select_n3A_76, %mul3A_77 : i32
      %swap3A = arith.index_cast %select_n3A : i32 to index
      %swap3A_79 = arith.index_cast %mul3A_78 : i32 to index
      %swap3A_80 = tpu.vector_load %arg14[%swap3A, %swap3A_79] {strides = array<i32>} : memref<16x128xf32, #tpu.memory_space<vmem>>, vector<1x16xf32>,
      %swap3A_81 = vector.shape_cast %swap3A_80 : vector<1x16xf32> to vector<16xf32>
      %swap3A_82 = vector.shape_cast %broadcast_in_dim3A_1 : vector<16xf32> to vector<1x16xf32>
      tpu.vector_store %arg14[%swap3A, %swap3A_79], %swap3A_82 {strides = array<i32>} : memref<16x128xf32, #tpu.memory_space<vmem>>, vector<1x16xf32>,
    }
    %scan3A_6 = arith.constant 128 : i32
    %scan3A_7 = arith.constant 0 : i32
    %scan3A_8 = arith.constant 0 : i32
    %scan3A_9 = arith.constant 20 : i32
    %scan3A_10 = arith.addi %scan3A_8, %scan3A_9 : i32
    %scan3A_11 = arith.constant 1 : i32
    scf.for %scan3A_46 = %scan3A_8 to %scan3A_10 step %scan3A_11  : i32 {
      %mul3A_47 = arith.constant 320 : i32
      %mul3A_48 = arith.muli %arg1, %mul3A_47 : i32
      %mul3A_49 = arith.constant 16 : i32
      %mul3A_50 = arith.muli %scan3A_46, %mul3A_49 : i32
      %add3A_51 = arith.addi %mul3A_48, %mul3A_50 : i32
      %multiple_of3A_52 = tpu.assume_multiple %add3A_51, 16 : i32
      "tpu.region"() ({
        %run_scoped3A = tpu.sem_alloc : memref<!tpu.dma_semaphore, #tpu.memory_space<semaphore_mem>>
        %dma_start3A = arith.constant 0 : i32
        %dma_start3A_53 = tpu.memref_slice %arg15[%multiple_of3A_52, %dma_start3A] : memref<5632x128xf32, #tpu.memory_space<vmem_shared>> -> memref<16x128xf32, #tpu.memory_space<vmem_shared>>
        %dma_start3A_54 = arith.constant 0 : i32
        %dma_start3A_55 = tpu.memref_slice %arg15[%multiple_of3A_52, %dma_start3A_54] : memref<5632x128xf32, #tpu.memory_space<vmem_shared>> -> memref<16x128xf32, #tpu.memory_space<vmem_shared>>
        tpu.enqueue_dma source(%arg14 : memref<16x128xf32, #tpu.memory_space<vmem>>) target(%dma_start3A_55 : memref<16x128xf32, #tpu.memory_space<vmem_shared>>) target_semaphore(%run_scoped3A : memref<!tpu.dma_semaphore, #tpu.memory_space<semaphore_mem>>)
        %dma_wait3A = arith.constant 0 : i32
        %dma_wait3A_56 = tpu.memref_slice %arg15[%multiple_of3A_52, %dma_wait3A] : memref<5632x128xf32, #tpu.memory_space<vmem_shared>> -> memref<16x128xf32, #tpu.memory_space<vmem_shared>>
        %dma_wait3A_57 = arith.constant 0 : i32
        %dma_wait3A_58 = tpu.memref_slice %arg15[%multiple_of3A_52, %dma_wait3A_57] : memref<5632x128xf32, #tpu.memory_space<vmem_shared>> -> memref<16x128xf32, #tpu.memory_space<vmem_shared>>
        tpu.wait_dma2 semaphore(%run_scoped3A : memref<!tpu.dma_semaphore, #tpu.memory_space<semaphore_mem>>) src(%arg14 : memref<16x128xf32, #tpu.memory_space<vmem>>) dst(%dma_wait3A_58 : memref<16x128xf32, #tpu.memory_space<vmem_shared>>)
        tpu.yield
      }) : () -> ()
    }
    %scan3A_12 = arith.constant 20 : i32
    %scan3A_13 = arith.constant 0 : i32
    %scan3A_14 = arith.constant 0 : i32
    %scan3A_15 = arith.constant 2 : i32
    %scan3A_16 = arith.addi %scan3A_14, %scan3A_15 : i32
    %scan3A_17 = arith.constant 1 : i32
    scf.for %scan3A_46 = %scan3A_14 to %scan3A_16 step %scan3A_17  : i32 {
      %mul3A_47 = arith.constant 32 : i32
      %mul3A_48 = arith.muli %arg1, %mul3A_47 : i32
      %add3A_49 = arith.constant 5120 : i32
      %add3A_50 = arith.addi %add3A_49, %mul3A_48 : i32
      %mul3A_51 = arith.constant 16 : i32
      %mul3A_52 = arith.muli %scan3A_46, %mul3A_51 : i32
      %add3A_53 = arith.addi %add3A_50, %mul3A_52 : i32
      %multiple_of3A_54 = tpu.assume_multiple %add3A_53, 16 : i32
      "tpu.region"() ({
        %run_scoped3A = tpu.sem_alloc : memref<!tpu.dma_semaphore, #tpu.memory_space<semaphore_mem>>
        %dma_start3A = arith.constant 0 : i32
        %dma_start3A_55 = tpu.memref_slice %arg15[%multiple_of3A_54, %dma_start3A] : memref<5632x128xf32, #tpu.memory_space<vmem_shared>> -> memref<16x128xf32, #tpu.memory_space<vmem_shared>>
        %dma_start3A_56 = arith.constant 0 : i32
        %dma_start3A_57 = tpu.memref_slice %arg15[%multiple_of3A_54, %dma_start3A_56] : memref<5632x128xf32, #tpu.memory_space<vmem_shared>> -> memref<16x128xf32, #tpu.memory_space<vmem_shared>>
        tpu.enqueue_dma source(%arg14 : memref<16x128xf32, #tpu.memory_space<vmem>>) target(%dma_start3A_57 : memref<16x128xf32, #tpu.memory_space<vmem_shared>>) target_semaphore(%run_scoped3A : memref<!tpu.dma_semaphore, #tpu.memory_space<semaphore_mem>>)
        %dma_wait3A = arith.constant 0 : i32
        %dma_wait3A_58 = tpu.memref_slice %arg15[%multiple_of3A_54, %dma_wait3A] : memref<5632x128xf32, #tpu.memory_space<vmem_shared>> -> memref<16x128xf32, #tpu.memory_space<vmem_shared>>
        %dma_wait3A_59 = arith.constant 0 : i32
        %dma_wait3A_60 = tpu.memref_slice %arg15[%multiple_of3A_54, %dma_wait3A_59] : memref<5632x128xf32, #tpu.memory_space<vmem_shared>> -> memref<16x128xf32, #tpu.memory_space<vmem_shared>>
        tpu.wait_dma2 semaphore(%run_scoped3A : memref<!tpu.dma_semaphore, #tpu.memory_space<semaphore_mem>>) src(%arg14 : memref<16x128xf32, #tpu.memory_space<vmem>>) dst(%dma_wait3A_60 : memref<16x128xf32, #tpu.memory_space<vmem_shared>>)
        tpu.yield
      }) : () -> ()
    }
    %scan3A_18 = arith.constant 2 : i32
    %broadcast_in_dim3A_19 = arith.constant 0.000000e+00 : f32
    %broadcast_in_dim3A_20 = vector.broadcast %broadcast_in_dim3A_19 : f32 to vector<16xf32>
    %broadcast_in_dim3A_21 = arith.constant 0.000000e+00 : f32
    %broadcast_in_dim3A_22 = vector.broadcast %broadcast_in_dim3A_21 : f32 to vector<16xf32>
    %broadcast_in_dim3A_23 = arith.constant 0.000000e+00 : f32
    %broadcast_in_dim3A_24 = vector.broadcast %broadcast_in_dim3A_23 : f32 to vector<16xf32>
    %broadcast_in_dim3A_25 = arith.constant 0.000000e+00 : f32
    %broadcast_in_dim3A_26 = vector.broadcast %broadcast_in_dim3A_25 : f32 to vector<16xf32>
    %broadcast_in_dim3A_27 = arith.constant 0.000000e+00 : f32
    %broadcast_in_dim3A_28 = vector.broadcast %broadcast_in_dim3A_27 : f32 to vector<16xf32>
    %broadcast_in_dim3A_29 = arith.constant 0.000000e+00 : f32
    %broadcast_in_dim3A_30 = vector.broadcast %broadcast_in_dim3A_29 : f32 to vector<16xf32>
    %broadcast_in_dim3A_31 = arith.constant 0.000000e+00 : f32
    %broadcast_in_dim3A_32 = vector.broadcast %broadcast_in_dim3A_31 : f32 to vector<16xf32>
    %broadcast_in_dim3A_33 = arith.constant 0.000000e+00 : f32
    %broadcast_in_dim3A_34 = vector.broadcast %broadcast_in_dim3A_33 : f32 to vector<16xf32>
    %scan3A_35 = arith.constant 0 : i32
    %scan3A_36 = arith.constant 43 : i32
    %scan3A_37 = arith.addi %scan3A_35, %scan3A_36 : i32
    %scan3A_38 = arith.constant 1 : i32
    %scan3A_39:8 = scf.for %scan3A_46 = %scan3A_35 to %scan3A_37 step %scan3A_38 iter_args(%scan3A_47 = %broadcast_in_dim3A_20, %scan3A_48 = %broadcast_in_dim3A_22, %scan3A_49 = %broadcast_in_dim3A_24, %scan3A_50 = %broadcast_in_dim3A_26, %scan3A_51 = %broadcast_in_dim3A_28, %scan3A_52 = %broadcast_in_dim3A_30, %scan3A_53 = %broadcast_in_dim3A_32, %scan3A_54 = %broadcast_in_dim3A_34) -> (vector<16xf32>, vector<16xf32>, vector<16xf32>, vector<16xf32>, vector<16xf32>, vector<16xf32>, vector<16xf32>, vector<16xf32>)  : i32 {
      %mul3A_55 = arith.constant 2 : i32
      %mul3A_56 = arith.muli %scan3A_46, %mul3A_55 : i32
      %add3A_57 = arith.constant 0 : i32
      %add3A_58 = arith.addi %mul3A_56, %add3A_57 : i32
      %mul3A_59 = arith.constant 128 : i32
      %mul3A_60 = arith.muli %add3A_58, %mul3A_59 : i32
      %dma_start3A = tpu.memref_slice %arg7[%mul3A_60] : memref<11008xi32, #tpu.memory_space<vmem>> -> memref<128xi32, #tpu.memory_space<vmem>>
      %dma_start3A_61 = arith.constant 0 : i32
      %dma_start3A_62 = arith.constant 0 : i32
      %dma_start3A_63 = tpu.memref_slice %arg2[%dma_start3A_61, %dma_start3A_62] : memref<10000x128xf32, #tpu.memory_space<hbm>> -> memref<10000x128xf32, #tpu.memory_space<hbm>>
      tpu.enqueue_indirect_dma source(%dma_start3A_63 : memref<10000x128xf32, #tpu.memory_space<hbm>>) target(%arg11 : memref<128x128xf32, #tpu.memory_space<vmem>>) offsets(%dma_start3A : memref<128xi32, #tpu.memory_space<vmem>>) semaphore(%arg16 : memref<!tpu.dma_semaphore, #tpu.memory_space<semaphore_mem>>)
      %add3A_64 = arith.constant 1 : i32
      %add3A_65 = arith.addi %mul3A_56, %add3A_64 : i32
      %mul3A_66 = arith.constant 128 : i32
      %mul3A_67 = arith.muli %add3A_65, %mul3A_66 : i32
      %dma_start3A_68 = tpu.memref_slice %arg7[%mul3A_67] : memref<11008xi32, #tpu.memory_space<vmem>> -> memref<128xi32, #tpu.memory_space<vmem>>
      %dma_start3A_69 = arith.constant 0 : i32
      %dma_start3A_70 = arith.constant 0 : i32
      %dma_start3A_71 = tpu.memref_slice %arg2[%dma_start3A_69, %dma_start3A_70] : memref<10000x128xf32, #tpu.memory_space<hbm>> -> memref<10000x128xf32, #tpu.memory_space<hbm>>
      tpu.enqueue_indirect_dma source(%dma_start3A_71 : memref<10000x128xf32, #tpu.memory_space<hbm>>) target(%arg12 : memref<128x128xf32, #tpu.memory_space<vmem>>) offsets(%dma_start3A_68 : memref<128xi32, #tpu.memory_space<vmem>>) semaphore(%arg17 : memref<!tpu.dma_semaphore, #tpu.memory_space<semaphore_mem>>)
      %add3A_72 = arith.constant 0 : i32
      %add3A_73 = arith.addi %mul3A_56, %add3A_72 : i32
      %dma_wait3A = tpu.memref_slice %arg7[%mul3A_60] : memref<11008xi32, #tpu.memory_space<vmem>> -> memref<128xi32, #tpu.memory_space<vmem>>
      %dma_wait3A_74 = arith.constant 0 : i32
      %dma_wait3A_75 = arith.constant 0 : i32
      %dma_wait3A_76 = tpu.memref_slice %arg2[%dma_wait3A_74, %dma_wait3A_75] : memref<10000x128xf32, #tpu.memory_space<hbm>> -> memref<10000x128xf32, #tpu.memory_space<hbm>>
      tpu.wait_indirect_dma semaphore(%arg16 : memref<!tpu.dma_semaphore, #tpu.memory_space<semaphore_mem>>) src(%dma_wait3A_76 : memref<10000x128xf32, #tpu.memory_space<hbm>>) dst(%arg11 : memref<128x128xf32, #tpu.memory_space<vmem>>)
      %mul3A_77 = arith.constant 2048 : i32
      %mul3A_78 = arith.muli %add3A_73, %mul3A_77 : i32
      %multiple_of3A_79 = tpu.assume_multiple %mul3A_78, 2048 : i32
      "tpu.region"() ({
        %run_scoped3A = tpu.sem_alloc : memref<!tpu.dma_semaphore, #tpu.memory_space<semaphore_mem>>
        %dma_start3A_113 = tpu.memref_slice %arg5[%add3A, %multiple_of3A_79] : memref<32x176128xf32, #tpu.memory_space<hbm>> -> memref<1x2048xf32, #tpu.memory_space<hbm>>
        %dma_start3A_114 = tpu.memref_squeeze %dma_start3A_113 : memref<1x2048xf32, #tpu.memory_space<hbm>> -> memref<2048xf32, #tpu.memory_space<hbm>>
        %dma_start3A_115 = tpu.memref_slice %arg5[%add3A, %multiple_of3A_79] : memref<32x176128xf32, #tpu.memory_space<hbm>> -> memref<1x2048xf32, #tpu.memory_space<hbm>>
        %dma_start3A_116 = tpu.memref_squeeze %dma_start3A_115 : memref<1x2048xf32, #tpu.memory_space<hbm>> -> memref<2048xf32, #tpu.memory_space<hbm>>
        tpu.enqueue_dma source(%dma_start3A_116 : memref<2048xf32, #tpu.memory_space<hbm>>) target(%arg10 : memref<2048xf32, #tpu.memory_space<vmem>>) target_semaphore(%run_scoped3A : memref<!tpu.dma_semaphore, #tpu.memory_space<semaphore_mem>>)
        %dma_wait3A_117 = tpu.memref_slice %arg5[%add3A, %multiple_of3A_79] : memref<32x176128xf32, #tpu.memory_space<hbm>> -> memref<1x2048xf32, #tpu.memory_space<hbm>>
        %dma_wait3A_118 = tpu.memref_squeeze %dma_wait3A_117 : memref<1x2048xf32, #tpu.memory_space<hbm>> -> memref<2048xf32, #tpu.memory_space<hbm>>
        %dma_wait3A_119 = tpu.memref_slice %arg5[%add3A, %multiple_of3A_79] : memref<32x176128xf32, #tpu.memory_space<hbm>> -> memref<1x2048xf32, #tpu.memory_space<hbm>>
        %dma_wait3A_120 = tpu.memref_squeeze %dma_wait3A_119 : memref<1x2048xf32, #tpu.memory_space<hbm>> -> memref<2048xf32, #tpu.memory_space<hbm>>
        tpu.wait_dma2 semaphore(%run_scoped3A : memref<!tpu.dma_semaphore, #tpu.memory_space<semaphore_mem>>) src(%dma_wait3A_120 : memref<2048xf32, #tpu.memory_space<hbm>>) dst(%arg10 : memref<2048xf32, #tpu.memory_space<vmem>>)
        tpu.yield
      }) : () -> ()
      %scan3A_80 = arith.constant 0 : i32
      %scan3A_81 = arith.constant 128 : i32
      %scan3A_82 = arith.addi %scan3A_80, %scan3A_81 : i32
      %scan3A_83 = arith.constant 1 : i32
      %scan3A_84:8 = scf.for %scan3A_113 = %scan3A_80 to %scan3A_82 step %scan3A_83 iter_args(%scan3A_114 = %scan3A_47, %scan3A_115 = %scan3A_48, %scan3A_116 = %scan3A_49, %scan3A_117 = %scan3A_50, %scan3A_118 = %scan3A_51, %scan3A_119 = %scan3A_52, %scan3A_120 = %scan3A_53, %scan3A_121 = %scan3A_54) -> (vector<16xf32>, vector<16xf32>, vector<16xf32>, vector<16xf32>, vector<16xf32>, vector<16xf32>, vector<16xf32>, vector<16xf32>)  : i32 {
        %mul3A_122 = arith.constant 16 : i32
        %mul3A_123 = arith.muli %scan3A_113, %mul3A_122 : i32
        %get3A = arith.index_cast %mul3A_123 : i32 to index
        %get3A_124 = tpu.vector_load %arg10[%get3A] {strides = array<i32>} : memref<2048xf32, #tpu.memory_space<vmem>>, vector<16xf32>,
        %get3A_125 = vector.shape_cast %get3A_124 : vector<16xf32> to vector<16xf32>
        %get3A_126 = arith.index_cast %scan3A_113 : i32 to index
        %get3A_127 = arith.constant 0 : index
        %get3A_128 = tpu.vector_load %arg11[%get3A_126, %get3A_127] {strides = array<i32>} : memref<128x128xf32, #tpu.memory_space<vmem>>, vector<1x16xf32>,
        %get3A_129 = vector.shape_cast %get3A_128 : vector<1x16xf32> to vector<16xf32>
        %mul3A_130 = arith.mulf %get3A_125, %scan3A_114 : vector<16xf32>
        %add3A_131 = arith.addf %get3A_129, %mul3A_130 : vector<16xf32>
        %swap3A = arith.index_cast %scan3A_113 : i32 to index
        %swap3A_132 = arith.constant 0 : index
        %swap3A_133 = tpu.vector_load %arg13[%swap3A, %swap3A_132] {strides = array<i32>} : memref<128x128xf32, #tpu.memory_space<vmem>>, vector<1x16xf32>,
        %swap3A_134 = vector.shape_cast %swap3A_133 : vector<1x16xf32> to vector<16xf32>
        %swap3A_135 = vector.shape_cast %add3A_131 : vector<16xf32> to vector<1x16xf32>
        tpu.vector_store %arg13[%swap3A, %swap3A_132], %swap3A_135 {strides = array<i32>} : memref<128x128xf32, #tpu.memory_space<vmem>>, vector<1x16xf32>,
        %get3A_136 = arith.index_cast %scan3A_113 : i32 to index
        %get3A_137 = arith.constant 16 : index
        %get3A_138 = tpu.vector_load %arg11[%get3A_136, %get3A_137] {strides = array<i32>} : memref<128x128xf32, #tpu.memory_space<vmem>>, vector<1x16xf32>,
        %get3A_139 = vector.shape_cast %get3A_138 : vector<1x16xf32> to vector<16xf32>
        %mul3A_140 = arith.mulf %get3A_125, %scan3A_115 : vector<16xf32>
        %add3A_141 = arith.addf %get3A_139, %mul3A_140 : vector<16xf32>
        %swap3A_142 = arith.index_cast %scan3A_113 : i32 to index
        %swap3A_143 = arith.constant 16 : index
        %swap3A_144 = tpu.vector_load %arg13[%swap3A_142, %swap3A_143] {strides = array<i32>} : memref<128x128xf32, #tpu.memory_space<vmem>>, vector<1x16xf32>,
        %swap3A_145 = vector.shape_cast %swap3A_144 : vector<1x16xf32> to vector<16xf32>
        %swap3A_146 = vector.shape_cast %add3A_141 : vector<16xf32> to vector<1x16xf32>
        tpu.vector_store %arg13[%swap3A_142, %swap3A_143], %swap3A_146 {strides = array<i32>} : memref<128x128xf32, #tpu.memory_space<vmem>>, vector<1x16xf32>,
        %get3A_147 = arith.index_cast %scan3A_113 : i32 to index
        %get3A_148 = arith.constant 32 : index
        %get3A_149 = tpu.vector_load %arg11[%get3A_147, %get3A_148] {strides = array<i32>} : memref<128x128xf32, #tpu.memory_space<vmem>>, vector<1x16xf32>,
        %get3A_150 = vector.shape_cast %get3A_149 : vector<1x16xf32> to vector<16xf32>
        %mul3A_151 = arith.mulf %get3A_125, %scan3A_116 : vector<16xf32>
        %add3A_152 = arith.addf %get3A_150, %mul3A_151 : vector<16xf32>
        %swap3A_153 = arith.index_cast %scan3A_113 : i32 to index
        %swap3A_154 = arith.constant 32 : index
        %swap3A_155 = tpu.vector_load %arg13[%swap3A_153, %swap3A_154] {strides = array<i32>} : memref<128x128xf32, #tpu.memory_space<vmem>>, vector<1x16xf32>,
        %swap3A_156 = vector.shape_cast %swap3A_155 : vector<1x16xf32> to vector<16xf32>
        %swap3A_157 = vector.shape_cast %add3A_152 : vector<16xf32> to vector<1x16xf32>
        tpu.vector_store %arg13[%swap3A_153, %swap3A_154], %swap3A_157 {strides = array<i32>} : memref<128x128xf32, #tpu.memory_space<vmem>>, vector<1x16xf32>,
        %get3A_158 = arith.index_cast %scan3A_113 : i32 to index
        %get3A_159 = arith.constant 48 : index
        %get3A_160 = tpu.vector_load %arg11[%get3A_158, %get3A_159] {strides = array<i32>} : memref<128x128xf32, #tpu.memory_space<vmem>>, vector<1x16xf32>,
        %get3A_161 = vector.shape_cast %get3A_160 : vector<1x16xf32> to vector<16xf32>
        %mul3A_162 = arith.mulf %get3A_125, %scan3A_117 : vector<16xf32>
        %add3A_163 = arith.addf %get3A_161, %mul3A_162 : vector<16xf32>
        %swap3A_164 = arith.index_cast %scan3A_113 : i32 to index
        %swap3A_165 = arith.constant 48 : index
        %swap3A_166 = tpu.vector_load %arg13[%swap3A_164, %swap3A_165] {strides = array<i32>} : memref<128x128xf32, #tpu.memory_space<vmem>>, vector<1x16xf32>,
        %swap3A_167 = vector.shape_cast %swap3A_166 : vector<1x16xf32> to vector<16xf32>
        %swap3A_168 = vector.shape_cast %add3A_163 : vector<16xf32> to vector<1x16xf32>
        tpu.vector_store %arg13[%swap3A_164, %swap3A_165], %swap3A_168 {strides = array<i32>} : memref<128x128xf32, #tpu.memory_space<vmem>>, vector<1x16xf32>,
        %get3A_169 = arith.index_cast %scan3A_113 : i32 to index
        %get3A_170 = arith.constant 64 : index
        %get3A_171 = tpu.vector_load %arg11[%get3A_169, %get3A_170] {strides = array<i32>} : memref<128x128xf32, #tpu.memory_space<vmem>>, vector<1x16xf32>,
        %get3A_172 = vector.shape_cast %get3A_171 : vector<1x16xf32> to vector<16xf32>
        %mul3A_173 = arith.mulf %get3A_125, %scan3A_118 : vector<16xf32>
        %add3A_174 = arith.addf %get3A_172, %mul3A_173 : vector<16xf32>
        %swap3A_175 = arith.index_cast %scan3A_113 : i32 to index
        %swap3A_176 = arith.constant 64 : index
        %swap3A_177 = tpu.vector_load %arg13[%swap3A_175, %swap3A_176] {strides = array<i32>} : memref<128x128xf32, #tpu.memory_space<vmem>>, vector<1x16xf32>,
        %swap3A_178 = vector.shape_cast %swap3A_177 : vector<1x16xf32> to vector<16xf32>
        %swap3A_179 = vector.shape_cast %add3A_174 : vector<16xf32> to vector<1x16xf32>
        tpu.vector_store %arg13[%swap3A_175, %swap3A_176], %swap3A_179 {strides = array<i32>} : memref<128x128xf32, #tpu.memory_space<vmem>>, vector<1x16xf32>,
        %get3A_180 = arith.index_cast %scan3A_113 : i32 to index
        %get3A_181 = arith.constant 80 : index
        %get3A_182 = tpu.vector_load %arg11[%get3A_180, %get3A_181] {strides = array<i32>} : memref<128x128xf32, #tpu.memory_space<vmem>>, vector<1x16xf32>,
        %get3A_183 = vector.shape_cast %get3A_182 : vector<1x16xf32> to vector<16xf32>
        %mul3A_184 = arith.mulf %get3A_125, %scan3A_119 : vector<16xf32>
        %add3A_185 = arith.addf %get3A_183, %mul3A_184 : vector<16xf32>
        %swap3A_186 = arith.index_cast %scan3A_113 : i32 to index
        %swap3A_187 = arith.constant 80 : index
        %swap3A_188 = tpu.vector_load %arg13[%swap3A_186, %swap3A_187] {strides = array<i32>} : memref<128x128xf32, #tpu.memory_space<vmem>>, vector<1x16xf32>,
        %swap3A_189 = vector.shape_cast %swap3A_188 : vector<1x16xf32> to vector<16xf32>
        %swap3A_190 = vector.shape_cast %add3A_185 : vector<16xf32> to vector<1x16xf32>
        tpu.vector_store %arg13[%swap3A_186, %swap3A_187], %swap3A_190 {strides = array<i32>} : memref<128x128xf32, #tpu.memory_space<vmem>>, vector<1x16xf32>,
        %get3A_191 = arith.index_cast %scan3A_113 : i32 to index
        %get3A_192 = arith.constant 96 : index
        %get3A_193 = tpu.vector_load %arg11[%get3A_191, %get3A_192] {strides = array<i32>} : memref<128x128xf32, #tpu.memory_space<vmem>>, vector<1x16xf32>,
        %get3A_194 = vector.shape_cast %get3A_193 : vector<1x16xf32> to vector<16xf32>
        %mul3A_195 = arith.mulf %get3A_125, %scan3A_120 : vector<16xf32>
        %add3A_196 = arith.addf %get3A_194, %mul3A_195 : vector<16xf32>
        %swap3A_197 = arith.index_cast %scan3A_113 : i32 to index
        %swap3A_198 = arith.constant 96 : index
        %swap3A_199 = tpu.vector_load %arg13[%swap3A_197, %swap3A_198] {strides = array<i32>} : memref<128x128xf32, #tpu.memory_space<vmem>>, vector<1x16xf32>,
        %swap3A_200 = vector.shape_cast %swap3A_199 : vector<1x16xf32> to vector<16xf32>
        %swap3A_201 = vector.shape_cast %add3A_196 : vector<16xf32> to vector<1x16xf32>
        tpu.vector_store %arg13[%swap3A_197, %swap3A_198], %swap3A_201 {strides = array<i32>} : memref<128x128xf32, #tpu.memory_space<vmem>>, vector<1x16xf32>,
        %get3A_202 = arith.index_cast %scan3A_113 : i32 to index
        %get3A_203 = arith.constant 112 : index
        %get3A_204 = tpu.vector_load %arg11[%get3A_202, %get3A_203] {strides = array<i32>} : memref<128x128xf32, #tpu.memory_space<vmem>>, vector<1x16xf32>,
        %get3A_205 = vector.shape_cast %get3A_204 : vector<1x16xf32> to vector<16xf32>
        %mul3A_206 = arith.mulf %get3A_125, %scan3A_121 : vector<16xf32>
        %add3A_207 = arith.addf %get3A_205, %mul3A_206 : vector<16xf32>
        %swap3A_208 = arith.index_cast %scan3A_113 : i32 to index
        %swap3A_209 = arith.constant 112 : index
        %swap3A_210 = tpu.vector_load %arg13[%swap3A_208, %swap3A_209] {strides = array<i32>} : memref<128x128xf32, #tpu.memory_space<vmem>>, vector<1x16xf32>,
        %swap3A_211 = vector.shape_cast %swap3A_210 : vector<1x16xf32> to vector<16xf32>
        %swap3A_212 = vector.shape_cast %add3A_207 : vector<16xf32> to vector<1x16xf32>
        tpu.vector_store %arg13[%swap3A_208, %swap3A_209], %swap3A_212 {strides = array<i32>} : memref<128x128xf32, #tpu.memory_space<vmem>>, vector<1x16xf32>,
        scf.yield %add3A_131, %add3A_141, %add3A_152, %add3A_163, %add3A_174, %add3A_185, %add3A_196, %add3A_207 : vector<16xf32>, vector<16xf32>, vector<16xf32>, vector<16xf32>, vector<16xf32>, vector<16xf32>, vector<16xf32>, vector<16xf32>
      }
      %scan3A_85 = arith.constant 128 : i32
      %scan3A_86 = arith.constant 0 : i32
      %scan3A_87 = arith.constant 0 : i32
      %scan3A_88 = arith.constant 8 : i32
      %scan3A_89 = arith.addi %scan3A_87, %scan3A_88 : i32
      %scan3A_90 = arith.constant 1 : i32
      scf.for %scan3A_113 = %scan3A_87 to %scan3A_89 step %scan3A_90  : i32 {
        %mul3A_114 = arith.constant 128 : i32
        %mul3A_115 = arith.muli %add3A_73, %mul3A_114 : i32
        %mul3A_116 = arith.constant 16 : i32
        %mul3A_117 = arith.muli %scan3A_113, %mul3A_116 : i32
        %add3A_118 = arith.addi %mul3A_115, %mul3A_117 : i32
        %get3A = arith.index_cast %add3A_118 : i32 to index
        %get3A_119 = tpu.vector_load %arg8[%get3A] {strides = array<i32>} : memref<11008xi32, #tpu.memory_space<vmem>>, vector<16xi32>,
        %get3A_120 = vector.shape_cast %get3A_119 : vector<16xi32> to vector<16xi32>
        %mul3A_121 = arith.constant 16 : i32
        %mul3A_122 = arith.muli %scan3A_113, %mul3A_121 : i32
        %swap3A = arith.index_cast %mul3A_122 : i32 to index
        %swap3A_123 = tpu.vector_load %arg9[%swap3A] {strides = array<i32>} : memref<128xi32, #tpu.memory_space<vmem>>, vector<16xi32>,
        %swap3A_124 = vector.shape_cast %swap3A_123 : vector<16xi32> to vector<16xi32>
        %swap3A_125 = vector.shape_cast %get3A_120 : vector<16xi32> to vector<16xi32>
        tpu.vector_store %arg9[%swap3A], %swap3A_125 {strides = array<i32>} : memref<128xi32, #tpu.memory_space<vmem>>, vector<16xi32>,
      }
      %scan3A_91 = arith.constant 8 : i32
      "tpu.region"() ({
        %run_scoped3A = tpu.sem_alloc : memref<!tpu.dma_semaphore, #tpu.memory_space<semaphore_mem>>
        %dma_start3A_113 = arith.constant 0 : i32
        %dma_start3A_114 = arith.constant 0 : i32
        %dma_start3A_115 = tpu.memref_slice %arg15[%dma_start3A_113, %dma_start3A_114] : memref<5632x128xf32, #tpu.memory_space<vmem_shared>> -> memref<5632x128xf32, #tpu.memory_space<vmem_shared>>
        tpu.enqueue_indirect_dma source(%arg13 : memref<128x128xf32, #tpu.memory_space<vmem>>) target(%dma_start3A_115 : memref<5632x128xf32, #tpu.memory_space<vmem_shared>>) offsets(%arg9 : memref<128xi32, #tpu.memory_space<vmem>>) semaphore(%run_scoped3A : memref<!tpu.dma_semaphore, #tpu.memory_space<semaphore_mem>>) {add = true}
        %dma_wait3A_116 = arith.constant 0 : i32
        %dma_wait3A_117 = arith.constant 0 : i32
        %dma_wait3A_118 = tpu.memref_slice %arg15[%dma_wait3A_116, %dma_wait3A_117] : memref<5632x128xf32, #tpu.memory_space<vmem_shared>> -> memref<5632x128xf32, #tpu.memory_space<vmem_shared>>
        tpu.wait_indirect_dma semaphore(%run_scoped3A : memref<!tpu.dma_semaphore, #tpu.memory_space<semaphore_mem>>) src(%arg13 : memref<128x128xf32, #tpu.memory_space<vmem>>) dst(%dma_wait3A_118 : memref<5632x128xf32, #tpu.memory_space<vmem_shared>>)
        tpu.yield
      }) : () -> ()
      %add3A_92 = arith.constant 1 : i32
      %add3A_93 = arith.addi %mul3A_56, %add3A_92 : i32
      %dma_wait3A_94 = tpu.memref_slice %arg7[%mul3A_67] : memref<11008xi32, #tpu.memory_space<vmem>> -> memref<128xi32, #tpu.memory_space<vmem>>
      %dma_wait3A_95 = arith.constant 0 : i32
      %dma_wait3A_96 = arith.constant 0 : i32
      %dma_wait3A_97 = tpu.memref_slice %arg2[%dma_wait3A_95, %dma_wait3A_96] : memref<10000x128xf32, #tpu.memory_space<hbm>> -> memref<10000x128xf32, #tpu.memory_space<hbm>>
      tpu.wait_indirect_dma semaphore(%arg17 : memref<!tpu.dma_semaphore, #tpu.memory_space<semaphore_mem>>) src(%dma_wait3A_97 : memref<10000x128xf32, #tpu.memory_space<hbm>>) dst(%arg12 : memref<128x128xf32, #tpu.memory_space<vmem>>)
      %mul3A_98 = arith.constant 2048 : i32
      %mul3A_99 = arith.muli %add3A_93, %mul3A_98 : i32
      %multiple_of3A_100 = tpu.assume_multiple %mul3A_99, 2048 : i32
      "tpu.region"() ({
        %run_scoped3A = tpu.sem_alloc : memref<!tpu.dma_semaphore, #tpu.memory_space<semaphore_mem>>
        %dma_start3A_113 = tpu.memref_slice %arg5[%add3A, %multiple_of3A_100] : memref<32x176128xf32, #tpu.memory_space<hbm>> -> memref<1x2048xf32, #tpu.memory_space<hbm>>
        %dma_start3A_114 = tpu.memref_squeeze %dma_start3A_113 : memref<1x2048xf32, #tpu.memory_space<hbm>> -> memref<2048xf32, #tpu.memory_space<hbm>>
        %dma_start3A_115 = tpu.memref_slice %arg5[%add3A, %multiple_of3A_100] : memref<32x176128xf32, #tpu.memory_space<hbm>> -> memref<1x2048xf32, #tpu.memory_space<hbm>>
        %dma_start3A_116 = tpu.memref_squeeze %dma_start3A_115 : memref<1x2048xf32, #tpu.memory_space<hbm>> -> memref<2048xf32, #tpu.memory_space<hbm>>
        tpu.enqueue_dma source(%dma_start3A_116 : memref<2048xf32, #tpu.memory_space<hbm>>) target(%arg10 : memref<2048xf32, #tpu.memory_space<vmem>>) target_semaphore(%run_scoped3A : memref<!tpu.dma_semaphore, #tpu.memory_space<semaphore_mem>>)
        %dma_wait3A_117 = tpu.memref_slice %arg5[%add3A, %multiple_of3A_100] : memref<32x176128xf32, #tpu.memory_space<hbm>> -> memref<1x2048xf32, #tpu.memory_space<hbm>>
        %dma_wait3A_118 = tpu.memref_squeeze %dma_wait3A_117 : memref<1x2048xf32, #tpu.memory_space<hbm>> -> memref<2048xf32, #tpu.memory_space<hbm>>
        %dma_wait3A_119 = tpu.memref_slice %arg5[%add3A, %multiple_of3A_100] : memref<32x176128xf32, #tpu.memory_space<hbm>> -> memref<1x2048xf32, #tpu.memory_space<hbm>>
        %dma_wait3A_120 = tpu.memref_squeeze %dma_wait3A_119 : memref<1x2048xf32, #tpu.memory_space<hbm>> -> memref<2048xf32, #tpu.memory_space<hbm>>
        tpu.wait_dma2 semaphore(%run_scoped3A : memref<!tpu.dma_semaphore, #tpu.memory_space<semaphore_mem>>) src(%dma_wait3A_120 : memref<2048xf32, #tpu.memory_space<hbm>>) dst(%arg10 : memref<2048xf32, #tpu.memory_space<vmem>>)
        tpu.yield
      }) : () -> ()
      %scan3A_101 = arith.constant 0 : i32
      %scan3A_102 = arith.constant 128 : i32
      %scan3A_103 = arith.addi %scan3A_101, %scan3A_102 : i32
      %scan3A_104 = arith.constant 1 : i32
      %scan3A_105:8 = scf.for %scan3A_113 = %scan3A_101 to %scan3A_103 step %scan3A_104 iter_args(%scan3A_114 = %scan3A_84#0, %scan3A_115 = %scan3A_84#1, %scan3A_116 = %scan3A_84#2, %scan3A_117 = %scan3A_84#3, %scan3A_118 = %scan3A_84#4, %scan3A_119 = %scan3A_84#5, %scan3A_120 = %scan3A_84#6, %scan3A_121 = %scan3A_84#7) -> (vector<16xf32>, vector<16xf32>, vector<16xf32>, vector<16xf32>, vector<16xf32>, vector<16xf32>, vector<16xf32>, vector<16xf32>)  : i32 {
        %mul3A_122 = arith.constant 16 : i32
        %mul3A_123 = arith.muli %scan3A_113, %mul3A_122 : i32
        %get3A = arith.index_cast %mul3A_123 : i32 to index
        %get3A_124 = tpu.vector_load %arg10[%get3A] {strides = array<i32>} : memref<2048xf32, #tpu.memory_space<vmem>>, vector<16xf32>,
        %get3A_125 = vector.shape_cast %get3A_124 : vector<16xf32> to vector<16xf32>
        %get3A_126 = arith.index_cast %scan3A_113 : i32 to index
        %get3A_127 = arith.constant 0 : index
        %get3A_128 = tpu.vector_load %arg12[%get3A_126, %get3A_127] {strides = array<i32>} : memref<128x128xf32, #tpu.memory_space<vmem>>, vector<1x16xf32>,
        %get3A_129 = vector.shape_cast %get3A_128 : vector<1x16xf32> to vector<16xf32>
        %mul3A_130 = arith.mulf %get3A_125, %scan3A_114 : vector<16xf32>
        %add3A_131 = arith.addf %get3A_129, %mul3A_130 : vector<16xf32>
        %swap3A = arith.index_cast %scan3A_113 : i32 to index
        %swap3A_132 = arith.constant 0 : index
        %swap3A_133 = tpu.vector_load %arg13[%swap3A, %swap3A_132] {strides = array<i32>} : memref<128x128xf32, #tpu.memory_space<vmem>>, vector<1x16xf32>,
        %swap3A_134 = vector.shape_cast %swap3A_133 : vector<1x16xf32> to vector<16xf32>
        %swap3A_135 = vector.shape_cast %add3A_131 : vector<16xf32> to vector<1x16xf32>
        tpu.vector_store %arg13[%swap3A, %swap3A_132], %swap3A_135 {strides = array<i32>} : memref<128x128xf32, #tpu.memory_space<vmem>>, vector<1x16xf32>,
        %get3A_136 = arith.index_cast %scan3A_113 : i32 to index
        %get3A_137 = arith.constant 16 : index
        %get3A_138 = tpu.vector_load %arg12[%get3A_136, %get3A_137] {strides = array<i32>} : memref<128x128xf32, #tpu.memory_space<vmem>>, vector<1x16xf32>,
        %get3A_139 = vector.shape_cast %get3A_138 : vector<1x16xf32> to vector<16xf32>
        %mul3A_140 = arith.mulf %get3A_125, %scan3A_115 : vector<16xf32>
        %add3A_141 = arith.addf %get3A_139, %mul3A_140 : vector<16xf32>
        %swap3A_142 = arith.index_cast %scan3A_113 : i32 to index
        %swap3A_143 = arith.constant 16 : index
        %swap3A_144 = tpu.vector_load %arg13[%swap3A_142, %swap3A_143] {strides = array<i32>} : memref<128x128xf32, #tpu.memory_space<vmem>>, vector<1x16xf32>,
        %swap3A_145 = vector.shape_cast %swap3A_144 : vector<1x16xf32> to vector<16xf32>
        %swap3A_146 = vector.shape_cast %add3A_141 : vector<16xf32> to vector<1x16xf32>
        tpu.vector_store %arg13[%swap3A_142, %swap3A_143], %swap3A_146 {strides = array<i32>} : memref<128x128xf32, #tpu.memory_space<vmem>>, vector<1x16xf32>,
        %get3A_147 = arith.index_cast %scan3A_113 : i32 to index
        %get3A_148 = arith.constant 32 : index
        %get3A_149 = tpu.vector_load %arg12[%get3A_147, %get3A_148] {strides = array<i32>} : memref<128x128xf32, #tpu.memory_space<vmem>>, vector<1x16xf32>,
        %get3A_150 = vector.shape_cast %get3A_149 : vector<1x16xf32> to vector<16xf32>
        %mul3A_151 = arith.mulf %get3A_125, %scan3A_116 : vector<16xf32>
        %add3A_152 = arith.addf %get3A_150, %mul3A_151 : vector<16xf32>
        %swap3A_153 = arith.index_cast %scan3A_113 : i32 to index
        %swap3A_154 = arith.constant 32 : index
        %swap3A_155 = tpu.vector_load %arg13[%swap3A_153, %swap3A_154] {strides = array<i32>} : memref<128x128xf32, #tpu.memory_space<vmem>>, vector<1x16xf32>,
        %swap3A_156 = vector.shape_cast %swap3A_155 : vector<1x16xf32> to vector<16xf32>
        %swap3A_157 = vector.shape_cast %add3A_152 : vector<16xf32> to vector<1x16xf32>
        tpu.vector_store %arg13[%swap3A_153, %swap3A_154], %swap3A_157 {strides = array<i32>} : memref<128x128xf32, #tpu.memory_space<vmem>>, vector<1x16xf32>,
        %get3A_158 = arith.index_cast %scan3A_113 : i32 to index
        %get3A_159 = arith.constant 48 : index
        %get3A_160 = tpu.vector_load %arg12[%get3A_158, %get3A_159] {strides = array<i32>} : memref<128x128xf32, #tpu.memory_space<vmem>>, vector<1x16xf32>,
        %get3A_161 = vector.shape_cast %get3A_160 : vector<1x16xf32> to vector<16xf32>
        %mul3A_162 = arith.mulf %get3A_125, %scan3A_117 : vector<16xf32>
        %add3A_163 = arith.addf %get3A_161, %mul3A_162 : vector<16xf32>
        %swap3A_164 = arith.index_cast %scan3A_113 : i32 to index
        %swap3A_165 = arith.constant 48 : index
        %swap3A_166 = tpu.vector_load %arg13[%swap3A_164, %swap3A_165] {strides = array<i32>} : memref<128x128xf32, #tpu.memory_space<vmem>>, vector<1x16xf32>,
        %swap3A_167 = vector.shape_cast %swap3A_166 : vector<1x16xf32> to vector<16xf32>
        %swap3A_168 = vector.shape_cast %add3A_163 : vector<16xf32> to vector<1x16xf32>
        tpu.vector_store %arg13[%swap3A_164, %swap3A_165], %swap3A_168 {strides = array<i32>} : memref<128x128xf32, #tpu.memory_space<vmem>>, vector<1x16xf32>,
        %get3A_169 = arith.index_cast %scan3A_113 : i32 to index
        %get3A_170 = arith.constant 64 : index
        %get3A_171 = tpu.vector_load %arg12[%get3A_169, %get3A_170] {strides = array<i32>} : memref<128x128xf32, #tpu.memory_space<vmem>>, vector<1x16xf32>,
        %get3A_172 = vector.shape_cast %get3A_171 : vector<1x16xf32> to vector<16xf32>
        %mul3A_173 = arith.mulf %get3A_125, %scan3A_118 : vector<16xf32>
        %add3A_174 = arith.addf %get3A_172, %mul3A_173 : vector<16xf32>
        %swap3A_175 = arith.index_cast %scan3A_113 : i32 to index
        %swap3A_176 = arith.constant 64 : index
        %swap3A_177 = tpu.vector_load %arg13[%swap3A_175, %swap3A_176] {strides = array<i32>} : memref<128x128xf32, #tpu.memory_space<vmem>>, vector<1x16xf32>,
        %swap3A_178 = vector.shape_cast %swap3A_177 : vector<1x16xf32> to vector<16xf32>
        %swap3A_179 = vector.shape_cast %add3A_174 : vector<16xf32> to vector<1x16xf32>
        tpu.vector_store %arg13[%swap3A_175, %swap3A_176], %swap3A_179 {strides = array<i32>} : memref<128x128xf32, #tpu.memory_space<vmem>>, vector<1x16xf32>,
        %get3A_180 = arith.index_cast %scan3A_113 : i32 to index
        %get3A_181 = arith.constant 80 : index
        %get3A_182 = tpu.vector_load %arg12[%get3A_180, %get3A_181] {strides = array<i32>} : memref<128x128xf32, #tpu.memory_space<vmem>>, vector<1x16xf32>,
        %get3A_183 = vector.shape_cast %get3A_182 : vector<1x16xf32> to vector<16xf32>
        %mul3A_184 = arith.mulf %get3A_125, %scan3A_119 : vector<16xf32>
        %add3A_185 = arith.addf %get3A_183, %mul3A_184 : vector<16xf32>
        %swap3A_186 = arith.index_cast %scan3A_113 : i32 to index
        %swap3A_187 = arith.constant 80 : index
        %swap3A_188 = tpu.vector_load %arg13[%swap3A_186, %swap3A_187] {strides = array<i32>} : memref<128x128xf32, #tpu.memory_space<vmem>>, vector<1x16xf32>,
        %swap3A_189 = vector.shape_cast %swap3A_188 : vector<1x16xf32> to vector<16xf32>
        %swap3A_190 = vector.shape_cast %add3A_185 : vector<16xf32> to vector<1x16xf32>
        tpu.vector_store %arg13[%swap3A_186, %swap3A_187], %swap3A_190 {strides = array<i32>} : memref<128x128xf32, #tpu.memory_space<vmem>>, vector<1x16xf32>,
        %get3A_191 = arith.index_cast %scan3A_113 : i32 to index
        %get3A_192 = arith.constant 96 : index
        %get3A_193 = tpu.vector_load %arg12[%get3A_191, %get3A_192] {strides = array<i32>} : memref<128x128xf32, #tpu.memory_space<vmem>>, vector<1x16xf32>,
        %get3A_194 = vector.shape_cast %get3A_193 : vector<1x16xf32> to vector<16xf32>
        %mul3A_195 = arith.mulf %get3A_125, %scan3A_120 : vector<16xf32>
        %add3A_196 = arith.addf %get3A_194, %mul3A_195 : vector<16xf32>
        %swap3A_197 = arith.index_cast %scan3A_113 : i32 to index
        %swap3A_198 = arith.constant 96 : index
        %swap3A_199 = tpu.vector_load %arg13[%swap3A_197, %swap3A_198] {strides = array<i32>} : memref<128x128xf32, #tpu.memory_space<vmem>>, vector<1x16xf32>,
        %swap3A_200 = vector.shape_cast %swap3A_199 : vector<1x16xf32> to vector<16xf32>
        %swap3A_201 = vector.shape_cast %add3A_196 : vector<16xf32> to vector<1x16xf32>
        tpu.vector_store %arg13[%swap3A_197, %swap3A_198], %swap3A_201 {strides = array<i32>} : memref<128x128xf32, #tpu.memory_space<vmem>>, vector<1x16xf32>,
        %get3A_202 = arith.index_cast %scan3A_113 : i32 to index
        %get3A_203 = arith.constant 112 : index
        %get3A_204 = tpu.vector_load %arg12[%get3A_202, %get3A_203] {strides = array<i32>} : memref<128x128xf32, #tpu.memory_space<vmem>>, vector<1x16xf32>,
        %get3A_205 = vector.shape_cast %get3A_204 : vector<1x16xf32> to vector<16xf32>
        %mul3A_206 = arith.mulf %get3A_125, %scan3A_121 : vector<16xf32>
        %add3A_207 = arith.addf %get3A_205, %mul3A_206 : vector<16xf32>
        %swap3A_208 = arith.index_cast %scan3A_113 : i32 to index
        %swap3A_209 = arith.constant 112 : index
        %swap3A_210 = tpu.vector_load %arg13[%swap3A_208, %swap3A_209] {strides = array<i32>} : memref<128x128xf32, #tpu.memory_space<vmem>>, vector<1x16xf32>,
        %swap3A_211 = vector.shape_cast %swap3A_210 : vector<1x16xf32> to vector<16xf32>
        %swap3A_212 = vector.shape_cast %add3A_207 : vector<16xf32> to vector<1x16xf32>
        tpu.vector_store %arg13[%swap3A_208, %swap3A_209], %swap3A_212 {strides = array<i32>} : memref<128x128xf32, #tpu.memory_space<vmem>>, vector<1x16xf32>,
        scf.yield %add3A_131, %add3A_141, %add3A_152, %add3A_163, %add3A_174, %add3A_185, %add3A_196, %add3A_207 : vector<16xf32>, vector<16xf32>, vector<16xf32>, vector<16xf32>, vector<16xf32>, vector<16xf32>, vector<16xf32>, vector<16xf32>
      }
      %scan3A_106 = arith.constant 128 : i32
      %scan3A_107 = arith.constant 0 : i32
      %scan3A_108 = arith.constant 0 : i32
      %scan3A_109 = arith.constant 8 : i32
      %scan3A_110 = arith.addi %scan3A_108, %scan3A_109 : i32
      %scan3A_111 = arith.constant 1 : i32
      scf.for %scan3A_113 = %scan3A_108 to %scan3A_110 step %scan3A_111  : i32 {
        %mul3A_114 = arith.constant 128 : i32
        %mul3A_115 = arith.muli %add3A_93, %mul3A_114 : i32
        %mul3A_116 = arith.constant 16 : i32
        %mul3A_117 = arith.muli %scan3A_113, %mul3A_116 : i32
        %add3A_118 = arith.addi %mul3A_115, %mul3A_117 : i32
        %get3A = arith.index_cast %add3A_118 : i32 to index
        %get3A_119 = tpu.vector_load %arg8[%get3A] {strides = array<i32>} : memref<11008xi32, #tpu.memory_space<vmem>>, vector<16xi32>,
        %get3A_120 = vector.shape_cast %get3A_119 : vector<16xi32> to vector<16xi32>
        %mul3A_121 = arith.constant 16 : i32
        %mul3A_122 = arith.muli %scan3A_113, %mul3A_121 : i32
        %swap3A = arith.index_cast %mul3A_122 : i32 to index
        %swap3A_123 = tpu.vector_load %arg9[%swap3A] {strides = array<i32>} : memref<128xi32, #tpu.memory_space<vmem>>, vector<16xi32>,
        %swap3A_124 = vector.shape_cast %swap3A_123 : vector<16xi32> to vector<16xi32>
        %swap3A_125 = vector.shape_cast %get3A_120 : vector<16xi32> to vector<16xi32>
        tpu.vector_store %arg9[%swap3A], %swap3A_125 {strides = array<i32>} : memref<128xi32, #tpu.memory_space<vmem>>, vector<16xi32>,
      }
      %scan3A_112 = arith.constant 8 : i32
      "tpu.region"() ({
        %run_scoped3A = tpu.sem_alloc : memref<!tpu.dma_semaphore, #tpu.memory_space<semaphore_mem>>
        %dma_start3A_113 = arith.constant 0 : i32
        %dma_start3A_114 = arith.constant 0 : i32
        %dma_start3A_115 = tpu.memref_slice %arg15[%dma_start3A_113, %dma_start3A_114] : memref<5632x128xf32, #tpu.memory_space<vmem_shared>> -> memref<5632x128xf32, #tpu.memory_space<vmem_shared>>
        tpu.enqueue_indirect_dma source(%arg13 : memref<128x128xf32, #tpu.memory_space<vmem>>) target(%dma_start3A_115 : memref<5632x128xf32, #tpu.memory_space<vmem_shared>>) offsets(%arg9 : memref<128xi32, #tpu.memory_space<vmem>>) semaphore(%run_scoped3A : memref<!tpu.dma_semaphore, #tpu.memory_space<semaphore_mem>>) {add = true}
        %dma_wait3A_116 = arith.constant 0 : i32
        %dma_wait3A_117 = arith.constant 0 : i32
        %dma_wait3A_118 = tpu.memref_slice %arg15[%dma_wait3A_116, %dma_wait3A_117] : memref<5632x128xf32, #tpu.memory_space<vmem_shared>> -> memref<5632x128xf32, #tpu.memory_space<vmem_shared>>
        tpu.wait_indirect_dma semaphore(%run_scoped3A : memref<!tpu.dma_semaphore, #tpu.memory_space<semaphore_mem>>) src(%arg13 : memref<128x128xf32, #tpu.memory_space<vmem>>) dst(%dma_wait3A_118 : memref<5632x128xf32, #tpu.memory_space<vmem_shared>>)
        tpu.yield
      }) : () -> ()
      scf.yield %scan3A_105#0, %scan3A_105#1, %scan3A_105#2, %scan3A_105#3, %scan3A_105#4, %scan3A_105#5, %scan3A_105#6, %scan3A_105#7 : vector<16xf32>, vector<16xf32>, vector<16xf32>, vector<16xf32>, vector<16xf32>, vector<16xf32>, vector<16xf32>, vector<16xf32>
    }
    %scan3A_40 = arith.constant 43 : i32
    %mul3A_41 = arith.constant 320 : i32
    %mul3A_42 = arith.muli %arg1, %mul3A_41 : i32
    %multiple_of3A = tpu.assume_multiple %mul3A_42, 320 : i32
    %mul3A_43 = arith.constant 320 : i32
    %mul3A_44 = arith.muli %add3A, %mul3A_43 : i32
    %multiple_of3A_45 = tpu.assume_multiple %mul3A_44, 320 : i32
    "tpu.region"() ({
      %run_scoped3A = tpu.sem_alloc : memref<!tpu.dma_semaphore, #tpu.memory_space<semaphore_mem>>
      %dma_start3A = arith.constant 0 : i32
      %dma_start3A_46 = tpu.memref_slice %arg6[%multiple_of3A_45, %dma_start3A] : memref<10240x128xf32, #tpu.memory_space<hbm>> -> memref<320x128xf32, #tpu.memory_space<hbm>>
      %dma_start3A_47 = arith.constant 0 : i32
      %dma_start3A_48 = tpu.memref_slice %arg15[%multiple_of3A, %dma_start3A_47] : memref<5632x128xf32, #tpu.memory_space<vmem_shared>> -> memref<320x128xf32, #tpu.memory_space<vmem_shared>>
      tpu.enqueue_dma source(%dma_start3A_48 : memref<320x128xf32, #tpu.memory_space<vmem_shared>>) target(%dma_start3A_46 : memref<320x128xf32, #tpu.memory_space<hbm>>) target_semaphore(%run_scoped3A : memref<!tpu.dma_semaphore, #tpu.memory_space<semaphore_mem>>)
      %dma_wait3A = arith.constant 0 : i32
      %dma_wait3A_49 = tpu.memref_slice %arg6[%multiple_of3A_45, %dma_wait3A] : memref<10240x128xf32, #tpu.memory_space<hbm>> -> memref<320x128xf32, #tpu.memory_space<hbm>>
      %dma_wait3A_50 = arith.constant 0 : i32
      %dma_wait3A_51 = tpu.memref_slice %arg15[%multiple_of3A, %dma_wait3A_50] : memref<5632x128xf32, #tpu.memory_space<vmem_shared>> -> memref<320x128xf32, #tpu.memory_space<vmem_shared>>
      tpu.wait_dma2 semaphore(%run_scoped3A : memref<!tpu.dma_semaphore, #tpu.memory_space<semaphore_mem>>) src(%dma_wait3A_51 : memref<320x128xf32, #tpu.memory_space<vmem_shared>>) dst(%dma_wait3A_49 : memref<320x128xf32, #tpu.memory_space<hbm>>)
      tpu.yield
    }) : () -> ()
    return
  }
}

#map = affine_map<(d0, d1) -> (0, 0)>
module attributes {stable_mosaic.version = 14 : i64} {
  func.func @_seg_body(%arg0: i32, %arg1: i32, %arg2: memref<10000x128xf32, #tpu.memory_space<hbm>>, %arg3: memref<32x11008xi32, #tpu.memory_space<hbm>>, %arg4: memref<32x11008xi32, #tpu.memory_space<hbm>>, %arg5: memref<32x176128xf32, #tpu.memory_space<hbm>>, %arg6: memref<10240x128xf32, #tpu.memory_space<hbm>>, %arg7: memref<11008xi32, #tpu.memory_space<vmem>>, %arg8: memref<11008xi32, #tpu.memory_space<vmem>>, %arg9: memref<128xi32, #tpu.memory_space<vmem>>, %arg10: memref<2048xf32, #tpu.memory_space<vmem>>, %arg11: memref<128x128xf32, #tpu.memory_space<vmem>>, %arg12: memref<128x128xf32, #tpu.memory_space<vmem>>, %arg13: memref<128x128xf32, #tpu.memory_space<vmem>>, %arg14: memref<16x128xf32, #tpu.memory_space<vmem>>, %arg15: memref<5632x128xf32, #tpu.memory_space<vmem_shared>>, %arg16: memref<!tpu.dma_semaphore, #tpu.memory_space<semaphore_mem>>, %arg17: memref<!tpu.dma_semaphore, #tpu.memory_space<semaphore_mem>>) attributes {dimension_semantics = [#tpu.dimension_semantics<core_parallel>, #tpu.dimension_semantics<subcore_parallel>], iteration_bounds = array<i64: 2, 16>, scalar_prefetch = 0 : i64, scratch_operands = 11 : i64, tpu.core_type = #tpu.core_type<sc_vector_subcore>, window_params = [{transform_indices = #map}, {transform_indices = #map}, {transform_indices = #map}, {transform_indices = #map}, {transform_indices = #map}]} {
    %mul3A = arith.constant 16 : i32
    %mul3A_0 = arith.muli %arg0, %mul3A : i32
    %add3A = arith.addi %mul3A_0, %arg1 : i32
    "tpu.region"() ({
      %run_scoped3A = tpu.sem_alloc : memref<!tpu.dma_semaphore, #tpu.memory_space<semaphore_mem>>
      %dma_start3A = arith.constant 0 : i32
      %dma_start3A_46 = tpu.memref_slice %arg3[%add3A, %dma_start3A] : memref<32x11008xi32, #tpu.memory_space<hbm>> -> memref<1x11008xi32, #tpu.memory_space<hbm>>
      %dma_start3A_47 = tpu.memref_squeeze %dma_start3A_46 : memref<1x11008xi32, #tpu.memory_space<hbm>> -> memref<11008xi32, #tpu.memory_space<hbm>>
      %dma_start3A_48 = arith.constant 0 : i32
      %dma_start3A_49 = tpu.memref_slice %arg3[%add3A, %dma_start3A_48] : memref<32x11008xi32, #tpu.memory_space<hbm>> -> memref<1x11008xi32, #tpu.memory_space<hbm>>
      %dma_start3A_50 = tpu.memref_squeeze %dma_start3A_49 : memref<1x11008xi32, #tpu.memory_space<hbm>> -> memref<11008xi32, #tpu.memory_space<hbm>>
      tpu.enqueue_dma source(%dma_start3A_50 : memref<11008xi32, #tpu.memory_space<hbm>>) target(%arg7 : memref<11008xi32, #tpu.memory_space<vmem>>) target_semaphore(%run_scoped3A : memref<!tpu.dma_semaphore, #tpu.memory_space<semaphore_mem>>)
      %dma_wait3A = arith.constant 0 : i32
      %dma_wait3A_51 = tpu.memref_slice %arg3[%add3A, %dma_wait3A] : memref<32x11008xi32, #tpu.memory_space<hbm>> -> memref<1x11008xi32, #tpu.memory_space<hbm>>
      %dma_wait3A_52 = tpu.memref_squeeze %dma_wait3A_51 : memref<1x11008xi32, #tpu.memory_space<hbm>> -> memref<11008xi32, #tpu.memory_space<hbm>>
      %dma_wait3A_53 = arith.constant 0 : i32
      %dma_wait3A_54 = tpu.memref_slice %arg3[%add3A, %dma_wait3A_53] : memref<32x11008xi32, #tpu.memory_space<hbm>> -> memref<1x11008xi32, #tpu.memory_space<hbm>>
      %dma_wait3A_55 = tpu.memref_squeeze %dma_wait3A_54 : memref<1x11008xi32, #tpu.memory_space<hbm>> -> memref<11008xi32, #tpu.memory_space<hbm>>
      tpu.wait_dma2 semaphore(%run_scoped3A : memref<!tpu.dma_semaphore, #tpu.memory_space<semaphore_mem>>) src(%dma_wait3A_55 : memref<11008xi32, #tpu.memory_space<hbm>>) dst(%arg7 : memref<11008xi32, #tpu.memory_space<vmem>>)
      tpu.yield
    }) : () -> ()
    "tpu.region"() ({
      %run_scoped3A = tpu.sem_alloc : memref<!tpu.dma_semaphore, #tpu.memory_space<semaphore_mem>>
      %dma_start3A = arith.constant 0 : i32
      %dma_start3A_46 = tpu.memref_slice %arg4[%add3A, %dma_start3A] : memref<32x11008xi32, #tpu.memory_space<hbm>> -> memref<1x11008xi32, #tpu.memory_space<hbm>>
      %dma_start3A_47 = tpu.memref_squeeze %dma_start3A_46 : memref<1x11008xi32, #tpu.memory_space<hbm>> -> memref<11008xi32, #tpu.memory_space<hbm>>
      %dma_start3A_48 = arith.constant 0 : i32
      %dma_start3A_49 = tpu.memref_slice %arg4[%add3A, %dma_start3A_48] : memref<32x11008xi32, #tpu.memory_space<hbm>> -> memref<1x11008xi32, #tpu.memory_space<hbm>>
      %dma_start3A_50 = tpu.memref_squeeze %dma_start3A_49 : memref<1x11008xi32, #tpu.memory_space<hbm>> -> memref<11008xi32, #tpu.memory_space<hbm>>
      tpu.enqueue_dma source(%dma_start3A_50 : memref<11008xi32, #tpu.memory_space<hbm>>) target(%arg8 : memref<11008xi32, #tpu.memory_space<vmem>>) target_semaphore(%run_scoped3A : memref<!tpu.dma_semaphore, #tpu.memory_space<semaphore_mem>>)
      %dma_wait3A = arith.constant 0 : i32
      %dma_wait3A_51 = tpu.memref_slice %arg4[%add3A, %dma_wait3A] : memref<32x11008xi32, #tpu.memory_space<hbm>> -> memref<1x11008xi32, #tpu.memory_space<hbm>>
      %dma_wait3A_52 = tpu.memref_squeeze %dma_wait3A_51 : memref<1x11008xi32, #tpu.memory_space<hbm>> -> memref<11008xi32, #tpu.memory_space<hbm>>
      %dma_wait3A_53 = arith.constant 0 : i32
      %dma_wait3A_54 = tpu.memref_slice %arg4[%add3A, %dma_wait3A_53] : memref<32x11008xi32, #tpu.memory_space<hbm>> -> memref<1x11008xi32, #tpu.memory_space<hbm>>
      %dma_wait3A_55 = tpu.memref_squeeze %dma_wait3A_54 : memref<1x11008xi32, #tpu.memory_space<hbm>> -> memref<11008xi32, #tpu.memory_space<hbm>>
      tpu.wait_dma2 semaphore(%run_scoped3A : memref<!tpu.dma_semaphore, #tpu.memory_space<semaphore_mem>>) src(%dma_wait3A_55 : memref<11008xi32, #tpu.memory_space<hbm>>) dst(%arg8 : memref<11008xi32, #tpu.memory_space<vmem>>)
      tpu.yield
    }) : () -> ()
    %broadcast_in_dim3A = arith.constant 0.000000e+00 : f32
    %broadcast_in_dim3A_1 = vector.broadcast %broadcast_in_dim3A : f32 to vector<16xf32>
    %scan3A = arith.constant 0 : i32
    %scan3A_2 = arith.constant 0 : i32
    %scan3A_3 = arith.constant 128 : i32
    %scan3A_4 = arith.addi %scan3A_2, %scan3A_3 : i32
    %scan3A_5 = arith.constant 1 : i32
    scf.for %scan3A_46 = %scan3A_2 to %scan3A_4 step %scan3A_5  : i32 {
      %jit3A = arith.constant 8 : i32
      %div3A = arith.divsi %scan3A_46, %jit3A : i32
      %sign3A = arith.constant 0 : i32
      %sign3A_47 = arith.cmpi sgt, %scan3A_46, %sign3A : i32
      %sign3A_48 = arith.extui %sign3A_47 : i1 to i32
      %sign3A_49 = arith.constant 0 : i32
      %sign3A_50 = arith.cmpi slt, %scan3A_46, %sign3A_49 : i32
      %sign3A_51 = arith.extui %sign3A_50 : i1 to i32
      %sign3A_52 = arith.subi %sign3A_48, %sign3A_51 : i32
      %sign3A_53 = arith.constant 0 : i32
      %sign3A_54 = arith.cmpi sgt, %jit3A, %sign3A_53 : i32
      %sign3A_55 = arith.extui %sign3A_54 : i1 to i32
      %sign3A_56 = arith.constant 0 : i32
      %sign3A_57 = arith.cmpi slt, %jit3A, %sign3A_56 : i32
      %sign3A_58 = arith.extui %sign3A_57 : i1 to i32
      %sign3A_59 = arith.subi %sign3A_55, %sign3A_58 : i32
      %ne3A = arith.cmpi ne, %sign3A_52, %sign3A_59 : i32
      %rem3A = arith.remsi %scan3A_46, %jit3A : i32
      %ne3A_60 = arith.constant 0 : i32
      %ne3A_61 = arith.cmpi ne, %rem3A, %ne3A_60 : i32
      %and3A = arith.andi %ne3A, %ne3A_61 : i1
      %sub3A = arith.constant 1 : i32
      %sub3A_62 = arith.subi %div3A, %sub3A : i32
      %select_n3A = arith.select %and3A, %sub3A_62, %div3A : i32
      %jit3A_63 = arith.constant 8 : i32
      %eq3A = arith.constant 0 : i32
      %eq3A_64 = arith.cmpi eq, %jit3A_63, %eq3A : i32
      %jit3A_65 = arith.constant 1 : i32
      %select_n3A_66 = arith.select %eq3A_64, %jit3A_65, %jit3A_63 : i32
      %rem3A_67 = arith.remsi %scan3A_46, %select_n3A_66 : i32
      %ne3A_68 = arith.constant 0 : i32
      %ne3A_69 = arith.cmpi ne, %rem3A_67, %ne3A_68 : i32
      %lt3A = arith.constant 0 : i32
      %lt3A_70 = arith.cmpi slt, %rem3A_67, %lt3A : i32
      %lt3A_71 = arith.constant 0 : i32
      %lt3A_72 = arith.cmpi slt, %select_n3A_66, %lt3A_71 : i32
      %ne3A_73 = arith.xori %lt3A_70, %lt3A_72 : i1
      %and3A_74 = arith.andi %ne3A_73, %ne3A_69 : i1
      %add3A_75 = arith.addi %rem3A_67, %select_n3A_66 : i32
      %select_n3A_76 = arith.select %and3A_74, %add3A_75, %rem3A_67 : i32
      %mul3A_77 = arith.constant 16 : i32
      %mul3A_78 = arith.muli %select_n3A_76, %mul3A_77 : i32
      %swap3A = arith.index_cast %select_n3A : i32 to index
      %swap3A_79 = arith.index_cast %mul3A_78 : i32 to index
      %swap3A_80 = tpu.vector_load %arg14[%swap3A, %swap3A_79] {strides = array<i32>} : memref<16x128xf32, #tpu.memory_space<vmem>>, vector<1x16xf32>,
      %swap3A_81 = vector.shape_cast %swap3A_80 : vector<1x16xf32> to vector<16xf32>
      %swap3A_82 = vector.shape_cast %broadcast_in_dim3A_1 : vector<16xf32> to vector<1x16xf32>
      tpu.vector_store %arg14[%swap3A, %swap3A_79], %swap3A_82 {strides = array<i32>} : memref<16x128xf32, #tpu.memory_space<vmem>>, vector<1x16xf32>,
    }
    %scan3A_6 = arith.constant 128 : i32
    %scan3A_7 = arith.constant 0 : i32
    %scan3A_8 = arith.constant 0 : i32
    %scan3A_9 = arith.constant 20 : i32
    %scan3A_10 = arith.addi %scan3A_8, %scan3A_9 : i32
    %scan3A_11 = arith.constant 1 : i32
    scf.for %scan3A_46 = %scan3A_8 to %scan3A_10 step %scan3A_11  : i32 {
      %mul3A_47 = arith.constant 320 : i32
      %mul3A_48 = arith.muli %arg1, %mul3A_47 : i32
      %mul3A_49 = arith.constant 16 : i32
      %mul3A_50 = arith.muli %scan3A_46, %mul3A_49 : i32
      %add3A_51 = arith.addi %mul3A_48, %mul3A_50 : i32
      %multiple_of3A_52 = tpu.assume_multiple %add3A_51, 16 : i32
      "tpu.region"() ({
        %run_scoped3A = tpu.sem_alloc : memref<!tpu.dma_semaphore, #tpu.memory_space<semaphore_mem>>
        %dma_start3A = arith.constant 0 : i32
        %dma_start3A_53 = tpu.memref_slice %arg15[%multiple_of3A_52, %dma_start3A] : memref<5632x128xf32, #tpu.memory_space<vmem_shared>> -> memref<16x128xf32, #tpu.memory_space<vmem_shared>>
        %dma_start3A_54 = arith.constant 0 : i32
        %dma_start3A_55 = tpu.memref_slice %arg15[%multiple_of3A_52, %dma_start3A_54] : memref<5632x128xf32, #tpu.memory_space<vmem_shared>> -> memref<16x128xf32, #tpu.memory_space<vmem_shared>>
        tpu.enqueue_dma source(%arg14 : memref<16x128xf32, #tpu.memory_space<vmem>>) target(%dma_start3A_55 : memref<16x128xf32, #tpu.memory_space<vmem_shared>>) target_semaphore(%run_scoped3A : memref<!tpu.dma_semaphore, #tpu.memory_space<semaphore_mem>>)
        %dma_wait3A = arith.constant 0 : i32
        %dma_wait3A_56 = tpu.memref_slice %arg15[%multiple_of3A_52, %dma_wait3A] : memref<5632x128xf32, #tpu.memory_space<vmem_shared>> -> memref<16x128xf32, #tpu.memory_space<vmem_shared>>
        %dma_wait3A_57 = arith.constant 0 : i32
        %dma_wait3A_58 = tpu.memref_slice %arg15[%multiple_of3A_52, %dma_wait3A_57] : memref<5632x128xf32, #tpu.memory_space<vmem_shared>> -> memref<16x128xf32, #tpu.memory_space<vmem_shared>>
        tpu.wait_dma2 semaphore(%run_scoped3A : memref<!tpu.dma_semaphore, #tpu.memory_space<semaphore_mem>>) src(%arg14 : memref<16x128xf32, #tpu.memory_space<vmem>>) dst(%dma_wait3A_58 : memref<16x128xf32, #tpu.memory_space<vmem_shared>>)
        tpu.yield
      }) : () -> ()
    }
    %scan3A_12 = arith.constant 20 : i32
    %scan3A_13 = arith.constant 0 : i32
    %scan3A_14 = arith.constant 0 : i32
    %scan3A_15 = arith.constant 2 : i32
    %scan3A_16 = arith.addi %scan3A_14, %scan3A_15 : i32
    %scan3A_17 = arith.constant 1 : i32
    scf.for %scan3A_46 = %scan3A_14 to %scan3A_16 step %scan3A_17  : i32 {
      %mul3A_47 = arith.constant 32 : i32
      %mul3A_48 = arith.muli %arg1, %mul3A_47 : i32
      %add3A_49 = arith.constant 5120 : i32
      %add3A_50 = arith.addi %add3A_49, %mul3A_48 : i32
      %mul3A_51 = arith.constant 16 : i32
      %mul3A_52 = arith.muli %scan3A_46, %mul3A_51 : i32
      %add3A_53 = arith.addi %add3A_50, %mul3A_52 : i32
      %multiple_of3A_54 = tpu.assume_multiple %add3A_53, 16 : i32
      "tpu.region"() ({
        %run_scoped3A = tpu.sem_alloc : memref<!tpu.dma_semaphore, #tpu.memory_space<semaphore_mem>>
        %dma_start3A = arith.constant 0 : i32
        %dma_start3A_55 = tpu.memref_slice %arg15[%multiple_of3A_54, %dma_start3A] : memref<5632x128xf32, #tpu.memory_space<vmem_shared>> -> memref<16x128xf32, #tpu.memory_space<vmem_shared>>
        %dma_start3A_56 = arith.constant 0 : i32
        %dma_start3A_57 = tpu.memref_slice %arg15[%multiple_of3A_54, %dma_start3A_56] : memref<5632x128xf32, #tpu.memory_space<vmem_shared>> -> memref<16x128xf32, #tpu.memory_space<vmem_shared>>
        tpu.enqueue_dma source(%arg14 : memref<16x128xf32, #tpu.memory_space<vmem>>) target(%dma_start3A_57 : memref<16x128xf32, #tpu.memory_space<vmem_shared>>) target_semaphore(%run_scoped3A : memref<!tpu.dma_semaphore, #tpu.memory_space<semaphore_mem>>)
        %dma_wait3A = arith.constant 0 : i32
        %dma_wait3A_58 = tpu.memref_slice %arg15[%multiple_of3A_54, %dma_wait3A] : memref<5632x128xf32, #tpu.memory_space<vmem_shared>> -> memref<16x128xf32, #tpu.memory_space<vmem_shared>>
        %dma_wait3A_59 = arith.constant 0 : i32
        %dma_wait3A_60 = tpu.memref_slice %arg15[%multiple_of3A_54, %dma_wait3A_59] : memref<5632x128xf32, #tpu.memory_space<vmem_shared>> -> memref<16x128xf32, #tpu.memory_space<vmem_shared>>
        tpu.wait_dma2 semaphore(%run_scoped3A : memref<!tpu.dma_semaphore, #tpu.memory_space<semaphore_mem>>) src(%arg14 : memref<16x128xf32, #tpu.memory_space<vmem>>) dst(%dma_wait3A_60 : memref<16x128xf32, #tpu.memory_space<vmem_shared>>)
        tpu.yield
      }) : () -> ()
    }
    %scan3A_18 = arith.constant 2 : i32
    %broadcast_in_dim3A_19 = arith.constant 0.000000e+00 : f32
    %broadcast_in_dim3A_20 = vector.broadcast %broadcast_in_dim3A_19 : f32 to vector<16xf32>
    %broadcast_in_dim3A_21 = arith.constant 0.000000e+00 : f32
    %broadcast_in_dim3A_22 = vector.broadcast %broadcast_in_dim3A_21 : f32 to vector<16xf32>
    %broadcast_in_dim3A_23 = arith.constant 0.000000e+00 : f32
    %broadcast_in_dim3A_24 = vector.broadcast %broadcast_in_dim3A_23 : f32 to vector<16xf32>
    %broadcast_in_dim3A_25 = arith.constant 0.000000e+00 : f32
    %broadcast_in_dim3A_26 = vector.broadcast %broadcast_in_dim3A_25 : f32 to vector<16xf32>
    %broadcast_in_dim3A_27 = arith.constant 0.000000e+00 : f32
    %broadcast_in_dim3A_28 = vector.broadcast %broadcast_in_dim3A_27 : f32 to vector<16xf32>
    %broadcast_in_dim3A_29 = arith.constant 0.000000e+00 : f32
    %broadcast_in_dim3A_30 = vector.broadcast %broadcast_in_dim3A_29 : f32 to vector<16xf32>
    %broadcast_in_dim3A_31 = arith.constant 0.000000e+00 : f32
    %broadcast_in_dim3A_32 = vector.broadcast %broadcast_in_dim3A_31 : f32 to vector<16xf32>
    %broadcast_in_dim3A_33 = arith.constant 0.000000e+00 : f32
    %broadcast_in_dim3A_34 = vector.broadcast %broadcast_in_dim3A_33 : f32 to vector<16xf32>
    %scan3A_35 = arith.constant 0 : i32
    %scan3A_36 = arith.constant 43 : i32
    %scan3A_37 = arith.addi %scan3A_35, %scan3A_36 : i32
    %scan3A_38 = arith.constant 1 : i32
    %scan3A_39:8 = scf.for %scan3A_46 = %scan3A_35 to %scan3A_37 step %scan3A_38 iter_args(%scan3A_47 = %broadcast_in_dim3A_20, %scan3A_48 = %broadcast_in_dim3A_22, %scan3A_49 = %broadcast_in_dim3A_24, %scan3A_50 = %broadcast_in_dim3A_26, %scan3A_51 = %broadcast_in_dim3A_28, %scan3A_52 = %broadcast_in_dim3A_30, %scan3A_53 = %broadcast_in_dim3A_32, %scan3A_54 = %broadcast_in_dim3A_34) -> (vector<16xf32>, vector<16xf32>, vector<16xf32>, vector<16xf32>, vector<16xf32>, vector<16xf32>, vector<16xf32>, vector<16xf32>)  : i32 {
      %mul3A_55 = arith.constant 2 : i32
      %mul3A_56 = arith.muli %scan3A_46, %mul3A_55 : i32
      %add3A_57 = arith.constant 0 : i32
      %add3A_58 = arith.addi %mul3A_56, %add3A_57 : i32
      %mul3A_59 = arith.constant 128 : i32
      %mul3A_60 = arith.muli %add3A_58, %mul3A_59 : i32
      %dma_start3A = tpu.memref_slice %arg7[%mul3A_60] : memref<11008xi32, #tpu.memory_space<vmem>> -> memref<128xi32, #tpu.memory_space<vmem>>
      %dma_start3A_61 = arith.constant 0 : i32
      %dma_start3A_62 = arith.constant 0 : i32
      %dma_start3A_63 = tpu.memref_slice %arg2[%dma_start3A_61, %dma_start3A_62] : memref<10000x128xf32, #tpu.memory_space<hbm>> -> memref<10000x128xf32, #tpu.memory_space<hbm>>
      tpu.enqueue_indirect_dma source(%dma_start3A_63 : memref<10000x128xf32, #tpu.memory_space<hbm>>) target(%arg11 : memref<128x128xf32, #tpu.memory_space<vmem>>) offsets(%dma_start3A : memref<128xi32, #tpu.memory_space<vmem>>) semaphore(%arg16 : memref<!tpu.dma_semaphore, #tpu.memory_space<semaphore_mem>>)
      %add3A_64 = arith.constant 1 : i32
      %add3A_65 = arith.addi %mul3A_56, %add3A_64 : i32
      %mul3A_66 = arith.constant 128 : i32
      %mul3A_67 = arith.muli %add3A_65, %mul3A_66 : i32
      %dma_start3A_68 = tpu.memref_slice %arg7[%mul3A_67] : memref<11008xi32, #tpu.memory_space<vmem>> -> memref<128xi32, #tpu.memory_space<vmem>>
      %dma_start3A_69 = arith.constant 0 : i32
      %dma_start3A_70 = arith.constant 0 : i32
      %dma_start3A_71 = tpu.memref_slice %arg2[%dma_start3A_69, %dma_start3A_70] : memref<10000x128xf32, #tpu.memory_space<hbm>> -> memref<10000x128xf32, #tpu.memory_space<hbm>>
      tpu.enqueue_indirect_dma source(%dma_start3A_71 : memref<10000x128xf32, #tpu.memory_space<hbm>>) target(%arg12 : memref<128x128xf32, #tpu.memory_space<vmem>>) offsets(%dma_start3A_68 : memref<128xi32, #tpu.memory_space<vmem>>) semaphore(%arg17 : memref<!tpu.dma_semaphore, #tpu.memory_space<semaphore_mem>>)
      %add3A_72 = arith.constant 0 : i32
      %add3A_73 = arith.addi %mul3A_56, %add3A_72 : i32
      %dma_wait3A = tpu.memref_slice %arg7[%mul3A_60] : memref<11008xi32, #tpu.memory_space<vmem>> -> memref<128xi32, #tpu.memory_space<vmem>>
      %dma_wait3A_74 = arith.constant 0 : i32
      %dma_wait3A_75 = arith.constant 0 : i32
      %dma_wait3A_76 = tpu.memref_slice %arg2[%dma_wait3A_74, %dma_wait3A_75] : memref<10000x128xf32, #tpu.memory_space<hbm>> -> memref<10000x128xf32, #tpu.memory_space<hbm>>
      tpu.wait_indirect_dma semaphore(%arg16 : memref<!tpu.dma_semaphore, #tpu.memory_space<semaphore_mem>>) src(%dma_wait3A_76 : memref<10000x128xf32, #tpu.memory_space<hbm>>) dst(%arg11 : memref<128x128xf32, #tpu.memory_space<vmem>>)
      %mul3A_77 = arith.constant 2048 : i32
      %mul3A_78 = arith.muli %add3A_73, %mul3A_77 : i32
      %multiple_of3A_79 = tpu.assume_multiple %mul3A_78, 2048 : i32
      "tpu.region"() ({
        %run_scoped3A = tpu.sem_alloc : memref<!tpu.dma_semaphore, #tpu.memory_space<semaphore_mem>>
        %dma_start3A_113 = tpu.memref_slice %arg5[%add3A, %multiple_of3A_79] : memref<32x176128xf32, #tpu.memory_space<hbm>> -> memref<1x2048xf32, #tpu.memory_space<hbm>>
        %dma_start3A_114 = tpu.memref_squeeze %dma_start3A_113 : memref<1x2048xf32, #tpu.memory_space<hbm>> -> memref<2048xf32, #tpu.memory_space<hbm>>
        %dma_start3A_115 = tpu.memref_slice %arg5[%add3A, %multiple_of3A_79] : memref<32x176128xf32, #tpu.memory_space<hbm>> -> memref<1x2048xf32, #tpu.memory_space<hbm>>
        %dma_start3A_116 = tpu.memref_squeeze %dma_start3A_115 : memref<1x2048xf32, #tpu.memory_space<hbm>> -> memref<2048xf32, #tpu.memory_space<hbm>>
        tpu.enqueue_dma source(%dma_start3A_116 : memref<2048xf32, #tpu.memory_space<hbm>>) target(%arg10 : memref<2048xf32, #tpu.memory_space<vmem>>) target_semaphore(%run_scoped3A : memref<!tpu.dma_semaphore, #tpu.memory_space<semaphore_mem>>)
        %dma_wait3A_117 = tpu.memref_slice %arg5[%add3A, %multiple_of3A_79] : memref<32x176128xf32, #tpu.memory_space<hbm>> -> memref<1x2048xf32, #tpu.memory_space<hbm>>
        %dma_wait3A_118 = tpu.memref_squeeze %dma_wait3A_117 : memref<1x2048xf32, #tpu.memory_space<hbm>> -> memref<2048xf32, #tpu.memory_space<hbm>>
        %dma_wait3A_119 = tpu.memref_slice %arg5[%add3A, %multiple_of3A_79] : memref<32x176128xf32, #tpu.memory_space<hbm>> -> memref<1x2048xf32, #tpu.memory_space<hbm>>
        %dma_wait3A_120 = tpu.memref_squeeze %dma_wait3A_119 : memref<1x2048xf32, #tpu.memory_space<hbm>> -> memref<2048xf32, #tpu.memory_space<hbm>>
        tpu.wait_dma2 semaphore(%run_scoped3A : memref<!tpu.dma_semaphore, #tpu.memory_space<semaphore_mem>>) src(%dma_wait3A_120 : memref<2048xf32, #tpu.memory_space<hbm>>) dst(%arg10 : memref<2048xf32, #tpu.memory_space<vmem>>)
        tpu.yield
      }) : () -> ()
      %scan3A_80 = arith.constant 0 : i32
      %scan3A_81 = arith.constant 128 : i32
      %scan3A_82 = arith.addi %scan3A_80, %scan3A_81 : i32
      %scan3A_83 = arith.constant 1 : i32
      %scan3A_84:8 = scf.for %scan3A_113 = %scan3A_80 to %scan3A_82 step %scan3A_83 iter_args(%scan3A_114 = %scan3A_47, %scan3A_115 = %scan3A_48, %scan3A_116 = %scan3A_49, %scan3A_117 = %scan3A_50, %scan3A_118 = %scan3A_51, %scan3A_119 = %scan3A_52, %scan3A_120 = %scan3A_53, %scan3A_121 = %scan3A_54) -> (vector<16xf32>, vector<16xf32>, vector<16xf32>, vector<16xf32>, vector<16xf32>, vector<16xf32>, vector<16xf32>, vector<16xf32>)  : i32 {
        %mul3A_122 = arith.constant 16 : i32
        %mul3A_123 = arith.muli %scan3A_113, %mul3A_122 : i32
        %get3A = arith.index_cast %mul3A_123 : i32 to index
        %get3A_124 = tpu.vector_load %arg10[%get3A] {strides = array<i32>} : memref<2048xf32, #tpu.memory_space<vmem>>, vector<16xf32>,
        %get3A_125 = vector.shape_cast %get3A_124 : vector<16xf32> to vector<16xf32>
        %get3A_126 = arith.index_cast %scan3A_113 : i32 to index
        %get3A_127 = arith.constant 0 : index
        %get3A_128 = tpu.vector_load %arg11[%get3A_126, %get3A_127] {strides = array<i32>} : memref<128x128xf32, #tpu.memory_space<vmem>>, vector<1x16xf32>,
        %get3A_129 = vector.shape_cast %get3A_128 : vector<1x16xf32> to vector<16xf32>
        %mul3A_130 = arith.mulf %get3A_125, %scan3A_114 : vector<16xf32>
        %add3A_131 = arith.addf %get3A_129, %mul3A_130 : vector<16xf32>
        %swap3A = arith.index_cast %scan3A_113 : i32 to index
        %swap3A_132 = arith.constant 0 : index
        %swap3A_133 = tpu.vector_load %arg13[%swap3A, %swap3A_132] {strides = array<i32>} : memref<128x128xf32, #tpu.memory_space<vmem>>, vector<1x16xf32>,
        %swap3A_134 = vector.shape_cast %swap3A_133 : vector<1x16xf32> to vector<16xf32>
        %swap3A_135 = vector.shape_cast %add3A_131 : vector<16xf32> to vector<1x16xf32>
        tpu.vector_store %arg13[%swap3A, %swap3A_132], %swap3A_135 {strides = array<i32>} : memref<128x128xf32, #tpu.memory_space<vmem>>, vector<1x16xf32>,
        %get3A_136 = arith.index_cast %scan3A_113 : i32 to index
        %get3A_137 = arith.constant 16 : index
        %get3A_138 = tpu.vector_load %arg11[%get3A_136, %get3A_137] {strides = array<i32>} : memref<128x128xf32, #tpu.memory_space<vmem>>, vector<1x16xf32>,
        %get3A_139 = vector.shape_cast %get3A_138 : vector<1x16xf32> to vector<16xf32>
        %mul3A_140 = arith.mulf %get3A_125, %scan3A_115 : vector<16xf32>
        %add3A_141 = arith.addf %get3A_139, %mul3A_140 : vector<16xf32>
        %swap3A_142 = arith.index_cast %scan3A_113 : i32 to index
        %swap3A_143 = arith.constant 16 : index
        %swap3A_144 = tpu.vector_load %arg13[%swap3A_142, %swap3A_143] {strides = array<i32>} : memref<128x128xf32, #tpu.memory_space<vmem>>, vector<1x16xf32>,
        %swap3A_145 = vector.shape_cast %swap3A_144 : vector<1x16xf32> to vector<16xf32>
        %swap3A_146 = vector.shape_cast %add3A_141 : vector<16xf32> to vector<1x16xf32>
        tpu.vector_store %arg13[%swap3A_142, %swap3A_143], %swap3A_146 {strides = array<i32>} : memref<128x128xf32, #tpu.memory_space<vmem>>, vector<1x16xf32>,
        %get3A_147 = arith.index_cast %scan3A_113 : i32 to index
        %get3A_148 = arith.constant 32 : index
        %get3A_149 = tpu.vector_load %arg11[%get3A_147, %get3A_148] {strides = array<i32>} : memref<128x128xf32, #tpu.memory_space<vmem>>, vector<1x16xf32>,
        %get3A_150 = vector.shape_cast %get3A_149 : vector<1x16xf32> to vector<16xf32>
        %mul3A_151 = arith.mulf %get3A_125, %scan3A_116 : vector<16xf32>
        %add3A_152 = arith.addf %get3A_150, %mul3A_151 : vector<16xf32>
        %swap3A_153 = arith.index_cast %scan3A_113 : i32 to index
        %swap3A_154 = arith.constant 32 : index
        %swap3A_155 = tpu.vector_load %arg13[%swap3A_153, %swap3A_154] {strides = array<i32>} : memref<128x128xf32, #tpu.memory_space<vmem>>, vector<1x16xf32>,
        %swap3A_156 = vector.shape_cast %swap3A_155 : vector<1x16xf32> to vector<16xf32>
        %swap3A_157 = vector.shape_cast %add3A_152 : vector<16xf32> to vector<1x16xf32>
        tpu.vector_store %arg13[%swap3A_153, %swap3A_154], %swap3A_157 {strides = array<i32>} : memref<128x128xf32, #tpu.memory_space<vmem>>, vector<1x16xf32>,
        %get3A_158 = arith.index_cast %scan3A_113 : i32 to index
        %get3A_159 = arith.constant 48 : index
        %get3A_160 = tpu.vector_load %arg11[%get3A_158, %get3A_159] {strides = array<i32>} : memref<128x128xf32, #tpu.memory_space<vmem>>, vector<1x16xf32>,
        %get3A_161 = vector.shape_cast %get3A_160 : vector<1x16xf32> to vector<16xf32>
        %mul3A_162 = arith.mulf %get3A_125, %scan3A_117 : vector<16xf32>
        %add3A_163 = arith.addf %get3A_161, %mul3A_162 : vector<16xf32>
        %swap3A_164 = arith.index_cast %scan3A_113 : i32 to index
        %swap3A_165 = arith.constant 48 : index
        %swap3A_166 = tpu.vector_load %arg13[%swap3A_164, %swap3A_165] {strides = array<i32>} : memref<128x128xf32, #tpu.memory_space<vmem>>, vector<1x16xf32>,
        %swap3A_167 = vector.shape_cast %swap3A_166 : vector<1x16xf32> to vector<16xf32>
        %swap3A_168 = vector.shape_cast %add3A_163 : vector<16xf32> to vector<1x16xf32>
        tpu.vector_store %arg13[%swap3A_164, %swap3A_165], %swap3A_168 {strides = array<i32>} : memref<128x128xf32, #tpu.memory_space<vmem>>, vector<1x16xf32>,
        %get3A_169 = arith.index_cast %scan3A_113 : i32 to index
        %get3A_170 = arith.constant 64 : index
        %get3A_171 = tpu.vector_load %arg11[%get3A_169, %get3A_170] {strides = array<i32>} : memref<128x128xf32, #tpu.memory_space<vmem>>, vector<1x16xf32>,
        %get3A_172 = vector.shape_cast %get3A_171 : vector<1x16xf32> to vector<16xf32>
        %mul3A_173 = arith.mulf %get3A_125, %scan3A_118 : vector<16xf32>
        %add3A_174 = arith.addf %get3A_172, %mul3A_173 : vector<16xf32>
        %swap3A_175 = arith.index_cast %scan3A_113 : i32 to index
        %swap3A_176 = arith.constant 64 : index
        %swap3A_177 = tpu.vector_load %arg13[%swap3A_175, %swap3A_176] {strides = array<i32>} : memref<128x128xf32, #tpu.memory_space<vmem>>, vector<1x16xf32>,
        %swap3A_178 = vector.shape_cast %swap3A_177 : vector<1x16xf32> to vector<16xf32>
        %swap3A_179 = vector.shape_cast %add3A_174 : vector<16xf32> to vector<1x16xf32>
        tpu.vector_store %arg13[%swap3A_175, %swap3A_176], %swap3A_179 {strides = array<i32>} : memref<128x128xf32, #tpu.memory_space<vmem>>, vector<1x16xf32>,
        %get3A_180 = arith.index_cast %scan3A_113 : i32 to index
        %get3A_181 = arith.constant 80 : index
        %get3A_182 = tpu.vector_load %arg11[%get3A_180, %get3A_181] {strides = array<i32>} : memref<128x128xf32, #tpu.memory_space<vmem>>, vector<1x16xf32>,
        %get3A_183 = vector.shape_cast %get3A_182 : vector<1x16xf32> to vector<16xf32>
        %mul3A_184 = arith.mulf %get3A_125, %scan3A_119 : vector<16xf32>
        %add3A_185 = arith.addf %get3A_183, %mul3A_184 : vector<16xf32>
        %swap3A_186 = arith.index_cast %scan3A_113 : i32 to index
        %swap3A_187 = arith.constant 80 : index
        %swap3A_188 = tpu.vector_load %arg13[%swap3A_186, %swap3A_187] {strides = array<i32>} : memref<128x128xf32, #tpu.memory_space<vmem>>, vector<1x16xf32>,
        %swap3A_189 = vector.shape_cast %swap3A_188 : vector<1x16xf32> to vector<16xf32>
        %swap3A_190 = vector.shape_cast %add3A_185 : vector<16xf32> to vector<1x16xf32>
        tpu.vector_store %arg13[%swap3A_186, %swap3A_187], %swap3A_190 {strides = array<i32>} : memref<128x128xf32, #tpu.memory_space<vmem>>, vector<1x16xf32>,
        %get3A_191 = arith.index_cast %scan3A_113 : i32 to index
        %get3A_192 = arith.constant 96 : index
        %get3A_193 = tpu.vector_load %arg11[%get3A_191, %get3A_192] {strides = array<i32>} : memref<128x128xf32, #tpu.memory_space<vmem>>, vector<1x16xf32>,
        %get3A_194 = vector.shape_cast %get3A_193 : vector<1x16xf32> to vector<16xf32>
        %mul3A_195 = arith.mulf %get3A_125, %scan3A_120 : vector<16xf32>
        %add3A_196 = arith.addf %get3A_194, %mul3A_195 : vector<16xf32>
        %swap3A_197 = arith.index_cast %scan3A_113 : i32 to index
        %swap3A_198 = arith.constant 96 : index
        %swap3A_199 = tpu.vector_load %arg13[%swap3A_197, %swap3A_198] {strides = array<i32>} : memref<128x128xf32, #tpu.memory_space<vmem>>, vector<1x16xf32>,
        %swap3A_200 = vector.shape_cast %swap3A_199 : vector<1x16xf32> to vector<16xf32>
        %swap3A_201 = vector.shape_cast %add3A_196 : vector<16xf32> to vector<1x16xf32>
        tpu.vector_store %arg13[%swap3A_197, %swap3A_198], %swap3A_201 {strides = array<i32>} : memref<128x128xf32, #tpu.memory_space<vmem>>, vector<1x16xf32>,
        %get3A_202 = arith.index_cast %scan3A_113 : i32 to index
        %get3A_203 = arith.constant 112 : index
        %get3A_204 = tpu.vector_load %arg11[%get3A_202, %get3A_203] {strides = array<i32>} : memref<128x128xf32, #tpu.memory_space<vmem>>, vector<1x16xf32>,
        %get3A_205 = vector.shape_cast %get3A_204 : vector<1x16xf32> to vector<16xf32>
        %mul3A_206 = arith.mulf %get3A_125, %scan3A_121 : vector<16xf32>
        %add3A_207 = arith.addf %get3A_205, %mul3A_206 : vector<16xf32>
        %swap3A_208 = arith.index_cast %scan3A_113 : i32 to index
        %swap3A_209 = arith.constant 112 : index
        %swap3A_210 = tpu.vector_load %arg13[%swap3A_208, %swap3A_209] {strides = array<i32>} : memref<128x128xf32, #tpu.memory_space<vmem>>, vector<1x16xf32>,
        %swap3A_211 = vector.shape_cast %swap3A_210 : vector<1x16xf32> to vector<16xf32>
        %swap3A_212 = vector.shape_cast %add3A_207 : vector<16xf32> to vector<1x16xf32>
        tpu.vector_store %arg13[%swap3A_208, %swap3A_209], %swap3A_212 {strides = array<i32>} : memref<128x128xf32, #tpu.memory_space<vmem>>, vector<1x16xf32>,
        scf.yield %add3A_131, %add3A_141, %add3A_152, %add3A_163, %add3A_174, %add3A_185, %add3A_196, %add3A_207 : vector<16xf32>, vector<16xf32>, vector<16xf32>, vector<16xf32>, vector<16xf32>, vector<16xf32>, vector<16xf32>, vector<16xf32>
      }
      %scan3A_85 = arith.constant 128 : i32
      %scan3A_86 = arith.constant 0 : i32
      %scan3A_87 = arith.constant 0 : i32
      %scan3A_88 = arith.constant 8 : i32
      %scan3A_89 = arith.addi %scan3A_87, %scan3A_88 : i32
      %scan3A_90 = arith.constant 1 : i32
      scf.for %scan3A_113 = %scan3A_87 to %scan3A_89 step %scan3A_90  : i32 {
        %mul3A_114 = arith.constant 128 : i32
        %mul3A_115 = arith.muli %add3A_73, %mul3A_114 : i32
        %mul3A_116 = arith.constant 16 : i32
        %mul3A_117 = arith.muli %scan3A_113, %mul3A_116 : i32
        %add3A_118 = arith.addi %mul3A_115, %mul3A_117 : i32
        %get3A = arith.index_cast %add3A_118 : i32 to index
        %get3A_119 = tpu.vector_load %arg8[%get3A] {strides = array<i32>} : memref<11008xi32, #tpu.memory_space<vmem>>, vector<16xi32>,
        %get3A_120 = vector.shape_cast %get3A_119 : vector<16xi32> to vector<16xi32>
        %mul3A_121 = arith.constant 16 : i32
        %mul3A_122 = arith.muli %scan3A_113, %mul3A_121 : i32
        %swap3A = arith.index_cast %mul3A_122 : i32 to index
        %swap3A_123 = tpu.vector_load %arg9[%swap3A] {strides = array<i32>} : memref<128xi32, #tpu.memory_space<vmem>>, vector<16xi32>,
        %swap3A_124 = vector.shape_cast %swap3A_123 : vector<16xi32> to vector<16xi32>
        %swap3A_125 = vector.shape_cast %get3A_120 : vector<16xi32> to vector<16xi32>
        tpu.vector_store %arg9[%swap3A], %swap3A_125 {strides = array<i32>} : memref<128xi32, #tpu.memory_space<vmem>>, vector<16xi32>,
      }
      %scan3A_91 = arith.constant 8 : i32
      "tpu.region"() ({
        %run_scoped3A = tpu.sem_alloc : memref<!tpu.dma_semaphore, #tpu.memory_space<semaphore_mem>>
        %dma_start3A_113 = arith.constant 0 : i32
        %dma_start3A_114 = arith.constant 0 : i32
        %dma_start3A_115 = tpu.memref_slice %arg15[%dma_start3A_113, %dma_start3A_114] : memref<5632x128xf32, #tpu.memory_space<vmem_shared>> -> memref<5632x128xf32, #tpu.memory_space<vmem_shared>>
        tpu.enqueue_indirect_dma source(%arg13 : memref<128x128xf32, #tpu.memory_space<vmem>>) target(%dma_start3A_115 : memref<5632x128xf32, #tpu.memory_space<vmem_shared>>) offsets(%arg9 : memref<128xi32, #tpu.memory_space<vmem>>) semaphore(%run_scoped3A : memref<!tpu.dma_semaphore, #tpu.memory_space<semaphore_mem>>) {add = true}
        %dma_wait3A_116 = arith.constant 0 : i32
        %dma_wait3A_117 = arith.constant 0 : i32
        %dma_wait3A_118 = tpu.memref_slice %arg15[%dma_wait3A_116, %dma_wait3A_117] : memref<5632x128xf32, #tpu.memory_space<vmem_shared>> -> memref<5632x128xf32, #tpu.memory_space<vmem_shared>>
        tpu.wait_indirect_dma semaphore(%run_scoped3A : memref<!tpu.dma_semaphore, #tpu.memory_space<semaphore_mem>>) src(%arg13 : memref<128x128xf32, #tpu.memory_space<vmem>>) dst(%dma_wait3A_118 : memref<5632x128xf32, #tpu.memory_space<vmem_shared>>)
        tpu.yield
      }) : () -> ()
      %add3A_92 = arith.constant 1 : i32
      %add3A_93 = arith.addi %mul3A_56, %add3A_92 : i32
      %dma_wait3A_94 = tpu.memref_slice %arg7[%mul3A_67] : memref<11008xi32, #tpu.memory_space<vmem>> -> memref<128xi32, #tpu.memory_space<vmem>>
      %dma_wait3A_95 = arith.constant 0 : i32
      %dma_wait3A_96 = arith.constant 0 : i32
      %dma_wait3A_97 = tpu.memref_slice %arg2[%dma_wait3A_95, %dma_wait3A_96] : memref<10000x128xf32, #tpu.memory_space<hbm>> -> memref<10000x128xf32, #tpu.memory_space<hbm>>
      tpu.wait_indirect_dma semaphore(%arg17 : memref<!tpu.dma_semaphore, #tpu.memory_space<semaphore_mem>>) src(%dma_wait3A_97 : memref<10000x128xf32, #tpu.memory_space<hbm>>) dst(%arg12 : memref<128x128xf32, #tpu.memory_space<vmem>>)
      %mul3A_98 = arith.constant 2048 : i32
      %mul3A_99 = arith.muli %add3A_93, %mul3A_98 : i32
      %multiple_of3A_100 = tpu.assume_multiple %mul3A_99, 2048 : i32
      "tpu.region"() ({
        %run_scoped3A = tpu.sem_alloc : memref<!tpu.dma_semaphore, #tpu.memory_space<semaphore_mem>>
        %dma_start3A_113 = tpu.memref_slice %arg5[%add3A, %multiple_of3A_100] : memref<32x176128xf32, #tpu.memory_space<hbm>> -> memref<1x2048xf32, #tpu.memory_space<hbm>>
        %dma_start3A_114 = tpu.memref_squeeze %dma_start3A_113 : memref<1x2048xf32, #tpu.memory_space<hbm>> -> memref<2048xf32, #tpu.memory_space<hbm>>
        %dma_start3A_115 = tpu.memref_slice %arg5[%add3A, %multiple_of3A_100] : memref<32x176128xf32, #tpu.memory_space<hbm>> -> memref<1x2048xf32, #tpu.memory_space<hbm>>
        %dma_start3A_116 = tpu.memref_squeeze %dma_start3A_115 : memref<1x2048xf32, #tpu.memory_space<hbm>> -> memref<2048xf32, #tpu.memory_space<hbm>>
        tpu.enqueue_dma source(%dma_start3A_116 : memref<2048xf32, #tpu.memory_space<hbm>>) target(%arg10 : memref<2048xf32, #tpu.memory_space<vmem>>) target_semaphore(%run_scoped3A : memref<!tpu.dma_semaphore, #tpu.memory_space<semaphore_mem>>)
        %dma_wait3A_117 = tpu.memref_slice %arg5[%add3A, %multiple_of3A_100] : memref<32x176128xf32, #tpu.memory_space<hbm>> -> memref<1x2048xf32, #tpu.memory_space<hbm>>
        %dma_wait3A_118 = tpu.memref_squeeze %dma_wait3A_117 : memref<1x2048xf32, #tpu.memory_space<hbm>> -> memref<2048xf32, #tpu.memory_space<hbm>>
        %dma_wait3A_119 = tpu.memref_slice %arg5[%add3A, %multiple_of3A_100] : memref<32x176128xf32, #tpu.memory_space<hbm>> -> memref<1x2048xf32, #tpu.memory_space<hbm>>
        %dma_wait3A_120 = tpu.memref_squeeze %dma_wait3A_119 : memref<1x2048xf32, #tpu.memory_space<hbm>> -> memref<2048xf32, #tpu.memory_space<hbm>>
        tpu.wait_dma2 semaphore(%run_scoped3A : memref<!tpu.dma_semaphore, #tpu.memory_space<semaphore_mem>>) src(%dma_wait3A_120 : memref<2048xf32, #tpu.memory_space<hbm>>) dst(%arg10 : memref<2048xf32, #tpu.memory_space<vmem>>)
        tpu.yield
      }) : () -> ()
      %scan3A_101 = arith.constant 0 : i32
      %scan3A_102 = arith.constant 128 : i32
      %scan3A_103 = arith.addi %scan3A_101, %scan3A_102 : i32
      %scan3A_104 = arith.constant 1 : i32
      %scan3A_105:8 = scf.for %scan3A_113 = %scan3A_101 to %scan3A_103 step %scan3A_104 iter_args(%scan3A_114 = %scan3A_84#0, %scan3A_115 = %scan3A_84#1, %scan3A_116 = %scan3A_84#2, %scan3A_117 = %scan3A_84#3, %scan3A_118 = %scan3A_84#4, %scan3A_119 = %scan3A_84#5, %scan3A_120 = %scan3A_84#6, %scan3A_121 = %scan3A_84#7) -> (vector<16xf32>, vector<16xf32>, vector<16xf32>, vector<16xf32>, vector<16xf32>, vector<16xf32>, vector<16xf32>, vector<16xf32>)  : i32 {
        %mul3A_122 = arith.constant 16 : i32
        %mul3A_123 = arith.muli %scan3A_113, %mul3A_122 : i32
        %get3A = arith.index_cast %mul3A_123 : i32 to index
        %get3A_124 = tpu.vector_load %arg10[%get3A] {strides = array<i32>} : memref<2048xf32, #tpu.memory_space<vmem>>, vector<16xf32>,
        %get3A_125 = vector.shape_cast %get3A_124 : vector<16xf32> to vector<16xf32>
        %get3A_126 = arith.index_cast %scan3A_113 : i32 to index
        %get3A_127 = arith.constant 0 : index
        %get3A_128 = tpu.vector_load %arg12[%get3A_126, %get3A_127] {strides = array<i32>} : memref<128x128xf32, #tpu.memory_space<vmem>>, vector<1x16xf32>,
        %get3A_129 = vector.shape_cast %get3A_128 : vector<1x16xf32> to vector<16xf32>
        %mul3A_130 = arith.mulf %get3A_125, %scan3A_114 : vector<16xf32>
        %add3A_131 = arith.addf %get3A_129, %mul3A_130 : vector<16xf32>
        %swap3A = arith.index_cast %scan3A_113 : i32 to index
        %swap3A_132 = arith.constant 0 : index
        %swap3A_133 = tpu.vector_load %arg13[%swap3A, %swap3A_132] {strides = array<i32>} : memref<128x128xf32, #tpu.memory_space<vmem>>, vector<1x16xf32>,
        %swap3A_134 = vector.shape_cast %swap3A_133 : vector<1x16xf32> to vector<16xf32>
        %swap3A_135 = vector.shape_cast %add3A_131 : vector<16xf32> to vector<1x16xf32>
        tpu.vector_store %arg13[%swap3A, %swap3A_132], %swap3A_135 {strides = array<i32>} : memref<128x128xf32, #tpu.memory_space<vmem>>, vector<1x16xf32>,
        %get3A_136 = arith.index_cast %scan3A_113 : i32 to index
        %get3A_137 = arith.constant 16 : index
        %get3A_138 = tpu.vector_load %arg12[%get3A_136, %get3A_137] {strides = array<i32>} : memref<128x128xf32, #tpu.memory_space<vmem>>, vector<1x16xf32>,
        %get3A_139 = vector.shape_cast %get3A_138 : vector<1x16xf32> to vector<16xf32>
        %mul3A_140 = arith.mulf %get3A_125, %scan3A_115 : vector<16xf32>
        %add3A_141 = arith.addf %get3A_139, %mul3A_140 : vector<16xf32>
        %swap3A_142 = arith.index_cast %scan3A_113 : i32 to index
        %swap3A_143 = arith.constant 16 : index
        %swap3A_144 = tpu.vector_load %arg13[%swap3A_142, %swap3A_143] {strides = array<i32>} : memref<128x128xf32, #tpu.memory_space<vmem>>, vector<1x16xf32>,
        %swap3A_145 = vector.shape_cast %swap3A_144 : vector<1x16xf32> to vector<16xf32>
        %swap3A_146 = vector.shape_cast %add3A_141 : vector<16xf32> to vector<1x16xf32>
        tpu.vector_store %arg13[%swap3A_142, %swap3A_143], %swap3A_146 {strides = array<i32>} : memref<128x128xf32, #tpu.memory_space<vmem>>, vector<1x16xf32>,
        %get3A_147 = arith.index_cast %scan3A_113 : i32 to index
        %get3A_148 = arith.constant 32 : index
        %get3A_149 = tpu.vector_load %arg12[%get3A_147, %get3A_148] {strides = array<i32>} : memref<128x128xf32, #tpu.memory_space<vmem>>, vector<1x16xf32>,
        %get3A_150 = vector.shape_cast %get3A_149 : vector<1x16xf32> to vector<16xf32>
        %mul3A_151 = arith.mulf %get3A_125, %scan3A_116 : vector<16xf32>
        %add3A_152 = arith.addf %get3A_150, %mul3A_151 : vector<16xf32>
        %swap3A_153 = arith.index_cast %scan3A_113 : i32 to index
        %swap3A_154 = arith.constant 32 : index
        %swap3A_155 = tpu.vector_load %arg13[%swap3A_153, %swap3A_154] {strides = array<i32>} : memref<128x128xf32, #tpu.memory_space<vmem>>, vector<1x16xf32>,
        %swap3A_156 = vector.shape_cast %swap3A_155 : vector<1x16xf32> to vector<16xf32>
        %swap3A_157 = vector.shape_cast %add3A_152 : vector<16xf32> to vector<1x16xf32>
        tpu.vector_store %arg13[%swap3A_153, %swap3A_154], %swap3A_157 {strides = array<i32>} : memref<128x128xf32, #tpu.memory_space<vmem>>, vector<1x16xf32>,
        %get3A_158 = arith.index_cast %scan3A_113 : i32 to index
        %get3A_159 = arith.constant 48 : index
        %get3A_160 = tpu.vector_load %arg12[%get3A_158, %get3A_159] {strides = array<i32>} : memref<128x128xf32, #tpu.memory_space<vmem>>, vector<1x16xf32>,
        %get3A_161 = vector.shape_cast %get3A_160 : vector<1x16xf32> to vector<16xf32>
        %mul3A_162 = arith.mulf %get3A_125, %scan3A_117 : vector<16xf32>
        %add3A_163 = arith.addf %get3A_161, %mul3A_162 : vector<16xf32>
        %swap3A_164 = arith.index_cast %scan3A_113 : i32 to index
        %swap3A_165 = arith.constant 48 : index
        %swap3A_166 = tpu.vector_load %arg13[%swap3A_164, %swap3A_165] {strides = array<i32>} : memref<128x128xf32, #tpu.memory_space<vmem>>, vector<1x16xf32>,
        %swap3A_167 = vector.shape_cast %swap3A_166 : vector<1x16xf32> to vector<16xf32>
        %swap3A_168 = vector.shape_cast %add3A_163 : vector<16xf32> to vector<1x16xf32>
        tpu.vector_store %arg13[%swap3A_164, %swap3A_165], %swap3A_168 {strides = array<i32>} : memref<128x128xf32, #tpu.memory_space<vmem>>, vector<1x16xf32>,
        %get3A_169 = arith.index_cast %scan3A_113 : i32 to index
        %get3A_170 = arith.constant 64 : index
        %get3A_171 = tpu.vector_load %arg12[%get3A_169, %get3A_170] {strides = array<i32>} : memref<128x128xf32, #tpu.memory_space<vmem>>, vector<1x16xf32>,
        %get3A_172 = vector.shape_cast %get3A_171 : vector<1x16xf32> to vector<16xf32>
        %mul3A_173 = arith.mulf %get3A_125, %scan3A_118 : vector<16xf32>
        %add3A_174 = arith.addf %get3A_172, %mul3A_173 : vector<16xf32>
        %swap3A_175 = arith.index_cast %scan3A_113 : i32 to index
        %swap3A_176 = arith.constant 64 : index
        %swap3A_177 = tpu.vector_load %arg13[%swap3A_175, %swap3A_176] {strides = array<i32>} : memref<128x128xf32, #tpu.memory_space<vmem>>, vector<1x16xf32>,
        %swap3A_178 = vector.shape_cast %swap3A_177 : vector<1x16xf32> to vector<16xf32>
        %swap3A_179 = vector.shape_cast %add3A_174 : vector<16xf32> to vector<1x16xf32>
        tpu.vector_store %arg13[%swap3A_175, %swap3A_176], %swap3A_179 {strides = array<i32>} : memref<128x128xf32, #tpu.memory_space<vmem>>, vector<1x16xf32>,
        %get3A_180 = arith.index_cast %scan3A_113 : i32 to index
        %get3A_181 = arith.constant 80 : index
        %get3A_182 = tpu.vector_load %arg12[%get3A_180, %get3A_181] {strides = array<i32>} : memref<128x128xf32, #tpu.memory_space<vmem>>, vector<1x16xf32>,
        %get3A_183 = vector.shape_cast %get3A_182 : vector<1x16xf32> to vector<16xf32>
        %mul3A_184 = arith.mulf %get3A_125, %scan3A_119 : vector<16xf32>
        %add3A_185 = arith.addf %get3A_183, %mul3A_184 : vector<16xf32>
        %swap3A_186 = arith.index_cast %scan3A_113 : i32 to index
        %swap3A_187 = arith.constant 80 : index
        %swap3A_188 = tpu.vector_load %arg13[%swap3A_186, %swap3A_187] {strides = array<i32>} : memref<128x128xf32, #tpu.memory_space<vmem>>, vector<1x16xf32>,
        %swap3A_189 = vector.shape_cast %swap3A_188 : vector<1x16xf32> to vector<16xf32>
        %swap3A_190 = vector.shape_cast %add3A_185 : vector<16xf32> to vector<1x16xf32>
        tpu.vector_store %arg13[%swap3A_186, %swap3A_187], %swap3A_190 {strides = array<i32>} : memref<128x128xf32, #tpu.memory_space<vmem>>, vector<1x16xf32>,
        %get3A_191 = arith.index_cast %scan3A_113 : i32 to index
        %get3A_192 = arith.constant 96 : index
        %get3A_193 = tpu.vector_load %arg12[%get3A_191, %get3A_192] {strides = array<i32>} : memref<128x128xf32, #tpu.memory_space<vmem>>, vector<1x16xf32>,
        %get3A_194 = vector.shape_cast %get3A_193 : vector<1x16xf32> to vector<16xf32>
        %mul3A_195 = arith.mulf %get3A_125, %scan3A_120 : vector<16xf32>
        %add3A_196 = arith.addf %get3A_194, %mul3A_195 : vector<16xf32>
        %swap3A_197 = arith.index_cast %scan3A_113 : i32 to index
        %swap3A_198 = arith.constant 96 : index
        %swap3A_199 = tpu.vector_load %arg13[%swap3A_197, %swap3A_198] {strides = array<i32>} : memref<128x128xf32, #tpu.memory_space<vmem>>, vector<1x16xf32>,
        %swap3A_200 = vector.shape_cast %swap3A_199 : vector<1x16xf32> to vector<16xf32>
        %swap3A_201 = vector.shape_cast %add3A_196 : vector<16xf32> to vector<1x16xf32>
        tpu.vector_store %arg13[%swap3A_197, %swap3A_198], %swap3A_201 {strides = array<i32>} : memref<128x128xf32, #tpu.memory_space<vmem>>, vector<1x16xf32>,
        %get3A_202 = arith.index_cast %scan3A_113 : i32 to index
        %get3A_203 = arith.constant 112 : index
        %get3A_204 = tpu.vector_load %arg12[%get3A_202, %get3A_203] {strides = array<i32>} : memref<128x128xf32, #tpu.memory_space<vmem>>, vector<1x16xf32>,
        %get3A_205 = vector.shape_cast %get3A_204 : vector<1x16xf32> to vector<16xf32>
        %mul3A_206 = arith.mulf %get3A_125, %scan3A_121 : vector<16xf32>
        %add3A_207 = arith.addf %get3A_205, %mul3A_206 : vector<16xf32>
        %swap3A_208 = arith.index_cast %scan3A_113 : i32 to index
        %swap3A_209 = arith.constant 112 : index
        %swap3A_210 = tpu.vector_load %arg13[%swap3A_208, %swap3A_209] {strides = array<i32>} : memref<128x128xf32, #tpu.memory_space<vmem>>, vector<1x16xf32>,
        %swap3A_211 = vector.shape_cast %swap3A_210 : vector<1x16xf32> to vector<16xf32>
        %swap3A_212 = vector.shape_cast %add3A_207 : vector<16xf32> to vector<1x16xf32>
        tpu.vector_store %arg13[%swap3A_208, %swap3A_209], %swap3A_212 {strides = array<i32>} : memref<128x128xf32, #tpu.memory_space<vmem>>, vector<1x16xf32>,
        scf.yield %add3A_131, %add3A_141, %add3A_152, %add3A_163, %add3A_174, %add3A_185, %add3A_196, %add3A_207 : vector<16xf32>, vector<16xf32>, vector<16xf32>, vector<16xf32>, vector<16xf32>, vector<16xf32>, vector<16xf32>, vector<16xf32>
      }
      %scan3A_106 = arith.constant 128 : i32
      %scan3A_107 = arith.constant 0 : i32
      %scan3A_108 = arith.constant 0 : i32
      %scan3A_109 = arith.constant 8 : i32
      %scan3A_110 = arith.addi %scan3A_108, %scan3A_109 : i32
      %scan3A_111 = arith.constant 1 : i32
      scf.for %scan3A_113 = %scan3A_108 to %scan3A_110 step %scan3A_111  : i32 {
        %mul3A_114 = arith.constant 128 : i32
        %mul3A_115 = arith.muli %add3A_93, %mul3A_114 : i32
        %mul3A_116 = arith.constant 16 : i32
        %mul3A_117 = arith.muli %scan3A_113, %mul3A_116 : i32
        %add3A_118 = arith.addi %mul3A_115, %mul3A_117 : i32
        %get3A = arith.index_cast %add3A_118 : i32 to index
        %get3A_119 = tpu.vector_load %arg8[%get3A] {strides = array<i32>} : memref<11008xi32, #tpu.memory_space<vmem>>, vector<16xi32>,
        %get3A_120 = vector.shape_cast %get3A_119 : vector<16xi32> to vector<16xi32>
        %mul3A_121 = arith.constant 16 : i32
        %mul3A_122 = arith.muli %scan3A_113, %mul3A_121 : i32
        %swap3A = arith.index_cast %mul3A_122 : i32 to index
        %swap3A_123 = tpu.vector_load %arg9[%swap3A] {strides = array<i32>} : memref<128xi32, #tpu.memory_space<vmem>>, vector<16xi32>,
        %swap3A_124 = vector.shape_cast %swap3A_123 : vector<16xi32> to vector<16xi32>
        %swap3A_125 = vector.shape_cast %get3A_120 : vector<16xi32> to vector<16xi32>
        tpu.vector_store %arg9[%swap3A], %swap3A_125 {strides = array<i32>} : memref<128xi32, #tpu.memory_space<vmem>>, vector<16xi32>,
      }
      %scan3A_112 = arith.constant 8 : i32
      "tpu.region"() ({
        %run_scoped3A = tpu.sem_alloc : memref<!tpu.dma_semaphore, #tpu.memory_space<semaphore_mem>>
        %dma_start3A_113 = arith.constant 0 : i32
        %dma_start3A_114 = arith.constant 0 : i32
        %dma_start3A_115 = tpu.memref_slice %arg15[%dma_start3A_113, %dma_start3A_114] : memref<5632x128xf32, #tpu.memory_space<vmem_shared>> -> memref<5632x128xf32, #tpu.memory_space<vmem_shared>>
        tpu.enqueue_indirect_dma source(%arg13 : memref<128x128xf32, #tpu.memory_space<vmem>>) target(%dma_start3A_115 : memref<5632x128xf32, #tpu.memory_space<vmem_shared>>) offsets(%arg9 : memref<128xi32, #tpu.memory_space<vmem>>) semaphore(%run_scoped3A : memref<!tpu.dma_semaphore, #tpu.memory_space<semaphore_mem>>) {add = true}
        %dma_wait3A_116 = arith.constant 0 : i32
        %dma_wait3A_117 = arith.constant 0 : i32
        %dma_wait3A_118 = tpu.memref_slice %arg15[%dma_wait3A_116, %dma_wait3A_117] : memref<5632x128xf32, #tpu.memory_space<vmem_shared>> -> memref<5632x128xf32, #tpu.memory_space<vmem_shared>>
        tpu.wait_indirect_dma semaphore(%run_scoped3A : memref<!tpu.dma_semaphore, #tpu.memory_space<semaphore_mem>>) src(%arg13 : memref<128x128xf32, #tpu.memory_space<vmem>>) dst(%dma_wait3A_118 : memref<5632x128xf32, #tpu.memory_space<vmem_shared>>)
        tpu.yield
      }) : () -> ()
      scf.yield %scan3A_105#0, %scan3A_105#1, %scan3A_105#2, %scan3A_105#3, %scan3A_105#4, %scan3A_105#5, %scan3A_105#6, %scan3A_105#7 : vector<16xf32>, vector<16xf32>, vector<16xf32>, vector<16xf32>, vector<16xf32>, vector<16xf32>, vector<16xf32>, vector<16xf32>
    }
    %scan3A_40 = arith.constant 43 : i32
    %mul3A_41 = arith.constant 320 : i32
    %mul3A_42 = arith.muli %arg1, %mul3A_41 : i32
    %multiple_of3A = tpu.assume_multiple %mul3A_42, 320 : i32
    %mul3A_43 = arith.constant 320 : i32
    %mul3A_44 = arith.muli %add3A, %mul3A_43 : i32
    %multiple_of3A_45 = tpu.assume_multiple %mul3A_44, 320 : i32
    "tpu.region"() ({
      %run_scoped3A = tpu.sem_alloc : memref<!tpu.dma_semaphore, #tpu.memory_space<semaphore_mem>>
      %dma_start3A = arith.constant 0 : i32
      %dma_start3A_46 = tpu.memref_slice %arg6[%multiple_of3A_45, %dma_start3A] : memref<10240x128xf32, #tpu.memory_space<hbm>> -> memref<320x128xf32, #tpu.memory_space<hbm>>
      %dma_start3A_47 = arith.constant 0 : i32
      %dma_start3A_48 = tpu.memref_slice %arg15[%multiple_of3A, %dma_start3A_47] : memref<5632x128xf32, #tpu.memory_space<vmem_shared>> -> memref<320x128xf32, #tpu.memory_space<vmem_shared>>
      tpu.enqueue_dma source(%dma_start3A_48 : memref<320x128xf32, #tpu.memory_space<vmem_shared>>) target(%dma_start3A_46 : memref<320x128xf32, #tpu.memory_space<hbm>>) target_semaphore(%run_scoped3A : memref<!tpu.dma_semaphore, #tpu.memory_space<semaphore_mem>>)
      %dma_wait3A = arith.constant 0 : i32
      %dma_wait3A_49 = tpu.memref_slice %arg6[%multiple_of3A_45, %dma_wait3A] : memref<10240x128xf32, #tpu.memory_space<hbm>> -> memref<320x128xf32, #tpu.memory_space<hbm>>
      %dma_wait3A_50 = arith.constant 0 : i32
      %dma_wait3A_51 = tpu.memref_slice %arg15[%multiple_of3A, %dma_wait3A_50] : memref<5632x128xf32, #tpu.memory_space<vmem_shared>> -> memref<320x128xf32, #tpu.memory_space<vmem_shared>>
      tpu.wait_dma2 semaphore(%run_scoped3A : memref<!tpu.dma_semaphore, #tpu.memory_space<semaphore_mem>>) src(%dma_wait3A_51 : memref<320x128xf32, #tpu.memory_space<vmem_shared>>) dst(%dma_wait3A_49 : memref<320x128xf32, #tpu.memory_space<hbm>>)
      tpu.yield
    }) : () -> ()
    return
  }
}

module attributes {stable_mosaic.version = 14 : i64} {
  func.func @_init_body(%arg0: i32, %arg1: memref<400x128xf32, #tpu.memory_space<vmem>>, %arg2: memref<128x128xf32, #tpu.memory_space<vmem>>, %arg3: memref<128x128xf32, #tpu.memory_space<vmem>>, %arg4: memref<400x128xf32, #tpu.memory_space<vmem>>, %arg5: memref<400x128xf32, #tpu.memory_space<vmem>>) attributes {dimension_semantics = [#tpu.dimension_semantics<arbitrary>], iteration_bounds = array<i64: 25>, scalar_prefetch = 0 : i64, scratch_operands = 0 : i64, tpu.core_type = #tpu.core_type<tc>, window_params = [{transform_indices = @transform_0, window_bounds = array<i64: 400, 128>}, {pipeline_mode = #tpu.pipeline_mode<synchronous>, transform_indices = @transform_1, window_bounds = array<i64: 128, 128>}, {pipeline_mode = #tpu.pipeline_mode<synchronous>, transform_indices = @transform_2, window_bounds = array<i64: 128, 128>}, {transform_indices = @transform_3, window_bounds = array<i64: 400, 128>}, {transform_indices = @transform_4, window_bounds = array<i64: 400, 128>}]} {
    %get3A = arith.constant 0 : index
    %get3A_0 = arith.constant 0 : index
    %get3A_1 = vector.load %arg1[%get3A, %get3A_0] : memref<400x128xf32, #tpu.memory_space<vmem>>, vector<400x128xf32>
    %get3A_2 = arith.constant 0 : index
    %get3A_3 = arith.constant 0 : index
    %get3A_4 = vector.load %arg2[%get3A_2, %get3A_3] : memref<128x128xf32, #tpu.memory_space<vmem>>, vector<128x128xf32>
    %dot_general3A = arith.constant dense<0.000000e+00> : vector<400x128xf32>
    %dot_general3A_5 = tpu.matmul %get3A_1, %get3A_4, %dot_general3A {dimension_numbers = #tpu.dot_dimension_numbers<[1], [0], [0], [1], [0, 0, 1, 1], [], []>, transpose_lhs_hint = false} : vector<400x128xf32>, vector<128x128xf32>, vector<400x128xf32> -> vector<400x128xf32>
    %logistic3A = arith.negf %dot_general3A_5 : vector<400x128xf32>
    %logistic3A_6 = math.exp %logistic3A : vector<400x128xf32>
    %logistic3A_7 = arith.constant 1.000000e+00 : f32
    %logistic3A_8 = vector.broadcast %logistic3A_7 : f32 to vector<400x128xf32>
    %logistic3A_9 = arith.addf %logistic3A_8, %logistic3A_6 : vector<400x128xf32>
    %logistic3A_10 = arith.divf %logistic3A_8, %logistic3A_9 : vector<400x128xf32>
    %swap3A = arith.constant 0 : index
    %swap3A_11 = arith.constant 0 : index
    %swap3A_12 = vector.load %arg4[%swap3A, %swap3A_11] : memref<400x128xf32, #tpu.memory_space<vmem>>, vector<400x128xf32>
    tpu.vector_store %arg4[%swap3A, %swap3A_11], %logistic3A_10 {strides = array<i32>} : memref<400x128xf32, #tpu.memory_space<vmem>>, vector<400x128xf32>,
    %get3A_13 = arith.constant 0 : index
    %get3A_14 = arith.constant 0 : index
    %get3A_15 = vector.load %arg3[%get3A_13, %get3A_14] : memref<128x128xf32, #tpu.memory_space<vmem>>, vector<128x128xf32>
    %dot_general3A_16 = arith.constant dense<0.000000e+00> : vector<400x128xf32>
    %dot_general3A_17 = tpu.matmul %logistic3A_10, %get3A_15, %dot_general3A_16 {dimension_numbers = #tpu.dot_dimension_numbers<[1], [0], [0], [1], [0, 0, 1, 1], [], []>, transpose_lhs_hint = false} : vector<400x128xf32>, vector<128x128xf32>, vector<400x128xf32> -> vector<400x128xf32>
    %swap3A_18 = arith.constant 0 : index
    %swap3A_19 = arith.constant 0 : index
    %swap3A_20 = vector.load %arg5[%swap3A_18, %swap3A_19] : memref<400x128xf32, #tpu.memory_space<vmem>>, vector<400x128xf32>
    tpu.vector_store %arg5[%swap3A_18, %swap3A_19], %dot_general3A_17 {strides = array<i32>} : memref<400x128xf32, #tpu.memory_space<vmem>>, vector<400x128xf32>,
    return
  }
  func.func @transform_0(%arg0: i32) -> (i32, i32) {
    %c0_i32 = arith.constant 0 : i32
    %c0_i32_0 = arith.constant 0 : i32
    return %arg0, %c0_i32 : i32, i32
  }
  func.func @transform_1(%arg0: i32) -> (i32, i32) {
    %c0_i32 = arith.constant 0 : i32
    %c0_i32_0 = arith.constant 0 : i32
    %c0_i32_1 = arith.constant 0 : i32
    return %c0_i32, %c0_i32_0 : i32, i32
  }
  func.func @transform_2(%arg0: i32) -> (i32, i32) {
    %c0_i32 = arith.constant 0 : i32
    %c0_i32_0 = arith.constant 0 : i32
    %c0_i32_1 = arith.constant 0 : i32
    return %c0_i32, %c0_i32_0 : i32, i32
  }
  func.func @transform_3(%arg0: i32) -> (i32, i32) {
    %c0_i32 = arith.constant 0 : i32
    %c0_i32_0 = arith.constant 0 : i32
    return %arg0, %c0_i32 : i32, i32
  }
  func.func @transform_4(%arg0: i32) -> (i32, i32) {
    %c0_i32 = arith.constant 0 : i32
    %c0_i32_0 = arith.constant 0 : i32
    return %arg0, %c0_i32 : i32, i32
  }
}

module attributes {stable_mosaic.version = 14 : i64} {
  func.func @_gru_mid_body(%arg0: i32, %arg1: memref<400x128xf32, #tpu.memory_space<vmem>>, %arg2: memref<400x128xf32, #tpu.memory_space<vmem>>, %arg3: memref<128x384xf32, #tpu.memory_space<vmem>>, %arg4: memref<128x384xf32, #tpu.memory_space<vmem>>, %arg5: memref<1x384xf32, #tpu.memory_space<vmem>>, %arg6: memref<1x384xf32, #tpu.memory_space<vmem>>, %arg7: memref<128x128xf32, #tpu.memory_space<vmem>>, %arg8: memref<400x128xf32, #tpu.memory_space<vmem>>, %arg9: memref<400x128xf32, #tpu.memory_space<vmem>>) attributes {dimension_semantics = [#tpu.dimension_semantics<arbitrary>], iteration_bounds = array<i64: 25>, scalar_prefetch = 0 : i64, scratch_operands = 0 : i64, tpu.core_type = #tpu.core_type<tc>, window_params = [{transform_indices = @transform_0, window_bounds = array<i64: 400, 128>}, {transform_indices = @transform_1, window_bounds = array<i64: 400, 128>}, {pipeline_mode = #tpu.pipeline_mode<synchronous>, transform_indices = @transform_2, window_bounds = array<i64: 128, 384>}, {pipeline_mode = #tpu.pipeline_mode<synchronous>, transform_indices = @transform_3, window_bounds = array<i64: 128, 384>}, {pipeline_mode = #tpu.pipeline_mode<synchronous>, transform_indices = @transform_4, window_bounds = array<i64: 1, 384>}, {pipeline_mode = #tpu.pipeline_mode<synchronous>, transform_indices = @transform_5, window_bounds = array<i64: 1, 384>}, {pipeline_mode = #tpu.pipeline_mode<synchronous>, transform_indices = @transform_6, window_bounds = array<i64: 128, 128>}, {transform_indices = @transform_7, window_bounds = array<i64: 400, 128>}, {transform_indices = @transform_8, window_bounds = array<i64: 400, 128>}]} {
    %get3A = arith.constant 0 : index
    %get3A_0 = arith.constant 0 : index
    %get3A_1 = vector.load %arg1[%get3A, %get3A_0] : memref<400x128xf32, #tpu.memory_space<vmem>>, vector<400x128xf32>
    %get3A_2 = arith.constant 0 : index
    %get3A_3 = arith.constant 0 : index
    %get3A_4 = vector.load %arg2[%get3A_2, %get3A_3] : memref<400x128xf32, #tpu.memory_space<vmem>>, vector<400x128xf32>
    %get3A_5 = arith.constant 0 : index
    %get3A_6 = arith.constant 0 : index
    %get3A_7 = vector.load %arg3[%get3A_5, %get3A_6] : memref<128x384xf32, #tpu.memory_space<vmem>>, vector<128x384xf32>
    %dot_general3A = arith.constant dense<0.000000e+00> : vector<400x384xf32>
    %dot_general3A_8 = tpu.matmul %get3A_1, %get3A_7, %dot_general3A {dimension_numbers = #tpu.dot_dimension_numbers<[1], [0], [0], [1], [0, 0, 1, 1], [], []>, transpose_lhs_hint = false} : vector<400x128xf32>, vector<128x384xf32>, vector<400x384xf32> -> vector<400x384xf32>
    %get3A_9 = arith.constant 0 : index
    %get3A_10 = arith.constant 0 : index
    %get3A_11 = vector.load %arg5[%get3A_9, %get3A_10] : memref<1x384xf32, #tpu.memory_space<vmem>>, vector<1x384xf32>
    %add3A = vector.broadcast %get3A_11 : vector<1x384xf32> to vector<400x384xf32>
    %add3A_12 = arith.addf %dot_general3A_8, %add3A : vector<400x384xf32>
    %get3A_13 = arith.constant 0 : index
    %get3A_14 = arith.constant 0 : index
    %get3A_15 = vector.load %arg4[%get3A_13, %get3A_14] : memref<128x384xf32, #tpu.memory_space<vmem>>, vector<128x384xf32>
    %dot_general3A_16 = arith.constant dense<0.000000e+00> : vector<400x384xf32>
    %dot_general3A_17 = tpu.matmul %get3A_4, %get3A_15, %dot_general3A_16 {dimension_numbers = #tpu.dot_dimension_numbers<[1], [0], [0], [1], [0, 0, 1, 1], [], []>, transpose_lhs_hint = false} : vector<400x128xf32>, vector<128x384xf32>, vector<400x384xf32> -> vector<400x384xf32>
    %get3A_18 = arith.constant 0 : index
    %get3A_19 = arith.constant 0 : index
    %get3A_20 = vector.load %arg6[%get3A_18, %get3A_19] : memref<1x384xf32, #tpu.memory_space<vmem>>, vector<1x384xf32>
    %add3A_21 = vector.broadcast %get3A_20 : vector<1x384xf32> to vector<400x384xf32>
    %add3A_22 = arith.addf %dot_general3A_17, %add3A_21 : vector<400x384xf32>
    %slice3A = vector.extract_strided_slice %add3A_12 {offsets = [0, 0], sizes = [400, 128], strides = [1, 1]} : vector<400x384xf32> to vector<400x128xf32>
    %slice3A_23 = vector.extract_strided_slice %add3A_22 {offsets = [0, 0], sizes = [400, 128], strides = [1, 1]} : vector<400x384xf32> to vector<400x128xf32>
    %add3A_24 = arith.addf %slice3A, %slice3A_23 : vector<400x128xf32>
    %logistic3A = arith.negf %add3A_24 : vector<400x128xf32>
    %logistic3A_25 = math.exp %logistic3A : vector<400x128xf32>
    %logistic3A_26 = arith.constant 1.000000e+00 : f32
    %logistic3A_27 = vector.broadcast %logistic3A_26 : f32 to vector<400x128xf32>
    %logistic3A_28 = arith.addf %logistic3A_27, %logistic3A_25 : vector<400x128xf32>
    %logistic3A_29 = arith.divf %logistic3A_27, %logistic3A_28 : vector<400x128xf32>
    %slice3A_30 = vector.extract_strided_slice %add3A_12 {offsets = [0, 128], sizes = [400, 128], strides = [1, 1]} : vector<400x384xf32> to vector<400x128xf32>
    %slice3A_31 = vector.extract_strided_slice %add3A_22 {offsets = [0, 128], sizes = [400, 128], strides = [1, 1]} : vector<400x384xf32> to vector<400x128xf32>
    %add3A_32 = arith.addf %slice3A_30, %slice3A_31 : vector<400x128xf32>
    %logistic3A_33 = arith.negf %add3A_32 : vector<400x128xf32>
    %logistic3A_34 = math.exp %logistic3A_33 : vector<400x128xf32>
    %logistic3A_35 = arith.constant 1.000000e+00 : f32
    %logistic3A_36 = vector.broadcast %logistic3A_35 : f32 to vector<400x128xf32>
    %logistic3A_37 = arith.addf %logistic3A_36, %logistic3A_34 : vector<400x128xf32>
    %logistic3A_38 = arith.divf %logistic3A_36, %logistic3A_37 : vector<400x128xf32>
    %slice3A_39 = vector.extract_strided_slice %add3A_12 {offsets = [0, 256], sizes = [400, 128], strides = [1, 1]} : vector<400x384xf32> to vector<400x128xf32>
    %slice3A_40 = vector.extract_strided_slice %add3A_22 {offsets = [0, 256], sizes = [400, 128], strides = [1, 1]} : vector<400x384xf32> to vector<400x128xf32>
    %mul3A = arith.mulf %logistic3A_29, %slice3A_40 : vector<400x128xf32>
    %add3A_41 = arith.addf %slice3A_39, %mul3A : vector<400x128xf32>
    %tanh3A = math.tanh %add3A_41 : vector<400x128xf32>
    %sub3A = arith.constant 1.000000e+00 : f32
    %sub3A_42 = vector.broadcast %sub3A : f32 to vector<400x128xf32>
    %sub3A_43 = arith.subf %sub3A_42, %logistic3A_38 : vector<400x128xf32>
    %mul3A_44 = arith.mulf %sub3A_43, %tanh3A : vector<400x128xf32>
    %mul3A_45 = arith.mulf %logistic3A_38, %get3A_4 : vector<400x128xf32>
    %add3A_46 = arith.addf %mul3A_44, %mul3A_45 : vector<400x128xf32>
    %swap3A = arith.constant 0 : index
    %swap3A_47 = arith.constant 0 : index
    %swap3A_48 = vector.load %arg8[%swap3A, %swap3A_47] : memref<400x128xf32, #tpu.memory_space<vmem>>, vector<400x128xf32>
    tpu.vector_store %arg8[%swap3A, %swap3A_47], %add3A_46 {strides = array<i32>} : memref<400x128xf32, #tpu.memory_space<vmem>>, vector<400x128xf32>,
    %get3A_49 = arith.constant 0 : index
    %get3A_50 = arith.constant 0 : index
    %get3A_51 = vector.load %arg7[%get3A_49, %get3A_50] : memref<128x128xf32, #tpu.memory_space<vmem>>, vector<128x128xf32>
    %dot_general3A_52 = arith.constant dense<0.000000e+00> : vector<400x128xf32>
    %dot_general3A_53 = tpu.matmul %add3A_46, %get3A_51, %dot_general3A_52 {dimension_numbers = #tpu.dot_dimension_numbers<[1], [0], [0], [1], [0, 0, 1, 1], [], []>, transpose_lhs_hint = false} : vector<400x128xf32>, vector<128x128xf32>, vector<400x128xf32> -> vector<400x128xf32>
    %swap3A_54 = arith.constant 0 : index
    %swap3A_55 = arith.constant 0 : index
    %swap3A_56 = vector.load %arg9[%swap3A_54, %swap3A_55] : memref<400x128xf32, #tpu.memory_space<vmem>>, vector<400x128xf32>
    tpu.vector_store %arg9[%swap3A_54, %swap3A_55], %dot_general3A_53 {strides = array<i32>} : memref<400x128xf32, #tpu.memory_space<vmem>>, vector<400x128xf32>,
    return
  }
  func.func @transform_0(%arg0: i32) -> (i32, i32) {
    %c0_i32 = arith.constant 0 : i32
    %c0_i32_0 = arith.constant 0 : i32
    return %arg0, %c0_i32 : i32, i32
  }
  func.func @transform_1(%arg0: i32) -> (i32, i32) {
    %c0_i32 = arith.constant 0 : i32
    %c0_i32_0 = arith.constant 0 : i32
    return %arg0, %c0_i32 : i32, i32
  }
  func.func @transform_2(%arg0: i32) -> (i32, i32) {
    %c0_i32 = arith.constant 0 : i32
    %c0_i32_0 = arith.constant 0 : i32
    %c0_i32_1 = arith.constant 0 : i32
    return %c0_i32, %c0_i32_0 : i32, i32
  }
  func.func @transform_3(%arg0: i32) -> (i32, i32) {
    %c0_i32 = arith.constant 0 : i32
    %c0_i32_0 = arith.constant 0 : i32
    %c0_i32_1 = arith.constant 0 : i32
    return %c0_i32, %c0_i32_0 : i32, i32
  }
  func.func @transform_4(%arg0: i32) -> (i32, i32) {
    %c0_i32 = arith.constant 0 : i32
    %c0_i32_0 = arith.constant 0 : i32
    %c0_i32_1 = arith.constant 0 : i32
    return %c0_i32, %c0_i32_0 : i32, i32
  }
  func.func @transform_5(%arg0: i32) -> (i32, i32) {
    %c0_i32 = arith.constant 0 : i32
    %c0_i32_0 = arith.constant 0 : i32
    %c0_i32_1 = arith.constant 0 : i32
    return %c0_i32, %c0_i32_0 : i32, i32
  }
  func.func @transform_6(%arg0: i32) -> (i32, i32) {
    %c0_i32 = arith.constant 0 : i32
    %c0_i32_0 = arith.constant 0 : i32
    %c0_i32_1 = arith.constant 0 : i32
    return %c0_i32, %c0_i32_0 : i32, i32
  }
  func.func @transform_7(%arg0: i32) -> (i32, i32) {
    %c0_i32 = arith.constant 0 : i32
    %c0_i32_0 = arith.constant 0 : i32
    return %arg0, %c0_i32 : i32, i32
  }
  func.func @transform_8(%arg0: i32) -> (i32, i32) {
    %c0_i32 = arith.constant 0 : i32
    %c0_i32_0 = arith.constant 0 : i32
    return %arg0, %c0_i32 : i32, i32
  }
}

module attributes {stable_mosaic.version = 14 : i64} {
  func.func @_gru_head_body(%arg0: i32, %arg1: memref<400x128xf32, #tpu.memory_space<vmem>>, %arg2: memref<400x128xf32, #tpu.memory_space<vmem>>, %arg3: memref<128x384xf32, #tpu.memory_space<vmem>>, %arg4: memref<128x384xf32, #tpu.memory_space<vmem>>, %arg5: memref<1x384xf32, #tpu.memory_space<vmem>>, %arg6: memref<1x384xf32, #tpu.memory_space<vmem>>, %arg7: memref<128x2xf32, #tpu.memory_space<vmem>>, %arg8: memref<1x2xf32, #tpu.memory_space<vmem>>, %arg9: memref<400x2xf32, #tpu.memory_space<vmem>>) attributes {dimension_semantics = [#tpu.dimension_semantics<arbitrary>], iteration_bounds = array<i64: 25>, scalar_prefetch = 0 : i64, scratch_operands = 0 : i64, tpu.core_type = #tpu.core_type<tc>, window_params = [{transform_indices = @transform_0, window_bounds = array<i64: 400, 128>}, {transform_indices = @transform_1, window_bounds = array<i64: 400, 128>}, {pipeline_mode = #tpu.pipeline_mode<synchronous>, transform_indices = @transform_2, window_bounds = array<i64: 128, 384>}, {pipeline_mode = #tpu.pipeline_mode<synchronous>, transform_indices = @transform_3, window_bounds = array<i64: 128, 384>}, {pipeline_mode = #tpu.pipeline_mode<synchronous>, transform_indices = @transform_4, window_bounds = array<i64: 1, 384>}, {pipeline_mode = #tpu.pipeline_mode<synchronous>, transform_indices = @transform_5, window_bounds = array<i64: 1, 384>}, {pipeline_mode = #tpu.pipeline_mode<synchronous>, transform_indices = @transform_6, window_bounds = array<i64: 128, 2>}, {pipeline_mode = #tpu.pipeline_mode<synchronous>, transform_indices = @transform_7, window_bounds = array<i64: 1, 2>}, {transform_indices = @transform_8, window_bounds = array<i64: 400, 2>}]} {
    %get3A = arith.constant 0 : index
    %get3A_0 = arith.constant 0 : index
    %get3A_1 = vector.load %arg1[%get3A, %get3A_0] : memref<400x128xf32, #tpu.memory_space<vmem>>, vector<400x128xf32>
    %get3A_2 = arith.constant 0 : index
    %get3A_3 = arith.constant 0 : index
    %get3A_4 = vector.load %arg2[%get3A_2, %get3A_3] : memref<400x128xf32, #tpu.memory_space<vmem>>, vector<400x128xf32>
    %get3A_5 = arith.constant 0 : index
    %get3A_6 = arith.constant 0 : index
    %get3A_7 = vector.load %arg3[%get3A_5, %get3A_6] : memref<128x384xf32, #tpu.memory_space<vmem>>, vector<128x384xf32>
    %dot_general3A = arith.constant dense<0.000000e+00> : vector<400x384xf32>
    %dot_general3A_8 = tpu.matmul %get3A_1, %get3A_7, %dot_general3A {dimension_numbers = #tpu.dot_dimension_numbers<[1], [0], [0], [1], [0, 0, 1, 1], [], []>, transpose_lhs_hint = false} : vector<400x128xf32>, vector<128x384xf32>, vector<400x384xf32> -> vector<400x384xf32>
    %get3A_9 = arith.constant 0 : index
    %get3A_10 = arith.constant 0 : index
    %get3A_11 = vector.load %arg5[%get3A_9, %get3A_10] : memref<1x384xf32, #tpu.memory_space<vmem>>, vector<1x384xf32>
    %add3A = vector.broadcast %get3A_11 : vector<1x384xf32> to vector<400x384xf32>
    %add3A_12 = arith.addf %dot_general3A_8, %add3A : vector<400x384xf32>
    %get3A_13 = arith.constant 0 : index
    %get3A_14 = arith.constant 0 : index
    %get3A_15 = vector.load %arg4[%get3A_13, %get3A_14] : memref<128x384xf32, #tpu.memory_space<vmem>>, vector<128x384xf32>
    %dot_general3A_16 = arith.constant dense<0.000000e+00> : vector<400x384xf32>
    %dot_general3A_17 = tpu.matmul %get3A_4, %get3A_15, %dot_general3A_16 {dimension_numbers = #tpu.dot_dimension_numbers<[1], [0], [0], [1], [0, 0, 1, 1], [], []>, transpose_lhs_hint = false} : vector<400x128xf32>, vector<128x384xf32>, vector<400x384xf32> -> vector<400x384xf32>
    %get3A_18 = arith.constant 0 : index
    %get3A_19 = arith.constant 0 : index
    %get3A_20 = vector.load %arg6[%get3A_18, %get3A_19] : memref<1x384xf32, #tpu.memory_space<vmem>>, vector<1x384xf32>
    %add3A_21 = vector.broadcast %get3A_20 : vector<1x384xf32> to vector<400x384xf32>
    %add3A_22 = arith.addf %dot_general3A_17, %add3A_21 : vector<400x384xf32>
    %slice3A = vector.extract_strided_slice %add3A_12 {offsets = [0, 0], sizes = [400, 128], strides = [1, 1]} : vector<400x384xf32> to vector<400x128xf32>
    %slice3A_23 = vector.extract_strided_slice %add3A_22 {offsets = [0, 0], sizes = [400, 128], strides = [1, 1]} : vector<400x384xf32> to vector<400x128xf32>
    %add3A_24 = arith.addf %slice3A, %slice3A_23 : vector<400x128xf32>
    %logistic3A = arith.negf %add3A_24 : vector<400x128xf32>
    %logistic3A_25 = math.exp %logistic3A : vector<400x128xf32>
    %logistic3A_26 = arith.constant 1.000000e+00 : f32
    %logistic3A_27 = vector.broadcast %logistic3A_26 : f32 to vector<400x128xf32>
    %logistic3A_28 = arith.addf %logistic3A_27, %logistic3A_25 : vector<400x128xf32>
    %logistic3A_29 = arith.divf %logistic3A_27, %logistic3A_28 : vector<400x128xf32>
    %slice3A_30 = vector.extract_strided_slice %add3A_12 {offsets = [0, 128], sizes = [400, 128], strides = [1, 1]} : vector<400x384xf32> to vector<400x128xf32>
    %slice3A_31 = vector.extract_strided_slice %add3A_22 {offsets = [0, 128], sizes = [400, 128], strides = [1, 1]} : vector<400x384xf32> to vector<400x128xf32>
    %add3A_32 = arith.addf %slice3A_30, %slice3A_31 : vector<400x128xf32>
    %logistic3A_33 = arith.negf %add3A_32 : vector<400x128xf32>
    %logistic3A_34 = math.exp %logistic3A_33 : vector<400x128xf32>
    %logistic3A_35 = arith.constant 1.000000e+00 : f32
    %logistic3A_36 = vector.broadcast %logistic3A_35 : f32 to vector<400x128xf32>
    %logistic3A_37 = arith.addf %logistic3A_36, %logistic3A_34 : vector<400x128xf32>
    %logistic3A_38 = arith.divf %logistic3A_36, %logistic3A_37 : vector<400x128xf32>
    %slice3A_39 = vector.extract_strided_slice %add3A_12 {offsets = [0, 256], sizes = [400, 128], strides = [1, 1]} : vector<400x384xf32> to vector<400x128xf32>
    %slice3A_40 = vector.extract_strided_slice %add3A_22 {offsets = [0, 256], sizes = [400, 128], strides = [1, 1]} : vector<400x384xf32> to vector<400x128xf32>
    %mul3A = arith.mulf %logistic3A_29, %slice3A_40 : vector<400x128xf32>
    %add3A_41 = arith.addf %slice3A_39, %mul3A : vector<400x128xf32>
    %tanh3A = math.tanh %add3A_41 : vector<400x128xf32>
    %sub3A = arith.constant 1.000000e+00 : f32
    %sub3A_42 = vector.broadcast %sub3A : f32 to vector<400x128xf32>
    %sub3A_43 = arith.subf %sub3A_42, %logistic3A_38 : vector<400x128xf32>
    %mul3A_44 = arith.mulf %sub3A_43, %tanh3A : vector<400x128xf32>
    %mul3A_45 = arith.mulf %logistic3A_38, %get3A_4 : vector<400x128xf32>
    %add3A_46 = arith.addf %mul3A_44, %mul3A_45 : vector<400x128xf32>
    %max3A = arith.constant 0.000000e+00 : f32
    %max3A_47 = vector.broadcast %max3A : f32 to vector<400x128xf32>
    %max3A_48 = arith.maximumf %add3A_46, %max3A_47 : vector<400x128xf32>
    %get3A_49 = arith.constant 0 : index
    %get3A_50 = arith.constant 0 : index
    %get3A_51 = vector.load %arg7[%get3A_49, %get3A_50] : memref<128x2xf32, #tpu.memory_space<vmem>>, vector<128x2xf32>
    %dot_general3A_52 = arith.constant dense<0.000000e+00> : vector<400x2xf32>
    %dot_general3A_53 = tpu.matmul %max3A_48, %get3A_51, %dot_general3A_52 {dimension_numbers = #tpu.dot_dimension_numbers<[1], [0], [0], [1], [0, 0, 1, 1], [], []>, transpose_lhs_hint = false} : vector<400x128xf32>, vector<128x2xf32>, vector<400x2xf32> -> vector<400x2xf32>
    %get3A_54 = arith.constant 0 : index
    %get3A_55 = arith.constant 0 : index
    %get3A_56 = vector.load %arg8[%get3A_54, %get3A_55] : memref<1x2xf32, #tpu.memory_space<vmem>>, vector<1x2xf32>
    %add3A_57 = vector.broadcast %get3A_56 : vector<1x2xf32> to vector<400x2xf32>
    %add3A_58 = arith.addf %dot_general3A_53, %add3A_57 : vector<400x2xf32>
    %slice3A_59 = vector.extract_strided_slice %add3A_58 {offsets = [0, 0], sizes = [400, 1], strides = [1, 1]} : vector<400x2xf32> to vector<400x1xf32>
    %slice3A_60 = vector.extract_strided_slice %add3A_58 {offsets = [0, 1], sizes = [400, 1], strides = [1, 1]} : vector<400x2xf32> to vector<400x1xf32>
    %max3A_61 = arith.constant 0.000000e+00 : f32
    %max3A_62 = vector.broadcast %max3A_61 : f32 to vector<400x1xf32>
    %max3A_63 = arith.maximumf %slice3A_60, %max3A_62 : vector<400x1xf32>
    %abs3A = math.absf %slice3A_60 : vector<400x1xf32>
    %neg3A = arith.constant 0.000000e+00 : f32
    %neg3A_64 = vector.broadcast %neg3A : f32 to vector<400x1xf32>
    %neg3A_65 = arith.subf %neg3A_64, %abs3A : vector<400x1xf32>
    %exp3A = math.exp %neg3A_65 : vector<400x1xf32>
    %log1p3A = math.log1p %exp3A : vector<400x1xf32>
    %add3A_66 = arith.addf %max3A_63, %log1p3A : vector<400x1xf32>
    %concatenate3A = tpu.concatenate %slice3A_59, %add3A_66 in 1 : vector<400x1xf32>, vector<400x1xf32> -> vector<400x2xf32>
    %swap3A = arith.constant 0 : index
    %swap3A_67 = arith.constant 0 : index
    %swap3A_68 = vector.load %arg9[%swap3A, %swap3A_67] : memref<400x2xf32, #tpu.memory_space<vmem>>, vector<400x2xf32>
    tpu.vector_store %arg9[%swap3A, %swap3A_67], %concatenate3A {strides = array<i32>} : memref<400x2xf32, #tpu.memory_space<vmem>>, vector<400x2xf32>,
    return
  }
  func.func @transform_0(%arg0: i32) -> (i32, i32) {
    %c0_i32 = arith.constant 0 : i32
    %c0_i32_0 = arith.constant 0 : i32
    return %arg0, %c0_i32 : i32, i32
  }
  func.func @transform_1(%arg0: i32) -> (i32, i32) {
    %c0_i32 = arith.constant 0 : i32
    %c0_i32_0 = arith.constant 0 : i32
    return %arg0, %c0_i32 : i32, i32
  }
  func.func @transform_2(%arg0: i32) -> (i32, i32) {
    %c0_i32 = arith.constant 0 : i32
    %c0_i32_0 = arith.constant 0 : i32
    %c0_i32_1 = arith.constant 0 : i32
    return %c0_i32, %c0_i32_0 : i32, i32
  }
  func.func @transform_3(%arg0: i32) -> (i32, i32) {
    %c0_i32 = arith.constant 0 : i32
    %c0_i32_0 = arith.constant 0 : i32
    %c0_i32_1 = arith.constant 0 : i32
    return %c0_i32, %c0_i32_0 : i32, i32
  }
  func.func @transform_4(%arg0: i32) -> (i32, i32) {
    %c0_i32 = arith.constant 0 : i32
    %c0_i32_0 = arith.constant 0 : i32
    %c0_i32_1 = arith.constant 0 : i32
    return %c0_i32, %c0_i32_0 : i32, i32
  }
  func.func @transform_5(%arg0: i32) -> (i32, i32) {
    %c0_i32 = arith.constant 0 : i32
    %c0_i32_0 = arith.constant 0 : i32
    %c0_i32_1 = arith.constant 0 : i32
    return %c0_i32, %c0_i32_0 : i32, i32
  }
  func.func @transform_6(%arg0: i32) -> (i32, i32) {
    %c0_i32 = arith.constant 0 : i32
    %c0_i32_0 = arith.constant 0 : i32
    %c0_i32_1 = arith.constant 0 : i32
    return %c0_i32, %c0_i32_0 : i32, i32
  }
  func.func @transform_7(%arg0: i32) -> (i32, i32) {
    %c0_i32 = arith.constant 0 : i32
    %c0_i32_0 = arith.constant 0 : i32
    %c0_i32_1 = arith.constant 0 : i32
    return %c0_i32, %c0_i32_0 : i32, i32
  }
  func.func @transform_8(%arg0: i32) -> (i32, i32) {
    %c0_i32 = arith.constant 0 : i32
    %c0_i32_0 = arith.constant 0 : i32
    return %arg0, %c0_i32 : i32, i32
  }
}

module attributes {stable_mosaic.version = 14 : i64} {
  func.func @_sums_body(%arg0: i32, %arg1: memref<400x2xf32, #tpu.memory_space<vmem>>, %arg2: memref<400x1xf32, #tpu.memory_space<vmem>>, %arg3: memref<64x2xf32, #tpu.memory_space<vmem>>) attributes {dimension_semantics = [#tpu.dimension_semantics<arbitrary>], iteration_bounds = array<i64: 25>, scalar_prefetch = 0 : i64, scratch_operands = 0 : i64, tpu.core_type = #tpu.core_type<tc>, window_params = [{transform_indices = @transform_0, window_bounds = array<i64: 400, 2>}, {transform_indices = @transform_1, window_bounds = array<i64: 400, 1>}, {pipeline_mode = #tpu.pipeline_mode<synchronous>, transform_indices = @transform_2, window_bounds = array<i64: 64, 2>}]} {
    %eq3A = arith.constant 0 : i32
    %eq3A_0 = arith.cmpi eq, %arg0, %eq3A : i32
    %convert_element_type3A = arith.extui %eq3A_0 : i1 to i32
    %cond3A = arith.constant 0 : i32
    %cond3A_1 = arith.cmpi ne, %convert_element_type3A, %cond3A : i32
    scf.if %cond3A_1 {
      %broadcast_in_dim3A_19 = arith.constant 0.000000e+00 : f32
      %broadcast_in_dim3A_20 = vector.broadcast %broadcast_in_dim3A_19 : f32 to vector<64x2xf32>
      %swap3A_21 = arith.constant 0 : index
      %swap3A_22 = arith.constant 0 : index
      %swap3A_23 = vector.load %arg3[%swap3A_21, %swap3A_22] : memref<64x2xf32, #tpu.memory_space<vmem>>, vector<64x2xf32>
      tpu.vector_store %arg3[%swap3A_21, %swap3A_22], %broadcast_in_dim3A_20 {strides = array<i32>} : memref<64x2xf32, #tpu.memory_space<vmem>>, vector<64x2xf32>,
    } else {
    }
    %get3A = arith.constant 0 : index
    %get3A_2 = arith.constant 0 : index
    %get3A_3 = vector.load %arg2[%get3A, %get3A_2] : memref<400x1xf32, #tpu.memory_space<vmem>>, vector<400x1xf32>
    %get3A_4 = vector.shape_cast %get3A_3 : vector<400x1xf32> to vector<400xf32>
    %broadcast_in_dim3A = vector.shape_cast %get3A_4 : vector<400xf32> to vector<1x400xf32>
    %iota3A = tpu.iota {dimensions = array<i32: 0>} : vector<64x400xi32>
    %convert_element_type3A_5 = arith.sitofp %iota3A : vector<64x400xi32> to vector<64x400xf32>
    %eq3A_6 = vector.broadcast %broadcast_in_dim3A : vector<1x400xf32> to vector<64x400xf32>
    %eq3A_7 = arith.cmpf oeq, %eq3A_6, %convert_element_type3A_5 : vector<64x400xf32>
    %get3A_8 = arith.constant 0 : index
    %get3A_9 = arith.constant 0 : index
    %get3A_10 = vector.load %arg3[%get3A_8, %get3A_9] : memref<64x2xf32, #tpu.memory_space<vmem>>, vector<64x2xf32>
    %convert_element_type3A_11 = arith.extui %eq3A_7 : vector<64x400xi1> to vector<64x400xi32>
    %convert_element_type3A_12 = arith.sitofp %convert_element_type3A_11 : vector<64x400xi32> to vector<64x400xf32>
    %get3A_13 = arith.constant 0 : index
    %get3A_14 = arith.constant 0 : index
    %get3A_15 = vector.load %arg1[%get3A_13, %get3A_14] : memref<400x2xf32, #tpu.memory_space<vmem>>, vector<400x2xf32>
    %dot_general3A = arith.constant dense<0.000000e+00> : vector<64x2xf32>
    %dot_general3A_16 = tpu.matmul %convert_element_type3A_12, %get3A_15, %dot_general3A {dimension_numbers = #tpu.dot_dimension_numbers<[1], [0], [0], [1], [0, 0, 1, 1], [], []>, precision = #tpu.contract_precision<fp32>, transpose_lhs_hint = false} : vector<64x400xf32>, vector<400x2xf32>, vector<64x2xf32> -> vector<64x2xf32>
    %add3A = arith.addf %get3A_10, %dot_general3A_16 : vector<64x2xf32>
    %swap3A = arith.constant 0 : index
    %swap3A_17 = arith.constant 0 : index
    %swap3A_18 = vector.load %arg3[%swap3A, %swap3A_17] : memref<64x2xf32, #tpu.memory_space<vmem>>, vector<64x2xf32>
    tpu.vector_store %arg3[%swap3A, %swap3A_17], %add3A {strides = array<i32>} : memref<64x2xf32, #tpu.memory_space<vmem>>, vector<64x2xf32>,
    return
  }
  func.func @transform_0(%arg0: i32) -> (i32, i32) {
    %c0_i32 = arith.constant 0 : i32
    %c0_i32_0 = arith.constant 0 : i32
    return %arg0, %c0_i32 : i32, i32
  }
  func.func @transform_1(%arg0: i32) -> (i32, i32) {
    %c0_i32 = arith.constant 0 : i32
    %c0_i32_0 = arith.constant 0 : i32
    return %arg0, %c0_i32 : i32, i32
  }
  func.func @transform_2(%arg0: i32) -> (i32, i32) {
    %c0_i32 = arith.constant 0 : i32
    %c0_i32_0 = arith.constant 0 : i32
    %c0_i32_1 = arith.constant 0 : i32
    return %c0_i32, %c0_i32_0 : i32, i32
  }
}

module attributes {stable_mosaic.version = 14 : i64} {
  func.func @_apply_body(%arg0: i32, %arg1: memref<400x2xf32, #tpu.memory_space<vmem>>, %arg2: memref<400x1xf32, #tpu.memory_space<vmem>>, %arg3: memref<64x2xf32, #tpu.memory_space<vmem>>, %arg4: memref<400x1xf32, #tpu.memory_space<vmem>>) attributes {dimension_semantics = [#tpu.dimension_semantics<arbitrary>], iteration_bounds = array<i64: 25>, scalar_prefetch = 0 : i64, scratch_operands = 0 : i64, tpu.core_type = #tpu.core_type<tc>, window_params = [{transform_indices = @transform_0, window_bounds = array<i64: 400, 2>}, {transform_indices = @transform_1, window_bounds = array<i64: 400, 1>}, {pipeline_mode = #tpu.pipeline_mode<synchronous>, transform_indices = @transform_2, window_bounds = array<i64: 64, 2>}, {transform_indices = @transform_3, window_bounds = array<i64: 400, 1>}]} {
    %get3A = arith.constant 0 : index
    %get3A_0 = arith.constant 0 : index
    %get3A_1 = vector.load %arg2[%get3A, %get3A_0] : memref<400x1xf32, #tpu.memory_space<vmem>>, vector<400x1xf32>
    %get3A_2 = vector.shape_cast %get3A_1 : vector<400x1xf32> to vector<400xf32>
    %broadcast_in_dim3A = vector.shape_cast %get3A_2 : vector<400xf32> to vector<400x1xf32>
    %iota3A = tpu.iota {dimensions = array<i32: 1>} : vector<400x64xi32>
    %convert_element_type3A = arith.sitofp %iota3A : vector<400x64xi32> to vector<400x64xf32>
    %eq3A = vector.broadcast %broadcast_in_dim3A : vector<400x1xf32> to vector<400x64xf32>
    %eq3A_3 = arith.cmpf oeq, %eq3A, %convert_element_type3A : vector<400x64xf32>
    %convert_element_type3A_4 = arith.extui %eq3A_3 : vector<400x64xi1> to vector<400x64xi32>
    %convert_element_type3A_5 = arith.sitofp %convert_element_type3A_4 : vector<400x64xi32> to vector<400x64xf32>
    %get3A_6 = arith.constant 0 : index
    %get3A_7 = arith.constant 0 : index
    %get3A_8 = vector.load %arg3[%get3A_6, %get3A_7] : memref<64x2xf32, #tpu.memory_space<vmem>>, vector<64x2xf32>
    %dot_general3A = arith.constant dense<0.000000e+00> : vector<400x2xf32>
    %dot_general3A_9 = tpu.matmul %convert_element_type3A_5, %get3A_8, %dot_general3A {dimension_numbers = #tpu.dot_dimension_numbers<[1], [0], [0], [1], [0, 0, 1, 1], [], []>, precision = #tpu.contract_precision<fp32>, transpose_lhs_hint = false} : vector<400x64xf32>, vector<64x2xf32>, vector<400x2xf32> -> vector<400x2xf32>
    %get3A_10 = arith.constant 0 : index
    %get3A_11 = arith.constant 0 : index
    %get3A_12 = vector.load %arg1[%get3A_10, %get3A_11] : memref<400x2xf32, #tpu.memory_space<vmem>>, vector<400x1xf32>
    %get3A_13 = arith.constant 0 : index
    %get3A_14 = arith.constant 1 : index
    %get3A_15 = vector.load %arg1[%get3A_13, %get3A_14] : memref<400x2xf32, #tpu.memory_space<vmem>>, vector<400x1xf32>
    %slice3A = vector.extract_strided_slice %dot_general3A_9 {offsets = [0, 0], sizes = [400, 1], strides = [1, 1]} : vector<400x2xf32> to vector<400x1xf32>
    %slice3A_16 = vector.extract_strided_slice %dot_general3A_9 {offsets = [0, 1], sizes = [400, 1], strides = [1, 1]} : vector<400x2xf32> to vector<400x1xf32>
    %div3A = arith.divf %get3A_15, %slice3A_16 : vector<400x1xf32>
    %mul3A = arith.mulf %slice3A, %div3A : vector<400x1xf32>
    %sub3A = arith.subf %get3A_12, %mul3A : vector<400x1xf32>
    %swap3A = arith.constant 0 : index
    %swap3A_17 = arith.constant 0 : index
    %swap3A_18 = vector.load %arg4[%swap3A, %swap3A_17] : memref<400x1xf32, #tpu.memory_space<vmem>>, vector<400x1xf32>
    tpu.vector_store %arg4[%swap3A, %swap3A_17], %sub3A {strides = array<i32>} : memref<400x1xf32, #tpu.memory_space<vmem>>, vector<400x1xf32>,
    return
  }
  func.func @transform_0(%arg0: i32) -> (i32, i32) {
    %c0_i32 = arith.constant 0 : i32
    %c0_i32_0 = arith.constant 0 : i32
    return %arg0, %c0_i32 : i32, i32
  }
  func.func @transform_1(%arg0: i32) -> (i32, i32) {
    %c0_i32 = arith.constant 0 : i32
    %c0_i32_0 = arith.constant 0 : i32
    return %arg0, %c0_i32 : i32, i32
  }
  func.func @transform_2(%arg0: i32) -> (i32, i32) {
    %c0_i32 = arith.constant 0 : i32
    %c0_i32_0 = arith.constant 0 : i32
    %c0_i32_1 = arith.constant 0 : i32
    return %c0_i32, %c0_i32_0 : i32, i32
  }
  func.func @transform_3(%arg0: i32) -> (i32, i32) {
    %c0_i32 = arith.constant 0 : i32
    %c0_i32_0 = arith.constant 0 : i32
    return %arg0, %c0_i32 : i32, i32
  }
}

</mosaic_0001>

<sc_bundles>
// kernel: gather_offload_async_start.1
scs
__scs_entry_jumppad:
0x0: {  	(pc) =	sbr.rel $0x88, $3  }
0x1: {  	(tag) =	ssettag $0x0;
	lr =	simm.s32 $0x1  }
0x2: {  	[smem:$0x3F94] =	sst lr;
	_ =	strace $0xD0000000  }
0x3: {  	_ = 	snop  }
0x4: {  	_ = 	snop  }
0x5: {  	_ = 	snop  }
0x6: {  	_ = 	snop  }
0x7: {  	_ = 	snop  }
__scs_overlays_trampoline_lowered:
0x8: {  	[smem:$0x3FA3] =	sst s0  }
0x9: {  	[smem:$0x3FA4] =	sst s1  }
0xa: {  	[smem:$0x3FA5] =	sst s2  }
0xb: {  	[smem:$0x3FA6] =	sst s3  }
0xc: {  	[smem:$0x3FA7] =	sst s4  }
0xd: {  	[smem:$0x3FA8] =	sst s5  }
0xe: {  	[smem:$0x3FA9] =	sst s6  }
0xf: {  	[smem:$0x3FAA] =	sst s7  }
0x10: {  	[smem:$0x3FAB] =	sst s8  }
0x11: {  	[smem:$0x3FAC] =	sst s9;
	s0 =	simm.s32 @!p0 $0x0  }
0x12: {  	s1 =	sld [smem:$0x3F92];
	s0 =	simm.s32 @p0 $0x1  }
0x13: {  	[smem:$0x3FAD] =	sst s0;
	s0 =	simm.s32 @!p1 $0x0  }
0x14: {  	s2 =	sld [smem:$0x3F91];
	s0 =	simm.s32 @p1 $0x1  }
0x15: {  	[smem:$0x3FAE] =	sst s0;
	s0 =	simm.s32 @!p2 $0x0  }
0x16: {  	s3 =	sld [smem:$0x3FDB];
	s0 =	simm.s32 @p2 $0x1  }
0x17: {  	s4 =	simm.s32 $0x1BF5;
	[smem:$0x3FB0] =	sst s0  }
0x18: {  	s0 =	sld [smem:$0x3F93];
	_ =	swait.ge [sflag:s4], $0x0  }
0x19: {  	s7 =	sld [smem:$0x3F94]  }
0x1a: {  	s8 =	sadd.s32 $0xFFFFE003, lr  }
0x1b: {  	s9 =	sadd.s32 $0xFFFFFEF7, lr;
	s5 =	simm.s32 $0xFFFFFFFF;
	p2 =	slt.u32 s8, $0xFFFFF086  }
0x1c: {  	p1 =	slt.u32 s9, $0xF7A;
	s5 =	simm.s32 @!p2 $0x0  }
0x1d: {  	s5 =	simm.s32 @p1 $0x1;
	p0 =	seq.s32 s7, s2  }
0x1e: {  	s7 =	smul.u32 @!p0 $0xF7A, s2;
	p2 =	seq.s32 @!p0 s5, $0x0  }
0x1f: {  	s9 =	smul.u32 $0xF7A, s1;
	s8 =	simm.s32 @!p0 $0x1BF5;
	p2 =	por !p2, p0  }
0x20: {  	[sflag:s8] =	ssyncset.s32 @!p0 $0xFFFFF086;
	s6 =	sadd.s32 @!p0 s3, s7;
	s7 =	simm.s32 @!p0 $0x108  }
0x21: {  	s3 =	sadd.s32 s3, s9;
	s6 =	sadd.s32 @!p0 $0x88, s6;
	s7 =	simm.s32 @p2 $0x1082  }
0x22: {  	[simem:s7], [sflag:s8] =	dma.local @!p0 [hbm:s6], $0xF7A  }
0x23: {  	s9 =	sor.u32 $0xD0000000, s2;
	s6 =	simm.s32 $0x108;
	_ =	swait.ge @!p0 [sflag:s8], $0x0  }
0x24: {  	s3 =	sadd.s32 $0x88, s3;
	s6 =	simm.s32 @!p1 $0x1082;
	[sflag:s4] =	ssyncset.s32 $0xFFFFF086  }
0x25: {  	[simem:s6], [sflag:s4] =	dma.local [hbm:s3], $0xF7A  }
0x26: {  	[smem:$0x3F94] =	sst s1;
	(tag) =	ssettag s2;
	_ =	strace s9  }
0x27: {  	s1 =	sld [smem:$0x3FA4]  }
0x28: {  	s2 =	sld [smem:$0x3FA5]  }
0x29: {  	s4 =	sld [smem:$0x3FA7]  }
0x2a: {  	p0 =	seq.s32 s5, $0x0;
	s5 =	sld [smem:$0x3FA8]  }
0x2b: {  	s6 =	sld [smem:$0x3FA9]  }
0x2c: {  	s7 =	sld [smem:$0x3FAA]  }
0x2d: {  	s3 =	simm.s32 $0x108;
	s8 =	sld [smem:$0x3FAB]  }
0x2e: {  	s3 =	simm.s32 @!p0 $0x1082;
	s9 =	sld [smem:$0x3FAC]  }
0x2f: {  	lr =	sadd.s32 s0, s3;
	s0 =	sld [smem:$0x3FA3]  }
0x30: {  	s3 =	sld [smem:$0x3FA6]  }
0x31: {  	[smem:$0x3FAF] =	sst s10  }
0x32: {  	s10 =	sld [smem:$0x3FAD];
	_ =	sdelay $0x3  }
0x33: {  	p0 =	seq.s32 s10, $0x1;
	s10 =	sld [smem:$0x3FAF];
	_ =	sdelay $0x3  }
0x34: {  	[smem:$0x3FAF] =	sst s10  }
0x35: {  	s10 =	sld [smem:$0x3FAE];
	_ =	sdelay $0x3  }
0x36: {  	p1 =	seq.s32 s10, $0x1;
	s10 =	sld [smem:$0x3FAF];
	_ =	sdelay $0x3  }
0x37: {  	[smem:$0x3FAF] =	sst s10  }
0x38: {  	s10 =	sld [smem:$0x3FB0]  }
0x39: {  	_ = 	snop;
	(pc) =	sbr.ind lr, $3  }
0x3a: {  	_ = 	snop  }
0x3b: {  	_ = 	snop  }
0x3c: {  	p2 =	seq.s32 s10, $0x1;
	s10 =	sld [smem:$0x3FAF]  }
0x3d: {  	_ =	shalt  }
0x3e: {  	_ =	shalt  }
0x3f: {  	_ =	shalt  }
0x40: {  	_ =	shalt  }
0x41: {  	_ =	shalt  }
0x42: {  	_ =	shalt  }
0x43: {  	_ =	shalt  }
0x44: {  	_ =	shalt  }
0x45: {  	_ =	shalt  }
0x46: {  	_ =	shalt  }
0x47: {  	_ =	shalt  }
0x48: {  	_ =	shalt  }
0x49: {  	_ =	shalt  }
0x4a: {  	_ =	shalt  }
0x4b: {  	_ =	shalt  }
0x4c: {  	_ =	shalt  }
0x4d: {  	_ =	shalt  }
0x4e: {  	_ =	shalt  }
0x4f: {  	_ =	shalt  }
0x50: {  	_ =	shalt  }
0x51: {  	_ =	shalt  }
0x52: {  	_ =	shalt  }
0x53: {  	_ =	shalt  }
0x54: {  	_ =	shalt  }
0x55: {  	_ =	shalt  }
0x56: {  	_ =	shalt  }
0x57: {  	_ =	shalt  }
0x58: {  	_ =	shalt  }
0x59: {  	_ =	shalt  }
0x5a: {  	_ =	shalt  }
0x5b: {  	_ =	shalt  }
0x5c: {  	_ =	shalt  }
0x5d: {  	_ =	shalt  }
0x5e: {  	_ =	shalt  }
0x5f: {  	_ =	shalt  }
0x60: {  	_ =	shalt  }
0x61: {  	_ =	shalt  }
0x62: {  	_ =	shalt  }
0x63: {  	_ =	shalt  }
0x64: {  	_ =	shalt  }
0x65: {  	_ =	shalt  }
0x66: {  	_ =	shalt  }
0x67: {  	_ =	shalt  }
0x68: {  	_ =	shalt  }
0x69: {  	_ =	shalt  }
0x6a: {  	_ =	shalt  }
0x6b: {  	_ =	shalt  }
0x6c: {  	_ =	shalt  }
0x6d: {  	_ =	shalt  }
0x6e: {  	_ =	shalt  }
0x6f: {  	_ =	shalt  }
0x70: {  	_ =	shalt  }
0x71: {  	_ =	shalt  }
0x72: {  	_ =	shalt  }
0x73: {  	_ =	shalt  }
0x74: {  	_ =	shalt  }
0x75: {  	_ =	shalt  }
0x76: {  	_ =	shalt  }
0x77: {  	_ =	shalt  }
0x78: {  	_ =	shalt  }
0x79: {  	_ =	shalt  }
0x7a: {  	_ =	shalt  }
0x7b: {  	_ =	shalt  }
0x7c: {  	_ =	shalt  }
0x7d: {  	_ =	shalt  }
0x7e: {  	_ =	shalt  }
0x7f: {  	_ =	shalt  }
0x80: {  	_ =	shalt  }
0x81: {  	_ =	shalt  }
0x82: {  	_ =	shalt  }
0x83: {  	_ =	shalt  }
0x84: {  	_ =	shalt  }
0x85: {  	_ =	shalt  }
0x86: {  	_ =	shalt  }
0x87: {  	_ =	shalt  }
.Lfunc_end0:
.L_simem_size_0:
called_computation.1_lowered:
.L_overlay_start_0:
0x88: {  	s2 =	sld [smem:$0x3FD9]  }
0x89: {  	s3 =	sld [smem:$0x3FFE];
	_ =	sdelay $0x1  }
0x8a: {  	s1 =	srdreg.scid  }
0x8b: {  	s0 =	sand.u32 $0x1, s1  }
0x8c: {  	s16 =	sshll.u32 s0, $0xA;
	s2 =	sadd.s32 s3, s2  }
0x8d: {  	s2 =	sadd.s32 s2, s16  }
0x8e: {  	[smem:$0x3FBB] =	sst s2  }
0x8f: {  	_ = 	snop  }
0x90: {  	(tm) =	ssettm $0x1  }
0x91: {  	s17 =	sld [smem:$0x3FFB];
	_ =	sdelay $0x3  }
0x92: {  	_ =	strace s17  }
0x93: {  	s2 =	sld [smem:$0x3FFC];
	_ =	sdelay $0x3  }
0x94: {  	_ =	strace s2  }
0x95: {  	s2 =	sld [smem:$0x3FFD];
	_ =	sdelay $0x3  }
0x96: {  	_ =	strace s2  }
0x97: {  	_ =	strace $0x8FFFFFFF  }
0x98: {  	s18 =	sld [smem:$0x3FDB];
	_ =	sdelay $0x1  }
0x99: {  	s19 =	simm.s32 $_scs_section_size  }
0x9a: {  	s4 =	simm.s32 $_size__tile_overlayer_lowered;
	s5 =	simm.s32 $_tile_overlayer_lowered  }
0x9b: {  	s22 =	simm.s32 $0x1BFF;
	s21 =	sshll.u32 s5, $0x1;
	s2 =	sadd.s32 s19, s18  }
0x9c: {  	s6 =	simm.s32 $0x0;
	s20 =	sshll.u32 s4, $0x1;
	s4 =	sadd.s32 s21, s2  }
0x9d: {  	[timem:s6], [sflag:s22] =	dma.local [hbm:s4], s20  }
0x9e: {  	_ =	swait.ge [sflag:s22], s20  }
0x9f: {  	s3 =	ssub.s32 $0x0, s20;
	[sflag:s22] =	ssyncset.done $0x0  }
0xa0: {  	[sflag:s22] =	ssyncadd.s32 s3;
	_ =	sdelay $0x1  }
0xa1: {  	s23 =	simm.s32 $0x1B8B  }
0xa2: {  	_ =	swait.ge [sflag:s23], $0x1  }
0xa3: {  	[sflag:s23] =	ssyncset.done $0x0  }
0xa4: {  	s25 =	simm.s32 $0x1B8E;
	s24 =	sld [smem:$0x3FFE];
	[sflag:s23] =	ssyncadd.s32 $0xFFFFFFFF  }
0xa5: {  	s26 =	simm.s32 $execute0_lowered;
	[smem:$0x3FD2] =	sst s25  }
0xa6: {  	s4 =	sshll.u32 s26, $0x1;
	_ =	strace $0x80000046;
	[dreg:$0x1] =	wrdreg $0xFFFFFFFF  }
0xa7: {  	s28 =	simm.s32 $_size_execute0_lowered;
	s2 =	sadd.s32 s2, s4;
	[dreg:$0x0] =	wrdreg $0x0  }
0xa8: {  	s4 =	sshll.u32 s28, $0x1;
	[dreg:$0x2] =	wrdreg s2  }
0xa9: {  	[dreg:$0x3] =	wrdreg s4  }
0xaa: {  	[dreg:$0x4] =	wrdreg $0xC0  }
0xab: {  	_ =	task [dreg:s6], $0x5FFFF  }
0xac: {  	[dreg:$0x1] =	wrdreg $0xFFFFFFFF  }
0xad: {  	[dreg:$0x0] =	wrdreg $0x60  }
0xae: {  	[dreg:$0x2] =	wrdreg s24  }
0xaf: {  	[dreg:$0x3] =	wrdreg $0x9  }
0xb0: {  	_ =	task.clear_ibuf [dreg:s6], $0x4FFFF;
	_ =	strace $0x90000046  }
0xb1: {  	s29 =	simm.s32 $0x9;
	_ =	strace $0x80000048  }
0xb2: {  	_ =	swait.ge [sflag:s29], $0x1  }
0xb3: {  	[sflag:s29] =	ssyncadd.s32 $0xFFFFFFFF  }
0xb4: {  	_ =	strace $0x90000048  }
0xb5: {  	_ =	sfence  }
0xb6: {  	s30 =	sld [smem:$0x0];
	_ =	sdelay $0x2  }
0xb7: {  	s31 =	sshll.u32 s1, $0xD;
	s1 =	sshrl.u32 s1, $0x2  }
0xb8: {  	s3 =	sand.u32 $0x4000, s31;
	s1 =	sadd.s32 s1, s30  }
0xb9: {  	s0 =	sor.u32 s3, s0;
	s1 =	sshll.u32 s1, $0x11  }
0xba: {  	s0 =	sor.u32 s1, s0  }
0xbb: {  	s0 =	sadd.s32 $0x8F2B, s0  }
0xbc: {  	[sflag:s0] =	ssyncadd.remote.s32 $0x1  }
0xbd: {  	_ =	sfence.sel $0xFFFF  }
0xbe: {  	[dreg:$0x0] =	wrdreg $0xFFFFFFFF;
	(pc) =	sbr.abs _section_cstart, $3  }
0xbf: {  	[dreg:$0x1] =	wrdreg $0xFFFFFFFF  }
0xc0: {  	_ =	task.clear_ibuf [dreg:s6], $0x2FFFF;
	_ =	strace $0x9FFFFFFF  }
0xc1: {  	(tm) =	ssettm $0x7FFFFFFF  }
tec
execute0_lowered:
.L_overlay_start_1:
0x0: {  	(tag) =	ssettag $0x1  }
0x1: {  	s8 =	rddreg [dreg:$0x0]  }
0x2: {  	s0 =	rddreg [dreg:$0x1];
	_ =	strace $0x80000047;
	s1 =	stileid.u32  }
0x3: {  	s3 =	srdreg.scid;
	s4 =	simm.s32 $0x1;
	s7 =	simm.s32 $0x1  }
0x4: {  	s9 =	simm.s32 $0x1;
	s10 =	simm.s32 $0x3;
	s13 =	simm.s32 $0x0  }
0x5: {  	s12 =	simm.s32 $0x0;
	s5 =	sand.u32 $0x1, s3;
	s6 =	sshll.u32 s1, $0x1  }
0x6: {  	s2 =	sadd.s32 $0x10400, s8;
	s3 =	sadd.s32 $0x1A200, s8;
	s5 =	sor.u32 s6, s5  }
.Ltmp0:
0x7: {  	[sflag:s4] =	ssyncpa.u1 $0x0;
	p0 =	slt.u32 s5, $0x9;
	(pc) =	sbr.rel .LBB2_1-.Ltmp0, $4  }
0x8: {  	s6 =	simm.s32 $0x2;
	s7 =	simm.s32 @!p0 $0x0;
	p0 =	sne.s32 s5, $0x8  }
0x9: {  	[sflag:s6] =	ssyncpa.u1 $0x0;
	s5 =	smul.u32 $0x1F40, s5;
	s9 =	simm.s32 @!p0 $0x0  }
0xa: {  	s8 =	sadd.s32 $0x25000, s8;
	[sflag:s10] =	ssyncpa.u1 $0x0;
	s7 =	sadd.s32 s9, s7  }
0xb: {  	vm0 =	vmmov $0xffff;
	s10 =	simm.s32 $0x0;
	s11 =	smov.u32 s5;
	s9 =	sadd.s32 $0x1, s7  }
.LBB2_4:
0xc: {  	v2 =	vnsel vm1, $0x0, v2  }
0xd: {  	vm1 =	vgt.s32 v0, $0x0;
	v2 =	vmin.u32 v2, $0x4E1FF  }
0xe: {  	v0 =	vnsel vm1, $0x0, v0  }
0xf: {  	v0 =	vmin.u32 v0, $0x4E1FF  }
0x10: {  	[tilespmem:s18], [sflag:$0x1] =	stream.indirect_vreg.gather [hbm4b:s2+s10], $0x1, v1, vm0, $0x4038;
	[tilespmem:$0x7D00] =	vst v63  }
0x11: {  	(ifvalue) =	ssetifvalue $0x7FFFFFFF  }
0x12: {  	[tilespmem:s15], [sflag:$0x1] =	stream.indirect_vreg.gather [hbm4b:s2+s10], $0x1, v2, vm0, $0x4038;
	[tilespmem:$0x7D00] =	vst v63  }
0x13: {  	s29 =	sadd.s32 $0x10, s15;
	(ifvalue) =	ssetifvalue $0x7FFFFFFF  }
0x14: {  	[tilespmem:s29], [sflag:$0x1] =	stream.indirect_vreg.gather [hbm4b:s2+s10], $0x1, v0, vm0, $0x4038;
	[tilespmem:$0x7D00] =	vst v63  }
0x15: {  	_ =	swait.ge [sflag:s4], $0x1F40  }
0x16: {  	s30 =	sshrl.u32 s13, $0x3;
	[sflag:s4] =	ssyncset.done $0x0  }
0x17: {  	s31 =	sand.u32 $0x7, s13;
	s15 =	sadd.s32 s8, s30;
	[sflag:s4] =	ssyncadd.s32 $0xFFFFE0C0  }
0x18: {  	[hbm4b:s15+s31] =	stream.linear.scatter [tilespmem:s14], [sflag:$0x3], $0x1F40, $0x38;
	[tilespmem:$0x7D00] =	vst v63  }
.LBB2_5:
0x19: {  	s15 =	sadd.s32 $0x3E800, s11  }
0x1a: {  	p1 =	sgt.s32 s15, $0x4E1FF  }
0x1b: {  	s15 =	smov.u32 @p1 s5;
	p1 =	sne.s32 s12, s9  }
.Ltmp1:
0x1c: {  	p0 =	slt.u32 s12, $0x2;
	(pc) =	sbr.rel @!p1 .LBB2_6-.Ltmp1, $4  }
0x1d: {  	s14 =	simm.s32 @!p0 $0x3  }
0x1e: {  	_ =	swait.ge @!p0 [sflag:s14], $0x1F40  }
0x1f: {  	s16 =	sadd.s32 $0x1, s12;
	s13 =	smov.u32 s11;
	[sflag:s14] =	ssyncset.done @!p0 $0x0  }
0x20: {  	s12 =	smov.u32 s16;
	s11 =	smov.u32 s15;
	[sflag:s14] =	ssyncadd.s32 @!p0 $0xFFFFE0C0  }
.LBB2_1:
0x21: {  	p0 =	sge.u32 s12, s7  }
0x22: {  	s14 =	sxor.u32 @!p0 $0x1, s12  }
0x23: {  	s14 =	smul.u32 @!p0 $0x7D00, s14  }
0x24: {  	s31 =	sadd.s32 $0xFFFFFFFF, s12;
	s15 =	sshrl.u32 @!p0 s11, $0x3  }
0x25: {  	s16 =	sand.u32 @!p0 $0x7, s11;
	s15 =	sadd.s32 @!p0 s3, s15;
	s14 =	sshra.s32 @!p0 s14, $0x2  }
0x26: {  	[tilespmem:s14], [sflag:$0x2] =	stream.linear.gather @!p0 [hbm4b:s15+s16], $0x1F40, $0x38;
	[tilespmem:$0x7D00] =	vst v63  }
0x27: {  	p0 =	sge.u32 s31, s7  }
.Ltmp2:
0x28: {  	_ = 	snop;
	(pc) =	sbr.rel @p0 .LBB2_5-.Ltmp2, $1  }
0x29: {  	_ =	sdelay $0x3  }
0x2a: {  	s14 =	sand.u32 $0x1, s12  }
0x2b: {  	_ =	swait.ge [sflag:s6], $0x1F40;
	p0 =	seq.s32 s14, $0x1;
	s14 =	simm.s32 $0x1F40  }
0x2c: {  	[sflag:s6] =	ssyncset.done $0x0;
	s14 =	simm.s32 @!p0 $0x0  }
0x2d: {  	[sflag:s6] =	ssyncadd.s32 $0xFFFFE0C0;
	(ifvalue) =	ssetifvalue $0x7FFFFFFF;
	v0 =	vld.msk [tilespmem:s14+$0x0 ss:$0x1], $0xffff;
	_ =	sdelay $0x4  }
0x2e: {  	s15 =	sadd.s32 $0x10, s14;
	vm1 =	vgt.s32 v0, $0x0  }
0x2f: {  	v2 =	vld.msk [tilespmem:s15+$0x0 ss:$0x1], $0xffff;
	v1 =	vnsel vm1, $0x0, v0  }
0x30: {  	v1 =	vmin.u32 v1, $0x4E1FF;
	_ =	sdelay $0x2  }
0x31: {  	s17 =	simm.s32 $0x20;
	s14 =	sadd.s32 $0x3E80, s14;
	s16 =	sadd.s32 $0x10, s15  }
0x32: {  	s15 =	sadd.s32 $0x10, s14;
	s18 =	smov.u32 s14;
	v0 =	vld.msk [tilespmem:s16+$0x0 ss:$0x1], $0xffff;
	vm1 =	vgt.s32 v2, $0x0;
	(ifvalue) =	ssetifvalue $0x7FFFFFFF  }
.LBB2_3:
0x33: {  	[tilespmem:s18], [sflag:$0x1] =	stream.indirect_vreg.gather [hbm4b:s2+s10], $0x1, v1, vm0, $0x4038;
	[tilespmem:$0x7D00] =	vst v63  }
0x34: {  	s17 =	sadd.s32 $0x10, s17  }
0x35: {  	v2 =	vnsel vm1, $0x0, v2;
	p0 =	slt.u32 s17, $0x1F30  }
.Ltmp3:
0x36: {  	s18 =	smov.u32 s15;
	v1 =	vmin.u32 v2, $0x4E1FF;
	(pc) =	sbr.rel @p0 .LBB2_3-.Ltmp3, $3  }
0x37: {  	_ =	sdelay $0x1  }
0x38: {  	s16 =	sadd.s32 $0x10, s16  }
0x39: {  	vm1 =	vgt.s32 v0, $0x0;
	s15 =	sadd.s32 $0x10, s15;
	v2 =	vmov v0;
	(ifvalue) =	ssetifvalue $0x7FFFFFFF;
	v0 =	vld.msk [tilespmem:s16+$0x0 ss:$0x1], $0xffff  }
.Ltmp4:
0x3a: {  	_ = 	snop;
	(pc) =	sbr.rel .LBB2_4-.Ltmp4, $1  }
0x3b: {  	_ =	sdelay $0x3  }
.LBB2_6:
0x3c: {  	_ =	sfence.sel $0x180000  }
0x3d: {  	s2 =	simm.s32 $0x2;
	[bflag:$0x0] =	sbarrier.arrive $0xFFFF  }
0x3e: {  	s30 =	simm.s32 $0x3;
	[sflag:s2] =	ssyncpa.u1 $0x1  }
0x3f: {  	s31 =	simm.s32 $0x1;
	[sflag:s30] =	ssyncpa.u1 $0x1  }
0x40: {  	[sflag:s31] =	ssyncpa.u1 $0x1  }
0x41: {  	p0 =	sne.s32 s1, $0x0;
	_ =	strace $0x90000047  }
0x42: {  	s0 =	sadd.s32 @!p0 $0x100000, s0;
	[bflag:$0x2] =	sbarrier.arrive $0xFFFF  }
0x43: {  	[sflag:s0] =	ssyncadd.tile.s32 @!p0 $0x1;
	_ =	shalt  }
.Lfunc_end2:
_tile_overlayer_lowered:
.L_overlay_start_2:
0x44: {  	(tag) =	ssettag $0x2  }
0x45: {  	s0 =	rddreg [dreg:$0x0];
	s2 =	stileid.u32  }
0x46: {  	s1 =	rddreg [dreg:$0x1];
	p0 =	sne.s32 s2, $0x0  }
0x47: {  	s3 =	rddreg [dreg:$0x2];
	[bflag:$0x3] =	sbarrier.arrive $0xFFFF;
	s2 =	simm.s32 @!p0 $0x1C01  }
0x48: {  	[timem:s3], [sflag:s2] =	dma.local @!p0 [hbm:s0], s1  }
0x49: {  	s0 =	simm.s32 @!p0 $0x1  }
0x4a: {  	_ =	swait.ge @!p0 [sflag:s0], s1  }
0x4b: {  	s1 =	ssub.s32 @!p0 $0x0, s1;
	[sflag:s0] =	ssyncset.done @!p0 $0x0  }
0x4c: {  	[sflag:s0] =	ssyncadd.s32 @!p0 s1  }
0x4d: {  	[bflag:$0x3] =	sbarrier.arrive $0xFFFF  }
0x4e: {  	_ =	shalt  }

// kernel: gather_offload_async_start.2
scs
__scs_entry_jumppad:
0x0: {  	(pc) =	sbr.rel $0x88, $3  }
0x1: {  	(tag) =	ssettag $0x0;
	lr =	simm.s32 $0x1  }
0x2: {  	[smem:$0x3F94] =	sst lr;
	_ =	strace $0xD0000000  }
0x3: {  	_ = 	snop  }
0x4: {  	_ = 	snop  }
0x5: {  	_ = 	snop  }
0x6: {  	_ = 	snop  }
0x7: {  	_ = 	snop  }
__scs_overlays_trampoline_lowered:
0x8: {  	[smem:$0x3FA3] =	sst s0  }
0x9: {  	[smem:$0x3FA4] =	sst s1  }
0xa: {  	[smem:$0x3FA5] =	sst s2  }
0xb: {  	[smem:$0x3FA6] =	sst s3  }
0xc: {  	[smem:$0x3FA7] =	sst s4  }
0xd: {  	[smem:$0x3FA8] =	sst s5  }
0xe: {  	[smem:$0x3FA9] =	sst s6  }
0xf: {  	[smem:$0x3FAA] =	sst s7  }
0x10: {  	[smem:$0x3FAB] =	sst s8  }
0x11: {  	[smem:$0x3FAC] =	sst s9;
	s0 =	simm.s32 @!p0 $0x0  }
0x12: {  	s1 =	sld [smem:$0x3F92];
	s0 =	simm.s32 @p0 $0x1  }
0x13: {  	[smem:$0x3FAD] =	sst s0;
	s0 =	simm.s32 @!p1 $0x0  }
0x14: {  	s2 =	sld [smem:$0x3F91];
	s0 =	simm.s32 @p1 $0x1  }
0x15: {  	[smem:$0x3FAE] =	sst s0;
	s0 =	simm.s32 @!p2 $0x0  }
0x16: {  	s3 =	sld [smem:$0x3FDB];
	s0 =	simm.s32 @p2 $0x1  }
0x17: {  	s4 =	simm.s32 $0x1BF5;
	[smem:$0x3FB0] =	sst s0  }
0x18: {  	s0 =	sld [smem:$0x3F93];
	_ =	swait.ge [sflag:s4], $0x0  }
0x19: {  	s7 =	sld [smem:$0x3F94]  }
0x1a: {  	s8 =	sadd.s32 $0xFFFFE003, lr  }
0x1b: {  	s9 =	sadd.s32 $0xFFFFFEF7, lr;
	s5 =	simm.s32 $0xFFFFFFFF;
	p2 =	slt.u32 s8, $0xFFFFF086  }
0x1c: {  	p1 =	slt.u32 s9, $0xF7A;
	s5 =	simm.s32 @!p2 $0x0  }
0x1d: {  	s5 =	simm.s32 @p1 $0x1;
	p0 =	seq.s32 s7, s2  }
0x1e: {  	s7 =	smul.u32 @!p0 $0xF7A, s2;
	p2 =	seq.s32 @!p0 s5, $0x0  }
0x1f: {  	s9 =	smul.u32 $0xF7A, s1;
	s8 =	simm.s32 @!p0 $0x1BF5;
	p2 =	por !p2, p0  }
0x20: {  	[sflag:s8] =	ssyncset.s32 @!p0 $0xFFFFF086;
	s6 =	sadd.s32 @!p0 s3, s7;
	s7 =	simm.s32 @!p0 $0x108  }
0x21: {  	s3 =	sadd.s32 s3, s9;
	s6 =	sadd.s32 @!p0 $0x88, s6;
	s7 =	simm.s32 @p2 $0x1082  }
0x22: {  	[simem:s7], [sflag:s8] =	dma.local @!p0 [hbm:s6], $0xF7A  }
0x23: {  	s9 =	sor.u32 $0xD0000000, s2;
	s6 =	simm.s32 $0x108;
	_ =	swait.ge @!p0 [sflag:s8], $0x0  }
0x24: {  	s3 =	sadd.s32 $0x88, s3;
	s6 =	simm.s32 @!p1 $0x1082;
	[sflag:s4] =	ssyncset.s32 $0xFFFFF086  }
0x25: {  	[simem:s6], [sflag:s4] =	dma.local [hbm:s3], $0xF7A  }
0x26: {  	[smem:$0x3F94] =	sst s1;
	(tag) =	ssettag s2;
	_ =	strace s9  }
0x27: {  	s1 =	sld [smem:$0x3FA4]  }
0x28: {  	s2 =	sld [smem:$0x3FA5]  }
0x29: {  	s4 =	sld [smem:$0x3FA7]  }
0x2a: {  	p0 =	seq.s32 s5, $0x0;
	s5 =	sld [smem:$0x3FA8]  }
0x2b: {  	s6 =	sld [smem:$0x3FA9]  }
0x2c: {  	s7 =	sld [smem:$0x3FAA]  }
0x2d: {  	s3 =	simm.s32 $0x108;
	s8 =	sld [smem:$0x3FAB]  }
0x2e: {  	s3 =	simm.s32 @!p0 $0x1082;
	s9 =	sld [smem:$0x3FAC]  }
0x2f: {  	lr =	sadd.s32 s0, s3;
	s0 =	sld [smem:$0x3FA3]  }
0x30: {  	s3 =	sld [smem:$0x3FA6]  }
0x31: {  	[smem:$0x3FAF] =	sst s10  }
0x32: {  	s10 =	sld [smem:$0x3FAD];
	_ =	sdelay $0x3  }
0x33: {  	p0 =	seq.s32 s10, $0x1;
	s10 =	sld [smem:$0x3FAF];
	_ =	sdelay $0x3  }
0x34: {  	[smem:$0x3FAF] =	sst s10  }
0x35: {  	s10 =	sld [smem:$0x3FAE];
	_ =	sdelay $0x3  }
0x36: {  	p1 =	seq.s32 s10, $0x1;
	s10 =	sld [smem:$0x3FAF];
	_ =	sdelay $0x3  }
0x37: {  	[smem:$0x3FAF] =	sst s10  }
0x38: {  	s10 =	sld [smem:$0x3FB0]  }
0x39: {  	_ = 	snop;
	(pc) =	sbr.ind lr, $3  }
0x3a: {  	_ = 	snop  }
0x3b: {  	_ = 	snop  }
0x3c: {  	p2 =	seq.s32 s10, $0x1;
	s10 =	sld [smem:$0x3FAF]  }
0x3d: {  	_ =	shalt  }
0x3e: {  	_ =	shalt  }
0x3f: {  	_ =	shalt  }
0x40: {  	_ =	shalt  }
0x41: {  	_ =	shalt  }
0x42: {  	_ =	shalt  }
0x43: {  	_ =	shalt  }
0x44: {  	_ =	shalt  }
0x45: {  	_ =	shalt  }
0x46: {  	_ =	shalt  }
0x47: {  	_ =	shalt  }
0x48: {  	_ =	shalt  }
0x49: {  	_ =	shalt  }
0x4a: {  	_ =	shalt  }
0x4b: {  	_ =	shalt  }
0x4c: {  	_ =	shalt  }
0x4d: {  	_ =	shalt  }
0x4e: {  	_ =	shalt  }
0x4f: {  	_ =	shalt  }
0x50: {  	_ =	shalt  }
0x51: {  	_ =	shalt  }
0x52: {  	_ =	shalt  }
0x53: {  	_ =	shalt  }
0x54: {  	_ =	shalt  }
0x55: {  	_ =	shalt  }
0x56: {  	_ =	shalt  }
0x57: {  	_ =	shalt  }
0x58: {  	_ =	shalt  }
0x59: {  	_ =	shalt  }
0x5a: {  	_ =	shalt  }
0x5b: {  	_ =	shalt  }
0x5c: {  	_ =	shalt  }
0x5d: {  	_ =	shalt  }
0x5e: {  	_ =	shalt  }
0x5f: {  	_ =	shalt  }
0x60: {  	_ =	shalt  }
0x61: {  	_ =	shalt  }
0x62: {  	_ =	shalt  }
0x63: {  	_ =	shalt  }
0x64: {  	_ =	shalt  }
0x65: {  	_ =	shalt  }
0x66: {  	_ =	shalt  }
0x67: {  	_ =	shalt  }
0x68: {  	_ =	shalt  }
0x69: {  	_ =	shalt  }
0x6a: {  	_ =	shalt  }
0x6b: {  	_ =	shalt  }
0x6c: {  	_ =	shalt  }
0x6d: {  	_ =	shalt  }
0x6e: {  	_ =	shalt  }
0x6f: {  	_ =	shalt  }
0x70: {  	_ =	shalt  }
0x71: {  	_ =	shalt  }
0x72: {  	_ =	shalt  }
0x73: {  	_ =	shalt  }
0x74: {  	_ =	shalt  }
0x75: {  	_ =	shalt  }
0x76: {  	_ =	shalt  }
0x77: {  	_ =	shalt  }
0x78: {  	_ =	shalt  }
0x79: {  	_ =	shalt  }
0x7a: {  	_ =	shalt  }
0x7b: {  	_ =	shalt  }
0x7c: {  	_ =	shalt  }
0x7d: {  	_ =	shalt  }
0x7e: {  	_ =	shalt  }
0x7f: {  	_ =	shalt  }
0x80: {  	_ =	shalt  }
0x81: {  	_ =	shalt  }
0x82: {  	_ =	shalt  }
0x83: {  	_ =	shalt  }
0x84: {  	_ =	shalt  }
0x85: {  	_ =	shalt  }
0x86: {  	_ =	shalt  }
0x87: {  	_ =	shalt  }
.Lfunc_end0:
.L_simem_size_0:
called_computation.2_lowered:
.L_overlay_start_0:
0x88: {  	s2 =	sld [smem:$0x3FD9]  }
0x89: {  	s3 =	sld [smem:$0x3FFE];
	_ =	sdelay $0x1  }
0x8a: {  	s1 =	srdreg.scid  }
0x8b: {  	s0 =	sand.u32 $0x1, s1  }
0x8c: {  	s17 =	sshll.u32 s0, $0xA;
	s2 =	sadd.s32 s3, s2  }
0x8d: {  	s2 =	sadd.s32 s2, s17  }
0x8e: {  	[smem:$0x3FBB] =	sst s2  }
0x8f: {  	_ = 	snop  }
0x90: {  	(tm) =	ssettm $0x1  }
0x91: {  	s18 =	sld [smem:$0x3FFB];
	_ =	sdelay $0x3  }
0x92: {  	_ =	strace s18  }
0x93: {  	s2 =	sld [smem:$0x3FFC];
	_ =	sdelay $0x3  }
0x94: {  	_ =	strace s2  }
0x95: {  	s2 =	sld [smem:$0x3FFD];
	_ =	sdelay $0x3  }
0x96: {  	_ =	strace s2  }
0x97: {  	_ =	strace $0x8FFFFFFF  }
0x98: {  	s19 =	sld [smem:$0x3FDB];
	_ =	sdelay $0x1  }
0x99: {  	s20 =	simm.s32 $_scs_section_size  }
0x9a: {  	s4 =	simm.s32 $_size__tile_overlayer_lowered;
	s5 =	simm.s32 $_tile_overlayer_lowered  }
0x9b: {  	s6 =	simm.s32 $0x1BFF;
	s21 =	sshll.u32 s5, $0x1;
	s3 =	sadd.s32 s20, s19  }
0x9c: {  	s22 =	simm.s32 $0x0;
	s4 =	sshll.u32 s4, $0x1;
	s5 =	sadd.s32 s21, s3  }
0x9d: {  	[timem:s22], [sflag:s6] =	dma.local [hbm:s5], s4  }
0x9e: {  	_ =	swait.ge [sflag:s6], s4  }
0x9f: {  	s4 =	ssub.s32 $0x0, s4;
	[sflag:s6] =	ssyncset.done $0x0  }
0xa0: {  	[sflag:s6] =	ssyncadd.s32 s4;
	_ =	sdelay $0x1  }
0xa1: {  	s23 =	simm.s32 $0x1B8B  }
0xa2: {  	_ =	swait.ge [sflag:s23], $0x1  }
0xa3: {  	[sflag:s23] =	ssyncset.done $0x0  }
0xa4: {  	[sflag:s23] =	ssyncadd.s32 $0xFFFFFFFF  }
0xa5: {  	s4 =	sld [smem:$0x0]  }
0xa6: {  	s5 =	sand.u32 $0xFFFFFFFE, s1  }
0xa7: {  	p0 =	sne.s32 s1, s5  }
0xa8: {  	s5 =	sshll.u32 @p0 s5, $0xE  }
0xa9: {  	s5 =	sadd.s32 @p0 $0x11B8D, s5;
	s6 =	sshll.u32 @p0 s4, $0x11  }
0xaa: {  	s5 =	sor.u32 @p0 s6, s5  }
0xab: {  	[sflag:s5] =	ssyncadd.remote.s32 @p0 $0x1;
	_ =	sdelay $0x1  }
0xac: {  	s5 =	simm.s32 @p0 $0x1B8D  }
0xad: {  	_ =	swait.eq @p0 [sflag:s5], $0x1  }
0xae: {  	[sflag:s5] =	ssyncadd.s32 @p0 $0xFFFFFFFF  }
0xaf: {  	s6 =	sshll.u32 @!p0 s1, $0xE  }
0xb0: {  	s6 =	sor.u32 @!p0 $0x4000, s6;
	s5 =	simm.s32 @!p0 $0x1B8D  }
0xb1: {  	s4 =	sshll.u32 @!p0 s4, $0x11;
	s6 =	sadd.s32 @!p0 $0x11B8D, s6;
	_ =	swait.eq @!p0 [sflag:s5], $0x1  }
0xb2: {  	s4 =	sor.u32 @!p0 s4, s6;
	[sflag:s5] =	ssyncadd.s32 @!p0 $0xFFFFFFFF  }
0xb3: {  	s25 =	simm.s32 $0x1B8E;
	s24 =	sld [smem:$0x3FFE];
	[sflag:s4] =	ssyncadd.remote.s32 @!p0 $0x1  }
0xb4: {  	s26 =	simm.s32 $execute0_lowered;
	[smem:$0x3FD2] =	sst s25  }
0xb5: {  	s5 =	sshll.u32 s26, $0x1;
	_ =	strace $0x80000055;
	[dreg:$0x1] =	wrdreg $0xFFFFFFFF  }
0xb6: {  	s28 =	simm.s32 $_size_execute0_lowered;
	s3 =	sadd.s32 s3, s5;
	[dreg:$0x0] =	wrdreg $0x0  }
0xb7: {  	s5 =	sshll.u32 s28, $0x1;
	[dreg:$0x2] =	wrdreg s3  }
0xb8: {  	[dreg:$0x3] =	wrdreg s5  }
0xb9: {  	[dreg:$0x4] =	wrdreg $0xC0  }
0xba: {  	_ =	task [dreg:s22], $0x5FFFF  }
0xbb: {  	[dreg:$0x1] =	wrdreg $0xFFFFFFFF  }
0xbc: {  	[dreg:$0x0] =	wrdreg $0x60  }
0xbd: {  	[dreg:$0x2] =	wrdreg s24  }
0xbe: {  	[dreg:$0x3] =	wrdreg $0xA  }
0xbf: {  	_ =	task.clear_ibuf [dreg:s22], $0x4FFFF;
	_ =	strace $0x90000055  }
0xc0: {  	s29 =	simm.s32 $0xA;
	_ =	strace $0x80000057  }
0xc1: {  	_ =	swait.ge [sflag:s29], $0x1  }
0xc2: {  	[sflag:s29] =	ssyncadd.s32 $0xFFFFFFFF  }
0xc3: {  	_ =	strace $0x90000057  }
0xc4: {  	_ =	sfence  }
0xc5: {  	s30 =	sld [smem:$0x0];
	_ =	sdelay $0x2  }
0xc6: {  	s31 =	sshll.u32 s1, $0xD;
	s1 =	sshrl.u32 s1, $0x2  }
0xc7: {  	s4 =	sand.u32 $0x4000, s31;
	s1 =	sadd.s32 s1, s30  }
0xc8: {  	s0 =	sor.u32 s4, s0;
	s1 =	sshll.u32 s1, $0x11  }
0xc9: {  	s0 =	sor.u32 s1, s0  }
0xca: {  	s0 =	sadd.s32 $0x8F2B, s0  }
0xcb: {  	[sflag:s0] =	ssyncadd.remote.s32 $0x1  }
0xcc: {  	_ =	sfence.sel $0xFFFF  }
0xcd: {  	[dreg:$0x0] =	wrdreg $0xFFFFFFFF;
	(pc) =	sbr.abs _section_cstart, $3  }
0xce: {  	[dreg:$0x1] =	wrdreg $0xFFFFFFFF  }
0xcf: {  	_ =	task.clear_ibuf [dreg:s22], $0x2FFFF;
	_ =	strace $0x9FFFFFFF  }
0xd0: {  	(tm) =	ssettm $0x7FFFFFFF  }
0xd1: {  	_ =	shalt  }
tec
execute0_lowered:
.L_overlay_start_1:
0x0: {  	(tag) =	ssettag $0x1  }
0x1: {  	s0 =	stileid.u32;
	s1 =	srdreg.scid  }
0x2: {  	s1 =	sand.u32 $0x1, s1;
	s2 =	sshll.u32 s0, $0x1  }
0x3: {  	s1 =	sor.u32 s2, s1  }
0x4: {  	s2 =	smul.u32 $0x1580, s1;
	_ =	sdelay $0x1  }
0x5: {  	s6 =	ssub.s32 $0x56000, s2  }
0x6: {  	s31 =	smulhi.u32 $0xBE83, s6  }
0x7: {  	s8 =	rddreg [dreg:$0x0];
	s5 =	simm.s32 $0x1;
	s10 =	simm.s32 $0x3  }
0x8: {  	s13 =	simm.s32 $0x0;
	s12 =	simm.s32 $0x0;
	s7 =	sshrl.u32 s31, $0x1  }
0x9: {  	s3 =	sadd.s32 $0x8BC00, s8;
	s4 =	sadd.s32 $0x56000, s8;
	s9 =	smul.u32 $0x2B000, s7  }
.Ltmp0:
0xa: {  	s8 =	sadd.s32 $0x13000, s8;
	s1 =	rddreg [dreg:$0x1];
	(pc) =	sbr.rel .LBB2_1-.Ltmp0, $4  }
0xb: {  	_ =	strace $0x80000056;
	p0 =	sne.s32 s6, s9;
	s9 =	simm.s32 $0x1  }
0xc: {  	[sflag:s5] =	ssyncpa.u1 $0x0;
	s6 =	simm.s32 $0x2;
	s9 =	simm.s32 @!p0 $0x0  }
0xd: {  	s11 =	smov.u32 s2;
	[sflag:s6] =	ssyncpa.u1 $0x0;
	s7 =	sadd.s32 s9, s7  }
0xe: {  	vm0 =	vmmov $0xffff;
	[sflag:s10] =	ssyncpa.u1 $0x0;
	s10 =	simm.s32 $0x0;
	s9 =	sadd.s32 $0x1, s7  }
.LBB2_4:
0xf: {  	v2 =	vnsel vm1, $0x0, v2  }
0x10: {  	vm1 =	vgt.s32 v0, $0x0;
	v2 =	vmin.u32 v2, $0x4E1FF  }
0x11: {  	v0 =	vnsel vm1, $0x0, v0  }
0x12: {  	v0 =	vmin.u32 v0, $0x4E1FF  }
0x13: {  	[tilespmem:s18], [sflag:$0x1] =	stream.indirect_vreg.gather [hbm4b:s3+s10], $0x1, v1, vm0, $0x4038;
	[tilespmem:$0x5600] =	vst v63  }
0x14: {  	(ifvalue) =	ssetifvalue $0x7FFFFFFF  }
0x15: {  	[tilespmem:s15], [sflag:$0x1] =	stream.indirect_vreg.gather [hbm4b:s3+s10], $0x1, v2, vm0, $0x4038;
	[tilespmem:$0x5600] =	vst v63  }
0x16: {  	s29 =	sadd.s32 $0x10, s15;
	(ifvalue) =	ssetifvalue $0x7FFFFFFF  }
0x17: {  	[tilespmem:s29], [sflag:$0x1] =	stream.indirect_vreg.gather [hbm4b:s3+s10], $0x1, v0, vm0, $0x4038;
	[tilespmem:$0x5600] =	vst v63  }
0x18: {  	_ =	swait.ge [sflag:s5], $0x1580  }
0x19: {  	s30 =	sshrl.u32 s13, $0x3;
	[sflag:s5] =	ssyncset.done $0x0  }
0x1a: {  	s31 =	sand.u32 $0x7, s13;
	s15 =	sadd.s32 s8, s30;
	[sflag:s5] =	ssyncadd.s32 $0xFFFFEA80  }
0x1b: {  	[hbm4b:s15+s31] =	stream.linear.scatter [tilespmem:s14], [sflag:$0x3], $0x1580, $0x38;
	[tilespmem:$0x5600] =	vst v63  }
.LBB2_5:
0x1c: {  	s15 =	sadd.s32 $0x2B000, s11  }
0x1d: {  	p1 =	sgt.s32 s15, $0x55FFF  }
0x1e: {  	s15 =	smov.u32 @p1 s2;
	p1 =	sne.s32 s12, s9  }
.Ltmp1:
0x1f: {  	p0 =	slt.u32 s12, $0x2;
	(pc) =	sbr.rel @!p1 .LBB2_6-.Ltmp1, $4  }
0x20: {  	s14 =	simm.s32 @!p0 $0x3  }
0x21: {  	_ =	swait.ge @!p0 [sflag:s14], $0x1580  }
0x22: {  	s16 =	sadd.s32 $0x1, s12;
	s13 =	smov.u32 s11;
	[sflag:s14] =	ssyncset.done @!p0 $0x0  }
0x23: {  	s12 =	smov.u32 s16;
	s11 =	smov.u32 s15;
	[sflag:s14] =	ssyncadd.s32 @!p0 $0xFFFFEA80  }
.LBB2_1:
0x24: {  	p0 =	sge.u32 s12, s7  }
0x25: {  	s14 =	sxor.u32 @!p0 $0xFFFFFFFF, s12  }
0x26: {  	s14 =	sand.u32 @!p0 $0x1, s14  }
0x27: {  	s14 =	smul.u32 @!p0 $0x5600, s14  }
0x28: {  	s31 =	sadd.s32 $0xFFFFFFFF, s12;
	s15 =	sshrl.u32 @!p0 s11, $0x3  }
0x29: {  	s16 =	sand.u32 @!p0 $0x7, s11;
	s15 =	sadd.s32 @!p0 s4, s15;
	s14 =	sshrl.u32 @!p0 s14, $0x2  }
0x2a: {  	[tilespmem:s14], [sflag:$0x2] =	stream.linear.gather @!p0 [hbm4b:s15+s16], $0x1580, $0x38;
	[tilespmem:$0x5600] =	vst v63  }
0x2b: {  	p0 =	sge.u32 s31, s7  }
.Ltmp2:
0x2c: {  	_ = 	snop;
	(pc) =	sbr.rel @p0 .LBB2_5-.Ltmp2, $1  }
0x2d: {  	_ =	sdelay $0x3  }
0x2e: {  	s14 =	sand.u32 $0x1, s12  }
0x2f: {  	_ =	swait.ge [sflag:s6], $0x1580;
	p0 =	seq.s32 s14, $0x1;
	s14 =	simm.s32 $0x1580  }
0x30: {  	[sflag:s6] =	ssyncset.done $0x0;
	s14 =	simm.s32 @!p0 $0x0  }
0x31: {  	[sflag:s6] =	ssyncadd.s32 $0xFFFFEA80;
	(ifvalue) =	ssetifvalue $0x7FFFFFFF;
	v0 =	vld.msk [tilespmem:s14+$0x0 ss:$0x1], $0xffff;
	_ =	sdelay $0x4  }
0x32: {  	s15 =	sadd.s32 $0x10, s14;
	vm1 =	vgt.s32 v0, $0x0  }
0x33: {  	v2 =	vld.msk [tilespmem:s15+$0x0 ss:$0x1], $0xffff;
	v1 =	vnsel vm1, $0x0, v0  }
0x34: {  	v1 =	vmin.u32 v1, $0x4E1FF;
	_ =	sdelay $0x2  }
0x35: {  	s17 =	simm.s32 $0x20;
	s14 =	sadd.s32 $0x2B00, s14;
	s16 =	sadd.s32 $0x10, s15  }
0x36: {  	s15 =	sadd.s32 $0x10, s14;
	s18 =	smov.u32 s14;
	v0 =	vld.msk [tilespmem:s16+$0x0 ss:$0x1], $0xffff;
	vm1 =	vgt.s32 v2, $0x0;
	(ifvalue) =	ssetifvalue $0x7FFFFFFF  }
.LBB2_3:
0x37: {  	[tilespmem:s18], [sflag:$0x1] =	stream.indirect_vreg.gather [hbm4b:s3+s10], $0x1, v1, vm0, $0x4038;
	[tilespmem:$0x5600] =	vst v63  }
0x38: {  	s17 =	sadd.s32 $0x10, s17  }
0x39: {  	v2 =	vnsel vm1, $0x0, v2;
	p0 =	slt.u32 s17, $0x1570  }
.Ltmp3:
0x3a: {  	s18 =	smov.u32 s15;
	v1 =	vmin.u32 v2, $0x4E1FF;
	(pc) =	sbr.rel @p0 .LBB2_3-.Ltmp3, $3  }
0x3b: {  	_ =	sdelay $0x1  }
0x3c: {  	s16 =	sadd.s32 $0x10, s16  }
0x3d: {  	vm1 =	vgt.s32 v0, $0x0;
	s15 =	sadd.s32 $0x10, s15;
	v2 =	vmov v0;
	(ifvalue) =	ssetifvalue $0x7FFFFFFF;
	v0 =	vld.msk [tilespmem:s16+$0x0 ss:$0x1], $0xffff  }
.Ltmp4:
0x3e: {  	_ = 	snop;
	(pc) =	sbr.rel .LBB2_4-.Ltmp4, $1  }
0x3f: {  	_ =	sdelay $0x3  }
.LBB2_6:
0x40: {  	_ =	sfence.sel $0x180000  }
0x41: {  	s2 =	simm.s32 $0x2;
	[bflag:$0x0] =	sbarrier.arrive $0xFFFF  }
0x42: {  	s30 =	simm.s32 $0x3;
	[sflag:s2] =	ssyncpa.u1 $0x1  }
0x43: {  	s31 =	simm.s32 $0x1;
	[sflag:s30] =	ssyncpa.u1 $0x1  }
0x44: {  	[sflag:s31] =	ssyncpa.u1 $0x1  }
0x45: {  	p0 =	sne.s32 s0, $0x0;
	_ =	strace $0x90000056  }
0x46: {  	s0 =	sadd.s32 @!p0 $0x100000, s1;
	[bflag:$0x2] =	sbarrier.arrive $0xFFFF  }
0x47: {  	[sflag:s0] =	ssyncadd.tile.s32 @!p0 $0x1;
	_ =	shalt  }
.Lfunc_end2:
_tile_overlayer_lowered:
.L_overlay_start_2:
0x48: {  	(tag) =	ssettag $0x2  }
0x49: {  	s0 =	rddreg [dreg:$0x0];
	s2 =	stileid.u32  }
0x4a: {  	s1 =	rddreg [dreg:$0x1];
	p0 =	sne.s32 s2, $0x0  }
0x4b: {  	s3 =	rddreg [dreg:$0x2];
	[bflag:$0x3] =	sbarrier.arrive $0xFFFF;
	s2 =	simm.s32 @!p0 $0x1C01  }
0x4c: {  	[timem:s3], [sflag:s2] =	dma.local @!p0 [hbm:s0], s1  }
0x4d: {  	s0 =	simm.s32 @!p0 $0x1  }
0x4e: {  	_ =	swait.ge @!p0 [sflag:s0], s1  }
0x4f: {  	s1 =	ssub.s32 @!p0 $0x0, s1;
	[sflag:s0] =	ssyncset.done @!p0 $0x0  }
0x50: {  	[sflag:s0] =	ssyncadd.s32 @!p0 s1  }
0x51: {  	[bflag:$0x3] =	sbarrier.arrive $0xFFFF  }
0x52: {  	_ =	shalt  }

// kernel: gather_offload_async_start.3
scs
__scs_entry_jumppad:
0x0: {  	(pc) =	sbr.rel $0x88, $3  }
0x1: {  	(tag) =	ssettag $0x0;
	lr =	simm.s32 $0x1  }
0x2: {  	[smem:$0x3F94] =	sst lr;
	_ =	strace $0xD0000000  }
0x3: {  	_ = 	snop  }
0x4: {  	_ = 	snop  }
0x5: {  	_ = 	snop  }
0x6: {  	_ = 	snop  }
0x7: {  	_ = 	snop  }
__scs_overlays_trampoline_lowered:
0x8: {  	[smem:$0x3FA3] =	sst s0  }
0x9: {  	[smem:$0x3FA4] =	sst s1  }
0xa: {  	[smem:$0x3FA5] =	sst s2  }
0xb: {  	[smem:$0x3FA6] =	sst s3  }
0xc: {  	[smem:$0x3FA7] =	sst s4  }
0xd: {  	[smem:$0x3FA8] =	sst s5  }
0xe: {  	[smem:$0x3FA9] =	sst s6  }
0xf: {  	[smem:$0x3FAA] =	sst s7  }
0x10: {  	[smem:$0x3FAB] =	sst s8  }
0x11: {  	[smem:$0x3FAC] =	sst s9;
	s0 =	simm.s32 @!p0 $0x0  }
0x12: {  	s1 =	sld [smem:$0x3F92];
	s0 =	simm.s32 @p0 $0x1  }
0x13: {  	[smem:$0x3FAD] =	sst s0;
	s0 =	simm.s32 @!p1 $0x0  }
0x14: {  	s2 =	sld [smem:$0x3F91];
	s0 =	simm.s32 @p1 $0x1  }
0x15: {  	[smem:$0x3FAE] =	sst s0;
	s0 =	simm.s32 @!p2 $0x0  }
0x16: {  	s3 =	sld [smem:$0x3FDB];
	s0 =	simm.s32 @p2 $0x1  }
0x17: {  	s4 =	simm.s32 $0x1BF5;
	[smem:$0x3FB0] =	sst s0  }
0x18: {  	s0 =	sld [smem:$0x3F93];
	_ =	swait.ge [sflag:s4], $0x0  }
0x19: {  	s7 =	sld [smem:$0x3F94]  }
0x1a: {  	s8 =	sadd.s32 $0xFFFFE003, lr  }
0x1b: {  	s9 =	sadd.s32 $0xFFFFFEF7, lr;
	s5 =	simm.s32 $0xFFFFFFFF;
	p2 =	slt.u32 s8, $0xFFFFF086  }
0x1c: {  	p1 =	slt.u32 s9, $0xF7A;
	s5 =	simm.s32 @!p2 $0x0  }
0x1d: {  	s5 =	simm.s32 @p1 $0x1;
	p0 =	seq.s32 s7, s2  }
0x1e: {  	s7 =	smul.u32 @!p0 $0xF7A, s2;
	p2 =	seq.s32 @!p0 s5, $0x0  }
0x1f: {  	s9 =	smul.u32 $0xF7A, s1;
	s8 =	simm.s32 @!p0 $0x1BF5;
	p2 =	por !p2, p0  }
0x20: {  	[sflag:s8] =	ssyncset.s32 @!p0 $0xFFFFF086;
	s6 =	sadd.s32 @!p0 s3, s7;
	s7 =	simm.s32 @!p0 $0x108  }
0x21: {  	s3 =	sadd.s32 s3, s9;
	s6 =	sadd.s32 @!p0 $0x88, s6;
	s7 =	simm.s32 @p2 $0x1082  }
0x22: {  	[simem:s7], [sflag:s8] =	dma.local @!p0 [hbm:s6], $0xF7A  }
0x23: {  	s9 =	sor.u32 $0xD0000000, s2;
	s6 =	simm.s32 $0x108;
	_ =	swait.ge @!p0 [sflag:s8], $0x0  }
0x24: {  	s3 =	sadd.s32 $0x88, s3;
	s6 =	simm.s32 @!p1 $0x1082;
	[sflag:s4] =	ssyncset.s32 $0xFFFFF086  }
0x25: {  	[simem:s6], [sflag:s4] =	dma.local [hbm:s3], $0xF7A  }
0x26: {  	[smem:$0x3F94] =	sst s1;
	(tag) =	ssettag s2;
	_ =	strace s9  }
0x27: {  	s1 =	sld [smem:$0x3FA4]  }
0x28: {  	s2 =	sld [smem:$0x3FA5]  }
0x29: {  	s4 =	sld [smem:$0x3FA7]  }
0x2a: {  	p0 =	seq.s32 s5, $0x0;
	s5 =	sld [smem:$0x3FA8]  }
0x2b: {  	s6 =	sld [smem:$0x3FA9]  }
0x2c: {  	s7 =	sld [smem:$0x3FAA]  }
0x2d: {  	s3 =	simm.s32 $0x108;
	s8 =	sld [smem:$0x3FAB]  }
0x2e: {  	s3 =	simm.s32 @!p0 $0x1082;
	s9 =	sld [smem:$0x3FAC]  }
0x2f: {  	lr =	sadd.s32 s0, s3;
	s0 =	sld [smem:$0x3FA3]  }
0x30: {  	s3 =	sld [smem:$0x3FA6]  }
0x31: {  	[smem:$0x3FAF] =	sst s10  }
0x32: {  	s10 =	sld [smem:$0x3FAD];
	_ =	sdelay $0x3  }
0x33: {  	p0 =	seq.s32 s10, $0x1;
	s10 =	sld [smem:$0x3FAF];
	_ =	sdelay $0x3  }
0x34: {  	[smem:$0x3FAF] =	sst s10  }
0x35: {  	s10 =	sld [smem:$0x3FAE];
	_ =	sdelay $0x3  }
0x36: {  	p1 =	seq.s32 s10, $0x1;
	s10 =	sld [smem:$0x3FAF];
	_ =	sdelay $0x3  }
0x37: {  	[smem:$0x3FAF] =	sst s10  }
0x38: {  	s10 =	sld [smem:$0x3FB0]  }
0x39: {  	_ = 	snop;
	(pc) =	sbr.ind lr, $3  }
0x3a: {  	_ = 	snop  }
0x3b: {  	_ = 	snop  }
0x3c: {  	p2 =	seq.s32 s10, $0x1;
	s10 =	sld [smem:$0x3FAF]  }
0x3d: {  	_ =	shalt  }
0x3e: {  	_ =	shalt  }
0x3f: {  	_ =	shalt  }
0x40: {  	_ =	shalt  }
0x41: {  	_ =	shalt  }
0x42: {  	_ =	shalt  }
0x43: {  	_ =	shalt  }
0x44: {  	_ =	shalt  }
0x45: {  	_ =	shalt  }
0x46: {  	_ =	shalt  }
0x47: {  	_ =	shalt  }
0x48: {  	_ =	shalt  }
0x49: {  	_ =	shalt  }
0x4a: {  	_ =	shalt  }
0x4b: {  	_ =	shalt  }
0x4c: {  	_ =	shalt  }
0x4d: {  	_ =	shalt  }
0x4e: {  	_ =	shalt  }
0x4f: {  	_ =	shalt  }
0x50: {  	_ =	shalt  }
0x51: {  	_ =	shalt  }
0x52: {  	_ =	shalt  }
0x53: {  	_ =	shalt  }
0x54: {  	_ =	shalt  }
0x55: {  	_ =	shalt  }
0x56: {  	_ =	shalt  }
0x57: {  	_ =	shalt  }
0x58: {  	_ =	shalt  }
0x59: {  	_ =	shalt  }
0x5a: {  	_ =	shalt  }
0x5b: {  	_ =	shalt  }
0x5c: {  	_ =	shalt  }
0x5d: {  	_ =	shalt  }
0x5e: {  	_ =	shalt  }
0x5f: {  	_ =	shalt  }
0x60: {  	_ =	shalt  }
0x61: {  	_ =	shalt  }
0x62: {  	_ =	shalt  }
0x63: {  	_ =	shalt  }
0x64: {  	_ =	shalt  }
0x65: {  	_ =	shalt  }
0x66: {  	_ =	shalt  }
0x67: {  	_ =	shalt  }
0x68: {  	_ =	shalt  }
0x69: {  	_ =	shalt  }
0x6a: {  	_ =	shalt  }
0x6b: {  	_ =	shalt  }
0x6c: {  	_ =	shalt  }
0x6d: {  	_ =	shalt  }
0x6e: {  	_ =	shalt  }
0x6f: {  	_ =	shalt  }
0x70: {  	_ =	shalt  }
0x71: {  	_ =	shalt  }
0x72: {  	_ =	shalt  }
0x73: {  	_ =	shalt  }
0x74: {  	_ =	shalt  }
0x75: {  	_ =	shalt  }
0x76: {  	_ =	shalt  }
0x77: {  	_ =	shalt  }
0x78: {  	_ =	shalt  }
0x79: {  	_ =	shalt  }
0x7a: {  	_ =	shalt  }
0x7b: {  	_ =	shalt  }
0x7c: {  	_ =	shalt  }
0x7d: {  	_ =	shalt  }
0x7e: {  	_ =	shalt  }
0x7f: {  	_ =	shalt  }
0x80: {  	_ =	shalt  }
0x81: {  	_ =	shalt  }
0x82: {  	_ =	shalt  }
0x83: {  	_ =	shalt  }
0x84: {  	_ =	shalt  }
0x85: {  	_ =	shalt  }
0x86: {  	_ =	shalt  }
0x87: {  	_ =	shalt  }
.Lfunc_end0:
.L_simem_size_0:
called_computation.3_lowered:
.L_overlay_start_0:
0x88: {  	s2 =	sld [smem:$0x3FD9]  }
0x89: {  	s3 =	sld [smem:$0x3FFE];
	_ =	sdelay $0x1  }
0x8a: {  	s1 =	srdreg.scid  }
0x8b: {  	s0 =	sand.u32 $0x1, s1  }
0x8c: {  	s16 =	sshll.u32 s0, $0xA;
	s2 =	sadd.s32 s3, s2  }
0x8d: {  	s2 =	sadd.s32 s2, s16  }
0x8e: {  	[smem:$0x3FBB] =	sst s2  }
0x8f: {  	_ = 	snop  }
0x90: {  	(tm) =	ssettm $0x1  }
0x91: {  	s17 =	sld [smem:$0x3FFB];
	_ =	sdelay $0x3  }
0x92: {  	_ =	strace s17  }
0x93: {  	s2 =	sld [smem:$0x3FFC];
	_ =	sdelay $0x3  }
0x94: {  	_ =	strace s2  }
0x95: {  	s2 =	sld [smem:$0x3FFD];
	_ =	sdelay $0x3  }
0x96: {  	_ =	strace s2  }
0x97: {  	_ =	strace $0x8FFFFFFF  }
0x98: {  	s18 =	sld [smem:$0x3FDB];
	_ =	sdelay $0x1  }
0x99: {  	s19 =	simm.s32 $_scs_section_size  }
0x9a: {  	s4 =	simm.s32 $_size__tile_overlayer_lowered;
	s5 =	simm.s32 $_tile_overlayer_lowered  }
0x9b: {  	s22 =	simm.s32 $0x1BFF;
	s21 =	sshll.u32 s5, $0x1;
	s2 =	sadd.s32 s19, s18  }
0x9c: {  	s6 =	simm.s32 $0x0;
	s20 =	sshll.u32 s4, $0x1;
	s4 =	sadd.s32 s21, s2  }
0x9d: {  	[timem:s6], [sflag:s22] =	dma.local [hbm:s4], s20  }
0x9e: {  	_ =	swait.ge [sflag:s22], s20  }
0x9f: {  	s3 =	ssub.s32 $0x0, s20;
	[sflag:s22] =	ssyncset.done $0x0  }
0xa0: {  	[sflag:s22] =	ssyncadd.s32 s3;
	_ =	sdelay $0x1  }
0xa1: {  	s23 =	simm.s32 $0x1B8B  }
0xa2: {  	_ =	swait.ge [sflag:s23], $0x1  }
0xa3: {  	[sflag:s23] =	ssyncset.done $0x0  }
0xa4: {  	s25 =	simm.s32 $0x1B8E;
	s24 =	sld [smem:$0x3FFE];
	[sflag:s23] =	ssyncadd.s32 $0xFFFFFFFF  }
0xa5: {  	s26 =	simm.s32 $execute0_lowered;
	[smem:$0x3FD2] =	sst s25  }
0xa6: {  	s4 =	sshll.u32 s26, $0x1;
	_ =	strace $0x80000049;
	[dreg:$0x1] =	wrdreg $0xFFFFFFFF  }
0xa7: {  	s28 =	simm.s32 $_size_execute0_lowered;
	s2 =	sadd.s32 s2, s4;
	[dreg:$0x0] =	wrdreg $0x0  }
0xa8: {  	s4 =	sshll.u32 s28, $0x1;
	[dreg:$0x2] =	wrdreg s2  }
0xa9: {  	[dreg:$0x3] =	wrdreg s4  }
0xaa: {  	[dreg:$0x4] =	wrdreg $0xC0  }
0xab: {  	_ =	task [dreg:s6], $0x5FFFF  }
0xac: {  	[dreg:$0x1] =	wrdreg $0xFFFFFFFF  }
0xad: {  	[dreg:$0x0] =	wrdreg $0x60  }
0xae: {  	[dreg:$0x2] =	wrdreg s24  }
0xaf: {  	[dreg:$0x3] =	wrdreg $0x9  }
0xb0: {  	_ =	task.clear_ibuf [dreg:s6], $0x4FFFF;
	_ =	strace $0x90000049  }
0xb1: {  	s29 =	simm.s32 $0x9;
	_ =	strace $0x8000004B  }
0xb2: {  	_ =	swait.ge [sflag:s29], $0x1  }
0xb3: {  	[sflag:s29] =	ssyncadd.s32 $0xFFFFFFFF  }
0xb4: {  	_ =	strace $0x9000004B  }
0xb5: {  	_ =	sfence  }
0xb6: {  	s30 =	sld [smem:$0x0];
	_ =	sdelay $0x2  }
0xb7: {  	s31 =	sshll.u32 s1, $0xD;
	s1 =	sshrl.u32 s1, $0x2  }
0xb8: {  	s3 =	sand.u32 $0x4000, s31;
	s1 =	sadd.s32 s1, s30  }
0xb9: {  	s0 =	sor.u32 s3, s0;
	s1 =	sshll.u32 s1, $0x11  }
0xba: {  	s0 =	sor.u32 s1, s0  }
0xbb: {  	s0 =	sadd.s32 $0x8F2B, s0  }
0xbc: {  	[sflag:s0] =	ssyncadd.remote.s32 $0x1  }
0xbd: {  	_ =	sfence.sel $0xFFFF  }
0xbe: {  	[dreg:$0x0] =	wrdreg $0xFFFFFFFF;
	(pc) =	sbr.abs _section_cstart, $3  }
0xbf: {  	[dreg:$0x1] =	wrdreg $0xFFFFFFFF  }
0xc0: {  	_ =	task.clear_ibuf [dreg:s6], $0x2FFFF;
	_ =	strace $0x9FFFFFFF  }
0xc1: {  	(tm) =	ssettm $0x7FFFFFFF  }
tec
execute0_lowered:
.L_overlay_start_1:
0x0: {  	(tag) =	ssettag $0x1  }
0x1: {  	s0 =	stileid.u32;
	s1 =	srdreg.scid  }
0x2: {  	s1 =	sand.u32 $0x1, s1;
	s2 =	sshll.u32 s0, $0x1  }
0x3: {  	s1 =	sor.u32 s2, s1  }
0x4: {  	s2 =	smul.u32 $0x1580, s1;
	_ =	sdelay $0x1  }
0x5: {  	s6 =	ssub.s32 $0x56000, s2  }
0x6: {  	s31 =	smulhi.u32 $0xBE83, s6  }
0x7: {  	s8 =	rddreg [dreg:$0x0];
	s5 =	simm.s32 $0x1;
	s10 =	simm.s32 $0x3  }
0x8: {  	s13 =	simm.s32 $0x0;
	s12 =	simm.s32 $0x0;
	s7 =	sshrl.u32 s31, $0x1  }
0x9: {  	s3 =	sadd.s32 $0x10400, s8;
	s4 =	sadd.s32 $0x56000, s8;
	s9 =	smul.u32 $0x2B000, s7  }
.Ltmp0:
0xa: {  	s8 =	sadd.s32 $0x6AA00, s8;
	s1 =	rddreg [dreg:$0x1];
	(pc) =	sbr.rel .LBB2_1-.Ltmp0, $4  }
0xb: {  	_ =	strace $0x8000004A;
	p0 =	sne.s32 s6, s9;
	s9 =	simm.s32 $0x1  }
0xc: {  	[sflag:s5] =	ssyncpa.u1 $0x0;
	s6 =	simm.s32 $0x2;
	s9 =	simm.s32 @!p0 $0x0  }
0xd: {  	s11 =	smov.u32 s2;
	[sflag:s6] =	ssyncpa.u1 $0x0;
	s7 =	sadd.s32 s9, s7  }
0xe: {  	vm0 =	vmmov $0xffff;
	[sflag:s10] =	ssyncpa.u1 $0x0;
	s10 =	simm.s32 $0x0;
	s9 =	sadd.s32 $0x1, s7  }
.LBB2_4:
0xf: {  	v2 =	vnsel vm1, $0x0, v2  }
0x10: {  	vm1 =	vgt.s32 v0, $0x0;
	v2 =	vmin.u32 v2, $0x4E1FF  }
0x11: {  	v0 =	vnsel vm1, $0x0, v0  }
0x12: {  	v0 =	vmin.u32 v0, $0x4E1FF  }
0x13: {  	[tilespmem:s18], [sflag:$0x1] =	stream.indirect_vreg.gather [hbm4b:s3+s10], $0x1, v1, vm0, $0x4038;
	[tilespmem:$0x5600] =	vst v63  }
0x14: {  	(ifvalue) =	ssetifvalue $0x7FFFFFFF  }
0x15: {  	[tilespmem:s15], [sflag:$0x1] =	stream.indirect_vreg.gather [hbm4b:s3+s10], $0x1, v2, vm0, $0x4038;
	[tilespmem:$0x5600] =	vst v63  }
0x16: {  	s29 =	sadd.s32 $0x10, s15;
	(ifvalue) =	ssetifvalue $0x7FFFFFFF  }
0x17: {  	[tilespmem:s29], [sflag:$0x1] =	stream.indirect_vreg.gather [hbm4b:s3+s10], $0x1, v0, vm0, $0x4038;
	[tilespmem:$0x5600] =	vst v63  }
0x18: {  	_ =	swait.ge [sflag:s5], $0x1580  }
0x19: {  	s30 =	sshrl.u32 s13, $0x3;
	[sflag:s5] =	ssyncset.done $0x0  }
0x1a: {  	s31 =	sand.u32 $0x7, s13;
	s15 =	sadd.s32 s8, s30;
	[sflag:s5] =	ssyncadd.s32 $0xFFFFEA80  }
0x1b: {  	[hbm4b:s15+s31] =	stream.linear.scatter [tilespmem:s14], [sflag:$0x3], $0x1580, $0x38;
	[tilespmem:$0x5600] =	vst v63  }
.LBB2_5:
0x1c: {  	s15 =	sadd.s32 $0x2B000, s11  }
0x1d: {  	p1 =	sgt.s32 s15, $0x55FFF  }
0x1e: {  	s15 =	smov.u32 @p1 s2;
	p1 =	sne.s32 s12, s9  }
.Ltmp1:
0x1f: {  	p0 =	slt.u32 s12, $0x2;
	(pc) =	sbr.rel @!p1 .LBB2_6-.Ltmp1, $4  }
0x20: {  	s14 =	simm.s32 @!p0 $0x3  }
0x21: {  	_ =	swait.ge @!p0 [sflag:s14], $0x1580  }
0x22: {  	s16 =	sadd.s32 $0x1, s12;
	s13 =	smov.u32 s11;
	[sflag:s14] =	ssyncset.done @!p0 $0x0  }
0x23: {  	s12 =	smov.u32 s16;
	s11 =	smov.u32 s15;
	[sflag:s14] =	ssyncadd.s32 @!p0 $0xFFFFEA80  }
.LBB2_1:
0x24: {  	p0 =	sge.u32 s12, s7  }
0x25: {  	s14 =	sxor.u32 @!p0 $0xFFFFFFFF, s12  }
0x26: {  	s14 =	sand.u32 @!p0 $0x1, s14  }
0x27: {  	s14 =	smul.u32 @!p0 $0x5600, s14  }
0x28: {  	s31 =	sadd.s32 $0xFFFFFFFF, s12;
	s15 =	sshrl.u32 @!p0 s11, $0x3  }
0x29: {  	s16 =	sand.u32 @!p0 $0x7, s11;
	s15 =	sadd.s32 @!p0 s4, s15;
	s14 =	sshrl.u32 @!p0 s14, $0x2  }
0x2a: {  	[tilespmem:s14], [sflag:$0x2] =	stream.linear.gather @!p0 [hbm4b:s15+s16], $0x1580, $0x38;
	[tilespmem:$0x5600] =	vst v63  }
0x2b: {  	p0 =	sge.u32 s31, s7  }
.Ltmp2:
0x2c: {  	_ = 	snop;
	(pc) =	sbr.rel @p0 .LBB2_5-.Ltmp2, $1  }
0x2d: {  	_ =	sdelay $0x3  }
0x2e: {  	s14 =	sand.u32 $0x1, s12  }
0x2f: {  	_ =	swait.ge [sflag:s6], $0x1580;
	p0 =	seq.s32 s14, $0x1;
	s14 =	simm.s32 $0x1580  }
0x30: {  	[sflag:s6] =	ssyncset.done $0x0;
	s14 =	simm.s32 @!p0 $0x0  }
0x31: {  	[sflag:s6] =	ssyncadd.s32 $0xFFFFEA80;
	(ifvalue) =	ssetifvalue $0x7FFFFFFF;
	v0 =	vld.msk [tilespmem:s14+$0x0 ss:$0x1], $0xffff;
	_ =	sdelay $0x4  }
0x32: {  	s15 =	sadd.s32 $0x10, s14;
	vm1 =	vgt.s32 v0, $0x0  }
0x33: {  	v2 =	vld.msk [tilespmem:s15+$0x0 ss:$0x1], $0xffff;
	v1 =	vnsel vm1, $0x0, v0  }
0x34: {  	v1 =	vmin.u32 v1, $0x4E1FF;
	_ =	sdelay $0x2  }
0x35: {  	s17 =	simm.s32 $0x20;
	s14 =	sadd.s32 $0x2B00, s14;
	s16 =	sadd.s32 $0x10, s15  }
0x36: {  	s15 =	sadd.s32 $0x10, s14;
	s18 =	smov.u32 s14;
	v0 =	vld.msk [tilespmem:s16+$0x0 ss:$0x1], $0xffff;
	vm1 =	vgt.s32 v2, $0x0;
	(ifvalue) =	ssetifvalue $0x7FFFFFFF  }
.LBB2_3:
0x37: {  	[tilespmem:s18], [sflag:$0x1] =	stream.indirect_vreg.gather [hbm4b:s3+s10], $0x1, v1, vm0, $0x4038;
	[tilespmem:$0x5600] =	vst v63  }
0x38: {  	s17 =	sadd.s32 $0x10, s17  }
0x39: {  	v2 =	vnsel vm1, $0x0, v2;
	p0 =	slt.u32 s17, $0x1570  }
.Ltmp3:
0x3a: {  	s18 =	smov.u32 s15;
	v1 =	vmin.u32 v2, $0x4E1FF;
	(pc) =	sbr.rel @p0 .LBB2_3-.Ltmp3, $3  }
0x3b: {  	_ =	sdelay $0x1  }
0x3c: {  	s16 =	sadd.s32 $0x10, s16  }
0x3d: {  	vm1 =	vgt.s32 v0, $0x0;
	s15 =	sadd.s32 $0x10, s15;
	v2 =	vmov v0;
	(ifvalue) =	ssetifvalue $0x7FFFFFFF;
	v0 =	vld.msk [tilespmem:s16+$0x0 ss:$0x1], $0xffff  }
.Ltmp4:
0x3e: {  	_ = 	snop;
	(pc) =	sbr.rel .LBB2_4-.Ltmp4, $1  }
0x3f: {  	_ =	sdelay $0x3  }
.LBB2_6:
0x40: {  	_ =	sfence.sel $0x180000  }
0x41: {  	s2 =	simm.s32 $0x2;
	[bflag:$0x0] =	sbarrier.arrive $0xFFFF  }
0x42: {  	s30 =	simm.s32 $0x3;
	[sflag:s2] =	ssyncpa.u1 $0x1  }
0x43: {  	s31 =	simm.s32 $0x1;
	[sflag:s30] =	ssyncpa.u1 $0x1  }
0x44: {  	[sflag:s31] =	ssyncpa.u1 $0x1  }
0x45: {  	p0 =	sne.s32 s0, $0x0;
	_ =	strace $0x9000004A  }
0x46: {  	s0 =	sadd.s32 @!p0 $0x100000, s1;
	[bflag:$0x2] =	sbarrier.arrive $0xFFFF  }
0x47: {  	[sflag:s0] =	ssyncadd.tile.s32 @!p0 $0x1;
	_ =	shalt  }
.Lfunc_end2:
_tile_overlayer_lowered:
.L_overlay_start_2:
0x48: {  	(tag) =	ssettag $0x2  }
0x49: {  	s0 =	rddreg [dreg:$0x0];
	s2 =	stileid.u32  }
0x4a: {  	s1 =	rddreg [dreg:$0x1];
	p0 =	sne.s32 s2, $0x0  }
0x4b: {  	s3 =	rddreg [dreg:$0x2];
	[bflag:$0x3] =	sbarrier.arrive $0xFFFF;
	s2 =	simm.s32 @!p0 $0x1C01  }
0x4c: {  	[timem:s3], [sflag:s2] =	dma.local @!p0 [hbm:s0], s1  }
0x4d: {  	s0 =	simm.s32 @!p0 $0x1  }
0x4e: {  	_ =	swait.ge @!p0 [sflag:s0], s1  }
0x4f: {  	s1 =	ssub.s32 @!p0 $0x0, s1;
	[sflag:s0] =	ssyncset.done @!p0 $0x0  }
0x50: {  	[sflag:s0] =	ssyncadd.s32 @!p0 s1  }
0x51: {  	[bflag:$0x3] =	sbarrier.arrive $0xFFFF  }
0x52: {  	_ =	shalt  }

// kernel: gather_offload_async_start.4
scs
__scs_entry_jumppad:
0x0: {  	(pc) =	sbr.rel $0x88, $3  }
0x1: {  	(tag) =	ssettag $0x0;
	lr =	simm.s32 $0x1  }
0x2: {  	[smem:$0x3F94] =	sst lr;
	_ =	strace $0xD0000000  }
0x3: {  	_ = 	snop  }
0x4: {  	_ = 	snop  }
0x5: {  	_ = 	snop  }
0x6: {  	_ = 	snop  }
0x7: {  	_ = 	snop  }
__scs_overlays_trampoline_lowered:
0x8: {  	[smem:$0x3FA3] =	sst s0  }
0x9: {  	[smem:$0x3FA4] =	sst s1  }
0xa: {  	[smem:$0x3FA5] =	sst s2  }
0xb: {  	[smem:$0x3FA6] =	sst s3  }
0xc: {  	[smem:$0x3FA7] =	sst s4  }
0xd: {  	[smem:$0x3FA8] =	sst s5  }
0xe: {  	[smem:$0x3FA9] =	sst s6  }
0xf: {  	[smem:$0x3FAA] =	sst s7  }
0x10: {  	[smem:$0x3FAB] =	sst s8  }
0x11: {  	[smem:$0x3FAC] =	sst s9;
	s0 =	simm.s32 @!p0 $0x0  }
0x12: {  	s1 =	sld [smem:$0x3F92];
	s0 =	simm.s32 @p0 $0x1  }
0x13: {  	[smem:$0x3FAD] =	sst s0;
	s0 =	simm.s32 @!p1 $0x0  }
0x14: {  	s2 =	sld [smem:$0x3F91];
	s0 =	simm.s32 @p1 $0x1  }
0x15: {  	[smem:$0x3FAE] =	sst s0;
	s0 =	simm.s32 @!p2 $0x0  }
0x16: {  	s3 =	sld [smem:$0x3FDB];
	s0 =	simm.s32 @p2 $0x1  }
0x17: {  	s4 =	simm.s32 $0x1BF5;
	[smem:$0x3FB0] =	sst s0  }
0x18: {  	s0 =	sld [smem:$0x3F93];
	_ =	swait.ge [sflag:s4], $0x0  }
0x19: {  	s7 =	sld [smem:$0x3F94]  }
0x1a: {  	s8 =	sadd.s32 $0xFFFFE003, lr  }
0x1b: {  	s9 =	sadd.s32 $0xFFFFFEF7, lr;
	s5 =	simm.s32 $0xFFFFFFFF;
	p2 =	slt.u32 s8, $0xFFFFF086  }
0x1c: {  	p1 =	slt.u32 s9, $0xF7A;
	s5 =	simm.s32 @!p2 $0x0  }
0x1d: {  	s5 =	simm.s32 @p1 $0x1;
	p0 =	seq.s32 s7, s2  }
0x1e: {  	s7 =	smul.u32 @!p0 $0xF7A, s2;
	p2 =	seq.s32 @!p0 s5, $0x0  }
0x1f: {  	s9 =	smul.u32 $0xF7A, s1;
	s8 =	simm.s32 @!p0 $0x1BF5;
	p2 =	por !p2, p0  }
0x20: {  	[sflag:s8] =	ssyncset.s32 @!p0 $0xFFFFF086;
	s6 =	sadd.s32 @!p0 s3, s7;
	s7 =	simm.s32 @!p0 $0x108  }
0x21: {  	s3 =	sadd.s32 s3, s9;
	s6 =	sadd.s32 @!p0 $0x88, s6;
	s7 =	simm.s32 @p2 $0x1082  }
0x22: {  	[simem:s7], [sflag:s8] =	dma.local @!p0 [hbm:s6], $0xF7A  }
0x23: {  	s9 =	sor.u32 $0xD0000000, s2;
	s6 =	simm.s32 $0x108;
	_ =	swait.ge @!p0 [sflag:s8], $0x0  }
0x24: {  	s3 =	sadd.s32 $0x88, s3;
	s6 =	simm.s32 @!p1 $0x1082;
	[sflag:s4] =	ssyncset.s32 $0xFFFFF086  }
0x25: {  	[simem:s6], [sflag:s4] =	dma.local [hbm:s3], $0xF7A  }
0x26: {  	[smem:$0x3F94] =	sst s1;
	(tag) =	ssettag s2;
	_ =	strace s9  }
0x27: {  	s1 =	sld [smem:$0x3FA4]  }
0x28: {  	s2 =	sld [smem:$0x3FA5]  }
0x29: {  	s4 =	sld [smem:$0x3FA7]  }
0x2a: {  	p0 =	seq.s32 s5, $0x0;
	s5 =	sld [smem:$0x3FA8]  }
0x2b: {  	s6 =	sld [smem:$0x3FA9]  }
0x2c: {  	s7 =	sld [smem:$0x3FAA]  }
0x2d: {  	s3 =	simm.s32 $0x108;
	s8 =	sld [smem:$0x3FAB]  }
0x2e: {  	s3 =	simm.s32 @!p0 $0x1082;
	s9 =	sld [smem:$0x3FAC]  }
0x2f: {  	lr =	sadd.s32 s0, s3;
	s0 =	sld [smem:$0x3FA3]  }
0x30: {  	s3 =	sld [smem:$0x3FA6]  }
0x31: {  	[smem:$0x3FAF] =	sst s10  }
0x32: {  	s10 =	sld [smem:$0x3FAD];
	_ =	sdelay $0x3  }
0x33: {  	p0 =	seq.s32 s10, $0x1;
	s10 =	sld [smem:$0x3FAF];
	_ =	sdelay $0x3  }
0x34: {  	[smem:$0x3FAF] =	sst s10  }
0x35: {  	s10 =	sld [smem:$0x3FAE];
	_ =	sdelay $0x3  }
0x36: {  	p1 =	seq.s32 s10, $0x1;
	s10 =	sld [smem:$0x3FAF];
	_ =	sdelay $0x3  }
0x37: {  	[smem:$0x3FAF] =	sst s10  }
0x38: {  	s10 =	sld [smem:$0x3FB0]  }
0x39: {  	_ = 	snop;
	(pc) =	sbr.ind lr, $3  }
0x3a: {  	_ = 	snop  }
0x3b: {  	_ = 	snop  }
0x3c: {  	p2 =	seq.s32 s10, $0x1;
	s10 =	sld [smem:$0x3FAF]  }
0x3d: {  	_ =	shalt  }
0x3e: {  	_ =	shalt  }
0x3f: {  	_ =	shalt  }
0x40: {  	_ =	shalt  }
0x41: {  	_ =	shalt  }
0x42: {  	_ =	shalt  }
0x43: {  	_ =	shalt  }
0x44: {  	_ =	shalt  }
0x45: {  	_ =	shalt  }
0x46: {  	_ =	shalt  }
0x47: {  	_ =	shalt  }
0x48: {  	_ =	shalt  }
0x49: {  	_ =	shalt  }
0x4a: {  	_ =	shalt  }
0x4b: {  	_ =	shalt  }
0x4c: {  	_ =	shalt  }
0x4d: {  	_ =	shalt  }
0x4e: {  	_ =	shalt  }
0x4f: {  	_ =	shalt  }
0x50: {  	_ =	shalt  }
0x51: {  	_ =	shalt  }
0x52: {  	_ =	shalt  }
0x53: {  	_ =	shalt  }
0x54: {  	_ =	shalt  }
0x55: {  	_ =	shalt  }
0x56: {  	_ =	shalt  }
0x57: {  	_ =	shalt  }
0x58: {  	_ =	shalt  }
0x59: {  	_ =	shalt  }
0x5a: {  	_ =	shalt  }
0x5b: {  	_ =	shalt  }
0x5c: {  	_ =	shalt  }
0x5d: {  	_ =	shalt  }
0x5e: {  	_ =	shalt  }
0x5f: {  	_ =	shalt  }
0x60: {  	_ =	shalt  }
0x61: {  	_ =	shalt  }
0x62: {  	_ =	shalt  }
0x63: {  	_ =	shalt  }
0x64: {  	_ =	shalt  }
0x65: {  	_ =	shalt  }
0x66: {  	_ =	shalt  }
0x67: {  	_ =	shalt  }
0x68: {  	_ =	shalt  }
0x69: {  	_ =	shalt  }
0x6a: {  	_ =	shalt  }
0x6b: {  	_ =	shalt  }
0x6c: {  	_ =	shalt  }
0x6d: {  	_ =	shalt  }
0x6e: {  	_ =	shalt  }
0x6f: {  	_ =	shalt  }
0x70: {  	_ =	shalt  }
0x71: {  	_ =	shalt  }
0x72: {  	_ =	shalt  }
0x73: {  	_ =	shalt  }
0x74: {  	_ =	shalt  }
0x75: {  	_ =	shalt  }
0x76: {  	_ =	shalt  }
0x77: {  	_ =	shalt  }
0x78: {  	_ =	shalt  }
0x79: {  	_ =	shalt  }
0x7a: {  	_ =	shalt  }
0x7b: {  	_ =	shalt  }
0x7c: {  	_ =	shalt  }
0x7d: {  	_ =	shalt  }
0x7e: {  	_ =	shalt  }
0x7f: {  	_ =	shalt  }
0x80: {  	_ =	shalt  }
0x81: {  	_ =	shalt  }
0x82: {  	_ =	shalt  }
0x83: {  	_ =	shalt  }
0x84: {  	_ =	shalt  }
0x85: {  	_ =	shalt  }
0x86: {  	_ =	shalt  }
0x87: {  	_ =	shalt  }
.Lfunc_end0:
.L_simem_size_0:
called_computation.4_lowered:
.L_overlay_start_0:
0x88: {  	s2 =	sld [smem:$0x3FD9]  }
0x89: {  	s3 =	sld [smem:$0x3FFE];
	_ =	sdelay $0x1  }
0x8a: {  	s1 =	srdreg.scid  }
0x8b: {  	s0 =	sand.u32 $0x1, s1  }
0x8c: {  	s17 =	sshll.u32 s0, $0xA;
	s2 =	sadd.s32 s3, s2  }
0x8d: {  	s2 =	sadd.s32 s2, s17  }
0x8e: {  	[smem:$0x3FBB] =	sst s2  }
0x8f: {  	_ = 	snop  }
0x90: {  	(tm) =	ssettm $0x1  }
0x91: {  	s18 =	sld [smem:$0x3FFB];
	_ =	sdelay $0x3  }
0x92: {  	_ =	strace s18  }
0x93: {  	s2 =	sld [smem:$0x3FFC];
	_ =	sdelay $0x3  }
0x94: {  	_ =	strace s2  }
0x95: {  	s2 =	sld [smem:$0x3FFD];
	_ =	sdelay $0x3  }
0x96: {  	_ =	strace s2  }
0x97: {  	_ =	strace $0x8FFFFFFF  }
0x98: {  	s19 =	sld [smem:$0x3FDB];
	_ =	sdelay $0x1  }
0x99: {  	s20 =	simm.s32 $_scs_section_size  }
0x9a: {  	s4 =	simm.s32 $_size__tile_overlayer_lowered;
	s5 =	simm.s32 $_tile_overlayer_lowered  }
0x9b: {  	s6 =	simm.s32 $0x1BFF;
	s21 =	sshll.u32 s5, $0x1;
	s3 =	sadd.s32 s20, s19  }
0x9c: {  	s22 =	simm.s32 $0x0;
	s4 =	sshll.u32 s4, $0x1;
	s5 =	sadd.s32 s21, s3  }
0x9d: {  	[timem:s22], [sflag:s6] =	dma.local [hbm:s5], s4  }
0x9e: {  	_ =	swait.ge [sflag:s6], s4  }
0x9f: {  	s4 =	ssub.s32 $0x0, s4;
	[sflag:s6] =	ssyncset.done $0x0  }
0xa0: {  	[sflag:s6] =	ssyncadd.s32 s4;
	_ =	sdelay $0x1  }
0xa1: {  	s23 =	simm.s32 $0x1B8B  }
0xa2: {  	_ =	swait.ge [sflag:s23], $0x1  }
0xa3: {  	[sflag:s23] =	ssyncset.done $0x0  }
0xa4: {  	[sflag:s23] =	ssyncadd.s32 $0xFFFFFFFF  }
0xa5: {  	s4 =	sld [smem:$0x0]  }
0xa6: {  	s5 =	sand.u32 $0xFFFFFFFE, s1  }
0xa7: {  	p0 =	sne.s32 s1, s5  }
0xa8: {  	s5 =	sshll.u32 @p0 s5, $0xE  }
0xa9: {  	s5 =	sadd.s32 @p0 $0x11B8D, s5;
	s6 =	sshll.u32 @p0 s4, $0x11  }
0xaa: {  	s5 =	sor.u32 @p0 s6, s5  }
0xab: {  	[sflag:s5] =	ssyncadd.remote.s32 @p0 $0x1;
	_ =	sdelay $0x1  }
0xac: {  	s5 =	simm.s32 @p0 $0x1B8D  }
0xad: {  	_ =	swait.eq @p0 [sflag:s5], $0x1  }
0xae: {  	[sflag:s5] =	ssyncadd.s32 @p0 $0xFFFFFFFF  }
0xaf: {  	s6 =	sshll.u32 @!p0 s1, $0xE  }
0xb0: {  	s6 =	sor.u32 @!p0 $0x4000, s6;
	s5 =	simm.s32 @!p0 $0x1B8D  }
0xb1: {  	s4 =	sshll.u32 @!p0 s4, $0x11;
	s6 =	sadd.s32 @!p0 $0x11B8D, s6;
	_ =	swait.eq @!p0 [sflag:s5], $0x1  }
0xb2: {  	s4 =	sor.u32 @!p0 s4, s6;
	[sflag:s5] =	ssyncadd.s32 @!p0 $0xFFFFFFFF  }
0xb3: {  	s25 =	simm.s32 $0x1B8E;
	s24 =	sld [smem:$0x3FFE];
	[sflag:s4] =	ssyncadd.remote.s32 @!p0 $0x1  }
0xb4: {  	s26 =	simm.s32 $execute0_lowered;
	[smem:$0x3FD2] =	sst s25  }
0xb5: {  	s5 =	sshll.u32 s26, $0x1;
	_ =	strace $0x80000052;
	[dreg:$0x1] =	wrdreg $0xFFFFFFFF  }
0xb6: {  	s28 =	simm.s32 $_size_execute0_lowered;
	s3 =	sadd.s32 s3, s5;
	[dreg:$0x0] =	wrdreg $0x0  }
0xb7: {  	s5 =	sshll.u32 s28, $0x1;
	[dreg:$0x2] =	wrdreg s3  }
0xb8: {  	[dreg:$0x3] =	wrdreg s5  }
0xb9: {  	[dreg:$0x4] =	wrdreg $0xC0  }
0xba: {  	_ =	task [dreg:s22], $0x5FFFF  }
0xbb: {  	[dreg:$0x1] =	wrdreg $0xFFFFFFFF  }
0xbc: {  	[dreg:$0x0] =	wrdreg $0x60  }
0xbd: {  	[dreg:$0x2] =	wrdreg s24  }
0xbe: {  	[dreg:$0x3] =	wrdreg $0x9  }
0xbf: {  	_ =	task.clear_ibuf [dreg:s22], $0x4FFFF;
	_ =	strace $0x90000052  }
0xc0: {  	s29 =	simm.s32 $0x9;
	_ =	strace $0x80000054  }
0xc1: {  	_ =	swait.ge [sflag:s29], $0x1  }
0xc2: {  	[sflag:s29] =	ssyncadd.s32 $0xFFFFFFFF  }
0xc3: {  	_ =	strace $0x90000054  }
0xc4: {  	_ =	sfence  }
0xc5: {  	s30 =	sld [smem:$0x0];
	_ =	sdelay $0x2  }
0xc6: {  	s31 =	sshll.u32 s1, $0xD;
	s1 =	sshrl.u32 s1, $0x2  }
0xc7: {  	s4 =	sand.u32 $0x4000, s31;
	s1 =	sadd.s32 s1, s30  }
0xc8: {  	s0 =	sor.u32 s4, s0;
	s1 =	sshll.u32 s1, $0x11  }
0xc9: {  	s0 =	sor.u32 s1, s0  }
0xca: {  	s0 =	sadd.s32 $0x8F2B, s0  }
0xcb: {  	[sflag:s0] =	ssyncadd.remote.s32 $0x1  }
0xcc: {  	_ =	sfence.sel $0xFFFF  }
0xcd: {  	[dreg:$0x0] =	wrdreg $0xFFFFFFFF;
	(pc) =	sbr.abs _section_cstart, $3  }
0xce: {  	[dreg:$0x1] =	wrdreg $0xFFFFFFFF  }
0xcf: {  	_ =	task.clear_ibuf [dreg:s22], $0x2FFFF;
	_ =	strace $0x9FFFFFFF  }
0xd0: {  	(tm) =	ssettm $0x7FFFFFFF  }
0xd1: {  	_ =	shalt  }
tec
execute0_lowered:
.L_overlay_start_1:
0x0: {  	(tag) =	ssettag $0x1  }
0x1: {  	s0 =	stileid.u32;
	s1 =	srdreg.scid  }
0x2: {  	s1 =	sand.u32 $0x1, s1;
	s2 =	sshll.u32 s0, $0x1  }
0x3: {  	s1 =	sor.u32 s2, s1  }
0x4: {  	s2 =	smul.u32 $0x1580, s1;
	_ =	sdelay $0x1  }
0x5: {  	s6 =	ssub.s32 $0x56000, s2  }
0x6: {  	s31 =	smulhi.u32 $0xBE83, s6  }
0x7: {  	s8 =	rddreg [dreg:$0x0];
	s5 =	simm.s32 $0x1;
	s10 =	simm.s32 $0x3  }
0x8: {  	s13 =	simm.s32 $0x0;
	s12 =	simm.s32 $0x0;
	s7 =	sshrl.u32 s31, $0x1  }
0x9: {  	s3 =	sadd.s32 $0x25000, s8;
	s4 =	sadd.s32 $0x56000, s8;
	s9 =	smul.u32 $0x2B000, s7  }
.Ltmp0:
0xa: {  	s8 =	sadd.s32 $0x60C00, s8;
	s1 =	rddreg [dreg:$0x1];
	(pc) =	sbr.rel .LBB2_1-.Ltmp0, $4  }
0xb: {  	_ =	strace $0x80000053;
	p0 =	sne.s32 s6, s9;
	s9 =	simm.s32 $0x1  }
0xc: {  	[sflag:s5] =	ssyncpa.u1 $0x0;
	s6 =	simm.s32 $0x2;
	s9 =	simm.s32 @!p0 $0x0  }
0xd: {  	s11 =	smov.u32 s2;
	[sflag:s6] =	ssyncpa.u1 $0x0;
	s7 =	sadd.s32 s9, s7  }
0xe: {  	vm0 =	vmmov $0xffff;
	[sflag:s10] =	ssyncpa.u1 $0x0;
	s10 =	simm.s32 $0x0;
	s9 =	sadd.s32 $0x1, s7  }
.LBB2_4:
0xf: {  	v2 =	vnsel vm1, $0x0, v2  }
0x10: {  	vm1 =	vgt.s32 v0, $0x0;
	v2 =	vmin.u32 v2, $0x4E1FF  }
0x11: {  	v0 =	vnsel vm1, $0x0, v0  }
0x12: {  	v0 =	vmin.u32 v0, $0x4E1FF  }
0x13: {  	[tilespmem:s18], [sflag:$0x1] =	stream.indirect_vreg.gather [hbm4b:s3+s10], $0x1, v1, vm0, $0x4038;
	[tilespmem:$0x5600] =	vst v63  }
0x14: {  	(ifvalue) =	ssetifvalue $0x7FFFFFFF  }
0x15: {  	[tilespmem:s15], [sflag:$0x1] =	stream.indirect_vreg.gather [hbm4b:s3+s10], $0x1, v2, vm0, $0x4038;
	[tilespmem:$0x5600] =	vst v63  }
0x16: {  	s29 =	sadd.s32 $0x10, s15;
	(ifvalue) =	ssetifvalue $0x7FFFFFFF  }
0x17: {  	[tilespmem:s29], [sflag:$0x1] =	stream.indirect_vreg.gather [hbm4b:s3+s10], $0x1, v0, vm0, $0x4038;
	[tilespmem:$0x5600] =	vst v63  }
0x18: {  	_ =	swait.ge [sflag:s5], $0x1580  }
0x19: {  	s30 =	sshrl.u32 s13, $0x3;
	[sflag:s5] =	ssyncset.done $0x0  }
0x1a: {  	s31 =	sand.u32 $0x7, s13;
	s15 =	sadd.s32 s8, s30;
	[sflag:s5] =	ssyncadd.s32 $0xFFFFEA80  }
0x1b: {  	[hbm4b:s15+s31] =	stream.linear.scatter [tilespmem:s14], [sflag:$0x3], $0x1580, $0x38;
	[tilespmem:$0x5600] =	vst v63  }
.LBB2_5:
0x1c: {  	s15 =	sadd.s32 $0x2B000, s11  }
0x1d: {  	p1 =	sgt.s32 s15, $0x55FFF  }
0x1e: {  	s15 =	smov.u32 @p1 s2;
	p1 =	sne.s32 s12, s9  }
.Ltmp1:
0x1f: {  	p0 =	slt.u32 s12, $0x2;
	(pc) =	sbr.rel @!p1 .LBB2_6-.Ltmp1, $4  }
0x20: {  	s14 =	simm.s32 @!p0 $0x3  }
0x21: {  	_ =	swait.ge @!p0 [sflag:s14], $0x1580  }
0x22: {  	s16 =	sadd.s32 $0x1, s12;
	s13 =	smov.u32 s11;
	[sflag:s14] =	ssyncset.done @!p0 $0x0  }
0x23: {  	s12 =	smov.u32 s16;
	s11 =	smov.u32 s15;
	[sflag:s14] =	ssyncadd.s32 @!p0 $0xFFFFEA80  }
.LBB2_1:
0x24: {  	p0 =	sge.u32 s12, s7  }
0x25: {  	s14 =	sxor.u32 @!p0 $0xFFFFFFFF, s12  }
0x26: {  	s14 =	sand.u32 @!p0 $0x1, s14  }
0x27: {  	s14 =	smul.u32 @!p0 $0x5600, s14  }
0x28: {  	s31 =	sadd.s32 $0xFFFFFFFF, s12;
	s15 =	sshrl.u32 @!p0 s11, $0x3  }
0x29: {  	s16 =	sand.u32 @!p0 $0x7, s11;
	s15 =	sadd.s32 @!p0 s4, s15;
	s14 =	sshrl.u32 @!p0 s14, $0x2  }
0x2a: {  	[tilespmem:s14], [sflag:$0x2] =	stream.linear.gather @!p0 [hbm4b:s15+s16], $0x1580, $0x38;
	[tilespmem:$0x5600] =	vst v63  }
0x2b: {  	p0 =	sge.u32 s31, s7  }
.Ltmp2:
0x2c: {  	_ = 	snop;
	(pc) =	sbr.rel @p0 .LBB2_5-.Ltmp2, $1  }
0x2d: {  	_ =	sdelay $0x3  }
0x2e: {  	s14 =	sand.u32 $0x1, s12  }
0x2f: {  	_ =	swait.ge [sflag:s6], $0x1580;
	p0 =	seq.s32 s14, $0x1;
	s14 =	simm.s32 $0x1580  }
0x30: {  	[sflag:s6] =	ssyncset.done $0x0;
	s14 =	simm.s32 @!p0 $0x0  }
0x31: {  	[sflag:s6] =	ssyncadd.s32 $0xFFFFEA80;
	(ifvalue) =	ssetifvalue $0x7FFFFFFF;
	v0 =	vld.msk [tilespmem:s14+$0x0 ss:$0x1], $0xffff;
	_ =	sdelay $0x4  }
0x32: {  	s15 =	sadd.s32 $0x10, s14;
	vm1 =	vgt.s32 v0, $0x0  }
0x33: {  	v2 =	vld.msk [tilespmem:s15+$0x0 ss:$0x1], $0xffff;
	v1 =	vnsel vm1, $0x0, v0  }
0x34: {  	v1 =	vmin.u32 v1, $0x4E1FF;
	_ =	sdelay $0x2  }
0x35: {  	s17 =	simm.s32 $0x20;
	s14 =	sadd.s32 $0x2B00, s14;
	s16 =	sadd.s32 $0x10, s15  }
0x36: {  	s15 =	sadd.s32 $0x10, s14;
	s18 =	smov.u32 s14;
	v0 =	vld.msk [tilespmem:s16+$0x0 ss:$0x1], $0xffff;
	vm1 =	vgt.s32 v2, $0x0;
	(ifvalue) =	ssetifvalue $0x7FFFFFFF  }
.LBB2_3:
0x37: {  	[tilespmem:s18], [sflag:$0x1] =	stream.indirect_vreg.gather [hbm4b:s3+s10], $0x1, v1, vm0, $0x4038;
	[tilespmem:$0x5600] =	vst v63  }
0x38: {  	s17 =	sadd.s32 $0x10, s17  }
0x39: {  	v2 =	vnsel vm1, $0x0, v2;
	p0 =	slt.u32 s17, $0x1570  }
.Ltmp3:
0x3a: {  	s18 =	smov.u32 s15;
	v1 =	vmin.u32 v2, $0x4E1FF;
	(pc) =	sbr.rel @p0 .LBB2_3-.Ltmp3, $3  }
0x3b: {  	_ =	sdelay $0x1  }
0x3c: {  	s16 =	sadd.s32 $0x10, s16  }
0x3d: {  	vm1 =	vgt.s32 v0, $0x0;
	s15 =	sadd.s32 $0x10, s15;
	v2 =	vmov v0;
	(ifvalue) =	ssetifvalue $0x7FFFFFFF;
	v0 =	vld.msk [tilespmem:s16+$0x0 ss:$0x1], $0xffff  }
.Ltmp4:
0x3e: {  	_ = 	snop;
	(pc) =	sbr.rel .LBB2_4-.Ltmp4, $1  }
0x3f: {  	_ =	sdelay $0x3  }
.LBB2_6:
0x40: {  	_ =	sfence.sel $0x180000  }
0x41: {  	s2 =	simm.s32 $0x2;
	[bflag:$0x0] =	sbarrier.arrive $0xFFFF  }
0x42: {  	s30 =	simm.s32 $0x3;
	[sflag:s2] =	ssyncpa.u1 $0x1  }
0x43: {  	s31 =	simm.s32 $0x1;
	[sflag:s30] =	ssyncpa.u1 $0x1  }
0x44: {  	[sflag:s31] =	ssyncpa.u1 $0x1  }
0x45: {  	p0 =	sne.s32 s0, $0x0;
	_ =	strace $0x90000053  }
0x46: {  	s0 =	sadd.s32 @!p0 $0x100000, s1;
	[bflag:$0x2] =	sbarrier.arrive $0xFFFF  }
0x47: {  	[sflag:s0] =	ssyncadd.tile.s32 @!p0 $0x1;
	_ =	shalt  }
.Lfunc_end2:
_tile_overlayer_lowered:
.L_overlay_start_2:
0x48: {  	(tag) =	ssettag $0x2  }
0x49: {  	s0 =	rddreg [dreg:$0x0];
	s2 =	stileid.u32  }
0x4a: {  	s1 =	rddreg [dreg:$0x1];
	p0 =	sne.s32 s2, $0x0  }
0x4b: {  	s3 =	rddreg [dreg:$0x2];
	[bflag:$0x3] =	sbarrier.arrive $0xFFFF;
	s2 =	simm.s32 @!p0 $0x1C01  }
0x4c: {  	[timem:s3], [sflag:s2] =	dma.local @!p0 [hbm:s0], s1  }
0x4d: {  	s0 =	simm.s32 @!p0 $0x1  }
0x4e: {  	_ =	swait.ge @!p0 [sflag:s0], s1  }
0x4f: {  	s1 =	ssub.s32 @!p0 $0x0, s1;
	[sflag:s0] =	ssyncset.done @!p0 $0x0  }
0x50: {  	[sflag:s0] =	ssyncadd.s32 @!p0 s1  }
0x51: {  	[bflag:$0x3] =	sbarrier.arrive $0xFFFF  }
0x52: {  	_ =	shalt  }

// kernel: gather_offload_async_start.5
scs
__scs_entry_jumppad:
0x0: {  	(pc) =	sbr.rel $0x88, $3  }
0x1: {  	(tag) =	ssettag $0x0;
	lr =	simm.s32 $0x1  }
0x2: {  	[smem:$0x3F94] =	sst lr;
	_ =	strace $0xD0000000  }
0x3: {  	_ = 	snop  }
0x4: {  	_ = 	snop  }
0x5: {  	_ = 	snop  }
0x6: {  	_ = 	snop  }
0x7: {  	_ = 	snop  }
__scs_overlays_trampoline_lowered:
0x8: {  	[smem:$0x3FA3] =	sst s0  }
0x9: {  	[smem:$0x3FA4] =	sst s1  }
0xa: {  	[smem:$0x3FA5] =	sst s2  }
0xb: {  	[smem:$0x3FA6] =	sst s3  }
0xc: {  	[smem:$0x3FA7] =	sst s4  }
0xd: {  	[smem:$0x3FA8] =	sst s5  }
0xe: {  	[smem:$0x3FA9] =	sst s6  }
0xf: {  	[smem:$0x3FAA] =	sst s7  }
0x10: {  	[smem:$0x3FAB] =	sst s8  }
0x11: {  	[smem:$0x3FAC] =	sst s9;
	s0 =	simm.s32 @!p0 $0x0  }
0x12: {  	s1 =	sld [smem:$0x3F92];
	s0 =	simm.s32 @p0 $0x1  }
0x13: {  	[smem:$0x3FAD] =	sst s0;
	s0 =	simm.s32 @!p1 $0x0  }
0x14: {  	s2 =	sld [smem:$0x3F91];
	s0 =	simm.s32 @p1 $0x1  }
0x15: {  	[smem:$0x3FAE] =	sst s0;
	s0 =	simm.s32 @!p2 $0x0  }
0x16: {  	s3 =	sld [smem:$0x3FDB];
	s0 =	simm.s32 @p2 $0x1  }
0x17: {  	s4 =	simm.s32 $0x1BF5;
	[smem:$0x3FB0] =	sst s0  }
0x18: {  	s0 =	sld [smem:$0x3F93];
	_ =	swait.ge [sflag:s4], $0x0  }
0x19: {  	s7 =	sld [smem:$0x3F94]  }
0x1a: {  	s8 =	sadd.s32 $0xFFFFE003, lr  }
0x1b: {  	s9 =	sadd.s32 $0xFFFFFEF7, lr;
	s5 =	simm.s32 $0xFFFFFFFF;
	p2 =	slt.u32 s8, $0xFFFFF086  }
0x1c: {  	p1 =	slt.u32 s9, $0xF7A;
	s5 =	simm.s32 @!p2 $0x0  }
0x1d: {  	s5 =	simm.s32 @p1 $0x1;
	p0 =	seq.s32 s7, s2  }
0x1e: {  	s7 =	smul.u32 @!p0 $0xF7A, s2;
	p2 =	seq.s32 @!p0 s5, $0x0  }
0x1f: {  	s9 =	smul.u32 $0xF7A, s1;
	s8 =	simm.s32 @!p0 $0x1BF5;
	p2 =	por !p2, p0  }
0x20: {  	[sflag:s8] =	ssyncset.s32 @!p0 $0xFFFFF086;
	s6 =	sadd.s32 @!p0 s3, s7;
	s7 =	simm.s32 @!p0 $0x108  }
0x21: {  	s3 =	sadd.s32 s3, s9;
	s6 =	sadd.s32 @!p0 $0x88, s6;
	s7 =	simm.s32 @p2 $0x1082  }
0x22: {  	[simem:s7], [sflag:s8] =	dma.local @!p0 [hbm:s6], $0xF7A  }
0x23: {  	s9 =	sor.u32 $0xD0000000, s2;
	s6 =	simm.s32 $0x108;
	_ =	swait.ge @!p0 [sflag:s8], $0x0  }
0x24: {  	s3 =	sadd.s32 $0x88, s3;
	s6 =	simm.s32 @!p1 $0x1082;
	[sflag:s4] =	ssyncset.s32 $0xFFFFF086  }
0x25: {  	[simem:s6], [sflag:s4] =	dma.local [hbm:s3], $0xF7A  }
0x26: {  	[smem:$0x3F94] =	sst s1;
	(tag) =	ssettag s2;
	_ =	strace s9  }
0x27: {  	s1 =	sld [smem:$0x3FA4]  }
0x28: {  	s2 =	sld [smem:$0x3FA5]  }
0x29: {  	s4 =	sld [smem:$0x3FA7]  }
0x2a: {  	p0 =	seq.s32 s5, $0x0;
	s5 =	sld [smem:$0x3FA8]  }
0x2b: {  	s6 =	sld [smem:$0x3FA9]  }
0x2c: {  	s7 =	sld [smem:$0x3FAA]  }
0x2d: {  	s3 =	simm.s32 $0x108;
	s8 =	sld [smem:$0x3FAB]  }
0x2e: {  	s3 =	simm.s32 @!p0 $0x1082;
	s9 =	sld [smem:$0x3FAC]  }
0x2f: {  	lr =	sadd.s32 s0, s3;
	s0 =	sld [smem:$0x3FA3]  }
0x30: {  	s3 =	sld [smem:$0x3FA6]  }
0x31: {  	[smem:$0x3FAF] =	sst s10  }
0x32: {  	s10 =	sld [smem:$0x3FAD];
	_ =	sdelay $0x3  }
0x33: {  	p0 =	seq.s32 s10, $0x1;
	s10 =	sld [smem:$0x3FAF];
	_ =	sdelay $0x3  }
0x34: {  	[smem:$0x3FAF] =	sst s10  }
0x35: {  	s10 =	sld [smem:$0x3FAE];
	_ =	sdelay $0x3  }
0x36: {  	p1 =	seq.s32 s10, $0x1;
	s10 =	sld [smem:$0x3FAF];
	_ =	sdelay $0x3  }
0x37: {  	[smem:$0x3FAF] =	sst s10  }
0x38: {  	s10 =	sld [smem:$0x3FB0]  }
0x39: {  	_ = 	snop;
	(pc) =	sbr.ind lr, $3  }
0x3a: {  	_ = 	snop  }
0x3b: {  	_ = 	snop  }
0x3c: {  	p2 =	seq.s32 s10, $0x1;
	s10 =	sld [smem:$0x3FAF]  }
0x3d: {  	_ =	shalt  }
0x3e: {  	_ =	shalt  }
0x3f: {  	_ =	shalt  }
0x40: {  	_ =	shalt  }
0x41: {  	_ =	shalt  }
0x42: {  	_ =	shalt  }
0x43: {  	_ =	shalt  }
0x44: {  	_ =	shalt  }
0x45: {  	_ =	shalt  }
0x46: {  	_ =	shalt  }
0x47: {  	_ =	shalt  }
0x48: {  	_ =	shalt  }
0x49: {  	_ =	shalt  }
0x4a: {  	_ =	shalt  }
0x4b: {  	_ =	shalt  }
0x4c: {  	_ =	shalt  }
0x4d: {  	_ =	shalt  }
0x4e: {  	_ =	shalt  }
0x4f: {  	_ =	shalt  }
0x50: {  	_ =	shalt  }
0x51: {  	_ =	shalt  }
0x52: {  	_ =	shalt  }
0x53: {  	_ =	shalt  }
0x54: {  	_ =	shalt  }
0x55: {  	_ =	shalt  }
0x56: {  	_ =	shalt  }
0x57: {  	_ =	shalt  }
0x58: {  	_ =	shalt  }
0x59: {  	_ =	shalt  }
0x5a: {  	_ =	shalt  }
0x5b: {  	_ =	shalt  }
0x5c: {  	_ =	shalt  }
0x5d: {  	_ =	shalt  }
0x5e: {  	_ =	shalt  }
0x5f: {  	_ =	shalt  }
0x60: {  	_ =	shalt  }
0x61: {  	_ =	shalt  }
0x62: {  	_ =	shalt  }
0x63: {  	_ =	shalt  }
0x64: {  	_ =	shalt  }
0x65: {  	_ =	shalt  }
0x66: {  	_ =	shalt  }
0x67: {  	_ =	shalt  }
0x68: {  	_ =	shalt  }
0x69: {  	_ =	shalt  }
0x6a: {  	_ =	shalt  }
0x6b: {  	_ =	shalt  }
0x6c: {  	_ =	shalt  }
0x6d: {  	_ =	shalt  }
0x6e: {  	_ =	shalt  }
0x6f: {  	_ =	shalt  }
0x70: {  	_ =	shalt  }
0x71: {  	_ =	shalt  }
0x72: {  	_ =	shalt  }
0x73: {  	_ =	shalt  }
0x74: {  	_ =	shalt  }
0x75: {  	_ =	shalt  }
0x76: {  	_ =	shalt  }
0x77: {  	_ =	shalt  }
0x78: {  	_ =	shalt  }
0x79: {  	_ =	shalt  }
0x7a: {  	_ =	shalt  }
0x7b: {  	_ =	shalt  }
0x7c: {  	_ =	shalt  }
0x7d: {  	_ =	shalt  }
0x7e: {  	_ =	shalt  }
0x7f: {  	_ =	shalt  }
0x80: {  	_ =	shalt  }
0x81: {  	_ =	shalt  }
0x82: {  	_ =	shalt  }
0x83: {  	_ =	shalt  }
0x84: {  	_ =	shalt  }
0x85: {  	_ =	shalt  }
0x86: {  	_ =	shalt  }
0x87: {  	_ =	shalt  }
.Lfunc_end0:
.L_simem_size_0:
called_computation.5_lowered:
.L_overlay_start_0:
0x88: {  	s2 =	sld [smem:$0x3FD9]  }
0x89: {  	s3 =	sld [smem:$0x3FFE];
	_ =	sdelay $0x1  }
0x8a: {  	s1 =	srdreg.scid  }
0x8b: {  	s0 =	sand.u32 $0x1, s1  }
0x8c: {  	s16 =	sshll.u32 s0, $0xA;
	s2 =	sadd.s32 s3, s2  }
0x8d: {  	s2 =	sadd.s32 s2, s16  }
0x8e: {  	[smem:$0x3FBB] =	sst s2  }
0x8f: {  	_ = 	snop  }
0x90: {  	(tm) =	ssettm $0x1  }
0x91: {  	s17 =	sld [smem:$0x3FFB];
	_ =	sdelay $0x3  }
0x92: {  	_ =	strace s17  }
0x93: {  	s2 =	sld [smem:$0x3FFC];
	_ =	sdelay $0x3  }
0x94: {  	_ =	strace s2  }
0x95: {  	s2 =	sld [smem:$0x3FFD];
	_ =	sdelay $0x3  }
0x96: {  	_ =	strace s2  }
0x97: {  	_ =	strace $0x8FFFFFFF  }
0x98: {  	s18 =	sld [smem:$0x3FDB];
	_ =	sdelay $0x1  }
0x99: {  	s19 =	simm.s32 $_scs_section_size  }
0x9a: {  	s4 =	simm.s32 $_size__tile_overlayer_lowered;
	s5 =	simm.s32 $_tile_overlayer_lowered  }
0x9b: {  	s22 =	simm.s32 $0x1BFF;
	s21 =	sshll.u32 s5, $0x1;
	s2 =	sadd.s32 s19, s18  }
0x9c: {  	s6 =	simm.s32 $0x0;
	s20 =	sshll.u32 s4, $0x1;
	s4 =	sadd.s32 s21, s2  }
0x9d: {  	[timem:s6], [sflag:s22] =	dma.local [hbm:s4], s20  }
0x9e: {  	_ =	swait.ge [sflag:s22], s20  }
0x9f: {  	s3 =	ssub.s32 $0x0, s20;
	[sflag:s22] =	ssyncset.done $0x0  }
0xa0: {  	[sflag:s22] =	ssyncadd.s32 s3;
	_ =	sdelay $0x1  }
0xa1: {  	s23 =	simm.s32 $0x1B8B  }
0xa2: {  	_ =	swait.ge [sflag:s23], $0x1  }
0xa3: {  	[sflag:s23] =	ssyncset.done $0x0  }
0xa4: {  	s25 =	simm.s32 $0x1B8E;
	s24 =	sld [smem:$0x3FFE];
	[sflag:s23] =	ssyncadd.s32 $0xFFFFFFFF  }
0xa5: {  	s26 =	simm.s32 $execute0_lowered;
	[smem:$0x3FD2] =	sst s25  }
0xa6: {  	s4 =	sshll.u32 s26, $0x1;
	_ =	strace $0x8000004C;
	[dreg:$0x1] =	wrdreg $0xFFFFFFFF  }
0xa7: {  	s28 =	simm.s32 $_size_execute0_lowered;
	s2 =	sadd.s32 s2, s4;
	[dreg:$0x0] =	wrdreg $0x0  }
0xa8: {  	s4 =	sshll.u32 s28, $0x1;
	[dreg:$0x2] =	wrdreg s2  }
0xa9: {  	[dreg:$0x3] =	wrdreg s4  }
0xaa: {  	[dreg:$0x4] =	wrdreg $0xC0  }
0xab: {  	_ =	task [dreg:s6], $0x5FFFF  }
0xac: {  	[dreg:$0x1] =	wrdreg $0xFFFFFFFF  }
0xad: {  	[dreg:$0x0] =	wrdreg $0x60  }
0xae: {  	[dreg:$0x2] =	wrdreg s24  }
0xaf: {  	[dreg:$0x3] =	wrdreg $0x9  }
0xb0: {  	_ =	task.clear_ibuf [dreg:s6], $0x4FFFF;
	_ =	strace $0x9000004C  }
0xb1: {  	s29 =	simm.s32 $0x9;
	_ =	strace $0x8000004E  }
0xb2: {  	_ =	swait.ge [sflag:s29], $0x1  }
0xb3: {  	[sflag:s29] =	ssyncadd.s32 $0xFFFFFFFF  }
0xb4: {  	_ =	strace $0x9000004E  }
0xb5: {  	_ =	sfence  }
0xb6: {  	s30 =	sld [smem:$0x0];
	_ =	sdelay $0x2  }
0xb7: {  	s31 =	sshll.u32 s1, $0xD;
	s1 =	sshrl.u32 s1, $0x2  }
0xb8: {  	s3 =	sand.u32 $0x4000, s31;
	s1 =	sadd.s32 s1, s30  }
0xb9: {  	s0 =	sor.u32 s3, s0;
	s1 =	sshll.u32 s1, $0x11  }
0xba: {  	s0 =	sor.u32 s1, s0  }
0xbb: {  	s0 =	sadd.s32 $0x8F2B, s0  }
0xbc: {  	[sflag:s0] =	ssyncadd.remote.s32 $0x1  }
0xbd: {  	_ =	sfence.sel $0xFFFF  }
0xbe: {  	[dreg:$0x0] =	wrdreg $0xFFFFFFFF;
	(pc) =	sbr.abs _section_cstart, $3  }
0xbf: {  	[dreg:$0x1] =	wrdreg $0xFFFFFFFF  }
0xc0: {  	_ =	task.clear_ibuf [dreg:s6], $0x2FFFF;
	_ =	strace $0x9FFFFFFF  }
0xc1: {  	(tm) =	ssettm $0x7FFFFFFF  }
tec
execute0_lowered:
.L_overlay_start_1:
0x0: {  	(tag) =	ssettag $0x1  }
0x1: {  	s0 =	stileid.u32;
	s1 =	srdreg.scid  }
0x2: {  	s1 =	sand.u32 $0x1, s1;
	s2 =	sshll.u32 s0, $0x1  }
0x3: {  	s1 =	sor.u32 s2, s1  }
0x4: {  	s2 =	smul.u32 $0x1580, s1;
	_ =	sdelay $0x1  }
0x5: {  	s6 =	ssub.s32 $0x56000, s2  }
0x6: {  	s31 =	smulhi.u32 $0xBE83, s6  }
0x7: {  	s8 =	rddreg [dreg:$0x0];
	s5 =	simm.s32 $0x1;
	s10 =	simm.s32 $0x3  }
0x8: {  	s13 =	simm.s32 $0x0;
	s12 =	simm.s32 $0x0;
	s7 =	sshrl.u32 s31, $0x1  }
0x9: {  	s3 =	sadd.s32 $0x60C00, s8;
	s4 =	sadd.s32 $0x56000, s8;
	s9 =	smul.u32 $0x2B000, s7  }
.Ltmp0:
0xa: {  	s8 =	sadd.s32 $0x6AA00, s8;
	s1 =	rddreg [dreg:$0x1];
	(pc) =	sbr.rel .LBB2_1-.Ltmp0, $4  }
0xb: {  	_ =	strace $0x8000004D;
	p0 =	sne.s32 s6, s9;
	s9 =	simm.s32 $0x1  }
0xc: {  	[sflag:s5] =	ssyncpa.u1 $0x0;
	s6 =	simm.s32 $0x2;
	s9 =	simm.s32 @!p0 $0x0  }
0xd: {  	s11 =	smov.u32 s2;
	[sflag:s6] =	ssyncpa.u1 $0x0;
	s7 =	sadd.s32 s9, s7  }
0xe: {  	vm0 =	vmmov $0xffff;
	[sflag:s10] =	ssyncpa.u1 $0x0;
	s10 =	simm.s32 $0x0;
	s9 =	sadd.s32 $0x1, s7  }
.LBB2_4:
0xf: {  	v2 =	vnsel vm1, $0x0, v2  }
0x10: {  	vm1 =	vgt.s32 v0, $0x0;
	v2 =	vmin.u32 v2, $0x4E1FF  }
0x11: {  	v0 =	vnsel vm1, $0x0, v0  }
0x12: {  	v0 =	vmin.u32 v0, $0x4E1FF  }
0x13: {  	[tilespmem:s18], [sflag:$0x1] =	stream.indirect_vreg.gather [hbm4b:s3+s10], $0x1, v1, vm0, $0x4038;
	[tilespmem:$0x5600] =	vst v63  }
0x14: {  	(ifvalue) =	ssetifvalue $0x7FFFFFFF  }
0x15: {  	[tilespmem:s15], [sflag:$0x1] =	stream.indirect_vreg.gather [hbm4b:s3+s10], $0x1, v2, vm0, $0x4038;
	[tilespmem:$0x5600] =	vst v63  }
0x16: {  	s29 =	sadd.s32 $0x10, s15;
	(ifvalue) =	ssetifvalue $0x7FFFFFFF  }
0x17: {  	[tilespmem:s29], [sflag:$0x1] =	stream.indirect_vreg.gather [hbm4b:s3+s10], $0x1, v0, vm0, $0x4038;
	[tilespmem:$0x5600] =	vst v63  }
0x18: {  	_ =	swait.ge [sflag:s5], $0x1580  }
0x19: {  	s30 =	sshrl.u32 s13, $0x3;
	[sflag:s5] =	ssyncset.done $0x0  }
0x1a: {  	s31 =	sand.u32 $0x7, s13;
	s15 =	sadd.s32 s8, s30;
	[sflag:s5] =	ssyncadd.s32 $0xFFFFEA80  }
0x1b: {  	[hbm4b:s15+s31] =	stream.linear.scatter [tilespmem:s14], [sflag:$0x3], $0x1580, $0x38;
	[tilespmem:$0x5600] =	vst v63  }
.LBB2_5:
0x1c: {  	s15 =	sadd.s32 $0x2B000, s11  }
0x1d: {  	p1 =	sgt.s32 s15, $0x55FFF  }
0x1e: {  	s15 =	smov.u32 @p1 s2;
	p1 =	sne.s32 s12, s9  }
.Ltmp1:
0x1f: {  	p0 =	slt.u32 s12, $0x2;
	(pc) =	sbr.rel @!p1 .LBB2_6-.Ltmp1, $4  }
0x20: {  	s14 =	simm.s32 @!p0 $0x3  }
0x21: {  	_ =	swait.ge @!p0 [sflag:s14], $0x1580  }
0x22: {  	s16 =	sadd.s32 $0x1, s12;
	s13 =	smov.u32 s11;
	[sflag:s14] =	ssyncset.done @!p0 $0x0  }
0x23: {  	s12 =	smov.u32 s16;
	s11 =	smov.u32 s15;
	[sflag:s14] =	ssyncadd.s32 @!p0 $0xFFFFEA80  }
.LBB2_1:
0x24: {  	p0 =	sge.u32 s12, s7  }
0x25: {  	s14 =	sxor.u32 @!p0 $0xFFFFFFFF, s12  }
0x26: {  	s14 =	sand.u32 @!p0 $0x1, s14  }
0x27: {  	s14 =	smul.u32 @!p0 $0x5600, s14  }
0x28: {  	s31 =	sadd.s32 $0xFFFFFFFF, s12;
	s15 =	sshrl.u32 @!p0 s11, $0x3  }
0x29: {  	s16 =	sand.u32 @!p0 $0x7, s11;
	s15 =	sadd.s32 @!p0 s4, s15;
	s14 =	sshrl.u32 @!p0 s14, $0x2  }
0x2a: {  	[tilespmem:s14], [sflag:$0x2] =	stream.linear.gather @!p0 [hbm4b:s15+s16], $0x1580, $0x38;
	[tilespmem:$0x5600] =	vst v63  }
0x2b: {  	p0 =	sge.u32 s31, s7  }
.Ltmp2:
0x2c: {  	_ = 	snop;
	(pc) =	sbr.rel @p0 .LBB2_5-.Ltmp2, $1  }
0x2d: {  	_ =	sdelay $0x3  }
0x2e: {  	s14 =	sand.u32 $0x1, s12  }
0x2f: {  	_ =	swait.ge [sflag:s6], $0x1580;
	p0 =	seq.s32 s14, $0x1;
	s14 =	simm.s32 $0x1580  }
0x30: {  	[sflag:s6] =	ssyncset.done $0x0;
	s14 =	simm.s32 @!p0 $0x0  }
0x31: {  	[sflag:s6] =	ssyncadd.s32 $0xFFFFEA80;
	(ifvalue) =	ssetifvalue $0x7FFFFFFF;
	v0 =	vld.msk [tilespmem:s14+$0x0 ss:$0x1], $0xffff;
	_ =	sdelay $0x4  }
0x32: {  	s15 =	sadd.s32 $0x10, s14;
	vm1 =	vgt.s32 v0, $0x0  }
0x33: {  	v2 =	vld.msk [tilespmem:s15+$0x0 ss:$0x1], $0xffff;
	v1 =	vnsel vm1, $0x0, v0  }
0x34: {  	v1 =	vmin.u32 v1, $0x4E1FF;
	_ =	sdelay $0x2  }
0x35: {  	s17 =	simm.s32 $0x20;
	s14 =	sadd.s32 $0x2B00, s14;
	s16 =	sadd.s32 $0x10, s15  }
0x36: {  	s15 =	sadd.s32 $0x10, s14;
	s18 =	smov.u32 s14;
	v0 =	vld.msk [tilespmem:s16+$0x0 ss:$0x1], $0xffff;
	vm1 =	vgt.s32 v2, $0x0;
	(ifvalue) =	ssetifvalue $0x7FFFFFFF  }
.LBB2_3:
0x37: {  	[tilespmem:s18], [sflag:$0x1] =	stream.indirect_vreg.gather [hbm4b:s3+s10], $0x1, v1, vm0, $0x4038;
	[tilespmem:$0x5600] =	vst v63  }
0x38: {  	s17 =	sadd.s32 $0x10, s17  }
0x39: {  	v2 =	vnsel vm1, $0x0, v2;
	p0 =	slt.u32 s17, $0x1570  }
.Ltmp3:
0x3a: {  	s18 =	smov.u32 s15;
	v1 =	vmin.u32 v2, $0x4E1FF;
	(pc) =	sbr.rel @p0 .LBB2_3-.Ltmp3, $3  }
0x3b: {  	_ =	sdelay $0x1  }
0x3c: {  	s16 =	sadd.s32 $0x10, s16  }
0x3d: {  	vm1 =	vgt.s32 v0, $0x0;
	s15 =	sadd.s32 $0x10, s15;
	v2 =	vmov v0;
	(ifvalue) =	ssetifvalue $0x7FFFFFFF;
	v0 =	vld.msk [tilespmem:s16+$0x0 ss:$0x1], $0xffff  }
.Ltmp4:
0x3e: {  	_ = 	snop;
	(pc) =	sbr.rel .LBB2_4-.Ltmp4, $1  }
0x3f: {  	_ =	sdelay $0x3  }
.LBB2_6:
0x40: {  	_ =	sfence.sel $0x180000  }
0x41: {  	s2 =	simm.s32 $0x2;
	[bflag:$0x0] =	sbarrier.arrive $0xFFFF  }
0x42: {  	s30 =	simm.s32 $0x3;
	[sflag:s2] =	ssyncpa.u1 $0x1  }
0x43: {  	s31 =	simm.s32 $0x1;
	[sflag:s30] =	ssyncpa.u1 $0x1  }
0x44: {  	[sflag:s31] =	ssyncpa.u1 $0x1  }
0x45: {  	p0 =	sne.s32 s0, $0x0;
	_ =	strace $0x9000004D  }
0x46: {  	s0 =	sadd.s32 @!p0 $0x100000, s1;
	[bflag:$0x2] =	sbarrier.arrive $0xFFFF  }
0x47: {  	[sflag:s0] =	ssyncadd.tile.s32 @!p0 $0x1;
	_ =	shalt  }
.Lfunc_end2:
_tile_overlayer_lowered:
.L_overlay_start_2:
0x48: {  	(tag) =	ssettag $0x2  }
0x49: {  	s0 =	rddreg [dreg:$0x0];
	s2 =	stileid.u32  }
0x4a: {  	s1 =	rddreg [dreg:$0x1];
	p0 =	sne.s32 s2, $0x0  }
0x4b: {  	s3 =	rddreg [dreg:$0x2];
	[bflag:$0x3] =	sbarrier.arrive $0xFFFF;
	s2 =	simm.s32 @!p0 $0x1C01  }
0x4c: {  	[timem:s3], [sflag:s2] =	dma.local @!p0 [hbm:s0], s1  }
0x4d: {  	s0 =	simm.s32 @!p0 $0x1  }
0x4e: {  	_ =	swait.ge @!p0 [sflag:s0], s1  }
0x4f: {  	s1 =	ssub.s32 @!p0 $0x0, s1;
	[sflag:s0] =	ssyncset.done @!p0 $0x0  }
0x50: {  	[sflag:s0] =	ssyncadd.s32 @!p0 s1  }
0x51: {  	[bflag:$0x3] =	sbarrier.arrive $0xFFFF  }
0x52: {  	_ =	shalt  }

// kernel: gather_offload_async_start
scs
__scs_entry_jumppad:
0x0: {  	(pc) =	sbr.rel $0x88, $3  }
0x1: {  	(tag) =	ssettag $0x0;
	lr =	simm.s32 $0x1  }
0x2: {  	[smem:$0x3F94] =	sst lr;
	_ =	strace $0xD0000000  }
0x3: {  	_ = 	snop  }
0x4: {  	_ = 	snop  }
0x5: {  	_ = 	snop  }
0x6: {  	_ = 	snop  }
0x7: {  	_ = 	snop  }
__scs_overlays_trampoline_lowered:
0x8: {  	[smem:$0x3FA3] =	sst s0  }
0x9: {  	[smem:$0x3FA4] =	sst s1  }
0xa: {  	[smem:$0x3FA5] =	sst s2  }
0xb: {  	[smem:$0x3FA6] =	sst s3  }
0xc: {  	[smem:$0x3FA7] =	sst s4  }
0xd: {  	[smem:$0x3FA8] =	sst s5  }
0xe: {  	[smem:$0x3FA9] =	sst s6  }
0xf: {  	[smem:$0x3FAA] =	sst s7  }
0x10: {  	[smem:$0x3FAB] =	sst s8  }
0x11: {  	[smem:$0x3FAC] =	sst s9;
	s0 =	simm.s32 @!p0 $0x0  }
0x12: {  	s1 =	sld [smem:$0x3F92];
	s0 =	simm.s32 @p0 $0x1  }
0x13: {  	[smem:$0x3FAD] =	sst s0;
	s0 =	simm.s32 @!p1 $0x0  }
0x14: {  	s2 =	sld [smem:$0x3F91];
	s0 =	simm.s32 @p1 $0x1  }
0x15: {  	[smem:$0x3FAE] =	sst s0;
	s0 =	simm.s32 @!p2 $0x0  }
0x16: {  	s3 =	sld [smem:$0x3FDB];
	s0 =	simm.s32 @p2 $0x1  }
0x17: {  	s4 =	simm.s32 $0x1BF5;
	[smem:$0x3FB0] =	sst s0  }
0x18: {  	s0 =	sld [smem:$0x3F93];
	_ =	swait.ge [sflag:s4], $0x0  }
0x19: {  	s7 =	sld [smem:$0x3F94]  }
0x1a: {  	s8 =	sadd.s32 $0xFFFFE003, lr  }
0x1b: {  	s9 =	sadd.s32 $0xFFFFFEF7, lr;
	s5 =	simm.s32 $0xFFFFFFFF;
	p2 =	slt.u32 s8, $0xFFFFF086  }
0x1c: {  	p1 =	slt.u32 s9, $0xF7A;
	s5 =	simm.s32 @!p2 $0x0  }
0x1d: {  	s5 =	simm.s32 @p1 $0x1;
	p0 =	seq.s32 s7, s2  }
0x1e: {  	s7 =	smul.u32 @!p0 $0xF7A, s2;
	p2 =	seq.s32 @!p0 s5, $0x0  }
0x1f: {  	s9 =	smul.u32 $0xF7A, s1;
	s8 =	simm.s32 @!p0 $0x1BF5;
	p2 =	por !p2, p0  }
0x20: {  	[sflag:s8] =	ssyncset.s32 @!p0 $0xFFFFF086;
	s6 =	sadd.s32 @!p0 s3, s7;
	s7 =	simm.s32 @!p0 $0x108  }
0x21: {  	s3 =	sadd.s32 s3, s9;
	s6 =	sadd.s32 @!p0 $0x88, s6;
	s7 =	simm.s32 @p2 $0x1082  }
0x22: {  	[simem:s7], [sflag:s8] =	dma.local @!p0 [hbm:s6], $0xF7A  }
0x23: {  	s9 =	sor.u32 $0xD0000000, s2;
	s6 =	simm.s32 $0x108;
	_ =	swait.ge @!p0 [sflag:s8], $0x0  }
0x24: {  	s3 =	sadd.s32 $0x88, s3;
	s6 =	simm.s32 @!p1 $0x1082;
	[sflag:s4] =	ssyncset.s32 $0xFFFFF086  }
0x25: {  	[simem:s6], [sflag:s4] =	dma.local [hbm:s3], $0xF7A  }
0x26: {  	[smem:$0x3F94] =	sst s1;
	(tag) =	ssettag s2;
	_ =	strace s9  }
0x27: {  	s1 =	sld [smem:$0x3FA4]  }
0x28: {  	s2 =	sld [smem:$0x3FA5]  }
0x29: {  	s4 =	sld [smem:$0x3FA7]  }
0x2a: {  	p0 =	seq.s32 s5, $0x0;
	s5 =	sld [smem:$0x3FA8]  }
0x2b: {  	s6 =	sld [smem:$0x3FA9]  }
0x2c: {  	s7 =	sld [smem:$0x3FAA]  }
0x2d: {  	s3 =	simm.s32 $0x108;
	s8 =	sld [smem:$0x3FAB]  }
0x2e: {  	s3 =	simm.s32 @!p0 $0x1082;
	s9 =	sld [smem:$0x3FAC]  }
0x2f: {  	lr =	sadd.s32 s0, s3;
	s0 =	sld [smem:$0x3FA3]  }
0x30: {  	s3 =	sld [smem:$0x3FA6]  }
0x31: {  	[smem:$0x3FAF] =	sst s10  }
0x32: {  	s10 =	sld [smem:$0x3FAD];
	_ =	sdelay $0x3  }
0x33: {  	p0 =	seq.s32 s10, $0x1;
	s10 =	sld [smem:$0x3FAF];
	_ =	sdelay $0x3  }
0x34: {  	[smem:$0x3FAF] =	sst s10  }
0x35: {  	s10 =	sld [smem:$0x3FAE];
	_ =	sdelay $0x3  }
0x36: {  	p1 =	seq.s32 s10, $0x1;
	s10 =	sld [smem:$0x3FAF];
	_ =	sdelay $0x3  }
0x37: {  	[smem:$0x3FAF] =	sst s10  }
0x38: {  	s10 =	sld [smem:$0x3FB0]  }
0x39: {  	_ = 	snop;
	(pc) =	sbr.ind lr, $3  }
0x3a: {  	_ = 	snop  }
0x3b: {  	_ = 	snop  }
0x3c: {  	p2 =	seq.s32 s10, $0x1;
	s10 =	sld [smem:$0x3FAF]  }
0x3d: {  	_ =	shalt  }
0x3e: {  	_ =	shalt  }
0x3f: {  	_ =	shalt  }
0x40: {  	_ =	shalt  }
0x41: {  	_ =	shalt  }
0x42: {  	_ =	shalt  }
0x43: {  	_ =	shalt  }
0x44: {  	_ =	shalt  }
0x45: {  	_ =	shalt  }
0x46: {  	_ =	shalt  }
0x47: {  	_ =	shalt  }
0x48: {  	_ =	shalt  }
0x49: {  	_ =	shalt  }
0x4a: {  	_ =	shalt  }
0x4b: {  	_ =	shalt  }
0x4c: {  	_ =	shalt  }
0x4d: {  	_ =	shalt  }
0x4e: {  	_ =	shalt  }
0x4f: {  	_ =	shalt  }
0x50: {  	_ =	shalt  }
0x51: {  	_ =	shalt  }
0x52: {  	_ =	shalt  }
0x53: {  	_ =	shalt  }
0x54: {  	_ =	shalt  }
0x55: {  	_ =	shalt  }
0x56: {  	_ =	shalt  }
0x57: {  	_ =	shalt  }
0x58: {  	_ =	shalt  }
0x59: {  	_ =	shalt  }
0x5a: {  	_ =	shalt  }
0x5b: {  	_ =	shalt  }
0x5c: {  	_ =	shalt  }
0x5d: {  	_ =	shalt  }
0x5e: {  	_ =	shalt  }
0x5f: {  	_ =	shalt  }
0x60: {  	_ =	shalt  }
0x61: {  	_ =	shalt  }
0x62: {  	_ =	shalt  }
0x63: {  	_ =	shalt  }
0x64: {  	_ =	shalt  }
0x65: {  	_ =	shalt  }
0x66: {  	_ =	shalt  }
0x67: {  	_ =	shalt  }
0x68: {  	_ =	shalt  }
0x69: {  	_ =	shalt  }
0x6a: {  	_ =	shalt  }
0x6b: {  	_ =	shalt  }
0x6c: {  	_ =	shalt  }
0x6d: {  	_ =	shalt  }
0x6e: {  	_ =	shalt  }
0x6f: {  	_ =	shalt  }
0x70: {  	_ =	shalt  }
0x71: {  	_ =	shalt  }
0x72: {  	_ =	shalt  }
0x73: {  	_ =	shalt  }
0x74: {  	_ =	shalt  }
0x75: {  	_ =	shalt  }
0x76: {  	_ =	shalt  }
0x77: {  	_ =	shalt  }
0x78: {  	_ =	shalt  }
0x79: {  	_ =	shalt  }
0x7a: {  	_ =	shalt  }
0x7b: {  	_ =	shalt  }
0x7c: {  	_ =	shalt  }
0x7d: {  	_ =	shalt  }
0x7e: {  	_ =	shalt  }
0x7f: {  	_ =	shalt  }
0x80: {  	_ =	shalt  }
0x81: {  	_ =	shalt  }
0x82: {  	_ =	shalt  }
0x83: {  	_ =	shalt  }
0x84: {  	_ =	shalt  }
0x85: {  	_ =	shalt  }
0x86: {  	_ =	shalt  }
0x87: {  	_ =	shalt  }
.Lfunc_end0:
.L_simem_size_0:
called_computation_lowered:
.L_overlay_start_0:
0x88: {  	s2 =	sld [smem:$0x3FD9]  }
0x89: {  	s3 =	sld [smem:$0x3FFE];
	_ =	sdelay $0x1  }
0x8a: {  	s1 =	srdreg.scid  }
0x8b: {  	s0 =	sand.u32 $0x1, s1  }
0x8c: {  	s16 =	sshll.u32 s0, $0xA;
	s2 =	sadd.s32 s3, s2  }
0x8d: {  	s2 =	sadd.s32 s2, s16  }
0x8e: {  	[smem:$0x3FBB] =	sst s2  }
0x8f: {  	_ = 	snop  }
0x90: {  	(tm) =	ssettm $0x1  }
0x91: {  	s17 =	sld [smem:$0x3FFB];
	_ =	sdelay $0x3  }
0x92: {  	_ =	strace s17  }
0x93: {  	s2 =	sld [smem:$0x3FFC];
	_ =	sdelay $0x3  }
0x94: {  	_ =	strace s2  }
0x95: {  	s2 =	sld [smem:$0x3FFD];
	_ =	sdelay $0x3  }
0x96: {  	_ =	strace s2  }
0x97: {  	_ =	strace $0x8FFFFFFF  }
0x98: {  	s18 =	sld [smem:$0x3FDB];
	_ =	sdelay $0x1  }
0x99: {  	s19 =	simm.s32 $_scs_section_size  }
0x9a: {  	s4 =	simm.s32 $_size__tile_overlayer_lowered;
	s5 =	simm.s32 $_tile_overlayer_lowered  }
0x9b: {  	s22 =	simm.s32 $0x1BFF;
	s21 =	sshll.u32 s5, $0x1;
	s2 =	sadd.s32 s19, s18  }
0x9c: {  	s6 =	simm.s32 $0x0;
	s20 =	sshll.u32 s4, $0x1;
	s4 =	sadd.s32 s21, s2  }
0x9d: {  	[timem:s6], [sflag:s22] =	dma.local [hbm:s4], s20  }
0x9e: {  	_ =	swait.ge [sflag:s22], s20  }
0x9f: {  	s3 =	ssub.s32 $0x0, s20;
	[sflag:s22] =	ssyncset.done $0x0  }
0xa0: {  	[sflag:s22] =	ssyncadd.s32 s3;
	_ =	sdelay $0x1  }
0xa1: {  	s23 =	simm.s32 $0x1B8B  }
0xa2: {  	_ =	swait.ge [sflag:s23], $0x1  }
0xa3: {  	[sflag:s23] =	ssyncset.done $0x0  }
0xa4: {  	s25 =	simm.s32 $0x1B8E;
	s24 =	sld [smem:$0x3FFE];
	[sflag:s23] =	ssyncadd.s32 $0xFFFFFFFF  }
0xa5: {  	s26 =	simm.s32 $execute0_lowered;
	[smem:$0x3FD2] =	sst s25  }
0xa6: {  	s4 =	sshll.u32 s26, $0x1;
	_ =	strace $0x8000004F;
	[dreg:$0x1] =	wrdreg $0xFFFFFFFF  }
0xa7: {  	s28 =	simm.s32 $_size_execute0_lowered;
	s2 =	sadd.s32 s2, s4;
	[dreg:$0x0] =	wrdreg $0x0  }
0xa8: {  	s4 =	sshll.u32 s28, $0x1;
	[dreg:$0x2] =	wrdreg s2  }
0xa9: {  	[dreg:$0x3] =	wrdreg s4  }
0xaa: {  	[dreg:$0x4] =	wrdreg $0xC0  }
0xab: {  	_ =	task [dreg:s6], $0x5FFFF  }
0xac: {  	[dreg:$0x1] =	wrdreg $0xFFFFFFFF  }
0xad: {  	[dreg:$0x0] =	wrdreg $0x60  }
0xae: {  	[dreg:$0x2] =	wrdreg s24  }
0xaf: {  	[dreg:$0x3] =	wrdreg $0xA  }
0xb0: {  	_ =	task.clear_ibuf [dreg:s6], $0x4FFFF;
	_ =	strace $0x9000004F  }
0xb1: {  	s29 =	simm.s32 $0xA;
	_ =	strace $0x80000051  }
0xb2: {  	_ =	swait.ge [sflag:s29], $0x1  }
0xb3: {  	[sflag:s29] =	ssyncadd.s32 $0xFFFFFFFF  }
0xb4: {  	_ =	strace $0x90000051  }
0xb5: {  	_ =	sfence  }
0xb6: {  	s30 =	sld [smem:$0x0];
	_ =	sdelay $0x2  }
0xb7: {  	s31 =	sshll.u32 s1, $0xD;
	s1 =	sshrl.u32 s1, $0x2  }
0xb8: {  	s3 =	sand.u32 $0x4000, s31;
	s1 =	sadd.s32 s1, s30  }
0xb9: {  	s0 =	sor.u32 s3, s0;
	s1 =	sshll.u32 s1, $0x11  }
0xba: {  	s0 =	sor.u32 s1, s0  }
0xbb: {  	s0 =	sadd.s32 $0x8F2B, s0  }
0xbc: {  	[sflag:s0] =	ssyncadd.remote.s32 $0x1  }
0xbd: {  	_ =	sfence.sel $0xFFFF  }
0xbe: {  	[dreg:$0x0] =	wrdreg $0xFFFFFFFF;
	(pc) =	sbr.abs _section_cstart, $3  }
0xbf: {  	[dreg:$0x1] =	wrdreg $0xFFFFFFFF  }
0xc0: {  	_ =	task.clear_ibuf [dreg:s6], $0x2FFFF;
	_ =	strace $0x9FFFFFFF  }
0xc1: {  	(tm) =	ssettm $0x7FFFFFFF  }
tec
execute0_lowered:
.L_overlay_start_1:
0x0: {  	(tag) =	ssettag $0x1  }
0x1: {  	s8 =	rddreg [dreg:$0x0]  }
0x2: {  	s0 =	rddreg [dreg:$0x1];
	_ =	strace $0x80000050;
	s1 =	stileid.u32  }
0x3: {  	s3 =	srdreg.scid;
	s4 =	simm.s32 $0x1;
	s7 =	simm.s32 $0x1  }
0x4: {  	s9 =	simm.s32 $0x1;
	s10 =	simm.s32 $0x3;
	s13 =	simm.s32 $0x0  }
0x5: {  	s12 =	simm.s32 $0x0;
	s5 =	sand.u32 $0x1, s3;
	s6 =	sshll.u32 s1, $0x1  }
0x6: {  	s2 =	sadd.s32 $0x6600, s8;
	s3 =	sadd.s32 $0x1A200, s8;
	s5 =	sor.u32 s6, s5  }
.Ltmp0:
0x7: {  	[sflag:s4] =	ssyncpa.u1 $0x0;
	p0 =	slt.u32 s5, $0x9;
	(pc) =	sbr.rel .LBB2_1-.Ltmp0, $4  }
0x8: {  	s6 =	simm.s32 $0x2;
	s7 =	simm.s32 @!p0 $0x0;
	p0 =	sne.s32 s5, $0x8  }
0x9: {  	[sflag:s6] =	ssyncpa.u1 $0x0;
	s5 =	smul.u32 $0x1F40, s5;
	s9 =	simm.s32 @!p0 $0x0  }
0xa: {  	s8 =	sadd.s32 $0x8BC00, s8;
	[sflag:s10] =	ssyncpa.u1 $0x0;
	s7 =	sadd.s32 s9, s7  }
0xb: {  	vm0 =	vmmov $0xffff;
	s10 =	simm.s32 $0x0;
	s11 =	smov.u32 s5;
	s9 =	sadd.s32 $0x1, s7  }
.LBB2_4:
0xc: {  	v2 =	vnsel vm1, $0x0, v2  }
0xd: {  	vm1 =	vgt.s32 v0, $0x0;
	v2 =	vmin.u32 v2, $0x4E1FF  }
0xe: {  	v0 =	vnsel vm1, $0x0, v0  }
0xf: {  	v0 =	vmin.u32 v0, $0x4E1FF  }
0x10: {  	[tilespmem:s18], [sflag:$0x1] =	stream.indirect_vreg.gather [hbm4b:s2+s10], $0x1, v1, vm0, $0x4038;
	[tilespmem:$0x7D00] =	vst v63  }
0x11: {  	(ifvalue) =	ssetifvalue $0x7FFFFFFF  }
0x12: {  	[tilespmem:s15], [sflag:$0x1] =	stream.indirect_vreg.gather [hbm4b:s2+s10], $0x1, v2, vm0, $0x4038;
	[tilespmem:$0x7D00] =	vst v63  }
0x13: {  	s29 =	sadd.s32 $0x10, s15;
	(ifvalue) =	ssetifvalue $0x7FFFFFFF  }
0x14: {  	[tilespmem:s29], [sflag:$0x1] =	stream.indirect_vreg.gather [hbm4b:s2+s10], $0x1, v0, vm0, $0x4038;
	[tilespmem:$0x7D00] =	vst v63  }
0x15: {  	_ =	swait.ge [sflag:s4], $0x1F40  }
0x16: {  	s30 =	sshrl.u32 s13, $0x3;
	[sflag:s4] =	ssyncset.done $0x0  }
0x17: {  	s31 =	sand.u32 $0x7, s13;
	s15 =	sadd.s32 s8, s30;
	[sflag:s4] =	ssyncadd.s32 $0xFFFFE0C0  }
0x18: {  	[hbm4b:s15+s31] =	stream.linear.scatter [tilespmem:s14], [sflag:$0x3], $0x1F40, $0x38;
	[tilespmem:$0x7D00] =	vst v63  }
.LBB2_5:
0x19: {  	s15 =	sadd.s32 $0x3E800, s11  }
0x1a: {  	p1 =	sgt.s32 s15, $0x4E1FF  }
0x1b: {  	s15 =	smov.u32 @p1 s5;
	p1 =	sne.s32 s12, s9  }
.Ltmp1:
0x1c: {  	p0 =	slt.u32 s12, $0x2;
	(pc) =	sbr.rel @!p1 .LBB2_6-.Ltmp1, $4  }
0x1d: {  	s14 =	simm.s32 @!p0 $0x3  }
0x1e: {  	_ =	swait.ge @!p0 [sflag:s14], $0x1F40  }
0x1f: {  	s16 =	sadd.s32 $0x1, s12;
	s13 =	smov.u32 s11;
	[sflag:s14] =	ssyncset.done @!p0 $0x0  }
0x20: {  	s12 =	smov.u32 s16;
	s11 =	smov.u32 s15;
	[sflag:s14] =	ssyncadd.s32 @!p0 $0xFFFFE0C0  }
.LBB2_1:
0x21: {  	p0 =	sge.u32 s12, s7  }
0x22: {  	s14 =	sxor.u32 @!p0 $0x1, s12  }
0x23: {  	s14 =	smul.u32 @!p0 $0x7D00, s14  }
0x24: {  	s31 =	sadd.s32 $0xFFFFFFFF, s12;
	s15 =	sshrl.u32 @!p0 s11, $0x3  }
0x25: {  	s16 =	sand.u32 @!p0 $0x7, s11;
	s15 =	sadd.s32 @!p0 s3, s15;
	s14 =	sshra.s32 @!p0 s14, $0x2  }
0x26: {  	[tilespmem:s14], [sflag:$0x2] =	stream.linear.gather @!p0 [hbm4b:s15+s16], $0x1F40, $0x38;
	[tilespmem:$0x7D00] =	vst v63  }
0x27: {  	p0 =	sge.u32 s31, s7  }
.Ltmp2:
0x28: {  	_ = 	snop;
	(pc) =	sbr.rel @p0 .LBB2_5-.Ltmp2, $1  }
0x29: {  	_ =	sdelay $0x3  }
0x2a: {  	s14 =	sand.u32 $0x1, s12  }
0x2b: {  	_ =	swait.ge [sflag:s6], $0x1F40;
	p0 =	seq.s32 s14, $0x1;
	s14 =	simm.s32 $0x1F40  }
0x2c: {  	[sflag:s6] =	ssyncset.done $0x0;
	s14 =	simm.s32 @!p0 $0x0  }
0x2d: {  	[sflag:s6] =	ssyncadd.s32 $0xFFFFE0C0;
	(ifvalue) =	ssetifvalue $0x7FFFFFFF;
	v0 =	vld.msk [tilespmem:s14+$0x0 ss:$0x1], $0xffff;
	_ =	sdelay $0x4  }
0x2e: {  	s15 =	sadd.s32 $0x10, s14;
	vm1 =	vgt.s32 v0, $0x0  }
0x2f: {  	v2 =	vld.msk [tilespmem:s15+$0x0 ss:$0x1], $0xffff;
	v1 =	vnsel vm1, $0x0, v0  }
0x30: {  	v1 =	vmin.u32 v1, $0x4E1FF;
	_ =	sdelay $0x2  }
0x31: {  	s17 =	simm.s32 $0x20;
	s14 =	sadd.s32 $0x3E80, s14;
	s16 =	sadd.s32 $0x10, s15  }
0x32: {  	s15 =	sadd.s32 $0x10, s14;
	s18 =	smov.u32 s14;
	v0 =	vld.msk [tilespmem:s16+$0x0 ss:$0x1], $0xffff;
	vm1 =	vgt.s32 v2, $0x0;
	(ifvalue) =	ssetifvalue $0x7FFFFFFF  }
.LBB2_3:
0x33: {  	[tilespmem:s18], [sflag:$0x1] =	stream.indirect_vreg.gather [hbm4b:s2+s10], $0x1, v1, vm0, $0x4038;
	[tilespmem:$0x7D00] =	vst v63  }
0x34: {  	s17 =	sadd.s32 $0x10, s17  }
0x35: {  	v2 =	vnsel vm1, $0x0, v2;
	p0 =	slt.u32 s17, $0x1F30  }
.Ltmp3:
0x36: {  	s18 =	smov.u32 s15;
	v1 =	vmin.u32 v2, $0x4E1FF;
	(pc) =	sbr.rel @p0 .LBB2_3-.Ltmp3, $3  }
0x37: {  	_ =	sdelay $0x1  }
0x38: {  	s16 =	sadd.s32 $0x10, s16  }
0x39: {  	vm1 =	vgt.s32 v0, $0x0;
	s15 =	sadd.s32 $0x10, s15;
	v2 =	vmov v0;
	(ifvalue) =	ssetifvalue $0x7FFFFFFF;
	v0 =	vld.msk [tilespmem:s16+$0x0 ss:$0x1], $0xffff  }
.Ltmp4:
0x3a: {  	_ = 	snop;
	(pc) =	sbr.rel .LBB2_4-.Ltmp4, $1  }
0x3b: {  	_ =	sdelay $0x3  }
.LBB2_6:
0x3c: {  	_ =	sfence.sel $0x180000  }
0x3d: {  	s2 =	simm.s32 $0x2;
	[bflag:$0x0] =	sbarrier.arrive $0xFFFF  }
0x3e: {  	s30 =	simm.s32 $0x3;
	[sflag:s2] =	ssyncpa.u1 $0x1  }
0x3f: {  	s31 =	simm.s32 $0x1;
	[sflag:s30] =	ssyncpa.u1 $0x1  }
0x40: {  	[sflag:s31] =	ssyncpa.u1 $0x1  }
0x41: {  	p0 =	sne.s32 s1, $0x0;
	_ =	strace $0x90000050  }
0x42: {  	s0 =	sadd.s32 @!p0 $0x100000, s0;
	[bflag:$0x2] =	sbarrier.arrive $0xFFFF  }
0x43: {  	[sflag:s0] =	ssyncadd.tile.s32 @!p0 $0x1;
	_ =	shalt  }
.Lfunc_end2:
_tile_overlayer_lowered:
.L_overlay_start_2:
0x44: {  	(tag) =	ssettag $0x2  }
0x45: {  	s0 =	rddreg [dreg:$0x0];
	s2 =	stileid.u32  }
0x46: {  	s1 =	rddreg [dreg:$0x1];
	p0 =	sne.s32 s2, $0x0  }
0x47: {  	s3 =	rddreg [dreg:$0x2];
	[bflag:$0x3] =	sbarrier.arrive $0xFFFF;
	s2 =	simm.s32 @!p0 $0x1C01  }
0x48: {  	[timem:s3], [sflag:s2] =	dma.local @!p0 [hbm:s0], s1  }
0x49: {  	s0 =	simm.s32 @!p0 $0x1  }
0x4a: {  	_ =	swait.ge @!p0 [sflag:s0], s1  }
0x4b: {  	s1 =	ssub.s32 @!p0 $0x0, s1;
	[sflag:s0] =	ssyncset.done @!p0 $0x0  }
0x4c: {  	[sflag:s0] =	ssyncadd.s32 @!p0 s1  }
0x4d: {  	[bflag:$0x3] =	sbarrier.arrive $0xFFFF  }
0x4e: {  	_ =	shalt  }

// kernel: kernel.11.cloned.1.call-start
scs
__scs_entry_jumppad:
0x0: {  	(pc) =	sbr.rel $0x88, $3  }
0x1: {  	(tag) =	ssettag $0x0;
	lr =	simm.s32 $0x1  }
0x2: {  	[smem:$0x3F94] =	sst lr;
	_ =	strace $0xD0000000  }
0x3: {  	_ = 	snop  }
0x4: {  	_ = 	snop  }
0x5: {  	_ = 	snop  }
0x6: {  	_ = 	snop  }
0x7: {  	_ = 	snop  }
__scs_overlays_trampoline_lowered:
0x8: {  	[smem:$0x3FA3] =	sst s0  }
0x9: {  	[smem:$0x3FA4] =	sst s1  }
0xa: {  	[smem:$0x3FA5] =	sst s2  }
0xb: {  	[smem:$0x3FA6] =	sst s3  }
0xc: {  	[smem:$0x3FA7] =	sst s4  }
0xd: {  	[smem:$0x3FA8] =	sst s5  }
0xe: {  	[smem:$0x3FA9] =	sst s6  }
0xf: {  	[smem:$0x3FAA] =	sst s7  }
0x10: {  	[smem:$0x3FAB] =	sst s8  }
0x11: {  	[smem:$0x3FAC] =	sst s9;
	s0 =	simm.s32 @!p0 $0x0  }
0x12: {  	s1 =	sld [smem:$0x3F92];
	s0 =	simm.s32 @p0 $0x1  }
0x13: {  	[smem:$0x3FAD] =	sst s0;
	s0 =	simm.s32 @!p1 $0x0  }
0x14: {  	s2 =	sld [smem:$0x3F91];
	s0 =	simm.s32 @p1 $0x1  }
0x15: {  	[smem:$0x3FAE] =	sst s0;
	s0 =	simm.s32 @!p2 $0x0  }
0x16: {  	s3 =	sld [smem:$0x3FDB];
	s0 =	simm.s32 @p2 $0x1  }
0x17: {  	s4 =	simm.s32 $0x1BF5;
	[smem:$0x3FB0] =	sst s0  }
0x18: {  	s0 =	sld [smem:$0x3F93];
	_ =	swait.ge [sflag:s4], $0x0  }
0x19: {  	s7 =	sld [smem:$0x3F94]  }
0x1a: {  	s8 =	sadd.s32 $0xFFFFE003, lr  }
0x1b: {  	s9 =	sadd.s32 $0xFFFFFEF7, lr;
	s5 =	simm.s32 $0xFFFFFFFF;
	p2 =	slt.u32 s8, $0xFFFFF086  }
0x1c: {  	p1 =	slt.u32 s9, $0xF7A;
	s5 =	simm.s32 @!p2 $0x0  }
0x1d: {  	s5 =	simm.s32 @p1 $0x1;
	p0 =	seq.s32 s7, s2  }
0x1e: {  	s7 =	smul.u32 @!p0 $0xF7A, s2;
	p2 =	seq.s32 @!p0 s5, $0x0  }
0x1f: {  	s9 =	smul.u32 $0xF7A, s1;
	s8 =	simm.s32 @!p0 $0x1BF5;
	p2 =	por !p2, p0  }
0x20: {  	[sflag:s8] =	ssyncset.s32 @!p0 $0xFFFFF086;
	s6 =	sadd.s32 @!p0 s3, s7;
	s7 =	simm.s32 @!p0 $0x108  }
0x21: {  	s3 =	sadd.s32 s3, s9;
	s6 =	sadd.s32 @!p0 $0x88, s6;
	s7 =	simm.s32 @p2 $0x1082  }
0x22: {  	[simem:s7], [sflag:s8] =	dma.local @!p0 [hbm:s6], $0xF7A  }
0x23: {  	s9 =	sor.u32 $0xD0000000, s2;
	s6 =	simm.s32 $0x108;
	_ =	swait.ge @!p0 [sflag:s8], $0x0  }
0x24: {  	s3 =	sadd.s32 $0x88, s3;
	s6 =	simm.s32 @!p1 $0x1082;
	[sflag:s4] =	ssyncset.s32 $0xFFFFF086  }
0x25: {  	[simem:s6], [sflag:s4] =	dma.local [hbm:s3], $0xF7A  }
0x26: {  	[smem:$0x3F94] =	sst s1;
	(tag) =	ssettag s2;
	_ =	strace s9  }
0x27: {  	s1 =	sld [smem:$0x3FA4]  }
0x28: {  	s2 =	sld [smem:$0x3FA5]  }
0x29: {  	s4 =	sld [smem:$0x3FA7]  }
0x2a: {  	p0 =	seq.s32 s5, $0x0;
	s5 =	sld [smem:$0x3FA8]  }
0x2b: {  	s6 =	sld [smem:$0x3FA9]  }
0x2c: {  	s7 =	sld [smem:$0x3FAA]  }
0x2d: {  	s3 =	simm.s32 $0x108;
	s8 =	sld [smem:$0x3FAB]  }
0x2e: {  	s3 =	simm.s32 @!p0 $0x1082;
	s9 =	sld [smem:$0x3FAC]  }
0x2f: {  	lr =	sadd.s32 s0, s3;
	s0 =	sld [smem:$0x3FA3]  }
0x30: {  	s3 =	sld [smem:$0x3FA6]  }
0x31: {  	[smem:$0x3FAF] =	sst s10  }
0x32: {  	s10 =	sld [smem:$0x3FAD];
	_ =	sdelay $0x3  }
0x33: {  	p0 =	seq.s32 s10, $0x1;
	s10 =	sld [smem:$0x3FAF];
	_ =	sdelay $0x3  }
0x34: {  	[smem:$0x3FAF] =	sst s10  }
0x35: {  	s10 =	sld [smem:$0x3FAE];
	_ =	sdelay $0x3  }
0x36: {  	p1 =	seq.s32 s10, $0x1;
	s10 =	sld [smem:$0x3FAF];
	_ =	sdelay $0x3  }
0x37: {  	[smem:$0x3FAF] =	sst s10  }
0x38: {  	s10 =	sld [smem:$0x3FB0]  }
0x39: {  	_ = 	snop;
	(pc) =	sbr.ind lr, $3  }
0x3a: {  	_ = 	snop  }
0x3b: {  	_ = 	snop  }
0x3c: {  	p2 =	seq.s32 s10, $0x1;
	s10 =	sld [smem:$0x3FAF]  }
0x3d: {  	_ =	shalt  }
0x3e: {  	_ =	shalt  }
0x3f: {  	_ =	shalt  }
0x40: {  	_ =	shalt  }
0x41: {  	_ =	shalt  }
0x42: {  	_ =	shalt  }
0x43: {  	_ =	shalt  }
0x44: {  	_ =	shalt  }
0x45: {  	_ =	shalt  }
0x46: {  	_ =	shalt  }
0x47: {  	_ =	shalt  }
0x48: {  	_ =	shalt  }
0x49: {  	_ =	shalt  }
0x4a: {  	_ =	shalt  }
0x4b: {  	_ =	shalt  }
0x4c: {  	_ =	shalt  }
0x4d: {  	_ =	shalt  }
0x4e: {  	_ =	shalt  }
0x4f: {  	_ =	shalt  }
0x50: {  	_ =	shalt  }
0x51: {  	_ =	shalt  }
0x52: {  	_ =	shalt  }
0x53: {  	_ =	shalt  }
0x54: {  	_ =	shalt  }
0x55: {  	_ =	shalt  }
0x56: {  	_ =	shalt  }
0x57: {  	_ =	shalt  }
0x58: {  	_ =	shalt  }
0x59: {  	_ =	shalt  }
0x5a: {  	_ =	shalt  }
0x5b: {  	_ =	shalt  }
0x5c: {  	_ =	shalt  }
0x5d: {  	_ =	shalt  }
0x5e: {  	_ =	shalt  }
0x5f: {  	_ =	shalt  }
0x60: {  	_ =	shalt  }
0x61: {  	_ =	shalt  }
0x62: {  	_ =	shalt  }
0x63: {  	_ =	shalt  }
0x64: {  	_ =	shalt  }
0x65: {  	_ =	shalt  }
0x66: {  	_ =	shalt  }
0x67: {  	_ =	shalt  }
0x68: {  	_ =	shalt  }
0x69: {  	_ =	shalt  }
0x6a: {  	_ =	shalt  }
0x6b: {  	_ =	shalt  }
0x6c: {  	_ =	shalt  }
0x6d: {  	_ =	shalt  }
0x6e: {  	_ =	shalt  }
0x6f: {  	_ =	shalt  }
0x70: {  	_ =	shalt  }
0x71: {  	_ =	shalt  }
0x72: {  	_ =	shalt  }
0x73: {  	_ =	shalt  }
0x74: {  	_ =	shalt  }
0x75: {  	_ =	shalt  }
0x76: {  	_ =	shalt  }
0x77: {  	_ =	shalt  }
0x78: {  	_ =	shalt  }
0x79: {  	_ =	shalt  }
0x7a: {  	_ =	shalt  }
0x7b: {  	_ =	shalt  }
0x7c: {  	_ =	shalt  }
0x7d: {  	_ =	shalt  }
0x7e: {  	_ =	shalt  }
0x7f: {  	_ =	shalt  }
0x80: {  	_ =	shalt  }
0x81: {  	_ =	shalt  }
0x82: {  	_ =	shalt  }
0x83: {  	_ =	shalt  }
0x84: {  	_ =	shalt  }
0x85: {  	_ =	shalt  }
0x86: {  	_ =	shalt  }
0x87: {  	_ =	shalt  }
.Lfunc_end0:
.L_simem_size_0:
called_computation.6_lowered:
.L_overlay_start_0:
0x88: {  	s2 =	sld [smem:$0x3FD9]  }
0x89: {  	s3 =	sld [smem:$0x3FFE];
	_ =	sdelay $0x1  }
0x8a: {  	s1 =	srdreg.scid  }
0x8b: {  	s0 =	sand.u32 $0x1, s1  }
0x8c: {  	s16 =	sshll.u32 s0, $0xA;
	s2 =	sadd.s32 s3, s2  }
0x8d: {  	s2 =	sadd.s32 s2, s16  }
0x8e: {  	[smem:$0x3FBB] =	sst s2  }
0x8f: {  	_ = 	snop  }
0x90: {  	(tm) =	ssettm $0x1  }
0x91: {  	s17 =	sld [smem:$0x3FFB];
	_ =	sdelay $0x3  }
0x92: {  	_ =	strace s17  }
0x93: {  	s2 =	sld [smem:$0x3FFC];
	_ =	sdelay $0x3  }
0x94: {  	_ =	strace s2  }
0x95: {  	s2 =	sld [smem:$0x3FFD];
	_ =	sdelay $0x3  }
0x96: {  	_ =	strace s2  }
0x97: {  	_ =	strace $0x8FFFFFFF  }
0x98: {  	s18 =	sld [smem:$0x3FDB];
	_ =	sdelay $0x1  }
0x99: {  	s19 =	simm.s32 $_scs_section_size  }
0x9a: {  	s4 =	simm.s32 $_size__tile_overlayer_lowered;
	s5 =	simm.s32 $_tile_overlayer_lowered  }
0x9b: {  	s22 =	simm.s32 $0x1BFF;
	s21 =	sshll.u32 s5, $0x1;
	s2 =	sadd.s32 s19, s18  }
0x9c: {  	s6 =	simm.s32 $0x0;
	s20 =	sshll.u32 s4, $0x1;
	s4 =	sadd.s32 s21, s2  }
0x9d: {  	[timem:s6], [sflag:s22] =	dma.local [hbm:s4], s20  }
0x9e: {  	_ =	swait.ge [sflag:s22], s20  }
0x9f: {  	s3 =	ssub.s32 $0x0, s20;
	[sflag:s22] =	ssyncset.done $0x0  }
0xa0: {  	[sflag:s22] =	ssyncadd.s32 s3;
	_ =	sdelay $0x1  }
0xa1: {  	s23 =	simm.s32 $0x1B8B  }
0xa2: {  	_ =	swait.ge [sflag:s23], $0x1  }
0xa3: {  	[sflag:s23] =	ssyncset.done $0x0  }
0xa4: {  	s25 =	simm.s32 $0x1B8E;
	s24 =	sld [smem:$0x3FFE];
	[sflag:s23] =	ssyncadd.s32 $0xFFFFFFFF  }
0xa5: {  	s26 =	simm.s32 $execute0_lowered;
	[smem:$0x3FD2] =	sst s25  }
0xa6: {  	s4 =	sshll.u32 s26, $0x1;
	_ =	strace $0x80000058;
	[dreg:$0x1] =	wrdreg $0xFFFFFFFF  }
0xa7: {  	s28 =	simm.s32 $_size_execute0_lowered;
	s2 =	sadd.s32 s2, s4;
	[dreg:$0x0] =	wrdreg $0x0  }
0xa8: {  	s4 =	sshll.u32 s28, $0x1;
	[dreg:$0x2] =	wrdreg s2  }
0xa9: {  	[dreg:$0x3] =	wrdreg s4  }
0xaa: {  	[dreg:$0x4] =	wrdreg $0xC0  }
0xab: {  	_ =	task [dreg:s6], $0x5FFFF  }
0xac: {  	[dreg:$0x1] =	wrdreg $0xFFFFFFFF  }
0xad: {  	[dreg:$0x0] =	wrdreg $0x60  }
0xae: {  	[dreg:$0x2] =	wrdreg s24  }
0xaf: {  	[dreg:$0x3] =	wrdreg $0x126800  }
0xb0: {  	[dreg:$0x4] =	wrdreg $0x9  }
0xb1: {  	_ =	task.clear_ibuf [dreg:s6], $0x5FFFF;
	_ =	strace $0x90000058  }
0xb2: {  	s29 =	simm.s32 $0x9;
	_ =	strace $0x8000005A  }
0xb3: {  	_ =	swait.ge [sflag:s29], $0x1  }
0xb4: {  	[sflag:s29] =	ssyncadd.s32 $0xFFFFFFFF  }
0xb5: {  	_ =	strace $0x9000005A  }
0xb6: {  	_ =	sfence  }
0xb7: {  	s30 =	sld [smem:$0x0];
	_ =	sdelay $0x2  }
0xb8: {  	s31 =	sshll.u32 s1, $0xD;
	s1 =	sshrl.u32 s1, $0x2  }
0xb9: {  	s3 =	sand.u32 $0x4000, s31;
	s1 =	sadd.s32 s1, s30  }
0xba: {  	s0 =	sor.u32 s3, s0;
	s1 =	sshll.u32 s1, $0x11  }
0xbb: {  	s0 =	sor.u32 s1, s0  }
0xbc: {  	s0 =	sadd.s32 $0x8F2B, s0  }
0xbd: {  	[sflag:s0] =	ssyncadd.remote.s32 $0x1  }
0xbe: {  	_ =	sfence.sel $0xFFFF  }
0xbf: {  	[dreg:$0x0] =	wrdreg $0xFFFFFFFF;
	(pc) =	sbr.abs _section_cstart, $3  }
0xc0: {  	[dreg:$0x1] =	wrdreg $0xFFFFFFFF  }
0xc1: {  	_ =	task.clear_ibuf [dreg:s6], $0x2FFFF;
	_ =	strace $0x9FFFFFFF  }
0xc2: {  	(tm) =	ssettm $0x7FFFFFFF  }
0xc3: {  	_ =	shalt  }
tec
execute0_lowered:
.L_overlay_start_1:
0x0: {  	(tag) =	ssettag $0x1  }
0x1: {  	s0 =	srdreg.scid;
	s6 =	rddreg [dreg:$0x0]  }
0x2: {  	s12 =	stileid.u32;
	s2 =	rddreg [dreg:$0x1]  }
0x3: {  	s3 =	simm.s32 $0x0;
	s0 =	sand.u32 $0x1, s0;
	s4 =	sshll.u32 s12, $0x7  }
0x4: {  	[smem:$0x7FF] =	sst s3;
	s1 =	sshll.u32 s0, $0x4;
	s0 =	ssub.s32 $0x2, s0  }
0x5: {  	s11 =	smul.u32 $0x28000, s12;
	s1 =	sor.u32 s12, s1;
	s10 =	sshrl.u32 s0, $0x1  }
0x6: {  	s7 =	sshrl.u32 s1, $0x3;
	s1 =	smul.u32 $0x1400, s1;
	s0 =	ssub.s32 s0, s10  }
0x7: {  	s10 =	sshrl.u32 s11, $0x2;
	s11 =	sshll.u32 s12, $0xC;
	s5 =	smul.u32 $0x15800, s7  }
0x8: {  	s9 =	sand.u32 $0x380, s4;
	_ =	strace $0x80000059;
	s12 =	sadd.s32 s11, s2  }
0x9: {  	s0 =	smax.u32 s0, $0x1;
	s1 =	sadd.s32 s1, s6;
	s5 =	sor.u32 s9, s5  }
0xa: {  	[dreg:$0x7] =	wrdreg s0;
	s25 =	sadd.s32 $0xA0800, s12;
	s5 =	sshrl.u32 s5, $0x3  }
0xb: {  	s1 =	sadd.s32 $0x56000, s1;
	[dreg:$0x14] =	wrdreg s25;
	s8 =	sadd.s32 s5, s6  }
0xc: {  	[dreg:$0x6] =	wrdreg s1;
	s26 =	sadd.s32 $0x10800, s8  }
0xd: {  	s8 =	sadd.s32 $0x5C00, s8;
	[dreg:$0x3] =	wrdreg s26  }
0xe: {  	[dreg:$0x4] =	wrdreg s8;
	s8 =	sadd.s32 s10, s2;
	s10 =	sadd.s32 $0xA0000, s12  }
0xf: {  	s4 =	sadd.s32 $0x2EE00, s6;
	[dreg:$0x5] =	wrdreg s10;
	s13 =	sadd.s32 $0x800, s8  }
0x10: {  	s7 =	smul.u32 $0x158000, s7;
	s14 =	sadd.s32 $0x1000, s8;
	[dreg:$0x8] =	wrdreg s13  }
0x11: {  	s11 =	simm.s32 $0x11E80;
	s15 =	sadd.s32 $0x1800, s8;
	[dreg:$0x9] =	wrdreg s14  }
0x12: {  	s5 =	sadd.s32 $0x345A00, s6;
	s16 =	sadd.s32 $0x2000, s8;
	[dreg:$0xa] =	wrdreg s15  }
0x13: {  	s6 =	simm.s32 $0x80;
	s17 =	sadd.s32 $0x2800, s8;
	[dreg:$0xb] =	wrdreg s16  }
0x14: {  	s12 =	simm.s32 $0x5E80;
	s18 =	sadd.s32 $0x3000, s8;
	[dreg:$0xc] =	wrdreg s17  }
0x15: {  	s10 =	sor.u32 s9, s7;
	s19 =	sadd.s32 $0x3800, s8;
	[dreg:$0xd] =	wrdreg s18  }
0x16: {  	s20 =	sadd.s32 $0x4000, s8;
	s21 =	sadd.s32 $0x4800, s8;
	[dreg:$0xe] =	wrdreg s19  }
0x17: {  	s22 =	sadd.s32 $0x5000, s8;
	s23 =	sadd.s32 $0x5800, s8;
	[dreg:$0xf] =	wrdreg s20  }
0x18: {  	s24 =	sadd.s32 $0x6000, s8;
	s26 =	sadd.s32 $0x6800, s8;
	[dreg:$0x10] =	wrdreg s21  }
0x19: {  	s28 =	sadd.s32 $0x7000, s8;
	s29 =	sadd.s32 $0x7800, s8;
	[dreg:$0x11] =	wrdreg s22  }
0x1a: {  	s30 =	sadd.s32 $0x8000, s8;
	s31 =	sadd.s32 $0x8800, s8;
	[dreg:$0x12] =	wrdreg s23  }
0x1b: {  	s1 =	sadd.s32 $0x9000, s8;
	s0 =	sadd.s32 $0x9800, s8;
	[dreg:$0x13] =	wrdreg s24  }
0x1c: {  	s7 =	simm.s32 $0x400;
	s9 =	simm.s32 $0x3;
	[dreg:$0x15] =	wrdreg s26  }
0x1d: {  	s13 =	simm.s32 $0x9E80;
	s14 =	simm.s32 $0x1;
	s15 =	simm.s32 $0x5600  }
0x1e: {  	v0 =	vimm.f32 $0.0e+00;
	s16 =	simm.s32 $0xDE80;
	s17 =	simm.s32 $0x2;
	s18 =	simm.s32 $0x0  }
.LBB2_1:
0x1f: {  	s19 =	rddreg [dreg:$0x3]  }
0x20: {  	[tilespmem:s3], [sflag:$0x3] =	stream.strided.gather [hbm4b:s19+s6], $0x2B00, s7, s6, $0x38;
	[tilespmem:$0x1D680] =	vst v63  }
0x21: {  	_ =	swait.ge [sflag:s9], $0x2B00  }
0x22: {  	[sflag:s9] =	ssyncset.done $0x0  }
0x23: {  	s20 =	simm.s32 $0x2B00;
	s24 =	rddreg [dreg:$0x4];
	[sflag:s9] =	ssyncadd.s32 $0xFFFFD500  }
0x24: {  	[tilespmem:s20], [sflag:$0x3] =	stream.strided.gather [hbm4b:s24+s6], $0x2B00, s7, s6, $0x38;
	[tilespmem:$0x1D680] =	vst v63  }
0x25: {  	s25 =	sand.u32 $0x1E00, s3;
	s26 =	sand.u32 $0x70, s3;
	_ =	swait.ge [sflag:s9], $0x2B00  }
0x26: {  	s21 =	sshrl.u32 s25, $0x2;
	s19 =	simm.s32 $0x40;
	[sflag:s9] =	ssyncset.done $0x0  }
0x27: {  	s21 =	sor.u32 s26, s21;
	s20 =	simm.s32 $0x0;
	[sflag:s9] =	ssyncadd.s32 $0xFFFFD500  }
.LBB2_2:
0x28: {  	p0 =	sne.s32 s19, $0x1FC0  }
0x29: {  	[tilespmem:s21+$0x11E80] =	vst v0;
	s20 =	sadd.s32 $0x10, s20;
	s21 =	smov.u32 s19;
	s19 =	sadd.s32 $0x40, s19  }
.Ltmp0:
0x2a: {  	(pc) =	sbr.rel @p0 .LBB2_2-.Ltmp0, $4  }
0x2b: {  	_ = 	snop  }
0x2c: {  	s21 =	sand.u32 $0x1E00, s21  }
0x2d: {  	s22 =	sand.u32 $0x70, s20;
	s21 =	sshrl.u32 s21, $0x2  }
0x2e: {  	s21 =	sor.u32 s22, s21  }
0x2f: {  	[tilespmem:s21+$0x11E80] =	vst v0  }
0x30: {  	[spmem:s8] =	stream.linear.scatter [tilespmem:s11], [sflag:$0x3], $0x800, $0x38;
	[tilespmem:$0x1D680] =	vst v63  }
0x31: {  	_ =	swait.ge [sflag:s9], $0x800  }
0x32: {  	[sflag:s9] =	ssyncset.done $0x0  }
0x33: {  	s19 =	rddreg [dreg:$0x8];
	[sflag:s9] =	ssyncadd.s32 $0xFFFFF800  }
0x34: {  	[spmem:s19] =	stream.linear.scatter [tilespmem:s11], [sflag:$0x3], $0x800, $0x38;
	[tilespmem:$0x1D680] =	vst v63  }
0x35: {  	_ =	swait.ge [sflag:s9], $0x800  }
0x36: {  	[sflag:s9] =	ssyncset.done $0x0  }
0x37: {  	s20 =	rddreg [dreg:$0x9];
	[sflag:s9] =	ssyncadd.s32 $0xFFFFF800  }
0x38: {  	[spmem:s20] =	stream.linear.scatter [tilespmem:s11], [sflag:$0x3], $0x800, $0x38;
	[tilespmem:$0x1D680] =	vst v63  }
0x39: {  	_ =	swait.ge [sflag:s9], $0x800  }
0x3a: {  	[sflag:s9] =	ssyncset.done $0x0  }
0x3b: {  	s21 =	rddreg [dreg:$0xa];
	[sflag:s9] =	ssyncadd.s32 $0xFFFFF800  }
0x3c: {  	[spmem:s21] =	stream.linear.scatter [tilespmem:s11], [sflag:$0x3], $0x800, $0x38;
	[tilespmem:$0x1D680] =	vst v63  }
0x3d: {  	_ =	swait.ge [sflag:s9], $0x800  }
0x3e: {  	[sflag:s9] =	ssyncset.done $0x0  }
0x3f: {  	s22 =	rddreg [dreg:$0xb];
	[sflag:s9] =	ssyncadd.s32 $0xFFFFF800  }
0x40: {  	[spmem:s22] =	stream.linear.scatter [tilespmem:s11], [sflag:$0x3], $0x800, $0x38;
	[tilespmem:$0x1D680] =	vst v63  }
0x41: {  	_ =	swait.ge [sflag:s9], $0x800  }
0x42: {  	[sflag:s9] =	ssyncset.done $0x0  }
0x43: {  	s23 =	rddreg [dreg:$0xc];
	[sflag:s9] =	ssyncadd.s32 $0xFFFFF800  }
0x44: {  	[spmem:s23] =	stream.linear.scatter [tilespmem:s11], [sflag:$0x3], $0x800, $0x38;
	[tilespmem:$0x1D680] =	vst v63  }
0x45: {  	_ =	swait.ge [sflag:s9], $0x800  }
0x46: {  	[sflag:s9] =	ssyncset.done $0x0  }
0x47: {  	s24 =	rddreg [dreg:$0xd];
	[sflag:s9] =	ssyncadd.s32 $0xFFFFF800  }
0x48: {  	[spmem:s24] =	stream.linear.scatter [tilespmem:s11], [sflag:$0x3], $0x800, $0x38;
	[tilespmem:$0x1D680] =	vst v63  }
0x49: {  	_ =	swait.ge [sflag:s9], $0x800  }
0x4a: {  	[sflag:s9] =	ssyncset.done $0x0  }
0x4b: {  	s25 =	rddreg [dreg:$0xe];
	[sflag:s9] =	ssyncadd.s32 $0xFFFFF800  }
0x4c: {  	[spmem:s25] =	stream.linear.scatter [tilespmem:s11], [sflag:$0x3], $0x800, $0x38;
	[tilespmem:$0x1D680] =	vst v63  }
0x4d: {  	_ =	swait.ge [sflag:s9], $0x800  }
0x4e: {  	[sflag:s9] =	ssyncset.done $0x0  }
0x4f: {  	s26 =	rddreg [dreg:$0xf];
	[sflag:s9] =	ssyncadd.s32 $0xFFFFF800  }
0x50: {  	[spmem:s26] =	stream.linear.scatter [tilespmem:s11], [sflag:$0x3], $0x800, $0x38;
	[tilespmem:$0x1D680] =	vst v63  }
0x51: {  	_ =	swait.ge [sflag:s9], $0x800  }
0x52: {  	[sflag:s9] =	ssyncset.done $0x0  }
0x53: {  	s20 =	rddreg [dreg:$0x10];
	[sflag:s9] =	ssyncadd.s32 $0xFFFFF800  }
0x54: {  	[spmem:s20] =	stream.linear.scatter [tilespmem:s11], [sflag:$0x3], $0x800, $0x38;
	[tilespmem:$0x1D680] =	vst v63  }
0x55: {  	_ =	swait.ge [sflag:s9], $0x800  }
0x56: {  	[sflag:s9] =	ssyncset.done $0x0  }
0x57: {  	s21 =	rddreg [dreg:$0x11];
	[sflag:s9] =	ssyncadd.s32 $0xFFFFF800  }
0x58: {  	[spmem:s21] =	stream.linear.scatter [tilespmem:s11], [sflag:$0x3], $0x800, $0x38;
	[tilespmem:$0x1D680] =	vst v63  }
0x59: {  	_ =	swait.ge [sflag:s9], $0x800  }
0x5a: {  	[sflag:s9] =	ssyncset.done $0x0  }
0x5b: {  	s22 =	rddreg [dreg:$0x12];
	[sflag:s9] =	ssyncadd.s32 $0xFFFFF800  }
0x5c: {  	[spmem:s22] =	stream.linear.scatter [tilespmem:s11], [sflag:$0x3], $0x800, $0x38;
	[tilespmem:$0x1D680] =	vst v63  }
0x5d: {  	_ =	swait.ge [sflag:s9], $0x800  }
0x5e: {  	[sflag:s9] =	ssyncset.done $0x0  }
0x5f: {  	s23 =	rddreg [dreg:$0x13];
	[sflag:s9] =	ssyncadd.s32 $0xFFFFF800  }
0x60: {  	[spmem:s23] =	stream.linear.scatter [tilespmem:s11], [sflag:$0x3], $0x800, $0x38;
	[tilespmem:$0x1D680] =	vst v63  }
0x61: {  	_ =	swait.ge [sflag:s9], $0x800  }
0x62: {  	[sflag:s9] =	ssyncset.done $0x0  }
0x63: {  	s24 =	rddreg [dreg:$0x15];
	[sflag:s9] =	ssyncadd.s32 $0xFFFFF800  }
0x64: {  	[spmem:s24] =	stream.linear.scatter [tilespmem:s11], [sflag:$0x3], $0x800, $0x38;
	[tilespmem:$0x1D680] =	vst v63  }
0x65: {  	_ =	swait.ge [sflag:s9], $0x800  }
0x66: {  	[sflag:s9] =	ssyncset.done $0x0  }
0x67: {  	[sflag:s9] =	ssyncadd.s32 $0xFFFFF800  }
0x68: {  	[spmem:s28] =	stream.linear.scatter [tilespmem:s11], [sflag:$0x3], $0x800, $0x38;
	[tilespmem:$0x1D680] =	vst v63  }
0x69: {  	_ =	swait.ge [sflag:s9], $0x800  }
0x6a: {  	[sflag:s9] =	ssyncset.done $0x0  }
0x6b: {  	[sflag:s9] =	ssyncadd.s32 $0xFFFFF800  }
0x6c: {  	[spmem:s29] =	stream.linear.scatter [tilespmem:s11], [sflag:$0x3], $0x800, $0x38;
	[tilespmem:$0x1D680] =	vst v63  }
0x6d: {  	_ =	swait.ge [sflag:s9], $0x800  }
0x6e: {  	[sflag:s9] =	ssyncset.done $0x0  }
0x6f: {  	[sflag:s9] =	ssyncadd.s32 $0xFFFFF800  }
0x70: {  	[spmem:s30] =	stream.linear.scatter [tilespmem:s11], [sflag:$0x3], $0x800, $0x38;
	[tilespmem:$0x1D680] =	vst v63  }
0x71: {  	_ =	swait.ge [sflag:s9], $0x800  }
0x72: {  	[sflag:s9] =	ssyncset.done $0x0  }
0x73: {  	[sflag:s9] =	ssyncadd.s32 $0xFFFFF800  }
0x74: {  	[spmem:s31] =	stream.linear.scatter [tilespmem:s11], [sflag:$0x3], $0x800, $0x38;
	[tilespmem:$0x1D680] =	vst v63  }
0x75: {  	_ =	swait.ge [sflag:s9], $0x800  }
0x76: {  	[sflag:s9] =	ssyncset.done $0x0  }
0x77: {  	[sflag:s9] =	ssyncadd.s32 $0xFFFFF800  }
0x78: {  	[spmem:s1] =	stream.linear.scatter [tilespmem:s11], [sflag:$0x3], $0x800, $0x38;
	[tilespmem:$0x1D680] =	vst v63  }
0x79: {  	_ =	swait.ge [sflag:s9], $0x800  }
0x7a: {  	[sflag:s9] =	ssyncset.done $0x0  }
0x7b: {  	[sflag:s9] =	ssyncadd.s32 $0xFFFFF800  }
0x7c: {  	[spmem:s0] =	stream.linear.scatter [tilespmem:s11], [sflag:$0x3], $0x800, $0x38;
	[tilespmem:$0x1D680] =	vst v63  }
0x7d: {  	_ =	swait.ge [sflag:s9], $0x800  }
0x7e: {  	[sflag:s9] =	ssyncset.done $0x0  }
0x7f: {  	s25 =	rddreg [dreg:$0x5];
	[sflag:s9] =	ssyncadd.s32 $0xFFFFF800  }
0x80: {  	[spmem:s25] =	stream.linear.scatter [tilespmem:s11], [sflag:$0x3], $0x800, $0x38;
	[tilespmem:$0x1D680] =	vst v63  }
0x81: {  	_ =	swait.ge [sflag:s9], $0x800  }
0x82: {  	[sflag:s9] =	ssyncset.done $0x0  }
0x83: {  	s26 =	rddreg [dreg:$0x14];
	[sflag:s9] =	ssyncadd.s32 $0xFFFFF800  }
0x84: {  	[spmem:s26] =	stream.linear.scatter [tilespmem:s11], [sflag:$0x3], $0x800, $0x38;
	[tilespmem:$0x1D680] =	vst v63  }
0x85: {  	v1 =	vimm.f32 $0.0e+00;
	v2 =	vimm.f32 $0.0e+00;
	_ =	swait.ge [sflag:s9], $0x800  }
0x86: {  	v3 =	vimm.f32 $0.0e+00;
	v4 =	vimm.f32 $0.0e+00;
	v5 =	vimm.f32 $0.0e+00;
	[sflag:s9] =	ssyncset.done $0x0  }
0x87: {  	v6 =	vimm.f32 $0.0e+00;
	v7 =	vimm.f32 $0.0e+00;
	v8 =	vimm.f32 $0.0e+00;
	s19 =	simm.s32 $0x0;
	[sflag:s9] =	ssyncadd.s32 $0xFFFFF800  }
.LBB2_4:
0x88: {  	s22 =	sshll.u32 s19, $0x8;
	s21 =	sshllo.u32 s19, $0x1  }
0x89: {  	[tilespmem:s12], [sflag:$0x1] =	stream.indirect.gather [hbm4b:s4+s6], $0x80, s22, s6, $0xb8;
	[tilespmem:$0x1D680] =	vst v63  }
0x8a: {  	s20 =	sshll.u32 s21, $0x9  }
0x8b: {  	s23 =	sshll.u32 s19, $0xF;
	s20 =	sshrl.u32 s20, $0x2  }
0x8c: {  	[tilespmem:s13], [sflag:$0x2] =	stream.indirect.gather [hbm4b:s4+s6], $0x80, s20, s6, $0xb8;
	[tilespmem:$0x1D680] =	vst v63  }
0x8d: {  	s23 =	sadd.s32 s10, s23;
	_ =	swait.ge [sflag:s14], $0x4000  }
0x8e: {  	s23 =	sshrl.u32 s23, $0x3;
	[sflag:s14] =	ssyncset.done $0x0  }
0x8f: {  	s24 =	simm.s32 $0x5680;
	s23 =	sadd.s32 s5, s23;
	[sflag:s14] =	ssyncadd.s32 $0xFFFFC000  }
0x90: {  	[tilespmem:s24], [sflag:$0x3] =	stream.strided.gather [hbm4b:s23+s6], $0x800, s7, s6, $0x38;
	[tilespmem:$0x1D680] =	vst v63  }
0x91: {  	_ =	swait.ge [sflag:s9], $0x800  }
0x92: {  	[sflag:s9] =	ssyncset.done $0x0  }
0x93: {  	s23 =	simm.s32 $0x0;
	[sflag:s9] =	ssyncadd.s32 $0xFFFFF800  }
0x94: {  	v10 =	vld [tilespmem:s23+$0x5E80]  }
0x95: {  	v11 =	vld [tilespmem:s23+$0x5E90]  }
0x96: {  	s25 =	simm.s32 $0x200;
	v9 =	vld [tilespmem:s24+$0x0]  }
.LBB2_5:
0x97: {  	p0 =	seq.s32 s25, $0xFE00;
	v12 =	vld [tilespmem:s23+$0x5EA0]  }
0x98: {  	v13 =	vld [tilespmem:s23+$0x5EB0]  }
0x99: {  	v14 =	vld [tilespmem:s23+$0x5EC0]  }
0x9a: {  	v15 =	vld [tilespmem:s23+$0x5ED0]  }
0x9b: {  	v8 =	vmul.f32 v9, v8;
	v7 =	vmul.f32 v9, v7;
	v16 =	vld [tilespmem:s23+$0x5EE0]  }
0x9c: {  	v6 =	vmul.f32 v9, v6;
	v5 =	vmul.f32 v9, v5;
	v17 =	vld [tilespmem:s23+$0x5EF0]  }
0x9d: {  	v4 =	vmul.f32 v9, v4;
	v8 =	vadd.f32 v8, v10;
	v7 =	vadd.f32 v11, v7  }
0x9e: {  	v3 =	vmul.f32 v9, v3;
	v6 =	vadd.f32 v12, v6;
	v5 =	vadd.f32 v13, v5  }
0x9f: {  	v2 =	vmul.f32 v9, v2;
	v1 =	vmul.f32 v9, v1;
	v4 =	vadd.f32 v14, v4;
	[tilespmem:s23+$0xDE80] =	vst v8  }
0xa0: {  	v3 =	vadd.f32 v15, v3;
	[tilespmem:s23+$0xDE90] =	vst v7  }
0xa1: {  	v2 =	vadd.f32 v16, v2;
	[tilespmem:s23+$0xDEA0] =	vst v6;
	v1 =	vadd.f32 v17, v1  }
0xa2: {  	[tilespmem:s23+$0xDEB0] =	vst v5  }
.Ltmp1:
0xa3: {  	[tilespmem:s23+$0xDEC0] =	vst v4;
	(pc) =	sbr.rel @!p0 .LBB2_5-.Ltmp1, $4  }
0xa4: {  	s26 =	sshra.s32 s25, $0x2;
	[tilespmem:s23+$0xDED0] =	vst v3  }
0xa5: {  	v10 =	vld [tilespmem:s26+$0x5E80];
	[tilespmem:s23+$0xDEE0] =	vst v2  }
0xa6: {  	s24 =	sadd.s32 $0x10, s24;
	v11 =	vld [tilespmem:s26+$0x5E90];
	[tilespmem:s23+$0xDEF0] =	vst v1;
	s23 =	smov.u32 s26  }
0xa7: {  	s25 =	sadd.s32 $0x200, s25;
	v9 =	vld [tilespmem:s24+$0x0]  }
0xa8: {  	_ =	sdelay $0x2  }
0xa9: {  	v12 =	vld [tilespmem:s23+$0x5EA0]  }
0xaa: {  	v13 =	vld [tilespmem:s23+$0x5EB0];
	v8 =	vmul.f32 v9, v8  }
0xab: {  	v14 =	vld [tilespmem:s23+$0x5EC0];
	v7 =	vmul.f32 v9, v7  }
0xac: {  	v16 =	vld [tilespmem:s23+$0x5EE0];
	v17 =	vmul.f32 v9, v6;
	v6 =	vadd.f32 v8, v10  }
0xad: {  	v15 =	vld [tilespmem:s23+$0x5ED0];
	v8 =	vmul.f32 v9, v5;
	v5 =	vadd.f32 v11, v7  }
0xae: {  	v10 =	vld [tilespmem:s23+$0x5EF0];
	v11 =	vmul.f32 v9, v4;
	v4 =	vadd.f32 v12, v17;
	[tilespmem:s23+$0xDE80] =	vst v6  }
0xaf: {  	v2 =	vmul.f32 v9, v2;
	v7 =	vadd.f32 v13, v8;
	[tilespmem:s23+$0xDE90] =	vst v5  }
0xb0: {  	v8 =	vmul.f32 v9, v3;
	v3 =	vadd.f32 v14, v11;
	[tilespmem:s23+$0xDEA0] =	vst v4  }
0xb1: {  	v11 =	vmul.f32 v9, v1;
	v1 =	vadd.f32 v16, v2;
	[tilespmem:s23+$0xDEB0] =	vst v7  }
0xb2: {  	v9 =	vadd.f32 v15, v8;
	[tilespmem:s23+$0xDEC0] =	vst v3  }
0xb3: {  	[tilespmem:s23+$0xDEE0] =	vst v1;
	v2 =	vadd.f32 v10, v11  }
0xb4: {  	[tilespmem:s23+$0xDED0] =	vst v9  }
0xb5: {  	[tilespmem:s23+$0xDEF0] =	vst v2  }
0xb6: {  	v8 =	vld [tilespmem:s22+$0x2B00];
	_ =	sdelay $0x4  }
0xb7: {  	[tilespmem:$0x5600] =	vst v8  }
0xb8: {  	v8 =	vld [tilespmem:s22+$0x2B10];
	_ =	sdelay $0x4  }
0xb9: {  	[tilespmem:$0x5610] =	vst v8  }
0xba: {  	v8 =	vld [tilespmem:s22+$0x2B20];
	_ =	sdelay $0x4  }
0xbb: {  	[tilespmem:$0x5620] =	vst v8  }
0xbc: {  	v8 =	vld [tilespmem:s22+$0x2B30];
	_ =	sdelay $0x4  }
0xbd: {  	[tilespmem:$0x5630] =	vst v8  }
0xbe: {  	v8 =	vld [tilespmem:s22+$0x2B40];
	_ =	sdelay $0x4  }
0xbf: {  	[tilespmem:$0x5640] =	vst v8  }
0xc0: {  	v8 =	vld [tilespmem:s22+$0x2B50];
	_ =	sdelay $0x4  }
0xc1: {  	[tilespmem:$0x5650] =	vst v8  }
0xc2: {  	v8 =	vld [tilespmem:s22+$0x2B60];
	_ =	sdelay $0x4  }
0xc3: {  	[tilespmem:$0x5660] =	vst v8  }
0xc4: {  	v8 =	vld [tilespmem:s22+$0x2B70];
	_ =	sdelay $0x4  }
0xc5: {  	[tilespmem:$0x5670] =	vst v8  }
0xc6: {  	[spmem:s2] =	stream.indirect.scatter.add.f32 [tilespmem:s16], [sflag:$0x3], $0x80, s15, s6, $0xb8;
	[tilespmem:$0x1D680] =	vst v63  }
0xc7: {  	_ =	swait.ge [sflag:s9], $0x4000  }
0xc8: {  	[sflag:s9] =	ssyncset.done $0x0  }
0xc9: {  	s21 =	sshll.u32 s21, $0xE;
	[sflag:s9] =	ssyncadd.s32 $0xFFFFC000  }
0xca: {  	s21 =	sadd.s32 s10, s21;
	_ =	swait.ge [sflag:s17], $0x4000  }
0xcb: {  	s21 =	sshrl.u32 s21, $0x3;
	[sflag:s17] =	ssyncset.done $0x0  }
0xcc: {  	s21 =	sadd.s32 s5, s21;
	s22 =	simm.s32 $0x5680;
	[sflag:s17] =	ssyncadd.s32 $0xFFFFC000  }
0xcd: {  	[tilespmem:s22], [sflag:$0x3] =	stream.strided.gather [hbm4b:s21+s6], $0x800, s7, s6, $0x38;
	[tilespmem:$0x1D680] =	vst v63  }
0xce: {  	_ =	swait.ge [sflag:s9], $0x800  }
0xcf: {  	[sflag:s9] =	ssyncset.done $0x0  }
0xd0: {  	s21 =	simm.s32 $0x0;
	[sflag:s9] =	ssyncadd.s32 $0xFFFFF800  }
0xd1: {  	v8 =	vld [tilespmem:s21+$0x9E80]  }
0xd2: {  	v11 =	vld [tilespmem:s21+$0x9E90]  }
0xd3: {  	s23 =	simm.s32 $0x200;
	v10 =	vld [tilespmem:s22+$0x0]  }
.LBB2_7:
0xd4: {  	p0 =	seq.s32 s23, $0xFE00;
	v12 =	vld [tilespmem:s21+$0x9EA0]  }
0xd5: {  	v13 =	vld [tilespmem:s21+$0x9EB0]  }
0xd6: {  	v14 =	vld [tilespmem:s21+$0x9EC0]  }
0xd7: {  	v15 =	vld [tilespmem:s21+$0x9ED0]  }
0xd8: {  	v6 =	vmul.f32 v10, v6;
	v5 =	vmul.f32 v10, v5;
	v16 =	vld [tilespmem:s21+$0x9EE0]  }
0xd9: {  	v4 =	vmul.f32 v10, v4;
	v7 =	vmul.f32 v10, v7;
	v17 =	vld [tilespmem:s21+$0x9EF0]  }
0xda: {  	v3 =	vmul.f32 v10, v3;
	v6 =	vadd.f32 v6, v8;
	v5 =	vadd.f32 v11, v5  }
0xdb: {  	v4 =	vadd.f32 v12, v4;
	v7 =	vadd.f32 v13, v7;
	v8 =	vmul.f32 v10, v9  }
0xdc: {  	v1 =	vmul.f32 v10, v1;
	v2 =	vmul.f32 v10, v2;
	v3 =	vadd.f32 v14, v3;
	[tilespmem:s21+$0xDE80] =	vst v6  }
0xdd: {  	v9 =	vadd.f32 v15, v8;
	[tilespmem:s21+$0xDE90] =	vst v5  }
0xde: {  	v1 =	vadd.f32 v16, v1;
	[tilespmem:s21+$0xDEA0] =	vst v4;
	v2 =	vadd.f32 v17, v2  }
0xdf: {  	[tilespmem:s21+$0xDEB0] =	vst v7  }
.Ltmp2:
0xe0: {  	[tilespmem:s21+$0xDEC0] =	vst v3;
	(pc) =	sbr.rel @!p0 .LBB2_7-.Ltmp2, $4  }
0xe1: {  	s24 =	sshra.s32 s23, $0x2;
	[tilespmem:s21+$0xDED0] =	vst v9  }
0xe2: {  	v8 =	vld [tilespmem:s24+$0x9E80];
	[tilespmem:s21+$0xDEE0] =	vst v1  }
0xe3: {  	s22 =	sadd.s32 $0x10, s22;
	v11 =	vld [tilespmem:s24+$0x9E90];
	[tilespmem:s21+$0xDEF0] =	vst v2;
	s21 =	smov.u32 s24  }
0xe4: {  	s23 =	sadd.s32 $0x200, s23;
	v10 =	vld [tilespmem:s22+$0x0]  }
0xe5: {  	_ =	sdelay $0x2  }
0xe6: {  	v12 =	vld [tilespmem:s21+$0x9EA0]  }
0xe7: {  	v13 =	vld [tilespmem:s21+$0x9EB0];
	v6 =	vmul.f32 v10, v6  }
0xe8: {  	v14 =	vld [tilespmem:s21+$0x9EC0];
	v5 =	vmul.f32 v10, v5  }
0xe9: {  	v15 =	vld [tilespmem:s21+$0x9ED0];
	v4 =	vmul.f32 v10, v4;
	v8 =	vadd.f32 v6, v8  }
0xea: {  	v16 =	vld [tilespmem:s21+$0x9EE0];
	v17 =	vmul.f32 v10, v7;
	v7 =	vadd.f32 v11, v5  }
0xeb: {  	v18 =	vld [tilespmem:s21+$0x9EF0];
	v3 =	vmul.f32 v10, v3;
	v6 =	vadd.f32 v12, v4;
	[tilespmem:s21+$0xDE80] =	vst v8  }
0xec: {  	v9 =	vmul.f32 v10, v9;
	v5 =	vadd.f32 v13, v17;
	[tilespmem:s21+$0xDE90] =	vst v7  }
0xed: {  	v1 =	vmul.f32 v10, v1;
	v4 =	vadd.f32 v14, v3;
	[tilespmem:s21+$0xDEA0] =	vst v6  }
0xee: {  	v10 =	vmul.f32 v10, v2;
	v3 =	vadd.f32 v15, v9;
	[tilespmem:s21+$0xDEB0] =	vst v5  }
0xef: {  	v2 =	vadd.f32 v16, v1;
	[tilespmem:s21+$0xDEC0] =	vst v4  }
0xf0: {  	v1 =	vadd.f32 v18, v10;
	[tilespmem:s21+$0xDED0] =	vst v3  }
0xf1: {  	[tilespmem:s21+$0xDEE0] =	vst v2  }
0xf2: {  	[tilespmem:s21+$0xDEF0] =	vst v1  }
0xf3: {  	v9 =	vld [tilespmem:s20+$0x2B00];
	_ =	sdelay $0x4  }
0xf4: {  	[tilespmem:$0x5600] =	vst v9  }
0xf5: {  	v9 =	vld [tilespmem:s20+$0x2B10];
	_ =	sdelay $0x4  }
0xf6: {  	[tilespmem:$0x5610] =	vst v9  }
0xf7: {  	v9 =	vld [tilespmem:s20+$0x2B20];
	_ =	sdelay $0x4  }
0xf8: {  	[tilespmem:$0x5620] =	vst v9  }
0xf9: {  	v9 =	vld [tilespmem:s20+$0x2B30];
	_ =	sdelay $0x4  }
0xfa: {  	[tilespmem:$0x5630] =	vst v9  }
0xfb: {  	v9 =	vld [tilespmem:s20+$0x2B40];
	_ =	sdelay $0x4  }
0xfc: {  	[tilespmem:$0x5640] =	vst v9  }
0xfd: {  	v9 =	vld [tilespmem:s20+$0x2B50];
	_ =	sdelay $0x4  }
0xfe: {  	[tilespmem:$0x5650] =	vst v9  }
0xff: {  	v9 =	vld [tilespmem:s20+$0x2B60];
	_ =	sdelay $0x4  }
0x100: {  	[tilespmem:$0x5660] =	vst v9  }
0x101: {  	v9 =	vld [tilespmem:s20+$0x2B70];
	_ =	sdelay $0x2  }
0x102: {  	s19 =	sadd.s32 $0x1, s19  }
0x103: {  	p0 =	seq.s32 s19, $0x2B  }
.Ltmp3:
0x104: {  	[tilespmem:$0x5670] =	vst v9;
	(pc) =	sbr.rel @!p0 .LBB2_4-.Ltmp3, $4  }
0x105: {  	[spmem:s2] =	stream.indirect.scatter.add.f32 [tilespmem:s16], [sflag:$0x3], $0x80, s15, s6, $0xb8;
	[tilespmem:$0x1D680] =	vst v63  }
0x106: {  	_ =	swait.ge [sflag:s9], $0x4000  }
0x107: {  	[sflag:s9] =	ssyncset.done $0x0  }
0x108: {  	[sflag:s9] =	ssyncadd.s32 $0xFFFFC000  }
0x109: {  	s19 =	stileid.u32  }
0x10a: {  	s19 =	sshll.u32 s19, $0x6  }
0x10b: {  	s20 =	sshrl.u32 s8, $0x3;
	s21 =	rddreg [dreg:$0x6];
	s19 =	sor.u32 $0x1C03, s19  }
0x10c: {  	[hbm:s21], [sflag:s19] =	dma.local [spmem:s20], $0x1400  }
0x10d: {  	_ =	swait.ge [sflag:s9], $0x1400  }
0x10e: {  	s18 =	sadd.s32 $0x1, s18;
	s26 =	rddreg [dreg:$0x7]  }
0x10f: {  	p0 =	sne.s32 s18, s26  }
.Ltmp4:
0x110: {  	_ = 	snop;
	(pc) =	sbr.rel @p0 .LBB2_1-.Ltmp4, $3  }
0x111: {  	_ =	sdelay $0x1  }
0x112: {  	[sflag:s9] =	ssyncset.done $0x0  }
0x113: {  	[sflag:s9] =	ssyncadd.s32 $0xFFFFEC00  }
0x114: {  	_ =	sfence.sel $0x180000  }
0x115: {  	[bflag:$0x0] =	sbarrier.arrive $0xFFFF  }
0x116: {  	_ =	strace $0x90000059  }
0x117: {  	s0 =	stileid.u32;
	[bflag:$0x2] =	sbarrier.arrive $0xFFFF  }
0x118: {  	p0 =	sne.s32 s0, $0x0;
	s0 =	rddreg [dreg:$0x2]  }
0x119: {  	s0 =	sadd.s32 @!p0 $0x100000, s0  }
0x11a: {  	[sflag:s0] =	ssyncadd.tile.s32 @!p0 $0x1;
	_ =	shalt  }
.Lfunc_end2:
_tile_overlayer_lowered:
.L_overlay_start_2:
0x11b: {  	(tag) =	ssettag $0x2  }
0x11c: {  	s0 =	rddreg [dreg:$0x0];
	s2 =	stileid.u32  }
0x11d: {  	s1 =	rddreg [dreg:$0x1];
	p0 =	sne.s32 s2, $0x0  }
0x11e: {  	s3 =	rddreg [dreg:$0x2];
	[bflag:$0x3] =	sbarrier.arrive $0xFFFF;
	s2 =	simm.s32 @!p0 $0x1C03  }
0x11f: {  	[timem:s3], [sflag:s2] =	dma.local @!p0 [hbm:s0], s1  }
0x120: {  	s0 =	simm.s32 @!p0 $0x3  }
0x121: {  	_ =	swait.ge @!p0 [sflag:s0], s1  }
0x122: {  	s1 =	ssub.s32 @!p0 $0x0, s1;
	[sflag:s0] =	ssyncset.done @!p0 $0x0  }
0x123: {  	[sflag:s0] =	ssyncadd.s32 @!p0 s1  }
0x124: {  	[bflag:$0x3] =	sbarrier.arrive $0xFFFF  }
0x125: {  	_ =	shalt  }

// kernel: kernel.14.cloned.1.call-start
scs
__scs_entry_jumppad:
0x0: {  	(pc) =	sbr.rel $0x88, $3  }
0x1: {  	(tag) =	ssettag $0x0;
	lr =	simm.s32 $0x1  }
0x2: {  	[smem:$0x3F94] =	sst lr;
	_ =	strace $0xD0000000  }
0x3: {  	_ = 	snop  }
0x4: {  	_ = 	snop  }
0x5: {  	_ = 	snop  }
0x6: {  	_ = 	snop  }
0x7: {  	_ = 	snop  }
__scs_overlays_trampoline_lowered:
0x8: {  	[smem:$0x3FA3] =	sst s0  }
0x9: {  	[smem:$0x3FA4] =	sst s1  }
0xa: {  	[smem:$0x3FA5] =	sst s2  }
0xb: {  	[smem:$0x3FA6] =	sst s3  }
0xc: {  	[smem:$0x3FA7] =	sst s4  }
0xd: {  	[smem:$0x3FA8] =	sst s5  }
0xe: {  	[smem:$0x3FA9] =	sst s6  }
0xf: {  	[smem:$0x3FAA] =	sst s7  }
0x10: {  	[smem:$0x3FAB] =	sst s8  }
0x11: {  	[smem:$0x3FAC] =	sst s9;
	s0 =	simm.s32 @!p0 $0x0  }
0x12: {  	s1 =	sld [smem:$0x3F92];
	s0 =	simm.s32 @p0 $0x1  }
0x13: {  	[smem:$0x3FAD] =	sst s0;
	s0 =	simm.s32 @!p1 $0x0  }
0x14: {  	s2 =	sld [smem:$0x3F91];
	s0 =	simm.s32 @p1 $0x1  }
0x15: {  	[smem:$0x3FAE] =	sst s0;
	s0 =	simm.s32 @!p2 $0x0  }
0x16: {  	s3 =	sld [smem:$0x3FDB];
	s0 =	simm.s32 @p2 $0x1  }
0x17: {  	s4 =	simm.s32 $0x1BF5;
	[smem:$0x3FB0] =	sst s0  }
0x18: {  	s0 =	sld [smem:$0x3F93];
	_ =	swait.ge [sflag:s4], $0x0  }
0x19: {  	s7 =	sld [smem:$0x3F94]  }
0x1a: {  	s8 =	sadd.s32 $0xFFFFE003, lr  }
0x1b: {  	s9 =	sadd.s32 $0xFFFFFEF7, lr;
	s5 =	simm.s32 $0xFFFFFFFF;
	p2 =	slt.u32 s8, $0xFFFFF086  }
0x1c: {  	p1 =	slt.u32 s9, $0xF7A;
	s5 =	simm.s32 @!p2 $0x0  }
0x1d: {  	s5 =	simm.s32 @p1 $0x1;
	p0 =	seq.s32 s7, s2  }
0x1e: {  	s7 =	smul.u32 @!p0 $0xF7A, s2;
	p2 =	seq.s32 @!p0 s5, $0x0  }
0x1f: {  	s9 =	smul.u32 $0xF7A, s1;
	s8 =	simm.s32 @!p0 $0x1BF5;
	p2 =	por !p2, p0  }
0x20: {  	[sflag:s8] =	ssyncset.s32 @!p0 $0xFFFFF086;
	s6 =	sadd.s32 @!p0 s3, s7;
	s7 =	simm.s32 @!p0 $0x108  }
0x21: {  	s3 =	sadd.s32 s3, s9;
	s6 =	sadd.s32 @!p0 $0x88, s6;
	s7 =	simm.s32 @p2 $0x1082  }
0x22: {  	[simem:s7], [sflag:s8] =	dma.local @!p0 [hbm:s6], $0xF7A  }
0x23: {  	s9 =	sor.u32 $0xD0000000, s2;
	s6 =	simm.s32 $0x108;
	_ =	swait.ge @!p0 [sflag:s8], $0x0  }
0x24: {  	s3 =	sadd.s32 $0x88, s3;
	s6 =	simm.s32 @!p1 $0x1082;
	[sflag:s4] =	ssyncset.s32 $0xFFFFF086  }
0x25: {  	[simem:s6], [sflag:s4] =	dma.local [hbm:s3], $0xF7A  }
0x26: {  	[smem:$0x3F94] =	sst s1;
	(tag) =	ssettag s2;
	_ =	strace s9  }
0x27: {  	s1 =	sld [smem:$0x3FA4]  }
0x28: {  	s2 =	sld [smem:$0x3FA5]  }
0x29: {  	s4 =	sld [smem:$0x3FA7]  }
0x2a: {  	p0 =	seq.s32 s5, $0x0;
	s5 =	sld [smem:$0x3FA8]  }
0x2b: {  	s6 =	sld [smem:$0x3FA9]  }
0x2c: {  	s7 =	sld [smem:$0x3FAA]  }
0x2d: {  	s3 =	simm.s32 $0x108;
	s8 =	sld [smem:$0x3FAB]  }
0x2e: {  	s3 =	simm.s32 @!p0 $0x1082;
	s9 =	sld [smem:$0x3FAC]  }
0x2f: {  	lr =	sadd.s32 s0, s3;
	s0 =	sld [smem:$0x3FA3]  }
0x30: {  	s3 =	sld [smem:$0x3FA6]  }
0x31: {  	[smem:$0x3FAF] =	sst s10  }
0x32: {  	s10 =	sld [smem:$0x3FAD];
	_ =	sdelay $0x3  }
0x33: {  	p0 =	seq.s32 s10, $0x1;
	s10 =	sld [smem:$0x3FAF];
	_ =	sdelay $0x3  }
0x34: {  	[smem:$0x3FAF] =	sst s10  }
0x35: {  	s10 =	sld [smem:$0x3FAE];
	_ =	sdelay $0x3  }
0x36: {  	p1 =	seq.s32 s10, $0x1;
	s10 =	sld [smem:$0x3FAF];
	_ =	sdelay $0x3  }
0x37: {  	[smem:$0x3FAF] =	sst s10  }
0x38: {  	s10 =	sld [smem:$0x3FB0]  }
0x39: {  	_ = 	snop;
	(pc) =	sbr.ind lr, $3  }
0x3a: {  	_ = 	snop  }
0x3b: {  	_ = 	snop  }
0x3c: {  	p2 =	seq.s32 s10, $0x1;
	s10 =	sld [smem:$0x3FAF]  }
0x3d: {  	_ =	shalt  }
0x3e: {  	_ =	shalt  }
0x3f: {  	_ =	shalt  }
0x40: {  	_ =	shalt  }
0x41: {  	_ =	shalt  }
0x42: {  	_ =	shalt  }
0x43: {  	_ =	shalt  }
0x44: {  	_ =	shalt  }
0x45: {  	_ =	shalt  }
0x46: {  	_ =	shalt  }
0x47: {  	_ =	shalt  }
0x48: {  	_ =	shalt  }
0x49: {  	_ =	shalt  }
0x4a: {  	_ =	shalt  }
0x4b: {  	_ =	shalt  }
0x4c: {  	_ =	shalt  }
0x4d: {  	_ =	shalt  }
0x4e: {  	_ =	shalt  }
0x4f: {  	_ =	shalt  }
0x50: {  	_ =	shalt  }
0x51: {  	_ =	shalt  }
0x52: {  	_ =	shalt  }
0x53: {  	_ =	shalt  }
0x54: {  	_ =	shalt  }
0x55: {  	_ =	shalt  }
0x56: {  	_ =	shalt  }
0x57: {  	_ =	shalt  }
0x58: {  	_ =	shalt  }
0x59: {  	_ =	shalt  }
0x5a: {  	_ =	shalt  }
0x5b: {  	_ =	shalt  }
0x5c: {  	_ =	shalt  }
0x5d: {  	_ =	shalt  }
0x5e: {  	_ =	shalt  }
0x5f: {  	_ =	shalt  }
0x60: {  	_ =	shalt  }
0x61: {  	_ =	shalt  }
0x62: {  	_ =	shalt  }
0x63: {  	_ =	shalt  }
0x64: {  	_ =	shalt  }
0x65: {  	_ =	shalt  }
0x66: {  	_ =	shalt  }
0x67: {  	_ =	shalt  }
0x68: {  	_ =	shalt  }
0x69: {  	_ =	shalt  }
0x6a: {  	_ =	shalt  }
0x6b: {  	_ =	shalt  }
0x6c: {  	_ =	shalt  }
0x6d: {  	_ =	shalt  }
0x6e: {  	_ =	shalt  }
0x6f: {  	_ =	shalt  }
0x70: {  	_ =	shalt  }
0x71: {  	_ =	shalt  }
0x72: {  	_ =	shalt  }
0x73: {  	_ =	shalt  }
0x74: {  	_ =	shalt  }
0x75: {  	_ =	shalt  }
0x76: {  	_ =	shalt  }
0x77: {  	_ =	shalt  }
0x78: {  	_ =	shalt  }
0x79: {  	_ =	shalt  }
0x7a: {  	_ =	shalt  }
0x7b: {  	_ =	shalt  }
0x7c: {  	_ =	shalt  }
0x7d: {  	_ =	shalt  }
0x7e: {  	_ =	shalt  }
0x7f: {  	_ =	shalt  }
0x80: {  	_ =	shalt  }
0x81: {  	_ =	shalt  }
0x82: {  	_ =	shalt  }
0x83: {  	_ =	shalt  }
0x84: {  	_ =	shalt  }
0x85: {  	_ =	shalt  }
0x86: {  	_ =	shalt  }
0x87: {  	_ =	shalt  }
.Lfunc_end0:
.L_simem_size_0:
called_computation.7_lowered:
.L_overlay_start_0:
0x88: {  	s2 =	sld [smem:$0x3FD9]  }
0x89: {  	s3 =	sld [smem:$0x3FFE];
	_ =	sdelay $0x1  }
0x8a: {  	s1 =	srdreg.scid  }
0x8b: {  	s0 =	sand.u32 $0x1, s1  }
0x8c: {  	s16 =	sshll.u32 s0, $0xA;
	s2 =	sadd.s32 s3, s2  }
0x8d: {  	s2 =	sadd.s32 s2, s16  }
0x8e: {  	[smem:$0x3FBB] =	sst s2  }
0x8f: {  	_ = 	snop  }
0x90: {  	(tm) =	ssettm $0x1  }
0x91: {  	s17 =	sld [smem:$0x3FFB];
	_ =	sdelay $0x3  }
0x92: {  	_ =	strace s17  }
0x93: {  	s2 =	sld [smem:$0x3FFC];
	_ =	sdelay $0x3  }
0x94: {  	_ =	strace s2  }
0x95: {  	s2 =	sld [smem:$0x3FFD];
	_ =	sdelay $0x3  }
0x96: {  	_ =	strace s2  }
0x97: {  	_ =	strace $0x8FFFFFFF  }
0x98: {  	s18 =	sld [smem:$0x3FDB];
	_ =	sdelay $0x1  }
0x99: {  	s19 =	simm.s32 $_scs_section_size  }
0x9a: {  	s4 =	simm.s32 $_size__tile_overlayer_lowered;
	s5 =	simm.s32 $_tile_overlayer_lowered  }
0x9b: {  	s22 =	simm.s32 $0x1BFF;
	s21 =	sshll.u32 s5, $0x1;
	s2 =	sadd.s32 s19, s18  }
0x9c: {  	s6 =	simm.s32 $0x0;
	s20 =	sshll.u32 s4, $0x1;
	s4 =	sadd.s32 s21, s2  }
0x9d: {  	[timem:s6], [sflag:s22] =	dma.local [hbm:s4], s20  }
0x9e: {  	_ =	swait.ge [sflag:s22], s20  }
0x9f: {  	s3 =	ssub.s32 $0x0, s20;
	[sflag:s22] =	ssyncset.done $0x0  }
0xa0: {  	[sflag:s22] =	ssyncadd.s32 s3;
	_ =	sdelay $0x1  }
0xa1: {  	s23 =	simm.s32 $0x1B8B  }
0xa2: {  	_ =	swait.ge [sflag:s23], $0x1  }
0xa3: {  	[sflag:s23] =	ssyncset.done $0x0  }
0xa4: {  	s25 =	simm.s32 $0x1B8E;
	s24 =	sld [smem:$0x3FFE];
	[sflag:s23] =	ssyncadd.s32 $0xFFFFFFFF  }
0xa5: {  	s26 =	simm.s32 $execute0_lowered;
	[smem:$0x3FD2] =	sst s25  }
0xa6: {  	s4 =	sshll.u32 s26, $0x1;
	_ =	strace $0x8000005B;
	[dreg:$0x1] =	wrdreg $0xFFFFFFFF  }
0xa7: {  	s28 =	simm.s32 $_size_execute0_lowered;
	s2 =	sadd.s32 s2, s4;
	[dreg:$0x0] =	wrdreg $0x0  }
0xa8: {  	s4 =	sshll.u32 s28, $0x1;
	[dreg:$0x2] =	wrdreg s2  }
0xa9: {  	[dreg:$0x3] =	wrdreg s4  }
0xaa: {  	[dreg:$0x4] =	wrdreg $0xC0  }
0xab: {  	_ =	task [dreg:s6], $0x5FFFF  }
0xac: {  	[dreg:$0x1] =	wrdreg $0xFFFFFFFF  }
0xad: {  	[dreg:$0x0] =	wrdreg $0x60  }
0xae: {  	[dreg:$0x2] =	wrdreg s24  }
0xaf: {  	[dreg:$0x3] =	wrdreg $0x126800  }
0xb0: {  	[dreg:$0x4] =	wrdreg $0x9  }
0xb1: {  	_ =	task.clear_ibuf [dreg:s6], $0x5FFFF;
	_ =	strace $0x9000005B  }
0xb2: {  	s29 =	simm.s32 $0x9;
	_ =	strace $0x8000005D  }
0xb3: {  	_ =	swait.ge [sflag:s29], $0x1  }
0xb4: {  	[sflag:s29] =	ssyncadd.s32 $0xFFFFFFFF  }
0xb5: {  	_ =	strace $0x9000005D  }
0xb6: {  	_ =	sfence  }
0xb7: {  	s30 =	sld [smem:$0x0];
	_ =	sdelay $0x2  }
0xb8: {  	s31 =	sshll.u32 s1, $0xD;
	s1 =	sshrl.u32 s1, $0x2  }
0xb9: {  	s3 =	sand.u32 $0x4000, s31;
	s1 =	sadd.s32 s1, s30  }
0xba: {  	s0 =	sor.u32 s3, s0;
	s1 =	sshll.u32 s1, $0x11  }
0xbb: {  	s0 =	sor.u32 s1, s0  }
0xbc: {  	s0 =	sadd.s32 $0x8F2B, s0  }
0xbd: {  	[sflag:s0] =	ssyncadd.remote.s32 $0x1  }
0xbe: {  	_ =	sfence.sel $0xFFFF  }
0xbf: {  	[dreg:$0x0] =	wrdreg $0xFFFFFFFF;
	(pc) =	sbr.abs _section_cstart, $3  }
0xc0: {  	[dreg:$0x1] =	wrdreg $0xFFFFFFFF  }
0xc1: {  	_ =	task.clear_ibuf [dreg:s6], $0x2FFFF;
	_ =	strace $0x9FFFFFFF  }
0xc2: {  	(tm) =	ssettm $0x7FFFFFFF  }
0xc3: {  	_ =	shalt  }
tec
execute0_lowered:
.L_overlay_start_1:
0x0: {  	(tag) =	ssettag $0x1  }
0x1: {  	s0 =	srdreg.scid;
	s6 =	rddreg [dreg:$0x0]  }
0x2: {  	s12 =	stileid.u32;
	s2 =	rddreg [dreg:$0x1]  }
0x3: {  	s3 =	simm.s32 $0x0;
	s0 =	sand.u32 $0x1, s0;
	s4 =	sshll.u32 s12, $0x7  }
0x4: {  	[smem:$0x7FF] =	sst s3;
	s1 =	sshll.u32 s0, $0x4;
	s0 =	ssub.s32 $0x2, s0  }
0x5: {  	s11 =	smul.u32 $0x28000, s12;
	s1 =	sor.u32 s12, s1;
	s10 =	sshrl.u32 s0, $0x1  }
0x6: {  	s7 =	sshrl.u32 s1, $0x3;
	s1 =	smul.u32 $0x1400, s1;
	s0 =	ssub.s32 s0, s10  }
0x7: {  	s10 =	sshrl.u32 s11, $0x2;
	s11 =	sshll.u32 s12, $0xC;
	s5 =	smul.u32 $0x15800, s7  }
0x8: {  	s9 =	sand.u32 $0x380, s4;
	_ =	strace $0x8000005C;
	s12 =	sadd.s32 s11, s2  }
0x9: {  	s0 =	smax.u32 s0, $0x1;
	s1 =	sadd.s32 s1, s6;
	s5 =	sor.u32 s9, s5  }
0xa: {  	[dreg:$0x7] =	wrdreg s0;
	s25 =	sadd.s32 $0xA0800, s12;
	s5 =	sshrl.u32 s5, $0x3  }
0xb: {  	s1 =	sadd.s32 $0x4C200, s1;
	[dreg:$0x14] =	wrdreg s25;
	s8 =	sadd.s32 s5, s6  }
0xc: {  	[dreg:$0x6] =	wrdreg s1;
	s26 =	sadd.s32 $0x10800, s8  }
0xd: {  	s8 =	sadd.s32 $0x5C00, s8;
	[dreg:$0x3] =	wrdreg s26  }
0xe: {  	[dreg:$0x4] =	wrdreg s8;
	s8 =	sadd.s32 s10, s2;
	s10 =	sadd.s32 $0xA0000, s12  }
0xf: {  	s4 =	sadd.s32 $0x25000, s6;
	[dreg:$0x5] =	wrdreg s10;
	s13 =	sadd.s32 $0x800, s8  }
0x10: {  	s7 =	smul.u32 $0x158000, s7;
	s14 =	sadd.s32 $0x1000, s8;
	[dreg:$0x8] =	wrdreg s13  }
0x11: {  	s11 =	simm.s32 $0x11E80;
	s15 =	sadd.s32 $0x1800, s8;
	[dreg:$0x9] =	wrdreg s14  }
0x12: {  	s5 =	sadd.s32 $0x345A00, s6;
	s16 =	sadd.s32 $0x2000, s8;
	[dreg:$0xa] =	wrdreg s15  }
0x13: {  	s6 =	simm.s32 $0x80;
	s17 =	sadd.s32 $0x2800, s8;
	[dreg:$0xb] =	wrdreg s16  }
0x14: {  	s12 =	simm.s32 $0x5E80;
	s18 =	sadd.s32 $0x3000, s8;
	[dreg:$0xc] =	wrdreg s17  }
0x15: {  	s10 =	sor.u32 s9, s7;
	s19 =	sadd.s32 $0x3800, s8;
	[dreg:$0xd] =	wrdreg s18  }
0x16: {  	s20 =	sadd.s32 $0x4000, s8;
	s21 =	sadd.s32 $0x4800, s8;
	[dreg:$0xe] =	wrdreg s19  }
0x17: {  	s22 =	sadd.s32 $0x5000, s8;
	s23 =	sadd.s32 $0x5800, s8;
	[dreg:$0xf] =	wrdreg s20  }
0x18: {  	s24 =	sadd.s32 $0x6000, s8;
	s26 =	sadd.s32 $0x6800, s8;
	[dreg:$0x10] =	wrdreg s21  }
0x19: {  	s28 =	sadd.s32 $0x7000, s8;
	s29 =	sadd.s32 $0x7800, s8;
	[dreg:$0x11] =	wrdreg s22  }
0x1a: {  	s30 =	sadd.s32 $0x8000, s8;
	s31 =	sadd.s32 $0x8800, s8;
	[dreg:$0x12] =	wrdreg s23  }
0x1b: {  	s1 =	sadd.s32 $0x9000, s8;
	s0 =	sadd.s32 $0x9800, s8;
	[dreg:$0x13] =	wrdreg s24  }
0x1c: {  	s7 =	simm.s32 $0x400;
	s9 =	simm.s32 $0x3;
	[dreg:$0x15] =	wrdreg s26  }
0x1d: {  	s13 =	simm.s32 $0x9E80;
	s14 =	simm.s32 $0x1;
	s15 =	simm.s32 $0x5600  }
0x1e: {  	v0 =	vimm.f32 $0.0e+00;
	s16 =	simm.s32 $0xDE80;
	s17 =	simm.s32 $0x2;
	s18 =	simm.s32 $0x0  }
.LBB2_1:
0x1f: {  	s19 =	rddreg [dreg:$0x3]  }
0x20: {  	[tilespmem:s3], [sflag:$0x3] =	stream.strided.gather [hbm4b:s19+s6], $0x2B00, s7, s6, $0x38;
	[tilespmem:$0x1D680] =	vst v63  }
0x21: {  	_ =	swait.ge [sflag:s9], $0x2B00  }
0x22: {  	[sflag:s9] =	ssyncset.done $0x0  }
0x23: {  	s20 =	simm.s32 $0x2B00;
	s24 =	rddreg [dreg:$0x4];
	[sflag:s9] =	ssyncadd.s32 $0xFFFFD500  }
0x24: {  	[tilespmem:s20], [sflag:$0x3] =	stream.strided.gather [hbm4b:s24+s6], $0x2B00, s7, s6, $0x38;
	[tilespmem:$0x1D680] =	vst v63  }
0x25: {  	s25 =	sand.u32 $0x1E00, s3;
	s26 =	sand.u32 $0x70, s3;
	_ =	swait.ge [sflag:s9], $0x2B00  }
0x26: {  	s21 =	sshrl.u32 s25, $0x2;
	s19 =	simm.s32 $0x40;
	[sflag:s9] =	ssyncset.done $0x0  }
0x27: {  	s21 =	sor.u32 s26, s21;
	s20 =	simm.s32 $0x0;
	[sflag:s9] =	ssyncadd.s32 $0xFFFFD500  }
.LBB2_2:
0x28: {  	p0 =	sne.s32 s19, $0x1FC0  }
0x29: {  	[tilespmem:s21+$0x11E80] =	vst v0;
	s20 =	sadd.s32 $0x10, s20;
	s21 =	smov.u32 s19;
	s19 =	sadd.s32 $0x40, s19  }
.Ltmp0:
0x2a: {  	(pc) =	sbr.rel @p0 .LBB2_2-.Ltmp0, $4  }
0x2b: {  	_ = 	snop  }
0x2c: {  	s21 =	sand.u32 $0x1E00, s21  }
0x2d: {  	s22 =	sand.u32 $0x70, s20;
	s21 =	sshrl.u32 s21, $0x2  }
0x2e: {  	s21 =	sor.u32 s22, s21  }
0x2f: {  	[tilespmem:s21+$0x11E80] =	vst v0  }
0x30: {  	[spmem:s8] =	stream.linear.scatter [tilespmem:s11], [sflag:$0x3], $0x800, $0x38;
	[tilespmem:$0x1D680] =	vst v63  }
0x31: {  	_ =	swait.ge [sflag:s9], $0x800  }
0x32: {  	[sflag:s9] =	ssyncset.done $0x0  }
0x33: {  	s19 =	rddreg [dreg:$0x8];
	[sflag:s9] =	ssyncadd.s32 $0xFFFFF800  }
0x34: {  	[spmem:s19] =	stream.linear.scatter [tilespmem:s11], [sflag:$0x3], $0x800, $0x38;
	[tilespmem:$0x1D680] =	vst v63  }
0x35: {  	_ =	swait.ge [sflag:s9], $0x800  }
0x36: {  	[sflag:s9] =	ssyncset.done $0x0  }
0x37: {  	s20 =	rddreg [dreg:$0x9];
	[sflag:s9] =	ssyncadd.s32 $0xFFFFF800  }
0x38: {  	[spmem:s20] =	stream.linear.scatter [tilespmem:s11], [sflag:$0x3], $0x800, $0x38;
	[tilespmem:$0x1D680] =	vst v63  }
0x39: {  	_ =	swait.ge [sflag:s9], $0x800  }
0x3a: {  	[sflag:s9] =	ssyncset.done $0x0  }
0x3b: {  	s21 =	rddreg [dreg:$0xa];
	[sflag:s9] =	ssyncadd.s32 $0xFFFFF800  }
0x3c: {  	[spmem:s21] =	stream.linear.scatter [tilespmem:s11], [sflag:$0x3], $0x800, $0x38;
	[tilespmem:$0x1D680] =	vst v63  }
0x3d: {  	_ =	swait.ge [sflag:s9], $0x800  }
0x3e: {  	[sflag:s9] =	ssyncset.done $0x0  }
0x3f: {  	s22 =	rddreg [dreg:$0xb];
	[sflag:s9] =	ssyncadd.s32 $0xFFFFF800  }
0x40: {  	[spmem:s22] =	stream.linear.scatter [tilespmem:s11], [sflag:$0x3], $0x800, $0x38;
	[tilespmem:$0x1D680] =	vst v63  }
0x41: {  	_ =	swait.ge [sflag:s9], $0x800  }
0x42: {  	[sflag:s9] =	ssyncset.done $0x0  }
0x43: {  	s23 =	rddreg [dreg:$0xc];
	[sflag:s9] =	ssyncadd.s32 $0xFFFFF800  }
0x44: {  	[spmem:s23] =	stream.linear.scatter [tilespmem:s11], [sflag:$0x3], $0x800, $0x38;
	[tilespmem:$0x1D680] =	vst v63  }
0x45: {  	_ =	swait.ge [sflag:s9], $0x800  }
0x46: {  	[sflag:s9] =	ssyncset.done $0x0  }
0x47: {  	s24 =	rddreg [dreg:$0xd];
	[sflag:s9] =	ssyncadd.s32 $0xFFFFF800  }
0x48: {  	[spmem:s24] =	stream.linear.scatter [tilespmem:s11], [sflag:$0x3], $0x800, $0x38;
	[tilespmem:$0x1D680] =	vst v63  }
0x49: {  	_ =	swait.ge [sflag:s9], $0x800  }
0x4a: {  	[sflag:s9] =	ssyncset.done $0x0  }
0x4b: {  	s25 =	rddreg [dreg:$0xe];
	[sflag:s9] =	ssyncadd.s32 $0xFFFFF800  }
0x4c: {  	[spmem:s25] =	stream.linear.scatter [tilespmem:s11], [sflag:$0x3], $0x800, $0x38;
	[tilespmem:$0x1D680] =	vst v63  }
0x4d: {  	_ =	swait.ge [sflag:s9], $0x800  }
0x4e: {  	[sflag:s9] =	ssyncset.done $0x0  }
0x4f: {  	s26 =	rddreg [dreg:$0xf];
	[sflag:s9] =	ssyncadd.s32 $0xFFFFF800  }
0x50: {  	[spmem:s26] =	stream.linear.scatter [tilespmem:s11], [sflag:$0x3], $0x800, $0x38;
	[tilespmem:$0x1D680] =	vst v63  }
0x51: {  	_ =	swait.ge [sflag:s9], $0x800  }
0x52: {  	[sflag:s9] =	ssyncset.done $0x0  }
0x53: {  	s20 =	rddreg [dreg:$0x10];
	[sflag:s9] =	ssyncadd.s32 $0xFFFFF800  }
0x54: {  	[spmem:s20] =	stream.linear.scatter [tilespmem:s11], [sflag:$0x3], $0x800, $0x38;
	[tilespmem:$0x1D680] =	vst v63  }
0x55: {  	_ =	swait.ge [sflag:s9], $0x800  }
0x56: {  	[sflag:s9] =	ssyncset.done $0x0  }
0x57: {  	s21 =	rddreg [dreg:$0x11];
	[sflag:s9] =	ssyncadd.s32 $0xFFFFF800  }
0x58: {  	[spmem:s21] =	stream.linear.scatter [tilespmem:s11], [sflag:$0x3], $0x800, $0x38;
	[tilespmem:$0x1D680] =	vst v63  }
0x59: {  	_ =	swait.ge [sflag:s9], $0x800  }
0x5a: {  	[sflag:s9] =	ssyncset.done $0x0  }
0x5b: {  	s22 =	rddreg [dreg:$0x12];
	[sflag:s9] =	ssyncadd.s32 $0xFFFFF800  }
0x5c: {  	[spmem:s22] =	stream.linear.scatter [tilespmem:s11], [sflag:$0x3], $0x800, $0x38;
	[tilespmem:$0x1D680] =	vst v63  }
0x5d: {  	_ =	swait.ge [sflag:s9], $0x800  }
0x5e: {  	[sflag:s9] =	ssyncset.done $0x0  }
0x5f: {  	s23 =	rddreg [dreg:$0x13];
	[sflag:s9] =	ssyncadd.s32 $0xFFFFF800  }
0x60: {  	[spmem:s23] =	stream.linear.scatter [tilespmem:s11], [sflag:$0x3], $0x800, $0x38;
	[tilespmem:$0x1D680] =	vst v63  }
0x61: {  	_ =	swait.ge [sflag:s9], $0x800  }
0x62: {  	[sflag:s9] =	ssyncset.done $0x0  }
0x63: {  	s24 =	rddreg [dreg:$0x15];
	[sflag:s9] =	ssyncadd.s32 $0xFFFFF800  }
0x64: {  	[spmem:s24] =	stream.linear.scatter [tilespmem:s11], [sflag:$0x3], $0x800, $0x38;
	[tilespmem:$0x1D680] =	vst v63  }
0x65: {  	_ =	swait.ge [sflag:s9], $0x800  }
0x66: {  	[sflag:s9] =	ssyncset.done $0x0  }
0x67: {  	[sflag:s9] =	ssyncadd.s32 $0xFFFFF800  }
0x68: {  	[spmem:s28] =	stream.linear.scatter [tilespmem:s11], [sflag:$0x3], $0x800, $0x38;
	[tilespmem:$0x1D680] =	vst v63  }
0x69: {  	_ =	swait.ge [sflag:s9], $0x800  }
0x6a: {  	[sflag:s9] =	ssyncset.done $0x0  }
0x6b: {  	[sflag:s9] =	ssyncadd.s32 $0xFFFFF800  }
0x6c: {  	[spmem:s29] =	stream.linear.scatter [tilespmem:s11], [sflag:$0x3], $0x800, $0x38;
	[tilespmem:$0x1D680] =	vst v63  }
0x6d: {  	_ =	swait.ge [sflag:s9], $0x800  }
0x6e: {  	[sflag:s9] =	ssyncset.done $0x0  }
0x6f: {  	[sflag:s9] =	ssyncadd.s32 $0xFFFFF800  }
0x70: {  	[spmem:s30] =	stream.linear.scatter [tilespmem:s11], [sflag:$0x3], $0x800, $0x38;
	[tilespmem:$0x1D680] =	vst v63  }
0x71: {  	_ =	swait.ge [sflag:s9], $0x800  }
0x72: {  	[sflag:s9] =	ssyncset.done $0x0  }
0x73: {  	[sflag:s9] =	ssyncadd.s32 $0xFFFFF800  }
0x74: {  	[spmem:s31] =	stream.linear.scatter [tilespmem:s11], [sflag:$0x3], $0x800, $0x38;
	[tilespmem:$0x1D680] =	vst v63  }
0x75: {  	_ =	swait.ge [sflag:s9], $0x800  }
0x76: {  	[sflag:s9] =	ssyncset.done $0x0  }
0x77: {  	[sflag:s9] =	ssyncadd.s32 $0xFFFFF800  }
0x78: {  	[spmem:s1] =	stream.linear.scatter [tilespmem:s11], [sflag:$0x3], $0x800, $0x38;
	[tilespmem:$0x1D680] =	vst v63  }
0x79: {  	_ =	swait.ge [sflag:s9], $0x800  }
0x7a: {  	[sflag:s9] =	ssyncset.done $0x0  }
0x7b: {  	[sflag:s9] =	ssyncadd.s32 $0xFFFFF800  }
0x7c: {  	[spmem:s0] =	stream.linear.scatter [tilespmem:s11], [sflag:$0x3], $0x800, $0x38;
	[tilespmem:$0x1D680] =	vst v63  }
0x7d: {  	_ =	swait.ge [sflag:s9], $0x800  }
0x7e: {  	[sflag:s9] =	ssyncset.done $0x0  }
0x7f: {  	s25 =	rddreg [dreg:$0x5];
	[sflag:s9] =	ssyncadd.s32 $0xFFFFF800  }
0x80: {  	[spmem:s25] =	stream.linear.scatter [tilespmem:s11], [sflag:$0x3], $0x800, $0x38;
	[tilespmem:$0x1D680] =	vst v63  }
0x81: {  	_ =	swait.ge [sflag:s9], $0x800  }
0x82: {  	[sflag:s9] =	ssyncset.done $0x0  }
0x83: {  	s26 =	rddreg [dreg:$0x14];
	[sflag:s9] =	ssyncadd.s32 $0xFFFFF800  }
0x84: {  	[spmem:s26] =	stream.linear.scatter [tilespmem:s11], [sflag:$0x3], $0x800, $0x38;
	[tilespmem:$0x1D680] =	vst v63  }
0x85: {  	v1 =	vimm.f32 $0.0e+00;
	v2 =	vimm.f32 $0.0e+00;
	_ =	swait.ge [sflag:s9], $0x800  }
0x86: {  	v3 =	vimm.f32 $0.0e+00;
	v4 =	vimm.f32 $0.0e+00;
	v5 =	vimm.f32 $0.0e+00;
	[sflag:s9] =	ssyncset.done $0x0  }
0x87: {  	v6 =	vimm.f32 $0.0e+00;
	v7 =	vimm.f32 $0.0e+00;
	v8 =	vimm.f32 $0.0e+00;
	s19 =	simm.s32 $0x0;
	[sflag:s9] =	ssyncadd.s32 $0xFFFFF800  }
.LBB2_4:
0x88: {  	s22 =	sshll.u32 s19, $0x8;
	s21 =	sshllo.u32 s19, $0x1  }
0x89: {  	[tilespmem:s12], [sflag:$0x1] =	stream.indirect.gather [hbm4b:s4+s6], $0x80, s22, s6, $0xb8;
	[tilespmem:$0x1D680] =	vst v63  }
0x8a: {  	s20 =	sshll.u32 s21, $0x9  }
0x8b: {  	s23 =	sshll.u32 s19, $0xF;
	s20 =	sshrl.u32 s20, $0x2  }
0x8c: {  	[tilespmem:s13], [sflag:$0x2] =	stream.indirect.gather [hbm4b:s4+s6], $0x80, s20, s6, $0xb8;
	[tilespmem:$0x1D680] =	vst v63  }
0x8d: {  	s23 =	sadd.s32 s10, s23;
	_ =	swait.ge [sflag:s14], $0x4000  }
0x8e: {  	s23 =	sshrl.u32 s23, $0x3;
	[sflag:s14] =	ssyncset.done $0x0  }
0x8f: {  	s24 =	simm.s32 $0x5680;
	s23 =	sadd.s32 s5, s23;
	[sflag:s14] =	ssyncadd.s32 $0xFFFFC000  }
0x90: {  	[tilespmem:s24], [sflag:$0x3] =	stream.strided.gather [hbm4b:s23+s6], $0x800, s7, s6, $0x38;
	[tilespmem:$0x1D680] =	vst v63  }
0x91: {  	_ =	swait.ge [sflag:s9], $0x800  }
0x92: {  	[sflag:s9] =	ssyncset.done $0x0  }
0x93: {  	s23 =	simm.s32 $0x0;
	[sflag:s9] =	ssyncadd.s32 $0xFFFFF800  }
0x94: {  	v10 =	vld [tilespmem:s23+$0x5E80]  }
0x95: {  	v11 =	vld [tilespmem:s23+$0x5E90]  }
0x96: {  	s25 =	simm.s32 $0x200;
	v9 =	vld [tilespmem:s24+$0x0]  }
.LBB2_5:
0x97: {  	p0 =	seq.s32 s25, $0xFE00;
	v12 =	vld [tilespmem:s23+$0x5EA0]  }
0x98: {  	v13 =	vld [tilespmem:s23+$0x5EB0]  }
0x99: {  	v14 =	vld [tilespmem:s23+$0x5EC0]  }
0x9a: {  	v15 =	vld [tilespmem:s23+$0x5ED0]  }
0x9b: {  	v8 =	vmul.f32 v9, v8;
	v7 =	vmul.f32 v9, v7;
	v16 =	vld [tilespmem:s23+$0x5EE0]  }
0x9c: {  	v6 =	vmul.f32 v9, v6;
	v5 =	vmul.f32 v9, v5;
	v17 =	vld [tilespmem:s23+$0x5EF0]  }
0x9d: {  	v4 =	vmul.f32 v9, v4;
	v8 =	vadd.f32 v8, v10;
	v7 =	vadd.f32 v11, v7  }
0x9e: {  	v3 =	vmul.f32 v9, v3;
	v6 =	vadd.f32 v12, v6;
	v5 =	vadd.f32 v13, v5  }
0x9f: {  	v2 =	vmul.f32 v9, v2;
	v1 =	vmul.f32 v9, v1;
	v4 =	vadd.f32 v14, v4;
	[tilespmem:s23+$0xDE80] =	vst v8  }
0xa0: {  	v3 =	vadd.f32 v15, v3;
	[tilespmem:s23+$0xDE90] =	vst v7  }
0xa1: {  	v2 =	vadd.f32 v16, v2;
	[tilespmem:s23+$0xDEA0] =	vst v6;
	v1 =	vadd.f32 v17, v1  }
0xa2: {  	[tilespmem:s23+$0xDEB0] =	vst v5  }
.Ltmp1:
0xa3: {  	[tilespmem:s23+$0xDEC0] =	vst v4;
	(pc) =	sbr.rel @!p0 .LBB2_5-.Ltmp1, $4  }
0xa4: {  	s26 =	sshra.s32 s25, $0x2;
	[tilespmem:s23+$0xDED0] =	vst v3  }
0xa5: {  	v10 =	vld [tilespmem:s26+$0x5E80];
	[tilespmem:s23+$0xDEE0] =	vst v2  }
0xa6: {  	s24 =	sadd.s32 $0x10, s24;
	v11 =	vld [tilespmem:s26+$0x5E90];
	[tilespmem:s23+$0xDEF0] =	vst v1;
	s23 =	smov.u32 s26  }
0xa7: {  	s25 =	sadd.s32 $0x200, s25;
	v9 =	vld [tilespmem:s24+$0x0]  }
0xa8: {  	_ =	sdelay $0x2  }
0xa9: {  	v12 =	vld [tilespmem:s23+$0x5EA0]  }
0xaa: {  	v13 =	vld [tilespmem:s23+$0x5EB0];
	v8 =	vmul.f32 v9, v8  }
0xab: {  	v14 =	vld [tilespmem:s23+$0x5EC0];
	v7 =	vmul.f32 v9, v7  }
0xac: {  	v16 =	vld [tilespmem:s23+$0x5EE0];
	v17 =	vmul.f32 v9, v6;
	v6 =	vadd.f32 v8, v10  }
0xad: {  	v15 =	vld [tilespmem:s23+$0x5ED0];
	v8 =	vmul.f32 v9, v5;
	v5 =	vadd.f32 v11, v7  }
0xae: {  	v10 =	vld [tilespmem:s23+$0x5EF0];
	v11 =	vmul.f32 v9, v4;
	v4 =	vadd.f32 v12, v17;
	[tilespmem:s23+$0xDE80] =	vst v6  }
0xaf: {  	v2 =	vmul.f32 v9, v2;
	v7 =	vadd.f32 v13, v8;
	[tilespmem:s23+$0xDE90] =	vst v5  }
0xb0: {  	v8 =	vmul.f32 v9, v3;
	v3 =	vadd.f32 v14, v11;
	[tilespmem:s23+$0xDEA0] =	vst v4  }
0xb1: {  	v11 =	vmul.f32 v9, v1;
	v1 =	vadd.f32 v16, v2;
	[tilespmem:s23+$0xDEB0] =	vst v7  }
0xb2: {  	v9 =	vadd.f32 v15, v8;
	[tilespmem:s23+$0xDEC0] =	vst v3  }
0xb3: {  	[tilespmem:s23+$0xDEE0] =	vst v1;
	v2 =	vadd.f32 v10, v11  }
0xb4: {  	[tilespmem:s23+$0xDED0] =	vst v9  }
0xb5: {  	[tilespmem:s23+$0xDEF0] =	vst v2  }
0xb6: {  	v8 =	vld [tilespmem:s22+$0x2B00];
	_ =	sdelay $0x4  }
0xb7: {  	[tilespmem:$0x5600] =	vst v8  }
0xb8: {  	v8 =	vld [tilespmem:s22+$0x2B10];
	_ =	sdelay $0x4  }
0xb9: {  	[tilespmem:$0x5610] =	vst v8  }
0xba: {  	v8 =	vld [tilespmem:s22+$0x2B20];
	_ =	sdelay $0x4  }
0xbb: {  	[tilespmem:$0x5620] =	vst v8  }
0xbc: {  	v8 =	vld [tilespmem:s22+$0x2B30];
	_ =	sdelay $0x4  }
0xbd: {  	[tilespmem:$0x5630] =	vst v8  }
0xbe: {  	v8 =	vld [tilespmem:s22+$0x2B40];
	_ =	sdelay $0x4  }
0xbf: {  	[tilespmem:$0x5640] =	vst v8  }
0xc0: {  	v8 =	vld [tilespmem:s22+$0x2B50];
	_ =	sdelay $0x4  }
0xc1: {  	[tilespmem:$0x5650] =	vst v8  }
0xc2: {  	v8 =	vld [tilespmem:s22+$0x2B60];
	_ =	sdelay $0x4  }
0xc3: {  	[tilespmem:$0x5660] =	vst v8  }
0xc4: {  	v8 =	vld [tilespmem:s22+$0x2B70];
	_ =	sdelay $0x4  }
0xc5: {  	[tilespmem:$0x5670] =	vst v8  }
0xc6: {  	[spmem:s2] =	stream.indirect.scatter.add.f32 [tilespmem:s16], [sflag:$0x3], $0x80, s15, s6, $0xb8;
	[tilespmem:$0x1D680] =	vst v63  }
0xc7: {  	_ =	swait.ge [sflag:s9], $0x4000  }
0xc8: {  	[sflag:s9] =	ssyncset.done $0x0  }
0xc9: {  	s21 =	sshll.u32 s21, $0xE;
	[sflag:s9] =	ssyncadd.s32 $0xFFFFC000  }
0xca: {  	s21 =	sadd.s32 s10, s21;
	_ =	swait.ge [sflag:s17], $0x4000  }
0xcb: {  	s21 =	sshrl.u32 s21, $0x3;
	[sflag:s17] =	ssyncset.done $0x0  }
0xcc: {  	s21 =	sadd.s32 s5, s21;
	s22 =	simm.s32 $0x5680;
	[sflag:s17] =	ssyncadd.s32 $0xFFFFC000  }
0xcd: {  	[tilespmem:s22], [sflag:$0x3] =	stream.strided.gather [hbm4b:s21+s6], $0x800, s7, s6, $0x38;
	[tilespmem:$0x1D680] =	vst v63  }
0xce: {  	_ =	swait.ge [sflag:s9], $0x800  }
0xcf: {  	[sflag:s9] =	ssyncset.done $0x0  }
0xd0: {  	s21 =	simm.s32 $0x0;
	[sflag:s9] =	ssyncadd.s32 $0xFFFFF800  }
0xd1: {  	v8 =	vld [tilespmem:s21+$0x9E80]  }
0xd2: {  	v11 =	vld [tilespmem:s21+$0x9E90]  }
0xd3: {  	s23 =	simm.s32 $0x200;
	v10 =	vld [tilespmem:s22+$0x0]  }
.LBB2_7:
0xd4: {  	p0 =	seq.s32 s23, $0xFE00;
	v12 =	vld [tilespmem:s21+$0x9EA0]  }
0xd5: {  	v13 =	vld [tilespmem:s21+$0x9EB0]  }
0xd6: {  	v14 =	vld [tilespmem:s21+$0x9EC0]  }
0xd7: {  	v15 =	vld [tilespmem:s21+$0x9ED0]  }
0xd8: {  	v6 =	vmul.f32 v10, v6;
	v5 =	vmul.f32 v10, v5;
	v16 =	vld [tilespmem:s21+$0x9EE0]  }
0xd9: {  	v4 =	vmul.f32 v10, v4;
	v7 =	vmul.f32 v10, v7;
	v17 =	vld [tilespmem:s21+$0x9EF0]  }
0xda: {  	v3 =	vmul.f32 v10, v3;
	v6 =	vadd.f32 v6, v8;
	v5 =	vadd.f32 v11, v5  }
0xdb: {  	v4 =	vadd.f32 v12, v4;
	v7 =	vadd.f32 v13, v7;
	v8 =	vmul.f32 v10, v9  }
0xdc: {  	v1 =	vmul.f32 v10, v1;
	v2 =	vmul.f32 v10, v2;
	v3 =	vadd.f32 v14, v3;
	[tilespmem:s21+$0xDE80] =	vst v6  }
0xdd: {  	v9 =	vadd.f32 v15, v8;
	[tilespmem:s21+$0xDE90] =	vst v5  }
0xde: {  	v1 =	vadd.f32 v16, v1;
	[tilespmem:s21+$0xDEA0] =	vst v4;
	v2 =	vadd.f32 v17, v2  }
0xdf: {  	[tilespmem:s21+$0xDEB0] =	vst v7  }
.Ltmp2:
0xe0: {  	[tilespmem:s21+$0xDEC0] =	vst v3;
	(pc) =	sbr.rel @!p0 .LBB2_7-.Ltmp2, $4  }
0xe1: {  	s24 =	sshra.s32 s23, $0x2;
	[tilespmem:s21+$0xDED0] =	vst v9  }
0xe2: {  	v8 =	vld [tilespmem:s24+$0x9E80];
	[tilespmem:s21+$0xDEE0] =	vst v1  }
0xe3: {  	s22 =	sadd.s32 $0x10, s22;
	v11 =	vld [tilespmem:s24+$0x9E90];
	[tilespmem:s21+$0xDEF0] =	vst v2;
	s21 =	smov.u32 s24  }
0xe4: {  	s23 =	sadd.s32 $0x200, s23;
	v10 =	vld [tilespmem:s22+$0x0]  }
0xe5: {  	_ =	sdelay $0x2  }
0xe6: {  	v12 =	vld [tilespmem:s21+$0x9EA0]  }
0xe7: {  	v13 =	vld [tilespmem:s21+$0x9EB0];
	v6 =	vmul.f32 v10, v6  }
0xe8: {  	v14 =	vld [tilespmem:s21+$0x9EC0];
	v5 =	vmul.f32 v10, v5  }
0xe9: {  	v15 =	vld [tilespmem:s21+$0x9ED0];
	v4 =	vmul.f32 v10, v4;
	v8 =	vadd.f32 v6, v8  }
0xea: {  	v16 =	vld [tilespmem:s21+$0x9EE0];
	v17 =	vmul.f32 v10, v7;
	v7 =	vadd.f32 v11, v5  }
0xeb: {  	v18 =	vld [tilespmem:s21+$0x9EF0];
	v3 =	vmul.f32 v10, v3;
	v6 =	vadd.f32 v12, v4;
	[tilespmem:s21+$0xDE80] =	vst v8  }
0xec: {  	v9 =	vmul.f32 v10, v9;
	v5 =	vadd.f32 v13, v17;
	[tilespmem:s21+$0xDE90] =	vst v7  }
0xed: {  	v1 =	vmul.f32 v10, v1;
	v4 =	vadd.f32 v14, v3;
	[tilespmem:s21+$0xDEA0] =	vst v6  }
0xee: {  	v10 =	vmul.f32 v10, v2;
	v3 =	vadd.f32 v15, v9;
	[tilespmem:s21+$0xDEB0] =	vst v5  }
0xef: {  	v2 =	vadd.f32 v16, v1;
	[tilespmem:s21+$0xDEC0] =	vst v4  }
0xf0: {  	v1 =	vadd.f32 v18, v10;
	[tilespmem:s21+$0xDED0] =	vst v3  }
0xf1: {  	[tilespmem:s21+$0xDEE0] =	vst v2  }
0xf2: {  	[tilespmem:s21+$0xDEF0] =	vst v1  }
0xf3: {  	v9 =	vld [tilespmem:s20+$0x2B00];
	_ =	sdelay $0x4  }
0xf4: {  	[tilespmem:$0x5600] =	vst v9  }
0xf5: {  	v9 =	vld [tilespmem:s20+$0x2B10];
	_ =	sdelay $0x4  }
0xf6: {  	[tilespmem:$0x5610] =	vst v9  }
0xf7: {  	v9 =	vld [tilespmem:s20+$0x2B20];
	_ =	sdelay $0x4  }
0xf8: {  	[tilespmem:$0x5620] =	vst v9  }
0xf9: {  	v9 =	vld [tilespmem:s20+$0x2B30];
	_ =	sdelay $0x4  }
0xfa: {  	[tilespmem:$0x5630] =	vst v9  }
0xfb: {  	v9 =	vld [tilespmem:s20+$0x2B40];
	_ =	sdelay $0x4  }
0xfc: {  	[tilespmem:$0x5640] =	vst v9  }
0xfd: {  	v9 =	vld [tilespmem:s20+$0x2B50];
	_ =	sdelay $0x4  }
0xfe: {  	[tilespmem:$0x5650] =	vst v9  }
0xff: {  	v9 =	vld [tilespmem:s20+$0x2B60];
	_ =	sdelay $0x4  }
0x100: {  	[tilespmem:$0x5660] =	vst v9  }
0x101: {  	v9 =	vld [tilespmem:s20+$0x2B70];
	_ =	sdelay $0x2  }
0x102: {  	s19 =	sadd.s32 $0x1, s19  }
0x103: {  	p0 =	seq.s32 s19, $0x2B  }
.Ltmp3:
0x104: {  	[tilespmem:$0x5670] =	vst v9;
	(pc) =	sbr.rel @!p0 .LBB2_4-.Ltmp3, $4  }
0x105: {  	[spmem:s2] =	stream.indirect.scatter.add.f32 [tilespmem:s16], [sflag:$0x3], $0x80, s15, s6, $0xb8;
	[tilespmem:$0x1D680] =	vst v63  }
0x106: {  	_ =	swait.ge [sflag:s9], $0x4000  }
0x107: {  	[sflag:s9] =	ssyncset.done $0x0  }
0x108: {  	[sflag:s9] =	ssyncadd.s32 $0xFFFFC000  }
0x109: {  	s19 =	stileid.u32  }
0x10a: {  	s19 =	sshll.u32 s19, $0x6  }
0x10b: {  	s20 =	sshrl.u32 s8, $0x3;
	s21 =	rddreg [dreg:$0x6];
	s19 =	sor.u32 $0x1C03, s19  }
0x10c: {  	[hbm:s21], [sflag:s19] =	dma.local [spmem:s20], $0x1400  }
0x10d: {  	_ =	swait.ge [sflag:s9], $0x1400  }
0x10e: {  	s18 =	sadd.s32 $0x1, s18;
	s26 =	rddreg [dreg:$0x7]  }
0x10f: {  	p0 =	sne.s32 s18, s26  }
.Ltmp4:
0x110: {  	_ = 	snop;
	(pc) =	sbr.rel @p0 .LBB2_1-.Ltmp4, $3  }
0x111: {  	_ =	sdelay $0x1  }
0x112: {  	[sflag:s9] =	ssyncset.done $0x0  }
0x113: {  	[sflag:s9] =	ssyncadd.s32 $0xFFFFEC00  }
0x114: {  	_ =	sfence.sel $0x180000  }
0x115: {  	[bflag:$0x0] =	sbarrier.arrive $0xFFFF  }
0x116: {  	_ =	strace $0x9000005C  }
0x117: {  	s0 =	stileid.u32;
	[bflag:$0x2] =	sbarrier.arrive $0xFFFF  }
0x118: {  	p0 =	sne.s32 s0, $0x0;
	s0 =	rddreg [dreg:$0x2]  }
0x119: {  	s0 =	sadd.s32 @!p0 $0x100000, s0  }
0x11a: {  	[sflag:s0] =	ssyncadd.tile.s32 @!p0 $0x1;
	_ =	shalt  }
.Lfunc_end2:
_tile_overlayer_lowered:
.L_overlay_start_2:
0x11b: {  	(tag) =	ssettag $0x2  }
0x11c: {  	s0 =	rddreg [dreg:$0x0];
	s2 =	stileid.u32  }
0x11d: {  	s1 =	rddreg [dreg:$0x1];
	p0 =	sne.s32 s2, $0x0  }
0x11e: {  	s3 =	rddreg [dreg:$0x2];
	[bflag:$0x3] =	sbarrier.arrive $0xFFFF;
	s2 =	simm.s32 @!p0 $0x1C03  }
0x11f: {  	[timem:s3], [sflag:s2] =	dma.local @!p0 [hbm:s0], s1  }
0x120: {  	s0 =	simm.s32 @!p0 $0x3  }
0x121: {  	_ =	swait.ge @!p0 [sflag:s0], s1  }
0x122: {  	s1 =	ssub.s32 @!p0 $0x0, s1;
	[sflag:s0] =	ssyncset.done @!p0 $0x0  }
0x123: {  	[sflag:s0] =	ssyncadd.s32 @!p0 s1  }
0x124: {  	[bflag:$0x3] =	sbarrier.arrive $0xFFFF  }
0x125: {  	_ =	shalt  }

// kernel: kernel.17.cloned.1.call-start
scs
__scs_entry_jumppad:
0x0: {  	(pc) =	sbr.rel $0x88, $3  }
0x1: {  	(tag) =	ssettag $0x0;
	lr =	simm.s32 $0x1  }
0x2: {  	[smem:$0x3F94] =	sst lr;
	_ =	strace $0xD0000000  }
0x3: {  	_ = 	snop  }
0x4: {  	_ = 	snop  }
0x5: {  	_ = 	snop  }
0x6: {  	_ = 	snop  }
0x7: {  	_ = 	snop  }
__scs_overlays_trampoline_lowered:
0x8: {  	[smem:$0x3FA3] =	sst s0  }
0x9: {  	[smem:$0x3FA4] =	sst s1  }
0xa: {  	[smem:$0x3FA5] =	sst s2  }
0xb: {  	[smem:$0x3FA6] =	sst s3  }
0xc: {  	[smem:$0x3FA7] =	sst s4  }
0xd: {  	[smem:$0x3FA8] =	sst s5  }
0xe: {  	[smem:$0x3FA9] =	sst s6  }
0xf: {  	[smem:$0x3FAA] =	sst s7  }
0x10: {  	[smem:$0x3FAB] =	sst s8  }
0x11: {  	[smem:$0x3FAC] =	sst s9;
	s0 =	simm.s32 @!p0 $0x0  }
0x12: {  	s1 =	sld [smem:$0x3F92];
	s0 =	simm.s32 @p0 $0x1  }
0x13: {  	[smem:$0x3FAD] =	sst s0;
	s0 =	simm.s32 @!p1 $0x0  }
0x14: {  	s2 =	sld [smem:$0x3F91];
	s0 =	simm.s32 @p1 $0x1  }
0x15: {  	[smem:$0x3FAE] =	sst s0;
	s0 =	simm.s32 @!p2 $0x0  }
0x16: {  	s3 =	sld [smem:$0x3FDB];
	s0 =	simm.s32 @p2 $0x1  }
0x17: {  	s4 =	simm.s32 $0x1BF5;
	[smem:$0x3FB0] =	sst s0  }
0x18: {  	s0 =	sld [smem:$0x3F93];
	_ =	swait.ge [sflag:s4], $0x0  }
0x19: {  	s7 =	sld [smem:$0x3F94]  }
0x1a: {  	s8 =	sadd.s32 $0xFFFFE003, lr  }
0x1b: {  	s9 =	sadd.s32 $0xFFFFFEF7, lr;
	s5 =	simm.s32 $0xFFFFFFFF;
	p2 =	slt.u32 s8, $0xFFFFF086  }
0x1c: {  	p1 =	slt.u32 s9, $0xF7A;
	s5 =	simm.s32 @!p2 $0x0  }
0x1d: {  	s5 =	simm.s32 @p1 $0x1;
	p0 =	seq.s32 s7, s2  }
0x1e: {  	s7 =	smul.u32 @!p0 $0xF7A, s2;
	p2 =	seq.s32 @!p0 s5, $0x0  }
0x1f: {  	s9 =	smul.u32 $0xF7A, s1;
	s8 =	simm.s32 @!p0 $0x1BF5;
	p2 =	por !p2, p0  }
0x20: {  	[sflag:s8] =	ssyncset.s32 @!p0 $0xFFFFF086;
	s6 =	sadd.s32 @!p0 s3, s7;
	s7 =	simm.s32 @!p0 $0x108  }
0x21: {  	s3 =	sadd.s32 s3, s9;
	s6 =	sadd.s32 @!p0 $0x88, s6;
	s7 =	simm.s32 @p2 $0x1082  }
0x22: {  	[simem:s7], [sflag:s8] =	dma.local @!p0 [hbm:s6], $0xF7A  }
0x23: {  	s9 =	sor.u32 $0xD0000000, s2;
	s6 =	simm.s32 $0x108;
	_ =	swait.ge @!p0 [sflag:s8], $0x0  }
0x24: {  	s3 =	sadd.s32 $0x88, s3;
	s6 =	simm.s32 @!p1 $0x1082;
	[sflag:s4] =	ssyncset.s32 $0xFFFFF086  }
0x25: {  	[simem:s6], [sflag:s4] =	dma.local [hbm:s3], $0xF7A  }
0x26: {  	[smem:$0x3F94] =	sst s1;
	(tag) =	ssettag s2;
	_ =	strace s9  }
0x27: {  	s1 =	sld [smem:$0x3FA4]  }
0x28: {  	s2 =	sld [smem:$0x3FA5]  }
0x29: {  	s4 =	sld [smem:$0x3FA7]  }
0x2a: {  	p0 =	seq.s32 s5, $0x0;
	s5 =	sld [smem:$0x3FA8]  }
0x2b: {  	s6 =	sld [smem:$0x3FA9]  }
0x2c: {  	s7 =	sld [smem:$0x3FAA]  }
0x2d: {  	s3 =	simm.s32 $0x108;
	s8 =	sld [smem:$0x3FAB]  }
0x2e: {  	s3 =	simm.s32 @!p0 $0x1082;
	s9 =	sld [smem:$0x3FAC]  }
0x2f: {  	lr =	sadd.s32 s0, s3;
	s0 =	sld [smem:$0x3FA3]  }
0x30: {  	s3 =	sld [smem:$0x3FA6]  }
0x31: {  	[smem:$0x3FAF] =	sst s10  }
0x32: {  	s10 =	sld [smem:$0x3FAD];
	_ =	sdelay $0x3  }
0x33: {  	p0 =	seq.s32 s10, $0x1;
	s10 =	sld [smem:$0x3FAF];
	_ =	sdelay $0x3  }
0x34: {  	[smem:$0x3FAF] =	sst s10  }
0x35: {  	s10 =	sld [smem:$0x3FAE];
	_ =	sdelay $0x3  }
0x36: {  	p1 =	seq.s32 s10, $0x1;
	s10 =	sld [smem:$0x3FAF];
	_ =	sdelay $0x3  }
0x37: {  	[smem:$0x3FAF] =	sst s10  }
0x38: {  	s10 =	sld [smem:$0x3FB0]  }
0x39: {  	_ = 	snop;
	(pc) =	sbr.ind lr, $3  }
0x3a: {  	_ = 	snop  }
0x3b: {  	_ = 	snop  }
0x3c: {  	p2 =	seq.s32 s10, $0x1;
	s10 =	sld [smem:$0x3FAF]  }
0x3d: {  	_ =	shalt  }
0x3e: {  	_ =	shalt  }
0x3f: {  	_ =	shalt  }
0x40: {  	_ =	shalt  }
0x41: {  	_ =	shalt  }
0x42: {  	_ =	shalt  }
0x43: {  	_ =	shalt  }
0x44: {  	_ =	shalt  }
0x45: {  	_ =	shalt  }
0x46: {  	_ =	shalt  }
0x47: {  	_ =	shalt  }
0x48: {  	_ =	shalt  }
0x49: {  	_ =	shalt  }
0x4a: {  	_ =	shalt  }
0x4b: {  	_ =	shalt  }
0x4c: {  	_ =	shalt  }
0x4d: {  	_ =	shalt  }
0x4e: {  	_ =	shalt  }
0x4f: {  	_ =	shalt  }
0x50: {  	_ =	shalt  }
0x51: {  	_ =	shalt  }
0x52: {  	_ =	shalt  }
0x53: {  	_ =	shalt  }
0x54: {  	_ =	shalt  }
0x55: {  	_ =	shalt  }
0x56: {  	_ =	shalt  }
0x57: {  	_ =	shalt  }
0x58: {  	_ =	shalt  }
0x59: {  	_ =	shalt  }
0x5a: {  	_ =	shalt  }
0x5b: {  	_ =	shalt  }
0x5c: {  	_ =	shalt  }
0x5d: {  	_ =	shalt  }
0x5e: {  	_ =	shalt  }
0x5f: {  	_ =	shalt  }
0x60: {  	_ =	shalt  }
0x61: {  	_ =	shalt  }
0x62: {  	_ =	shalt  }
0x63: {  	_ =	shalt  }
0x64: {  	_ =	shalt  }
0x65: {  	_ =	shalt  }
0x66: {  	_ =	shalt  }
0x67: {  	_ =	shalt  }
0x68: {  	_ =	shalt  }
0x69: {  	_ =	shalt  }
0x6a: {  	_ =	shalt  }
0x6b: {  	_ =	shalt  }
0x6c: {  	_ =	shalt  }
0x6d: {  	_ =	shalt  }
0x6e: {  	_ =	shalt  }
0x6f: {  	_ =	shalt  }
0x70: {  	_ =	shalt  }
0x71: {  	_ =	shalt  }
0x72: {  	_ =	shalt  }
0x73: {  	_ =	shalt  }
0x74: {  	_ =	shalt  }
0x75: {  	_ =	shalt  }
0x76: {  	_ =	shalt  }
0x77: {  	_ =	shalt  }
0x78: {  	_ =	shalt  }
0x79: {  	_ =	shalt  }
0x7a: {  	_ =	shalt  }
0x7b: {  	_ =	shalt  }
0x7c: {  	_ =	shalt  }
0x7d: {  	_ =	shalt  }
0x7e: {  	_ =	shalt  }
0x7f: {  	_ =	shalt  }
0x80: {  	_ =	shalt  }
0x81: {  	_ =	shalt  }
0x82: {  	_ =	shalt  }
0x83: {  	_ =	shalt  }
0x84: {  	_ =	shalt  }
0x85: {  	_ =	shalt  }
0x86: {  	_ =	shalt  }
0x87: {  	_ =	shalt  }
.Lfunc_end0:
.L_simem_size_0:
called_computation.8_lowered:
.L_overlay_start_0:
0x88: {  	s2 =	sld [smem:$0x3FD9]  }
0x89: {  	s3 =	sld [smem:$0x3FFE];
	_ =	sdelay $0x1  }
0x8a: {  	s1 =	srdreg.scid  }
0x8b: {  	s0 =	sand.u32 $0x1, s1  }
0x8c: {  	s16 =	sshll.u32 s0, $0xA;
	s2 =	sadd.s32 s3, s2  }
0x8d: {  	s2 =	sadd.s32 s2, s16  }
0x8e: {  	[smem:$0x3FBB] =	sst s2  }
0x8f: {  	_ = 	snop  }
0x90: {  	(tm) =	ssettm $0x1  }
0x91: {  	s17 =	sld [smem:$0x3FFB];
	_ =	sdelay $0x3  }
0x92: {  	_ =	strace s17  }
0x93: {  	s2 =	sld [smem:$0x3FFC];
	_ =	sdelay $0x3  }
0x94: {  	_ =	strace s2  }
0x95: {  	s2 =	sld [smem:$0x3FFD];
	_ =	sdelay $0x3  }
0x96: {  	_ =	strace s2  }
0x97: {  	_ =	strace $0x8FFFFFFF  }
0x98: {  	s18 =	sld [smem:$0x3FDB];
	_ =	sdelay $0x1  }
0x99: {  	s19 =	simm.s32 $_scs_section_size  }
0x9a: {  	s4 =	simm.s32 $_size__tile_overlayer_lowered;
	s5 =	simm.s32 $_tile_overlayer_lowered  }
0x9b: {  	s22 =	simm.s32 $0x1BFF;
	s21 =	sshll.u32 s5, $0x1;
	s2 =	sadd.s32 s19, s18  }
0x9c: {  	s6 =	simm.s32 $0x0;
	s20 =	sshll.u32 s4, $0x1;
	s4 =	sadd.s32 s21, s2  }
0x9d: {  	[timem:s6], [sflag:s22] =	dma.local [hbm:s4], s20  }
0x9e: {  	_ =	swait.ge [sflag:s22], s20  }
0x9f: {  	s3 =	ssub.s32 $0x0, s20;
	[sflag:s22] =	ssyncset.done $0x0  }
0xa0: {  	[sflag:s22] =	ssyncadd.s32 s3;
	_ =	sdelay $0x1  }
0xa1: {  	s23 =	simm.s32 $0x1B8B  }
0xa2: {  	_ =	swait.ge [sflag:s23], $0x1  }
0xa3: {  	[sflag:s23] =	ssyncset.done $0x0  }
0xa4: {  	s25 =	simm.s32 $0x1B8E;
	s24 =	sld [smem:$0x3FFE];
	[sflag:s23] =	ssyncadd.s32 $0xFFFFFFFF  }
0xa5: {  	s26 =	simm.s32 $execute0_lowered;
	[smem:$0x3FD2] =	sst s25  }
0xa6: {  	s4 =	sshll.u32 s26, $0x1;
	_ =	strace $0x8000005E;
	[dreg:$0x1] =	wrdreg $0xFFFFFFFF  }
0xa7: {  	s28 =	simm.s32 $_size_execute0_lowered;
	s2 =	sadd.s32 s2, s4;
	[dreg:$0x0] =	wrdreg $0x0  }
0xa8: {  	s4 =	sshll.u32 s28, $0x1;
	[dreg:$0x2] =	wrdreg s2  }
0xa9: {  	[dreg:$0x3] =	wrdreg s4  }
0xaa: {  	[dreg:$0x4] =	wrdreg $0xC0  }
0xab: {  	_ =	task [dreg:s6], $0x5FFFF  }
0xac: {  	[dreg:$0x1] =	wrdreg $0xFFFFFFFF  }
0xad: {  	[dreg:$0x0] =	wrdreg $0x60  }
0xae: {  	[dreg:$0x2] =	wrdreg s24  }
0xaf: {  	[dreg:$0x3] =	wrdreg $0x126800  }
0xb0: {  	[dreg:$0x4] =	wrdreg $0x9  }
0xb1: {  	_ =	task.clear_ibuf [dreg:s6], $0x5FFFF;
	_ =	strace $0x9000005E  }
0xb2: {  	s29 =	simm.s32 $0x9;
	_ =	strace $0x80000060  }
0xb3: {  	_ =	swait.ge [sflag:s29], $0x1  }
0xb4: {  	[sflag:s29] =	ssyncadd.s32 $0xFFFFFFFF  }
0xb5: {  	_ =	strace $0x90000060  }
0xb6: {  	_ =	sfence  }
0xb7: {  	s30 =	sld [smem:$0x0];
	_ =	sdelay $0x2  }
0xb8: {  	s31 =	sshll.u32 s1, $0xD;
	s1 =	sshrl.u32 s1, $0x2  }
0xb9: {  	s3 =	sand.u32 $0x4000, s31;
	s1 =	sadd.s32 s1, s30  }
0xba: {  	s0 =	sor.u32 s3, s0;
	s1 =	sshll.u32 s1, $0x11  }
0xbb: {  	s0 =	sor.u32 s1, s0  }
0xbc: {  	s0 =	sadd.s32 $0x8F2B, s0  }
0xbd: {  	[sflag:s0] =	ssyncadd.remote.s32 $0x1  }
0xbe: {  	_ =	sfence.sel $0xFFFF  }
0xbf: {  	[dreg:$0x0] =	wrdreg $0xFFFFFFFF;
	(pc) =	sbr.abs _section_cstart, $3  }
0xc0: {  	[dreg:$0x1] =	wrdreg $0xFFFFFFFF  }
0xc1: {  	_ =	task.clear_ibuf [dreg:s6], $0x2FFFF;
	_ =	strace $0x9FFFFFFF  }
0xc2: {  	(tm) =	ssettm $0x7FFFFFFF  }
0xc3: {  	_ =	shalt  }
tec
execute0_lowered:
.L_overlay_start_1:
0x0: {  	(tag) =	ssettag $0x1  }
0x1: {  	s0 =	srdreg.scid;
	s6 =	rddreg [dreg:$0x0]  }
0x2: {  	s12 =	stileid.u32;
	s2 =	rddreg [dreg:$0x1]  }
0x3: {  	s3 =	simm.s32 $0x0;
	s0 =	sand.u32 $0x1, s0;
	s4 =	sshll.u32 s12, $0x7  }
0x4: {  	[smem:$0x7FF] =	sst s3;
	s1 =	sshll.u32 s0, $0x4;
	s0 =	ssub.s32 $0x2, s0  }
0x5: {  	s11 =	smul.u32 $0x28000, s12;
	s1 =	sor.u32 s12, s1;
	s10 =	sshrl.u32 s0, $0x1  }
0x6: {  	s7 =	sshrl.u32 s1, $0x3;
	s1 =	smul.u32 $0x1400, s1;
	s0 =	ssub.s32 s0, s10  }
0x7: {  	s10 =	sshrl.u32 s11, $0x2;
	s11 =	sshll.u32 s12, $0xC;
	s5 =	smul.u32 $0x15800, s7  }
0x8: {  	s9 =	sand.u32 $0x380, s4;
	_ =	strace $0x8000005F;
	s12 =	sadd.s32 s11, s2  }
0x9: {  	s0 =	smax.u32 s0, $0x1;
	s1 =	sadd.s32 s1, s6;
	s5 =	sor.u32 s9, s5  }
0xa: {  	[dreg:$0x7] =	wrdreg s0;
	s25 =	sadd.s32 $0xA0800, s12;
	s5 =	sshrl.u32 s5, $0x3  }
0xb: {  	s1 =	sadd.s32 $0x42600, s1;
	[dreg:$0x14] =	wrdreg s25;
	s8 =	sadd.s32 s5, s6  }
0xc: {  	[dreg:$0x6] =	wrdreg s1;
	s26 =	sadd.s32 $0x10800, s8  }
0xd: {  	s8 =	sadd.s32 $0x5C00, s8;
	[dreg:$0x3] =	wrdreg s26  }
0xe: {  	[dreg:$0x4] =	wrdreg s8;
	s8 =	sadd.s32 s10, s2;
	s10 =	sadd.s32 $0xA0000, s12  }
0xf: {  	s4 =	sadd.s32 $0x1B400, s6;
	[dreg:$0x5] =	wrdreg s10;
	s13 =	sadd.s32 $0x800, s8  }
0x10: {  	s7 =	smul.u32 $0x158000, s7;
	s14 =	sadd.s32 $0x1000, s8;
	[dreg:$0x8] =	wrdreg s13  }
0x11: {  	s11 =	simm.s32 $0x11E80;
	s15 =	sadd.s32 $0x1800, s8;
	[dreg:$0x9] =	wrdreg s14  }
0x12: {  	s5 =	sadd.s32 $0x345A00, s6;
	s16 =	sadd.s32 $0x2000, s8;
	[dreg:$0xa] =	wrdreg s15  }
0x13: {  	s6 =	simm.s32 $0x80;
	s17 =	sadd.s32 $0x2800, s8;
	[dreg:$0xb] =	wrdreg s16  }
0x14: {  	s12 =	simm.s32 $0x5E80;
	s18 =	sadd.s32 $0x3000, s8;
	[dreg:$0xc] =	wrdreg s17  }
0x15: {  	s10 =	sor.u32 s9, s7;
	s19 =	sadd.s32 $0x3800, s8;
	[dreg:$0xd] =	wrdreg s18  }
0x16: {  	s20 =	sadd.s32 $0x4000, s8;
	s21 =	sadd.s32 $0x4800, s8;
	[dreg:$0xe] =	wrdreg s19  }
0x17: {  	s22 =	sadd.s32 $0x5000, s8;
	s23 =	sadd.s32 $0x5800, s8;
	[dreg:$0xf] =	wrdreg s20  }
0x18: {  	s24 =	sadd.s32 $0x6000, s8;
	s26 =	sadd.s32 $0x6800, s8;
	[dreg:$0x10] =	wrdreg s21  }
0x19: {  	s28 =	sadd.s32 $0x7000, s8;
	s29 =	sadd.s32 $0x7800, s8;
	[dreg:$0x11] =	wrdreg s22  }
0x1a: {  	s30 =	sadd.s32 $0x8000, s8;
	s31 =	sadd.s32 $0x8800, s8;
	[dreg:$0x12] =	wrdreg s23  }
0x1b: {  	s1 =	sadd.s32 $0x9000, s8;
	s0 =	sadd.s32 $0x9800, s8;
	[dreg:$0x13] =	wrdreg s24  }
0x1c: {  	s7 =	simm.s32 $0x400;
	s9 =	simm.s32 $0x3;
	[dreg:$0x15] =	wrdreg s26  }
0x1d: {  	s13 =	simm.s32 $0x9E80;
	s14 =	simm.s32 $0x1;
	s15 =	simm.s32 $0x5600  }
0x1e: {  	v0 =	vimm.f32 $0.0e+00;
	s16 =	simm.s32 $0xDE80;
	s17 =	simm.s32 $0x2;
	s18 =	simm.s32 $0x0  }
.LBB2_1:
0x1f: {  	s19 =	rddreg [dreg:$0x3]  }
0x20: {  	[tilespmem:s3], [sflag:$0x3] =	stream.strided.gather [hbm4b:s19+s6], $0x2B00, s7, s6, $0x38;
	[tilespmem:$0x1D680] =	vst v63  }
0x21: {  	_ =	swait.ge [sflag:s9], $0x2B00  }
0x22: {  	[sflag:s9] =	ssyncset.done $0x0  }
0x23: {  	s20 =	simm.s32 $0x2B00;
	s24 =	rddreg [dreg:$0x4];
	[sflag:s9] =	ssyncadd.s32 $0xFFFFD500  }
0x24: {  	[tilespmem:s20], [sflag:$0x3] =	stream.strided.gather [hbm4b:s24+s6], $0x2B00, s7, s6, $0x38;
	[tilespmem:$0x1D680] =	vst v63  }
0x25: {  	s25 =	sand.u32 $0x1E00, s3;
	s26 =	sand.u32 $0x70, s3;
	_ =	swait.ge [sflag:s9], $0x2B00  }
0x26: {  	s21 =	sshrl.u32 s25, $0x2;
	s19 =	simm.s32 $0x40;
	[sflag:s9] =	ssyncset.done $0x0  }
0x27: {  	s21 =	sor.u32 s26, s21;
	s20 =	simm.s32 $0x0;
	[sflag:s9] =	ssyncadd.s32 $0xFFFFD500  }
.LBB2_2:
0x28: {  	p0 =	sne.s32 s19, $0x1FC0  }
0x29: {  	[tilespmem:s21+$0x11E80] =	vst v0;
	s20 =	sadd.s32 $0x10, s20;
	s21 =	smov.u32 s19;
	s19 =	sadd.s32 $0x40, s19  }
.Ltmp0:
0x2a: {  	(pc) =	sbr.rel @p0 .LBB2_2-.Ltmp0, $4  }
0x2b: {  	_ = 	snop  }
0x2c: {  	s21 =	sand.u32 $0x1E00, s21  }
0x2d: {  	s22 =	sand.u32 $0x70, s20;
	s21 =	sshrl.u32 s21, $0x2  }
0x2e: {  	s21 =	sor.u32 s22, s21  }
0x2f: {  	[tilespmem:s21+$0x11E80] =	vst v0  }
0x30: {  	[spmem:s8] =	stream.linear.scatter [tilespmem:s11], [sflag:$0x3], $0x800, $0x38;
	[tilespmem:$0x1D680] =	vst v63  }
0x31: {  	_ =	swait.ge [sflag:s9], $0x800  }
0x32: {  	[sflag:s9] =	ssyncset.done $0x0  }
0x33: {  	s19 =	rddreg [dreg:$0x8];
	[sflag:s9] =	ssyncadd.s32 $0xFFFFF800  }
0x34: {  	[spmem:s19] =	stream.linear.scatter [tilespmem:s11], [sflag:$0x3], $0x800, $0x38;
	[tilespmem:$0x1D680] =	vst v63  }
0x35: {  	_ =	swait.ge [sflag:s9], $0x800  }
0x36: {  	[sflag:s9] =	ssyncset.done $0x0  }
0x37: {  	s20 =	rddreg [dreg:$0x9];
	[sflag:s9] =	ssyncadd.s32 $0xFFFFF800  }
0x38: {  	[spmem:s20] =	stream.linear.scatter [tilespmem:s11], [sflag:$0x3], $0x800, $0x38;
	[tilespmem:$0x1D680] =	vst v63  }
0x39: {  	_ =	swait.ge [sflag:s9], $0x800  }
0x3a: {  	[sflag:s9] =	ssyncset.done $0x0  }
0x3b: {  	s21 =	rddreg [dreg:$0xa];
	[sflag:s9] =	ssyncadd.s32 $0xFFFFF800  }
0x3c: {  	[spmem:s21] =	stream.linear.scatter [tilespmem:s11], [sflag:$0x3], $0x800, $0x38;
	[tilespmem:$0x1D680] =	vst v63  }
0x3d: {  	_ =	swait.ge [sflag:s9], $0x800  }
0x3e: {  	[sflag:s9] =	ssyncset.done $0x0  }
0x3f: {  	s22 =	rddreg [dreg:$0xb];
	[sflag:s9] =	ssyncadd.s32 $0xFFFFF800  }
0x40: {  	[spmem:s22] =	stream.linear.scatter [tilespmem:s11], [sflag:$0x3], $0x800, $0x38;
	[tilespmem:$0x1D680] =	vst v63  }
0x41: {  	_ =	swait.ge [sflag:s9], $0x800  }
0x42: {  	[sflag:s9] =	ssyncset.done $0x0  }
0x43: {  	s23 =	rddreg [dreg:$0xc];
	[sflag:s9] =	ssyncadd.s32 $0xFFFFF800  }
0x44: {  	[spmem:s23] =	stream.linear.scatter [tilespmem:s11], [sflag:$0x3], $0x800, $0x38;
	[tilespmem:$0x1D680] =	vst v63  }
0x45: {  	_ =	swait.ge [sflag:s9], $0x800  }
0x46: {  	[sflag:s9] =	ssyncset.done $0x0  }
0x47: {  	s24 =	rddreg [dreg:$0xd];
	[sflag:s9] =	ssyncadd.s32 $0xFFFFF800  }
0x48: {  	[spmem:s24] =	stream.linear.scatter [tilespmem:s11], [sflag:$0x3], $0x800, $0x38;
	[tilespmem:$0x1D680] =	vst v63  }
0x49: {  	_ =	swait.ge [sflag:s9], $0x800  }
0x4a: {  	[sflag:s9] =	ssyncset.done $0x0  }
0x4b: {  	s25 =	rddreg [dreg:$0xe];
	[sflag:s9] =	ssyncadd.s32 $0xFFFFF800  }
0x4c: {  	[spmem:s25] =	stream.linear.scatter [tilespmem:s11], [sflag:$0x3], $0x800, $0x38;
	[tilespmem:$0x1D680] =	vst v63  }
0x4d: {  	_ =	swait.ge [sflag:s9], $0x800  }
0x4e: {  	[sflag:s9] =	ssyncset.done $0x0  }
0x4f: {  	s26 =	rddreg [dreg:$0xf];
	[sflag:s9] =	ssyncadd.s32 $0xFFFFF800  }
0x50: {  	[spmem:s26] =	stream.linear.scatter [tilespmem:s11], [sflag:$0x3], $0x800, $0x38;
	[tilespmem:$0x1D680] =	vst v63  }
0x51: {  	_ =	swait.ge [sflag:s9], $0x800  }
0x52: {  	[sflag:s9] =	ssyncset.done $0x0  }
0x53: {  	s20 =	rddreg [dreg:$0x10];
	[sflag:s9] =	ssyncadd.s32 $0xFFFFF800  }
0x54: {  	[spmem:s20] =	stream.linear.scatter [tilespmem:s11], [sflag:$0x3], $0x800, $0x38;
	[tilespmem:$0x1D680] =	vst v63  }
0x55: {  	_ =	swait.ge [sflag:s9], $0x800  }
0x56: {  	[sflag:s9] =	ssyncset.done $0x0  }
0x57: {  	s21 =	rddreg [dreg:$0x11];
	[sflag:s9] =	ssyncadd.s32 $0xFFFFF800  }
0x58: {  	[spmem:s21] =	stream.linear.scatter [tilespmem:s11], [sflag:$0x3], $0x800, $0x38;
	[tilespmem:$0x1D680] =	vst v63  }
0x59: {  	_ =	swait.ge [sflag:s9], $0x800  }
0x5a: {  	[sflag:s9] =	ssyncset.done $0x0  }
0x5b: {  	s22 =	rddreg [dreg:$0x12];
	[sflag:s9] =	ssyncadd.s32 $0xFFFFF800  }
0x5c: {  	[spmem:s22] =	stream.linear.scatter [tilespmem:s11], [sflag:$0x3], $0x800, $0x38;
	[tilespmem:$0x1D680] =	vst v63  }
0x5d: {  	_ =	swait.ge [sflag:s9], $0x800  }
0x5e: {  	[sflag:s9] =	ssyncset.done $0x0  }
0x5f: {  	s23 =	rddreg [dreg:$0x13];
	[sflag:s9] =	ssyncadd.s32 $0xFFFFF800  }
0x60: {  	[spmem:s23] =	stream.linear.scatter [tilespmem:s11], [sflag:$0x3], $0x800, $0x38;
	[tilespmem:$0x1D680] =	vst v63  }
0x61: {  	_ =	swait.ge [sflag:s9], $0x800  }
0x62: {  	[sflag:s9] =	ssyncset.done $0x0  }
0x63: {  	s24 =	rddreg [dreg:$0x15];
	[sflag:s9] =	ssyncadd.s32 $0xFFFFF800  }
0x64: {  	[spmem:s24] =	stream.linear.scatter [tilespmem:s11], [sflag:$0x3], $0x800, $0x38;
	[tilespmem:$0x1D680] =	vst v63  }
0x65: {  	_ =	swait.ge [sflag:s9], $0x800  }
0x66: {  	[sflag:s9] =	ssyncset.done $0x0  }
0x67: {  	[sflag:s9] =	ssyncadd.s32 $0xFFFFF800  }
0x68: {  	[spmem:s28] =	stream.linear.scatter [tilespmem:s11], [sflag:$0x3], $0x800, $0x38;
	[tilespmem:$0x1D680] =	vst v63  }
0x69: {  	_ =	swait.ge [sflag:s9], $0x800  }
0x6a: {  	[sflag:s9] =	ssyncset.done $0x0  }
0x6b: {  	[sflag:s9] =	ssyncadd.s32 $0xFFFFF800  }
0x6c: {  	[spmem:s29] =	stream.linear.scatter [tilespmem:s11], [sflag:$0x3], $0x800, $0x38;
	[tilespmem:$0x1D680] =	vst v63  }
0x6d: {  	_ =	swait.ge [sflag:s9], $0x800  }
0x6e: {  	[sflag:s9] =	ssyncset.done $0x0  }
0x6f: {  	[sflag:s9] =	ssyncadd.s32 $0xFFFFF800  }
0x70: {  	[spmem:s30] =	stream.linear.scatter [tilespmem:s11], [sflag:$0x3], $0x800, $0x38;
	[tilespmem:$0x1D680] =	vst v63  }
0x71: {  	_ =	swait.ge [sflag:s9], $0x800  }
0x72: {  	[sflag:s9] =	ssyncset.done $0x0  }
0x73: {  	[sflag:s9] =	ssyncadd.s32 $0xFFFFF800  }
0x74: {  	[spmem:s31] =	stream.linear.scatter [tilespmem:s11], [sflag:$0x3], $0x800, $0x38;
	[tilespmem:$0x1D680] =	vst v63  }
0x75: {  	_ =	swait.ge [sflag:s9], $0x800  }
0x76: {  	[sflag:s9] =	ssyncset.done $0x0  }
0x77: {  	[sflag:s9] =	ssyncadd.s32 $0xFFFFF800  }
0x78: {  	[spmem:s1] =	stream.linear.scatter [tilespmem:s11], [sflag:$0x3], $0x800, $0x38;
	[tilespmem:$0x1D680] =	vst v63  }
0x79: {  	_ =	swait.ge [sflag:s9], $0x800  }
0x7a: {  	[sflag:s9] =	ssyncset.done $0x0  }
0x7b: {  	[sflag:s9] =	ssyncadd.s32 $0xFFFFF800  }
0x7c: {  	[spmem:s0] =	stream.linear.scatter [tilespmem:s11], [sflag:$0x3], $0x800, $0x38;
	[tilespmem:$0x1D680] =	vst v63  }
0x7d: {  	_ =	swait.ge [sflag:s9], $0x800  }
0x7e: {  	[sflag:s9] =	ssyncset.done $0x0  }
0x7f: {  	s25 =	rddreg [dreg:$0x5];
	[sflag:s9] =	ssyncadd.s32 $0xFFFFF800  }
0x80: {  	[spmem:s25] =	stream.linear.scatter [tilespmem:s11], [sflag:$0x3], $0x800, $0x38;
	[tilespmem:$0x1D680] =	vst v63  }
0x81: {  	_ =	swait.ge [sflag:s9], $0x800  }
0x82: {  	[sflag:s9] =	ssyncset.done $0x0  }
0x83: {  	s26 =	rddreg [dreg:$0x14];
	[sflag:s9] =	ssyncadd.s32 $0xFFFFF800  }
0x84: {  	[spmem:s26] =	stream.linear.scatter [tilespmem:s11], [sflag:$0x3], $0x800, $0x38;
	[tilespmem:$0x1D680] =	vst v63  }
0x85: {  	v1 =	vimm.f32 $0.0e+00;
	v2 =	vimm.f32 $0.0e+00;
	_ =	swait.ge [sflag:s9], $0x800  }
0x86: {  	v3 =	vimm.f32 $0.0e+00;
	v4 =	vimm.f32 $0.0e+00;
	v5 =	vimm.f32 $0.0e+00;
	[sflag:s9] =	ssyncset.done $0x0  }
0x87: {  	v6 =	vimm.f32 $0.0e+00;
	v7 =	vimm.f32 $0.0e+00;
	v8 =	vimm.f32 $0.0e+00;
	s19 =	simm.s32 $0x0;
	[sflag:s9] =	ssyncadd.s32 $0xFFFFF800  }
.LBB2_4:
0x88: {  	s22 =	sshll.u32 s19, $0x8;
	s21 =	sshllo.u32 s19, $0x1  }
0x89: {  	[tilespmem:s12], [sflag:$0x1] =	stream.indirect.gather [hbm4b:s4+s6], $0x80, s22, s6, $0xb8;
	[tilespmem:$0x1D680] =	vst v63  }
0x8a: {  	s20 =	sshll.u32 s21, $0x9  }
0x8b: {  	s23 =	sshll.u32 s19, $0xF;
	s20 =	sshrl.u32 s20, $0x2  }
0x8c: {  	[tilespmem:s13], [sflag:$0x2] =	stream.indirect.gather [hbm4b:s4+s6], $0x80, s20, s6, $0xb8;
	[tilespmem:$0x1D680] =	vst v63  }
0x8d: {  	s23 =	sadd.s32 s10, s23;
	_ =	swait.ge [sflag:s14], $0x4000  }
0x8e: {  	s23 =	sshrl.u32 s23, $0x3;
	[sflag:s14] =	ssyncset.done $0x0  }
0x8f: {  	s24 =	simm.s32 $0x5680;
	s23 =	sadd.s32 s5, s23;
	[sflag:s14] =	ssyncadd.s32 $0xFFFFC000  }
0x90: {  	[tilespmem:s24], [sflag:$0x3] =	stream.strided.gather [hbm4b:s23+s6], $0x800, s7, s6, $0x38;
	[tilespmem:$0x1D680] =	vst v63  }
0x91: {  	_ =	swait.ge [sflag:s9], $0x800  }
0x92: {  	[sflag:s9] =	ssyncset.done $0x0  }
0x93: {  	s23 =	simm.s32 $0x0;
	[sflag:s9] =	ssyncadd.s32 $0xFFFFF800  }
0x94: {  	v10 =	vld [tilespmem:s23+$0x5E80]  }
0x95: {  	v11 =	vld [tilespmem:s23+$0x5E90]  }
0x96: {  	s25 =	simm.s32 $0x200;
	v9 =	vld [tilespmem:s24+$0x0]  }
.LBB2_5:
0x97: {  	p0 =	seq.s32 s25, $0xFE00;
	v12 =	vld [tilespmem:s23+$0x5EA0]  }
0x98: {  	v13 =	vld [tilespmem:s23+$0x5EB0]  }
0x99: {  	v14 =	vld [tilespmem:s23+$0x5EC0]  }
0x9a: {  	v15 =	vld [tilespmem:s23+$0x5ED0]  }
0x9b: {  	v8 =	vmul.f32 v9, v8;
	v7 =	vmul.f32 v9, v7;
	v16 =	vld [tilespmem:s23+$0x5EE0]  }
0x9c: {  	v6 =	vmul.f32 v9, v6;
	v5 =	vmul.f32 v9, v5;
	v17 =	vld [tilespmem:s23+$0x5EF0]  }
0x9d: {  	v4 =	vmul.f32 v9, v4;
	v8 =	vadd.f32 v8, v10;
	v7 =	vadd.f32 v11, v7  }
0x9e: {  	v3 =	vmul.f32 v9, v3;
	v6 =	vadd.f32 v12, v6;
	v5 =	vadd.f32 v13, v5  }
0x9f: {  	v2 =	vmul.f32 v9, v2;
	v1 =	vmul.f32 v9, v1;
	v4 =	vadd.f32 v14, v4;
	[tilespmem:s23+$0xDE80] =	vst v8  }
0xa0: {  	v3 =	vadd.f32 v15, v3;
	[tilespmem:s23+$0xDE90] =	vst v7  }
0xa1: {  	v2 =	vadd.f32 v16, v2;
	[tilespmem:s23+$0xDEA0] =	vst v6;
	v1 =	vadd.f32 v17, v1  }
0xa2: {  	[tilespmem:s23+$0xDEB0] =	vst v5  }
.Ltmp1:
0xa3: {  	[tilespmem:s23+$0xDEC0] =	vst v4;
	(pc) =	sbr.rel @!p0 .LBB2_5-.Ltmp1, $4  }
0xa4: {  	s26 =	sshra.s32 s25, $0x2;
	[tilespmem:s23+$0xDED0] =	vst v3  }
0xa5: {  	v10 =	vld [tilespmem:s26+$0x5E80];
	[tilespmem:s23+$0xDEE0] =	vst v2  }
0xa6: {  	s24 =	sadd.s32 $0x10, s24;
	v11 =	vld [tilespmem:s26+$0x5E90];
	[tilespmem:s23+$0xDEF0] =	vst v1;
	s23 =	smov.u32 s26  }
0xa7: {  	s25 =	sadd.s32 $0x200, s25;
	v9 =	vld [tilespmem:s24+$0x0]  }
0xa8: {  	_ =	sdelay $0x2  }
0xa9: {  	v12 =	vld [tilespmem:s23+$0x5EA0]  }
0xaa: {  	v13 =	vld [tilespmem:s23+$0x5EB0];
	v8 =	vmul.f32 v9, v8  }
0xab: {  	v14 =	vld [tilespmem:s23+$0x5EC0];
	v7 =	vmul.f32 v9, v7  }
0xac: {  	v16 =	vld [tilespmem:s23+$0x5EE0];
	v17 =	vmul.f32 v9, v6;
	v6 =	vadd.f32 v8, v10  }
0xad: {  	v15 =	vld [tilespmem:s23+$0x5ED0];
	v8 =	vmul.f32 v9, v5;
	v5 =	vadd.f32 v11, v7  }
0xae: {  	v10 =	vld [tilespmem:s23+$0x5EF0];
	v11 =	vmul.f32 v9, v4;
	v4 =	vadd.f32 v12, v17;
	[tilespmem:s23+$0xDE80] =	vst v6  }
0xaf: {  	v2 =	vmul.f32 v9, v2;
	v7 =	vadd.f32 v13, v8;
	[tilespmem:s23+$0xDE90] =	vst v5  }
0xb0: {  	v8 =	vmul.f32 v9, v3;
	v3 =	vadd.f32 v14, v11;
	[tilespmem:s23+$0xDEA0] =	vst v4  }
0xb1: {  	v11 =	vmul.f32 v9, v1;
	v1 =	vadd.f32 v16, v2;
	[tilespmem:s23+$0xDEB0] =	vst v7  }
0xb2: {  	v9 =	vadd.f32 v15, v8;
	[tilespmem:s23+$0xDEC0] =	vst v3  }
0xb3: {  	[tilespmem:s23+$0xDEE0] =	vst v1;
	v2 =	vadd.f32 v10, v11  }
0xb4: {  	[tilespmem:s23+$0xDED0] =	vst v9  }
0xb5: {  	[tilespmem:s23+$0xDEF0] =	vst v2  }
0xb6: {  	v8 =	vld [tilespmem:s22+$0x2B00];
	_ =	sdelay $0x4  }
0xb7: {  	[tilespmem:$0x5600] =	vst v8  }
0xb8: {  	v8 =	vld [tilespmem:s22+$0x2B10];
	_ =	sdelay $0x4  }
0xb9: {  	[tilespmem:$0x5610] =	vst v8  }
0xba: {  	v8 =	vld [tilespmem:s22+$0x2B20];
	_ =	sdelay $0x4  }
0xbb: {  	[tilespmem:$0x5620] =	vst v8  }
0xbc: {  	v8 =	vld [tilespmem:s22+$0x2B30];
	_ =	sdelay $0x4  }
0xbd: {  	[tilespmem:$0x5630] =	vst v8  }
0xbe: {  	v8 =	vld [tilespmem:s22+$0x2B40];
	_ =	sdelay $0x4  }
0xbf: {  	[tilespmem:$0x5640] =	vst v8  }
0xc0: {  	v8 =	vld [tilespmem:s22+$0x2B50];
	_ =	sdelay $0x4  }
0xc1: {  	[tilespmem:$0x5650] =	vst v8  }
0xc2: {  	v8 =	vld [tilespmem:s22+$0x2B60];
	_ =	sdelay $0x4  }
0xc3: {  	[tilespmem:$0x5660] =	vst v8  }
0xc4: {  	v8 =	vld [tilespmem:s22+$0x2B70];
	_ =	sdelay $0x4  }
0xc5: {  	[tilespmem:$0x5670] =	vst v8  }
0xc6: {  	[spmem:s2] =	stream.indirect.scatter.add.f32 [tilespmem:s16], [sflag:$0x3], $0x80, s15, s6, $0xb8;
	[tilespmem:$0x1D680] =	vst v63  }
0xc7: {  	_ =	swait.ge [sflag:s9], $0x4000  }
0xc8: {  	[sflag:s9] =	ssyncset.done $0x0  }
0xc9: {  	s21 =	sshll.u32 s21, $0xE;
	[sflag:s9] =	ssyncadd.s32 $0xFFFFC000  }
0xca: {  	s21 =	sadd.s32 s10, s21;
	_ =	swait.ge [sflag:s17], $0x4000  }
0xcb: {  	s21 =	sshrl.u32 s21, $0x3;
	[sflag:s17] =	ssyncset.done $0x0  }
0xcc: {  	s21 =	sadd.s32 s5, s21;
	s22 =	simm.s32 $0x5680;
	[sflag:s17] =	ssyncadd.s32 $0xFFFFC000  }
0xcd: {  	[tilespmem:s22], [sflag:$0x3] =	stream.strided.gather [hbm4b:s21+s6], $0x800, s7, s6, $0x38;
	[tilespmem:$0x1D680] =	vst v63  }
0xce: {  	_ =	swait.ge [sflag:s9], $0x800  }
0xcf: {  	[sflag:s9] =	ssyncset.done $0x0  }
0xd0: {  	s21 =	simm.s32 $0x0;
	[sflag:s9] =	ssyncadd.s32 $0xFFFFF800  }
0xd1: {  	v8 =	vld [tilespmem:s21+$0x9E80]  }
0xd2: {  	v11 =	vld [tilespmem:s21+$0x9E90]  }
0xd3: {  	s23 =	simm.s32 $0x200;
	v10 =	vld [tilespmem:s22+$0x0]  }
.LBB2_7:
0xd4: {  	p0 =	seq.s32 s23, $0xFE00;
	v12 =	vld [tilespmem:s21+$0x9EA0]  }
0xd5: {  	v13 =	vld [tilespmem:s21+$0x9EB0]  }
0xd6: {  	v14 =	vld [tilespmem:s21+$0x9EC0]  }
0xd7: {  	v15 =	vld [tilespmem:s21+$0x9ED0]  }
0xd8: {  	v6 =	vmul.f32 v10, v6;
	v5 =	vmul.f32 v10, v5;
	v16 =	vld [tilespmem:s21+$0x9EE0]  }
0xd9: {  	v4 =	vmul.f32 v10, v4;
	v7 =	vmul.f32 v10, v7;
	v17 =	vld [tilespmem:s21+$0x9EF0]  }
0xda: {  	v3 =	vmul.f32 v10, v3;
	v6 =	vadd.f32 v6, v8;
	v5 =	vadd.f32 v11, v5  }
0xdb: {  	v4 =	vadd.f32 v12, v4;
	v7 =	vadd.f32 v13, v7;
	v8 =	vmul.f32 v10, v9  }
0xdc: {  	v1 =	vmul.f32 v10, v1;
	v2 =	vmul.f32 v10, v2;
	v3 =	vadd.f32 v14, v3;
	[tilespmem:s21+$0xDE80] =	vst v6  }
0xdd: {  	v9 =	vadd.f32 v15, v8;
	[tilespmem:s21+$0xDE90] =	vst v5  }
0xde: {  	v1 =	vadd.f32 v16, v1;
	[tilespmem:s21+$0xDEA0] =	vst v4;
	v2 =	vadd.f32 v17, v2  }
0xdf: {  	[tilespmem:s21+$0xDEB0] =	vst v7  }
.Ltmp2:
0xe0: {  	[tilespmem:s21+$0xDEC0] =	vst v3;
	(pc) =	sbr.rel @!p0 .LBB2_7-.Ltmp2, $4  }
0xe1: {  	s24 =	sshra.s32 s23, $0x2;
	[tilespmem:s21+$0xDED0] =	vst v9  }
0xe2: {  	v8 =	vld [tilespmem:s24+$0x9E80];
	[tilespmem:s21+$0xDEE0] =	vst v1  }
0xe3: {  	s22 =	sadd.s32 $0x10, s22;
	v11 =	vld [tilespmem:s24+$0x9E90];
	[tilespmem:s21+$0xDEF0] =	vst v2;
	s21 =	smov.u32 s24  }
0xe4: {  	s23 =	sadd.s32 $0x200, s23;
	v10 =	vld [tilespmem:s22+$0x0]  }
0xe5: {  	_ =	sdelay $0x2  }
0xe6: {  	v12 =	vld [tilespmem:s21+$0x9EA0]  }
0xe7: {  	v13 =	vld [tilespmem:s21+$0x9EB0];
	v6 =	vmul.f32 v10, v6  }
0xe8: {  	v14 =	vld [tilespmem:s21+$0x9EC0];
	v5 =	vmul.f32 v10, v5  }
0xe9: {  	v15 =	vld [tilespmem:s21+$0x9ED0];
	v4 =	vmul.f32 v10, v4;
	v8 =	vadd.f32 v6, v8  }
0xea: {  	v16 =	vld [tilespmem:s21+$0x9EE0];
	v17 =	vmul.f32 v10, v7;
	v7 =	vadd.f32 v11, v5  }
0xeb: {  	v18 =	vld [tilespmem:s21+$0x9EF0];
	v3 =	vmul.f32 v10, v3;
	v6 =	vadd.f32 v12, v4;
	[tilespmem:s21+$0xDE80] =	vst v8  }
0xec: {  	v9 =	vmul.f32 v10, v9;
	v5 =	vadd.f32 v13, v17;
	[tilespmem:s21+$0xDE90] =	vst v7  }
0xed: {  	v1 =	vmul.f32 v10, v1;
	v4 =	vadd.f32 v14, v3;
	[tilespmem:s21+$0xDEA0] =	vst v6  }
0xee: {  	v10 =	vmul.f32 v10, v2;
	v3 =	vadd.f32 v15, v9;
	[tilespmem:s21+$0xDEB0] =	vst v5  }
0xef: {  	v2 =	vadd.f32 v16, v1;
	[tilespmem:s21+$0xDEC0] =	vst v4  }
0xf0: {  	v1 =	vadd.f32 v18, v10;
	[tilespmem:s21+$0xDED0] =	vst v3  }
0xf1: {  	[tilespmem:s21+$0xDEE0] =	vst v2  }
0xf2: {  	[tilespmem:s21+$0xDEF0] =	vst v1  }
0xf3: {  	v9 =	vld [tilespmem:s20+$0x2B00];
	_ =	sdelay $0x4  }
0xf4: {  	[tilespmem:$0x5600] =	vst v9  }
0xf5: {  	v9 =	vld [tilespmem:s20+$0x2B10];
	_ =	sdelay $0x4  }
0xf6: {  	[tilespmem:$0x5610] =	vst v9  }
0xf7: {  	v9 =	vld [tilespmem:s20+$0x2B20];
	_ =	sdelay $0x4  }
0xf8: {  	[tilespmem:$0x5620] =	vst v9  }
0xf9: {  	v9 =	vld [tilespmem:s20+$0x2B30];
	_ =	sdelay $0x4  }
0xfa: {  	[tilespmem:$0x5630] =	vst v9  }
0xfb: {  	v9 =	vld [tilespmem:s20+$0x2B40];
	_ =	sdelay $0x4  }
0xfc: {  	[tilespmem:$0x5640] =	vst v9  }
0xfd: {  	v9 =	vld [tilespmem:s20+$0x2B50];
	_ =	sdelay $0x4  }
0xfe: {  	[tilespmem:$0x5650] =	vst v9  }
0xff: {  	v9 =	vld [tilespmem:s20+$0x2B60];
	_ =	sdelay $0x4  }
0x100: {  	[tilespmem:$0x5660] =	vst v9  }
0x101: {  	v9 =	vld [tilespmem:s20+$0x2B70];
	_ =	sdelay $0x2  }
0x102: {  	s19 =	sadd.s32 $0x1, s19  }
0x103: {  	p0 =	seq.s32 s19, $0x2B  }
.Ltmp3:
0x104: {  	[tilespmem:$0x5670] =	vst v9;
	(pc) =	sbr.rel @!p0 .LBB2_4-.Ltmp3, $4  }
0x105: {  	[spmem:s2] =	stream.indirect.scatter.add.f32 [tilespmem:s16], [sflag:$0x3], $0x80, s15, s6, $0xb8;
	[tilespmem:$0x1D680] =	vst v63  }
0x106: {  	_ =	swait.ge [sflag:s9], $0x4000  }
0x107: {  	[sflag:s9] =	ssyncset.done $0x0  }
0x108: {  	[sflag:s9] =	ssyncadd.s32 $0xFFFFC000  }
0x109: {  	s19 =	stileid.u32  }
0x10a: {  	s19 =	sshll.u32 s19, $0x6  }
0x10b: {  	s20 =	sshrl.u32 s8, $0x3;
	s21 =	rddreg [dreg:$0x6];
	s19 =	sor.u32 $0x1C03, s19  }
0x10c: {  	[hbm:s21], [sflag:s19] =	dma.local [spmem:s20], $0x1400  }
0x10d: {  	_ =	swait.ge [sflag:s9], $0x1400  }
0x10e: {  	s18 =	sadd.s32 $0x1, s18;
	s26 =	rddreg [dreg:$0x7]  }
0x10f: {  	p0 =	sne.s32 s18, s26  }
.Ltmp4:
0x110: {  	_ = 	snop;
	(pc) =	sbr.rel @p0 .LBB2_1-.Ltmp4, $3  }
0x111: {  	_ =	sdelay $0x1  }
0x112: {  	[sflag:s9] =	ssyncset.done $0x0  }
0x113: {  	[sflag:s9] =	ssyncadd.s32 $0xFFFFEC00  }
0x114: {  	_ =	sfence.sel $0x180000  }
0x115: {  	[bflag:$0x0] =	sbarrier.arrive $0xFFFF  }
0x116: {  	_ =	strace $0x9000005F  }
0x117: {  	s0 =	stileid.u32;
	[bflag:$0x2] =	sbarrier.arrive $0xFFFF  }
0x118: {  	p0 =	sne.s32 s0, $0x0;
	s0 =	rddreg [dreg:$0x2]  }
0x119: {  	s0 =	sadd.s32 @!p0 $0x100000, s0  }
0x11a: {  	[sflag:s0] =	ssyncadd.tile.s32 @!p0 $0x1;
	_ =	shalt  }
.Lfunc_end2:
_tile_overlayer_lowered:
.L_overlay_start_2:
0x11b: {  	(tag) =	ssettag $0x2  }
0x11c: {  	s0 =	rddreg [dreg:$0x0];
	s2 =	stileid.u32  }
0x11d: {  	s1 =	rddreg [dreg:$0x1];
	p0 =	sne.s32 s2, $0x0  }
0x11e: {  	s3 =	rddreg [dreg:$0x2];
	[bflag:$0x3] =	sbarrier.arrive $0xFFFF;
	s2 =	simm.s32 @!p0 $0x1C03  }
0x11f: {  	[timem:s3], [sflag:s2] =	dma.local @!p0 [hbm:s0], s1  }
0x120: {  	s0 =	simm.s32 @!p0 $0x3  }
0x121: {  	_ =	swait.ge @!p0 [sflag:s0], s1  }
0x122: {  	s1 =	ssub.s32 @!p0 $0x0, s1;
	[sflag:s0] =	ssyncset.done @!p0 $0x0  }
0x123: {  	[sflag:s0] =	ssyncadd.s32 @!p0 s1  }
0x124: {  	[bflag:$0x3] =	sbarrier.arrive $0xFFFF  }
0x125: {  	_ =	shalt  }

</sc_bundles>
